<compile_context>
chip_gen: v7x
topology: tpu7x:2x2x1
jax: 0.10.2.dev20260603
libtpu: 0.0.44.dev20260713+nightly
codegen_flags: <defaults>
</compile_context>

<pallas_src>
import functools

import jax
import jax.numpy as jnp
from jax import lax
from jax.experimental import pallas as pl
from jax.experimental.pallas import tpu as pltpu
from jax.experimental.pallas import tpu_sc as plsc

N = 10000
E = 320000
H = 8
D = 16
HD = H * D
IN_DIM = 128
HG = H // 2
GW = HG * D
ROW = GW + D

NC = 2
NS = 16
EPT = E // NS
B = 80
NB = EPT // B
IDXC = 50
NCHK = NB // IDXC
ZCH = 80
NCH = N // ZCH
INV_SQRT_D = 0.25


def _proj_body(h_ref, w_ref, b_ref, q_ref, kv_ref):
    acc = jnp.dot(h_ref[...], w_ref[...],
                  preferred_element_type=jnp.float32,
                  precision=lax.Precision.HIGHEST)
    acc = acc + b_ref[...]
    for g in range(NC):
        q_ref[g] = acc[:, GW * g:GW * (g + 1)]
        kv_ref[g] = jnp.concatenate(
            [acc[:, HD + GW * g:HD + GW * (g + 1)],
             acc[:, 2 * HD + GW * g:2 * HD + GW * (g + 1)]], axis=1)


def _project(h, wall, ball):
    blk = 2000
    grid = N // blk
    return pl.pallas_call(
        _proj_body,
        grid=(grid,),
        in_specs=[
            pl.BlockSpec((blk, IN_DIM), lambda i: (i, 0)),
            pl.BlockSpec((IN_DIM, 3 * HD), lambda i: (0, 0)),
            pl.BlockSpec((1, 3 * HD), lambda i: (0, 0)),
        ],
        out_specs=[
            pl.BlockSpec((NC, blk, GW), lambda i: (0, i, 0)),
            pl.BlockSpec((NC, blk, 2 * GW), lambda i: (0, i, 0)),
        ],
        out_shape=[
            jax.ShapeDtypeStruct((NC, N, GW), jnp.float32),
            jax.ShapeDtypeStruct((NC, N, 2 * GW), jnp.float32),
        ],
    )(h, wall, ball)


_GDN = lax.GatherDimensionNumbers(
    offset_dims=(), collapsed_slice_dims=(0,), start_index_map=(0,))


def _shuf(x, idx):
    return lax.gather(x, idx[:, None], _GDN, (1,),
                      mode=lax.GatherScatterMode.PROMISE_IN_BOUNDS)


def _edge_body(q0_hbm, q1_hbm, kv0_hbm, kv1_hbm, src_hbm, dst_hbm, part_hbm,
               src_ch, dst_ch, kv0, kv1, qr0, qr1, or0, or1,
               acc, sem_g0, sem_g1):
    c = lax.axis_index("c")
    s = lax.axis_index("s")
    kv_rows = (kv0, kv1)
    q_rows = (qr0, qr1)
    out_rows = (or0, or1)
    sem_g = (sem_g0, sem_g1)

    zv = jnp.zeros((D,), jnp.float32)

    def zrow(r, carry):
        for j in range(ROW // D):
            or0[r, D * j:D * (j + 1)] = zv
        return carry

    lax.fori_loop(0, ZCH, zrow, 0)
    for j in range((NCH + NS - 1) // NS):
        ci = s + j * NS

        @pl.when(ci < NCH)
        def _():
            pltpu.sync_copy(or0, acc.at[pl.ds(ci * ZCH, ZCH)])

    plsc.subcore_barrier()

    def run(q_hbm, kv_hbm):
        def start_gather(bl, p):
            pltpu.async_copy(kv_hbm.at[src_ch.at[bl]], kv_rows[p], sem_g[p])
            pltpu.async_copy(q_hbm.at[dst_ch.at[bl]], q_rows[p], sem_g[p])

        def wait_gather(bl, p):
            pltpu.make_async_copy(
                kv_hbm.at[src_ch.at[bl]], kv_rows[p], sem_g[p]).wait()
            pltpu.make_async_copy(
                q_hbm.at[dst_ch.at[bl]], q_rows[p], sem_g[p]).wait()

        lane = lax.iota(jnp.int32, D)
        bfly = [lane ^ (1 << t) for t in range(4)]

        def half(j, p):
            bl = 2 * j + p
            pn = 1 - p

            @pl.when(bl + 1 < IDXC)
            def _():
                start_gather(bl + 1, pn)

            wait_gather(bl, p)
            kvp = kv_rows[p]
            qp = q_rows[p]
            orp = out_rows[p]

            def edges2(i, carry2):
                es = (2 * i, 2 * i + 1)
                kqv = []
                for e in es:
                    for hh in range(HG):
                        kqv.append((kvp[e, D * hh:D * (hh + 1)],
                                    qp[e, D * hh:D * (hh + 1)],
                                    kvp[e, GW + D * hh:GW + D * (hh + 1)]))
                outs = []
                for ui, e in enumerate(es):
                    zvec = jnp.zeros((D,), jnp.float32)
                    for hh in range(HG):
                        k, q, v = kqv[ui * HG + hh]
                        sp = k * q
                        for t in range(4):
                            sp = sp + _shuf(sp, bfly[t])
                        ev = jnp.exp(jnp.clip(sp * INV_SQRT_D, -5.0, 5.0))
                        outs.append((e, D * hh, v * ev))
                        zvec = jnp.where(lane == hh, ev, zvec)
                    outs.append((e, GW, zvec))
                for e, col, val in outs:
                    orp[e, col:col + D] = val
                return carry2

            lax.fori_loop(0, B // 2, edges2, 0)

            pltpu.sync_copy(orp, acc.at[dst_ch.at[bl]], add=True)

        def chunk(g, carry):
            base = s * NB + g * IDXC
            pltpu.sync_copy(src_hbm.at[pl.ds(base, IDXC)], src_ch)
            pltpu.sync_copy(dst_hbm.at[pl.ds(base, IDXC)], dst_ch)
            start_gather(0, 0)

            def pair(j, carry2):
                half(j, 0)
                half(j, 1)
                return carry2

            lax.fori_loop(0, IDXC // 2, pair, 0)
            return carry

        lax.fori_loop(0, NCHK, chunk, 0)

    @pl.when(c == 0)
    def _():
        run(q0_hbm, kv0_hbm)

    @pl.when(c == 1)
    def _():
        run(q1_hbm, kv1_hbm)

    plsc.subcore_barrier()

    for j in range((NCH + NS - 1) // NS):
        ci = s + j * NS

        @pl.when(ci < NCH)
        def _():
            pltpu.sync_copy(acc.at[pl.ds(ci * ZCH, ZCH)], or0)
            pltpu.sync_copy(or0, part_hbm.at[c, pl.ds(ci * ZCH, ZCH)])


def _edge_pass(q_t, kv_t, src, dst):
    mesh = plsc.VectorSubcoreMesh(core_axis_name="c", subcore_axis_name="s")
    fn = functools.partial(
        pl.kernel,
        mesh=mesh,
        compiler_params=pltpu.CompilerParams(use_tc_tiling_on_sc=False),
        out_type=jax.ShapeDtypeStruct((NC, N, ROW), jnp.float32),
        scratch_types=[
            pltpu.VMEM((IDXC, B), jnp.int32),
            pltpu.VMEM((IDXC, B), jnp.int32),
            pltpu.VMEM((B, 2 * GW), jnp.float32),
            pltpu.VMEM((B, 2 * GW), jnp.float32),
            pltpu.VMEM((B, GW), jnp.float32),
            pltpu.VMEM((B, GW), jnp.float32),
            pltpu.VMEM((B, ROW), jnp.float32),
            pltpu.VMEM((B, ROW), jnp.float32),
            pltpu.VMEM_SHARED((N, ROW), jnp.float32),
            pltpu.SemaphoreType.DMA,
            pltpu.SemaphoreType.DMA,
        ],
    )(_edge_body)
    return fn(q_t[0], q_t[1], kv_t[0], kv_t[1],
              src.reshape(NS * NB, B), dst.reshape(NS * NB, B))


def _final_body(p0_ref, p1_ref, o_ref):
    cols = []
    for g, ref in ((0, p0_ref), (1, p1_ref)):
        tot = ref[...]
        for hh in range(HG):
            wv = tot[:, D * hh:D * (hh + 1)]
            z = tot[:, GW + hh:GW + hh + 1]
            cols.append(wv / z)
    o_ref[...] = jnp.concatenate(cols, axis=1)


def _finalize(p0, p1):
    blk = 2000
    grid = N // blk
    return pl.pallas_call(
        _final_body,
        grid=(grid,),
        in_specs=[
            pl.BlockSpec((blk, ROW), lambda i: (i, 0)),
            pl.BlockSpec((blk, ROW), lambda i: (i, 0)),
        ],
        out_specs=pl.BlockSpec((blk, HD), lambda i: (i, 0)),
        out_shape=jax.ShapeDtypeStruct((N, HD), jnp.float32),
    )(p0, p1)


def kernel(h, edge_index, WQ, bQ, WK, bK, WV, bV):
    wall = jnp.concatenate([WQ, WK, WV], axis=1)
    ball = jnp.concatenate([bQ, bK, bV]).reshape(1, 3 * HD)
    q_t, kv_t = _project(h, wall, ball)
    src = edge_index[0]
    dst = edge_index[1]
    parts = _edge_pass(q_t, kv_t, src, dst)
    out = _finalize(parts[0], parts[1])
    return out.reshape(N, H, D)

# --- scband reference (transcript-rebuilt; emitter-appended) ---
"""Pipeline reference for scband-multi-head-attention-layer-47493748359302 (READ-ONLY COPY).

The authoritative reference and input builder live on the scoring server;
editing this copy changes nothing except your own understanding.
"""

import jax, jax.numpy as jnp
import numpy as np

N = 10000
E = 320000
IN_DIM = 128
H = 8
D = 16


def setup_inputs(seed: int = 0) -> dict:
    key = jax.random.key(seed)
    ks = jax.random.split(key, 9)
    h = jax.random.normal(ks[0], (N, IN_DIM), dtype=jnp.float32)
    edge_index = jax.random.randint(ks[1], (2, E), 0, N, dtype=jnp.int32)
    s = 1.0 / np.sqrt(IN_DIM)
    WQ = jax.random.normal(ks[2], (IN_DIM, H * D), dtype=jnp.float32) * s
    WK = jax.random.normal(ks[3], (IN_DIM, H * D), dtype=jnp.float32) * s
    WV = jax.random.normal(ks[4], (IN_DIM, H * D), dtype=jnp.float32) * s
    bQ = jax.random.normal(ks[5], (H * D,), dtype=jnp.float32) * s
    bK = jax.random.normal(ks[6], (H * D,), dtype=jnp.float32) * s
    bV = jax.random.normal(ks[7], (H * D,), dtype=jnp.float32) * s
    return {"h": h, "edge_index": edge_index, "WQ": WQ, "bQ": bQ, "WK": WK, "bK": bK, "WV": WV, "bV": bV}


def reference(h, edge_index, WQ, bQ, WK, bK, WV, bV):
    Q_h = (h @ WQ + bQ).reshape(-1, H, D)
    K_h = (h @ WK + bK).reshape(-1, H, D)
    V_h = (h @ WV + bV).reshape(-1, H, D)
    src = edge_index[0]
    dst = edge_index[1]
    # apply_edges(src_dot_dst('K_h','Q_h','score')): per-edge dot of K_h[src] and Q_h[dst]
    score = jnp.sum(K_h[src] * Q_h[dst], axis=-1, keepdims=True)  # [E, H, 1]
    # scaled_exp: exp(clamp(score / sqrt(out_dim), -5, 5))
    score = jnp.exp(jnp.clip(score / np.sqrt(D), -5.0, 5.0))
    # send_and_recv(u_mul_e('V_h','score','V_h'), sum -> 'wV') : scatter-add to dst
    wV = jax.ops.segment_sum(V_h[src] * score, dst, num_segments=N)  # [N, H, D]
    # send_and_recv(copy_e('score'), sum -> 'z')
    z = jax.ops.segment_sum(score, dst, num_segments=N)  # [N, H, 1]
    head_out = wV / z
    return head_out

if __name__ == "__main__":
    import jax
    _d = setup_inputs()
    print(jax.jit(kernel)(*tuple(_d.values())))

</pallas_src>

<mosaic_0001>
#map = affine_map<(d0, d1) -> (0, 0)>
#map1 = affine_map<(d0, d1) -> (0, 0, 0)>
module attributes {stable_mosaic.version = 14 : i64} {
  func.func @_edge_body(%arg0: i32, %arg1: i32, %arg2: memref<10000x64xf32, #tpu.memory_space<hbm>>, %arg3: memref<10000x64xf32, #tpu.memory_space<hbm>>, %arg4: memref<10000x128xf32, #tpu.memory_space<hbm>>, %arg5: memref<10000x128xf32, #tpu.memory_space<hbm>>, %arg6: memref<4000x80xi32, #tpu.memory_space<hbm>>, %arg7: memref<4000x80xi32, #tpu.memory_space<hbm>>, %arg8: memref<2x10000x80xf32, #tpu.memory_space<hbm>>, %arg9: memref<50x80xi32, #tpu.memory_space<vmem>>, %arg10: memref<50x80xi32, #tpu.memory_space<vmem>>, %arg11: memref<80x128xf32, #tpu.memory_space<vmem>>, %arg12: memref<80x128xf32, #tpu.memory_space<vmem>>, %arg13: memref<80x64xf32, #tpu.memory_space<vmem>>, %arg14: memref<80x64xf32, #tpu.memory_space<vmem>>, %arg15: memref<80x80xf32, #tpu.memory_space<vmem>>, %arg16: memref<80x80xf32, #tpu.memory_space<vmem>>, %arg17: memref<10000x80xf32, #tpu.memory_space<vmem_shared>>, %arg18: memref<!tpu.dma_semaphore, #tpu.memory_space<semaphore_mem>>, %arg19: memref<!tpu.dma_semaphore, #tpu.memory_space<semaphore_mem>>) attributes {dimension_semantics = [#tpu.dimension_semantics<core_parallel>, #tpu.dimension_semantics<subcore_parallel>], iteration_bounds = array<i64: 2, 16>, scalar_prefetch = 0 : i64, scratch_operands = 11 : i64, tpu.core_type = #tpu.core_type<sc_vector_subcore>, window_params = [{transform_indices = #map}, {transform_indices = #map}, {transform_indices = #map}, {transform_indices = #map}, {transform_indices = #map}, {transform_indices = #map}, {transform_indices = #map1}]} {
    %broadcast_in_dim3A = arith.constant 0.000000e+00 : f32
    %broadcast_in_dim3A_0 = vector.broadcast %broadcast_in_dim3A : f32 to vector<16xf32>
    %scan3A = arith.constant 0 : i32
    %scan3A_1 = arith.constant 0 : i32
    %scan3A_2 = arith.constant 80 : i32
    %scan3A_3 = arith.addi %scan3A_1, %scan3A_2 : i32
    %scan3A_4 = arith.constant 1 : i32
    scf.for %scan3A_124 = %scan3A_1 to %scan3A_3 step %scan3A_4  : i32 {
      %swap3A = arith.index_cast %scan3A_124 : i32 to index
      %swap3A_125 = arith.constant 0 : index
      %swap3A_126 = tpu.vector_load %arg15[%swap3A, %swap3A_125] {strides = array<i32>} : memref<80x80xf32, #tpu.memory_space<vmem>>, vector<1x16xf32>,
      %swap3A_127 = vector.shape_cast %swap3A_126 : vector<1x16xf32> to vector<16xf32>
      %swap3A_128 = vector.shape_cast %broadcast_in_dim3A_0 : vector<16xf32> to vector<1x16xf32>
      tpu.vector_store %arg15[%swap3A, %swap3A_125], %swap3A_128 {strides = array<i32>} : memref<80x80xf32, #tpu.memory_space<vmem>>, vector<1x16xf32>,
      %swap3A_129 = arith.index_cast %scan3A_124 : i32 to index
      %swap3A_130 = arith.constant 16 : index
      %swap3A_131 = tpu.vector_load %arg15[%swap3A_129, %swap3A_130] {strides = array<i32>} : memref<80x80xf32, #tpu.memory_space<vmem>>, vector<1x16xf32>,
      %swap3A_132 = vector.shape_cast %swap3A_131 : vector<1x16xf32> to vector<16xf32>
      %swap3A_133 = vector.shape_cast %broadcast_in_dim3A_0 : vector<16xf32> to vector<1x16xf32>
      tpu.vector_store %arg15[%swap3A_129, %swap3A_130], %swap3A_133 {strides = array<i32>} : memref<80x80xf32, #tpu.memory_space<vmem>>, vector<1x16xf32>,
      %swap3A_134 = arith.index_cast %scan3A_124 : i32 to index
      %swap3A_135 = arith.constant 32 : index
      %swap3A_136 = tpu.vector_load %arg15[%swap3A_134, %swap3A_135] {strides = array<i32>} : memref<80x80xf32, #tpu.memory_space<vmem>>, vector<1x16xf32>,
      %swap3A_137 = vector.shape_cast %swap3A_136 : vector<1x16xf32> to vector<16xf32>
      %swap3A_138 = vector.shape_cast %broadcast_in_dim3A_0 : vector<16xf32> to vector<1x16xf32>
      tpu.vector_store %arg15[%swap3A_134, %swap3A_135], %swap3A_138 {strides = array<i32>} : memref<80x80xf32, #tpu.memory_space<vmem>>, vector<1x16xf32>,
      %swap3A_139 = arith.index_cast %scan3A_124 : i32 to index
      %swap3A_140 = arith.constant 48 : index
      %swap3A_141 = tpu.vector_load %arg15[%swap3A_139, %swap3A_140] {strides = array<i32>} : memref<80x80xf32, #tpu.memory_space<vmem>>, vector<1x16xf32>,
      %swap3A_142 = vector.shape_cast %swap3A_141 : vector<1x16xf32> to vector<16xf32>
      %swap3A_143 = vector.shape_cast %broadcast_in_dim3A_0 : vector<16xf32> to vector<1x16xf32>
      tpu.vector_store %arg15[%swap3A_139, %swap3A_140], %swap3A_143 {strides = array<i32>} : memref<80x80xf32, #tpu.memory_space<vmem>>, vector<1x16xf32>,
      %swap3A_144 = arith.index_cast %scan3A_124 : i32 to index
      %swap3A_145 = arith.constant 64 : index
      %swap3A_146 = tpu.vector_load %arg15[%swap3A_144, %swap3A_145] {strides = array<i32>} : memref<80x80xf32, #tpu.memory_space<vmem>>, vector<1x16xf32>,
      %swap3A_147 = vector.shape_cast %swap3A_146 : vector<1x16xf32> to vector<16xf32>
      %swap3A_148 = vector.shape_cast %broadcast_in_dim3A_0 : vector<16xf32> to vector<1x16xf32>
      tpu.vector_store %arg15[%swap3A_144, %swap3A_145], %swap3A_148 {strides = array<i32>} : memref<80x80xf32, #tpu.memory_space<vmem>>, vector<1x16xf32>,
    }
    %scan3A_5 = arith.constant 80 : i32
    %add3A = arith.constant 0 : i32
    %add3A_6 = arith.addi %arg1, %add3A : i32
    %lt3A = arith.constant 125 : i32
    %lt3A_7 = arith.cmpi slt, %add3A_6, %lt3A : i32
    %convert_element_type3A = arith.extui %lt3A_7 : i1 to i32
    %cond3A = arith.constant 0 : i32
    %cond3A_8 = arith.cmpi ne, %convert_element_type3A, %cond3A : i32
    scf.if %cond3A_8 {
      %mul3A = arith.constant 80 : i32
      %mul3A_124 = arith.muli %add3A_6, %mul3A : i32
      "tpu.region"() ({
        %run_scoped3A = tpu.sem_alloc : memref<!tpu.dma_semaphore, #tpu.memory_space<semaphore_mem>>
        %dma_start3A = arith.constant 0 : i32
        %dma_start3A_125 = tpu.memref_slice %arg17[%mul3A_124, %dma_start3A] : memref<10000x80xf32, #tpu.memory_space<vmem_shared>> -> memref<80x80xf32, #tpu.memory_space<vmem_shared>>
        %dma_start3A_126 = arith.constant 0 : i32
        %dma_start3A_127 = tpu.memref_slice %arg17[%mul3A_124, %dma_start3A_126] : memref<10000x80xf32, #tpu.memory_space<vmem_shared>> -> memref<80x80xf32, #tpu.memory_space<vmem_shared>>
        tpu.enqueue_dma source(%arg15 : memref<80x80xf32, #tpu.memory_space<vmem>>) target(%dma_start3A_127 : memref<80x80xf32, #tpu.memory_space<vmem_shared>>) target_semaphore(%run_scoped3A : memref<!tpu.dma_semaphore, #tpu.memory_space<semaphore_mem>>)
        %dma_wait3A = arith.constant 0 : i32
        %dma_wait3A_128 = tpu.memref_slice %arg17[%mul3A_124, %dma_wait3A] : memref<10000x80xf32, #tpu.memory_space<vmem_shared>> -> memref<80x80xf32, #tpu.memory_space<vmem_shared>>
        %dma_wait3A_129 = arith.constant 0 : i32
        %dma_wait3A_130 = tpu.memref_slice %arg17[%mul3A_124, %dma_wait3A_129] : memref<10000x80xf32, #tpu.memory_space<vmem_shared>> -> memref<80x80xf32, #tpu.memory_space<vmem_shared>>
        tpu.wait_dma2 semaphore(%run_scoped3A : memref<!tpu.dma_semaphore, #tpu.memory_space<semaphore_mem>>) src(%arg15 : memref<80x80xf32, #tpu.memory_space<vmem>>) dst(%dma_wait3A_130 : memref<80x80xf32, #tpu.memory_space<vmem_shared>>)
        tpu.yield
      }) : () -> ()
    } else {
    }
    %add3A_9 = arith.constant 16 : i32
    %add3A_10 = arith.addi %arg1, %add3A_9 : i32
    %lt3A_11 = arith.constant 125 : i32
    %lt3A_12 = arith.cmpi slt, %add3A_10, %lt3A_11 : i32
    %convert_element_type3A_13 = arith.extui %lt3A_12 : i1 to i32
    %cond3A_14 = arith.constant 0 : i32
    %cond3A_15 = arith.cmpi ne, %convert_element_type3A_13, %cond3A_14 : i32
    scf.if %cond3A_15 {
      %mul3A = arith.constant 80 : i32
      %mul3A_124 = arith.muli %add3A_10, %mul3A : i32
      "tpu.region"() ({
        %run_scoped3A = tpu.sem_alloc : memref<!tpu.dma_semaphore, #tpu.memory_space<semaphore_mem>>
        %dma_start3A = arith.constant 0 : i32
        %dma_start3A_125 = tpu.memref_slice %arg17[%mul3A_124, %dma_start3A] : memref<10000x80xf32, #tpu.memory_space<vmem_shared>> -> memref<80x80xf32, #tpu.memory_space<vmem_shared>>
        %dma_start3A_126 = arith.constant 0 : i32
        %dma_start3A_127 = tpu.memref_slice %arg17[%mul3A_124, %dma_start3A_126] : memref<10000x80xf32, #tpu.memory_space<vmem_shared>> -> memref<80x80xf32, #tpu.memory_space<vmem_shared>>
        tpu.enqueue_dma source(%arg15 : memref<80x80xf32, #tpu.memory_space<vmem>>) target(%dma_start3A_127 : memref<80x80xf32, #tpu.memory_space<vmem_shared>>) target_semaphore(%run_scoped3A : memref<!tpu.dma_semaphore, #tpu.memory_space<semaphore_mem>>)
        %dma_wait3A = arith.constant 0 : i32
        %dma_wait3A_128 = tpu.memref_slice %arg17[%mul3A_124, %dma_wait3A] : memref<10000x80xf32, #tpu.memory_space<vmem_shared>> -> memref<80x80xf32, #tpu.memory_space<vmem_shared>>
        %dma_wait3A_129 = arith.constant 0 : i32
        %dma_wait3A_130 = tpu.memref_slice %arg17[%mul3A_124, %dma_wait3A_129] : memref<10000x80xf32, #tpu.memory_space<vmem_shared>> -> memref<80x80xf32, #tpu.memory_space<vmem_shared>>
        tpu.wait_dma2 semaphore(%run_scoped3A : memref<!tpu.dma_semaphore, #tpu.memory_space<semaphore_mem>>) src(%arg15 : memref<80x80xf32, #tpu.memory_space<vmem>>) dst(%dma_wait3A_130 : memref<80x80xf32, #tpu.memory_space<vmem_shared>>)
        tpu.yield
      }) : () -> ()
    } else {
    }
    %add3A_16 = arith.constant 32 : i32
    %add3A_17 = arith.addi %arg1, %add3A_16 : i32
    %lt3A_18 = arith.constant 125 : i32
    %lt3A_19 = arith.cmpi slt, %add3A_17, %lt3A_18 : i32
    %convert_element_type3A_20 = arith.extui %lt3A_19 : i1 to i32
    %cond3A_21 = arith.constant 0 : i32
    %cond3A_22 = arith.cmpi ne, %convert_element_type3A_20, %cond3A_21 : i32
    scf.if %cond3A_22 {
      %mul3A = arith.constant 80 : i32
      %mul3A_124 = arith.muli %add3A_17, %mul3A : i32
      "tpu.region"() ({
        %run_scoped3A = tpu.sem_alloc : memref<!tpu.dma_semaphore, #tpu.memory_space<semaphore_mem>>
        %dma_start3A = arith.constant 0 : i32
        %dma_start3A_125 = tpu.memref_slice %arg17[%mul3A_124, %dma_start3A] : memref<10000x80xf32, #tpu.memory_space<vmem_shared>> -> memref<80x80xf32, #tpu.memory_space<vmem_shared>>
        %dma_start3A_126 = arith.constant 0 : i32
        %dma_start3A_127 = tpu.memref_slice %arg17[%mul3A_124, %dma_start3A_126] : memref<10000x80xf32, #tpu.memory_space<vmem_shared>> -> memref<80x80xf32, #tpu.memory_space<vmem_shared>>
        tpu.enqueue_dma source(%arg15 : memref<80x80xf32, #tpu.memory_space<vmem>>) target(%dma_start3A_127 : memref<80x80xf32, #tpu.memory_space<vmem_shared>>) target_semaphore(%run_scoped3A : memref<!tpu.dma_semaphore, #tpu.memory_space<semaphore_mem>>)
        %dma_wait3A = arith.constant 0 : i32
        %dma_wait3A_128 = tpu.memref_slice %arg17[%mul3A_124, %dma_wait3A] : memref<10000x80xf32, #tpu.memory_space<vmem_shared>> -> memref<80x80xf32, #tpu.memory_space<vmem_shared>>
        %dma_wait3A_129 = arith.constant 0 : i32
        %dma_wait3A_130 = tpu.memref_slice %arg17[%mul3A_124, %dma_wait3A_129] : memref<10000x80xf32, #tpu.memory_space<vmem_shared>> -> memref<80x80xf32, #tpu.memory_space<vmem_shared>>
        tpu.wait_dma2 semaphore(%run_scoped3A : memref<!tpu.dma_semaphore, #tpu.memory_space<semaphore_mem>>) src(%arg15 : memref<80x80xf32, #tpu.memory_space<vmem>>) dst(%dma_wait3A_130 : memref<80x80xf32, #tpu.memory_space<vmem_shared>>)
        tpu.yield
      }) : () -> ()
    } else {
    }
    %add3A_23 = arith.constant 48 : i32
    %add3A_24 = arith.addi %arg1, %add3A_23 : i32
    %lt3A_25 = arith.constant 125 : i32
    %lt3A_26 = arith.cmpi slt, %add3A_24, %lt3A_25 : i32
    %convert_element_type3A_27 = arith.extui %lt3A_26 : i1 to i32
    %cond3A_28 = arith.constant 0 : i32
    %cond3A_29 = arith.cmpi ne, %convert_element_type3A_27, %cond3A_28 : i32
    scf.if %cond3A_29 {
      %mul3A = arith.constant 80 : i32
      %mul3A_124 = arith.muli %add3A_24, %mul3A : i32
      "tpu.region"() ({
        %run_scoped3A = tpu.sem_alloc : memref<!tpu.dma_semaphore, #tpu.memory_space<semaphore_mem>>
        %dma_start3A = arith.constant 0 : i32
        %dma_start3A_125 = tpu.memref_slice %arg17[%mul3A_124, %dma_start3A] : memref<10000x80xf32, #tpu.memory_space<vmem_shared>> -> memref<80x80xf32, #tpu.memory_space<vmem_shared>>
        %dma_start3A_126 = arith.constant 0 : i32
        %dma_start3A_127 = tpu.memref_slice %arg17[%mul3A_124, %dma_start3A_126] : memref<10000x80xf32, #tpu.memory_space<vmem_shared>> -> memref<80x80xf32, #tpu.memory_space<vmem_shared>>
        tpu.enqueue_dma source(%arg15 : memref<80x80xf32, #tpu.memory_space<vmem>>) target(%dma_start3A_127 : memref<80x80xf32, #tpu.memory_space<vmem_shared>>) target_semaphore(%run_scoped3A : memref<!tpu.dma_semaphore, #tpu.memory_space<semaphore_mem>>)
        %dma_wait3A = arith.constant 0 : i32
        %dma_wait3A_128 = tpu.memref_slice %arg17[%mul3A_124, %dma_wait3A] : memref<10000x80xf32, #tpu.memory_space<vmem_shared>> -> memref<80x80xf32, #tpu.memory_space<vmem_shared>>
        %dma_wait3A_129 = arith.constant 0 : i32
        %dma_wait3A_130 = tpu.memref_slice %arg17[%mul3A_124, %dma_wait3A_129] : memref<10000x80xf32, #tpu.memory_space<vmem_shared>> -> memref<80x80xf32, #tpu.memory_space<vmem_shared>>
        tpu.wait_dma2 semaphore(%run_scoped3A : memref<!tpu.dma_semaphore, #tpu.memory_space<semaphore_mem>>) src(%arg15 : memref<80x80xf32, #tpu.memory_space<vmem>>) dst(%dma_wait3A_130 : memref<80x80xf32, #tpu.memory_space<vmem_shared>>)
        tpu.yield
      }) : () -> ()
    } else {
    }
    %add3A_30 = arith.constant 64 : i32
    %add3A_31 = arith.addi %arg1, %add3A_30 : i32
    %lt3A_32 = arith.constant 125 : i32
    %lt3A_33 = arith.cmpi slt, %add3A_31, %lt3A_32 : i32
    %convert_element_type3A_34 = arith.extui %lt3A_33 : i1 to i32
    %cond3A_35 = arith.constant 0 : i32
    %cond3A_36 = arith.cmpi ne, %convert_element_type3A_34, %cond3A_35 : i32
    scf.if %cond3A_36 {
      %mul3A = arith.constant 80 : i32
      %mul3A_124 = arith.muli %add3A_31, %mul3A : i32
      "tpu.region"() ({
        %run_scoped3A = tpu.sem_alloc : memref<!tpu.dma_semaphore, #tpu.memory_space<semaphore_mem>>
        %dma_start3A = arith.constant 0 : i32
        %dma_start3A_125 = tpu.memref_slice %arg17[%mul3A_124, %dma_start3A] : memref<10000x80xf32, #tpu.memory_space<vmem_shared>> -> memref<80x80xf32, #tpu.memory_space<vmem_shared>>
        %dma_start3A_126 = arith.constant 0 : i32
        %dma_start3A_127 = tpu.memref_slice %arg17[%mul3A_124, %dma_start3A_126] : memref<10000x80xf32, #tpu.memory_space<vmem_shared>> -> memref<80x80xf32, #tpu.memory_space<vmem_shared>>
        tpu.enqueue_dma source(%arg15 : memref<80x80xf32, #tpu.memory_space<vmem>>) target(%dma_start3A_127 : memref<80x80xf32, #tpu.memory_space<vmem_shared>>) target_semaphore(%run_scoped3A : memref<!tpu.dma_semaphore, #tpu.memory_space<semaphore_mem>>)
        %dma_wait3A = arith.constant 0 : i32
        %dma_wait3A_128 = tpu.memref_slice %arg17[%mul3A_124, %dma_wait3A] : memref<10000x80xf32, #tpu.memory_space<vmem_shared>> -> memref<80x80xf32, #tpu.memory_space<vmem_shared>>
        %dma_wait3A_129 = arith.constant 0 : i32
        %dma_wait3A_130 = tpu.memref_slice %arg17[%mul3A_124, %dma_wait3A_129] : memref<10000x80xf32, #tpu.memory_space<vmem_shared>> -> memref<80x80xf32, #tpu.memory_space<vmem_shared>>
        tpu.wait_dma2 semaphore(%run_scoped3A : memref<!tpu.dma_semaphore, #tpu.memory_space<semaphore_mem>>) src(%arg15 : memref<80x80xf32, #tpu.memory_space<vmem>>) dst(%dma_wait3A_130 : memref<80x80xf32, #tpu.memory_space<vmem_shared>>)
        tpu.yield
      }) : () -> ()
    } else {
    }
    %add3A_37 = arith.constant 80 : i32
    %add3A_38 = arith.addi %arg1, %add3A_37 : i32
    %lt3A_39 = arith.constant 125 : i32
    %lt3A_40 = arith.cmpi slt, %add3A_38, %lt3A_39 : i32
    %convert_element_type3A_41 = arith.extui %lt3A_40 : i1 to i32
    %cond3A_42 = arith.constant 0 : i32
    %cond3A_43 = arith.cmpi ne, %convert_element_type3A_41, %cond3A_42 : i32
    scf.if %cond3A_43 {
      %mul3A = arith.constant 80 : i32
      %mul3A_124 = arith.muli %add3A_38, %mul3A : i32
      "tpu.region"() ({
        %run_scoped3A = tpu.sem_alloc : memref<!tpu.dma_semaphore, #tpu.memory_space<semaphore_mem>>
        %dma_start3A = arith.constant 0 : i32
        %dma_start3A_125 = tpu.memref_slice %arg17[%mul3A_124, %dma_start3A] : memref<10000x80xf32, #tpu.memory_space<vmem_shared>> -> memref<80x80xf32, #tpu.memory_space<vmem_shared>>
        %dma_start3A_126 = arith.constant 0 : i32
        %dma_start3A_127 = tpu.memref_slice %arg17[%mul3A_124, %dma_start3A_126] : memref<10000x80xf32, #tpu.memory_space<vmem_shared>> -> memref<80x80xf32, #tpu.memory_space<vmem_shared>>
        tpu.enqueue_dma source(%arg15 : memref<80x80xf32, #tpu.memory_space<vmem>>) target(%dma_start3A_127 : memref<80x80xf32, #tpu.memory_space<vmem_shared>>) target_semaphore(%run_scoped3A : memref<!tpu.dma_semaphore, #tpu.memory_space<semaphore_mem>>)
        %dma_wait3A = arith.constant 0 : i32
        %dma_wait3A_128 = tpu.memref_slice %arg17[%mul3A_124, %dma_wait3A] : memref<10000x80xf32, #tpu.memory_space<vmem_shared>> -> memref<80x80xf32, #tpu.memory_space<vmem_shared>>
        %dma_wait3A_129 = arith.constant 0 : i32
        %dma_wait3A_130 = tpu.memref_slice %arg17[%mul3A_124, %dma_wait3A_129] : memref<10000x80xf32, #tpu.memory_space<vmem_shared>> -> memref<80x80xf32, #tpu.memory_space<vmem_shared>>
        tpu.wait_dma2 semaphore(%run_scoped3A : memref<!tpu.dma_semaphore, #tpu.memory_space<semaphore_mem>>) src(%arg15 : memref<80x80xf32, #tpu.memory_space<vmem>>) dst(%dma_wait3A_130 : memref<80x80xf32, #tpu.memory_space<vmem_shared>>)
        tpu.yield
      }) : () -> ()
    } else {
    }
    %add3A_44 = arith.constant 96 : i32
    %add3A_45 = arith.addi %arg1, %add3A_44 : i32
    %lt3A_46 = arith.constant 125 : i32
    %lt3A_47 = arith.cmpi slt, %add3A_45, %lt3A_46 : i32
    %convert_element_type3A_48 = arith.extui %lt3A_47 : i1 to i32
    %cond3A_49 = arith.constant 0 : i32
    %cond3A_50 = arith.cmpi ne, %convert_element_type3A_48, %cond3A_49 : i32
    scf.if %cond3A_50 {
      %mul3A = arith.constant 80 : i32
      %mul3A_124 = arith.muli %add3A_45, %mul3A : i32
      "tpu.region"() ({
        %run_scoped3A = tpu.sem_alloc : memref<!tpu.dma_semaphore, #tpu.memory_space<semaphore_mem>>
        %dma_start3A = arith.constant 0 : i32
        %dma_start3A_125 = tpu.memref_slice %arg17[%mul3A_124, %dma_start3A] : memref<10000x80xf32, #tpu.memory_space<vmem_shared>> -> memref<80x80xf32, #tpu.memory_space<vmem_shared>>
        %dma_start3A_126 = arith.constant 0 : i32
        %dma_start3A_127 = tpu.memref_slice %arg17[%mul3A_124, %dma_start3A_126] : memref<10000x80xf32, #tpu.memory_space<vmem_shared>> -> memref<80x80xf32, #tpu.memory_space<vmem_shared>>
        tpu.enqueue_dma source(%arg15 : memref<80x80xf32, #tpu.memory_space<vmem>>) target(%dma_start3A_127 : memref<80x80xf32, #tpu.memory_space<vmem_shared>>) target_semaphore(%run_scoped3A : memref<!tpu.dma_semaphore, #tpu.memory_space<semaphore_mem>>)
        %dma_wait3A = arith.constant 0 : i32
        %dma_wait3A_128 = tpu.memref_slice %arg17[%mul3A_124, %dma_wait3A] : memref<10000x80xf32, #tpu.memory_space<vmem_shared>> -> memref<80x80xf32, #tpu.memory_space<vmem_shared>>
        %dma_wait3A_129 = arith.constant 0 : i32
        %dma_wait3A_130 = tpu.memref_slice %arg17[%mul3A_124, %dma_wait3A_129] : memref<10000x80xf32, #tpu.memory_space<vmem_shared>> -> memref<80x80xf32, #tpu.memory_space<vmem_shared>>
        tpu.wait_dma2 semaphore(%run_scoped3A : memref<!tpu.dma_semaphore, #tpu.memory_space<semaphore_mem>>) src(%arg15 : memref<80x80xf32, #tpu.memory_space<vmem>>) dst(%dma_wait3A_130 : memref<80x80xf32, #tpu.memory_space<vmem_shared>>)
        tpu.yield
      }) : () -> ()
    } else {
    }
    %add3A_51 = arith.constant 112 : i32
    %add3A_52 = arith.addi %arg1, %add3A_51 : i32
    %lt3A_53 = arith.constant 125 : i32
    %lt3A_54 = arith.cmpi slt, %add3A_52, %lt3A_53 : i32
    %convert_element_type3A_55 = arith.extui %lt3A_54 : i1 to i32
    %cond3A_56 = arith.constant 0 : i32
    %cond3A_57 = arith.cmpi ne, %convert_element_type3A_55, %cond3A_56 : i32
    scf.if %cond3A_57 {
      %mul3A = arith.constant 80 : i32
      %mul3A_124 = arith.muli %add3A_52, %mul3A : i32
      "tpu.region"() ({
        %run_scoped3A = tpu.sem_alloc : memref<!tpu.dma_semaphore, #tpu.memory_space<semaphore_mem>>
        %dma_start3A = arith.constant 0 : i32
        %dma_start3A_125 = tpu.memref_slice %arg17[%mul3A_124, %dma_start3A] : memref<10000x80xf32, #tpu.memory_space<vmem_shared>> -> memref<80x80xf32, #tpu.memory_space<vmem_shared>>
        %dma_start3A_126 = arith.constant 0 : i32
        %dma_start3A_127 = tpu.memref_slice %arg17[%mul3A_124, %dma_start3A_126] : memref<10000x80xf32, #tpu.memory_space<vmem_shared>> -> memref<80x80xf32, #tpu.memory_space<vmem_shared>>
        tpu.enqueue_dma source(%arg15 : memref<80x80xf32, #tpu.memory_space<vmem>>) target(%dma_start3A_127 : memref<80x80xf32, #tpu.memory_space<vmem_shared>>) target_semaphore(%run_scoped3A : memref<!tpu.dma_semaphore, #tpu.memory_space<semaphore_mem>>)
        %dma_wait3A = arith.constant 0 : i32
        %dma_wait3A_128 = tpu.memref_slice %arg17[%mul3A_124, %dma_wait3A] : memref<10000x80xf32, #tpu.memory_space<vmem_shared>> -> memref<80x80xf32, #tpu.memory_space<vmem_shared>>
        %dma_wait3A_129 = arith.constant 0 : i32
        %dma_wait3A_130 = tpu.memref_slice %arg17[%mul3A_124, %dma_wait3A_129] : memref<10000x80xf32, #tpu.memory_space<vmem_shared>> -> memref<80x80xf32, #tpu.memory_space<vmem_shared>>
        tpu.wait_dma2 semaphore(%run_scoped3A : memref<!tpu.dma_semaphore, #tpu.memory_space<semaphore_mem>>) src(%arg15 : memref<80x80xf32, #tpu.memory_space<vmem>>) dst(%dma_wait3A_130 : memref<80x80xf32, #tpu.memory_space<vmem_shared>>)
        tpu.yield
      }) : () -> ()
    } else {
    }
    %barrier3A = arith.constant 0 : index
    tpu.barrier barrier_id(%barrier3A)
    %eq3A = arith.constant 0 : i32
    %eq3A_58 = arith.cmpi eq, %arg0, %eq3A : i32
    %convert_element_type3A_59 = arith.extui %eq3A_58 : i1 to i32
    %cond3A_60 = arith.constant 0 : i32
    %cond3A_61 = arith.cmpi ne, %convert_element_type3A_59, %cond3A_60 : i32
    scf.if %cond3A_61 {
      %iota3A = tpu.iota {dimensions = array<i32: 0>} : vector<16xi32>
      %xor3A = arith.constant 1 : i32
      %xor3A_124 = vector.broadcast %xor3A : i32 to vector<16xi32>
      %xor3A_125 = arith.xori %iota3A, %xor3A_124 : vector<16xi32>
      %xor3A_126 = arith.constant 2 : i32
      %xor3A_127 = vector.broadcast %xor3A_126 : i32 to vector<16xi32>
      %xor3A_128 = arith.xori %iota3A, %xor3A_127 : vector<16xi32>
      %xor3A_129 = arith.constant 4 : i32
      %xor3A_130 = vector.broadcast %xor3A_129 : i32 to vector<16xi32>
      %xor3A_131 = arith.xori %iota3A, %xor3A_130 : vector<16xi32>
      %xor3A_132 = arith.constant 8 : i32
      %xor3A_133 = vector.broadcast %xor3A_132 : i32 to vector<16xi32>
      %xor3A_134 = arith.xori %iota3A, %xor3A_133 : vector<16xi32>
      %scan3A_135 = arith.constant 0 : i32
      %scan3A_136 = arith.constant 0 : i32
      %scan3A_137 = arith.constant 5 : i32
      %scan3A_138 = arith.addi %scan3A_136, %scan3A_137 : i32
      %scan3A_139 = arith.constant 1 : i32
      scf.for %scan3A_141 = %scan3A_136 to %scan3A_138 step %scan3A_139  : i32 {
        %mul3A = arith.constant 250 : i32
        %mul3A_142 = arith.muli %arg1, %mul3A : i32
        %mul3A_143 = arith.constant 50 : i32
        %mul3A_144 = arith.muli %scan3A_141, %mul3A_143 : i32
        %add3A_145 = arith.addi %mul3A_142, %mul3A_144 : i32
        "tpu.region"() ({
          %run_scoped3A = tpu.sem_alloc : memref<!tpu.dma_semaphore, #tpu.memory_space<semaphore_mem>>
          %dma_start3A_165 = arith.constant 0 : i32
          %dma_start3A_166 = tpu.memref_slice %arg6[%add3A_145, %dma_start3A_165] : memref<4000x80xi32, #tpu.memory_space<hbm>> -> memref<50x80xi32, #tpu.memory_space<hbm>>
          %dma_start3A_167 = arith.constant 0 : i32
          %dma_start3A_168 = tpu.memref_slice %arg6[%add3A_145, %dma_start3A_167] : memref<4000x80xi32, #tpu.memory_space<hbm>> -> memref<50x80xi32, #tpu.memory_space<hbm>>
          tpu.enqueue_dma source(%dma_start3A_168 : memref<50x80xi32, #tpu.memory_space<hbm>>) target(%arg9 : memref<50x80xi32, #tpu.memory_space<vmem>>) target_semaphore(%run_scoped3A : memref<!tpu.dma_semaphore, #tpu.memory_space<semaphore_mem>>)
          %dma_wait3A = arith.constant 0 : i32
          %dma_wait3A_169 = tpu.memref_slice %arg6[%add3A_145, %dma_wait3A] : memref<4000x80xi32, #tpu.memory_space<hbm>> -> memref<50x80xi32, #tpu.memory_space<hbm>>
          %dma_wait3A_170 = arith.constant 0 : i32
          %dma_wait3A_171 = tpu.memref_slice %arg6[%add3A_145, %dma_wait3A_170] : memref<4000x80xi32, #tpu.memory_space<hbm>> -> memref<50x80xi32, #tpu.memory_space<hbm>>
          tpu.wait_dma2 semaphore(%run_scoped3A : memref<!tpu.dma_semaphore, #tpu.memory_space<semaphore_mem>>) src(%dma_wait3A_171 : memref<50x80xi32, #tpu.memory_space<hbm>>) dst(%arg9 : memref<50x80xi32, #tpu.memory_space<vmem>>)
          tpu.yield
        }) : () -> ()
        "tpu.region"() ({
          %run_scoped3A = tpu.sem_alloc : memref<!tpu.dma_semaphore, #tpu.memory_space<semaphore_mem>>
          %dma_start3A_165 = arith.constant 0 : i32
          %dma_start3A_166 = tpu.memref_slice %arg7[%add3A_145, %dma_start3A_165] : memref<4000x80xi32, #tpu.memory_space<hbm>> -> memref<50x80xi32, #tpu.memory_space<hbm>>
          %dma_start3A_167 = arith.constant 0 : i32
          %dma_start3A_168 = tpu.memref_slice %arg7[%add3A_145, %dma_start3A_167] : memref<4000x80xi32, #tpu.memory_space<hbm>> -> memref<50x80xi32, #tpu.memory_space<hbm>>
          tpu.enqueue_dma source(%dma_start3A_168 : memref<50x80xi32, #tpu.memory_space<hbm>>) target(%arg10 : memref<50x80xi32, #tpu.memory_space<vmem>>) target_semaphore(%run_scoped3A : memref<!tpu.dma_semaphore, #tpu.memory_space<semaphore_mem>>)
          %dma_wait3A = arith.constant 0 : i32
          %dma_wait3A_169 = tpu.memref_slice %arg7[%add3A_145, %dma_wait3A] : memref<4000x80xi32, #tpu.memory_space<hbm>> -> memref<50x80xi32, #tpu.memory_space<hbm>>
          %dma_wait3A_170 = arith.constant 0 : i32
          %dma_wait3A_171 = tpu.memref_slice %arg7[%add3A_145, %dma_wait3A_170] : memref<4000x80xi32, #tpu.memory_space<hbm>> -> memref<50x80xi32, #tpu.memory_space<hbm>>
          tpu.wait_dma2 semaphore(%run_scoped3A : memref<!tpu.dma_semaphore, #tpu.memory_space<semaphore_mem>>) src(%dma_wait3A_171 : memref<50x80xi32, #tpu.memory_space<hbm>>) dst(%arg10 : memref<50x80xi32, #tpu.memory_space<vmem>>)
          tpu.yield
        }) : () -> ()
        %dma_start3A = arith.constant 0 : i32
        %dma_start3A_146 = arith.constant 0 : i32
        %dma_start3A_147 = tpu.memref_slice %arg9[%dma_start3A, %dma_start3A_146] : memref<50x80xi32, #tpu.memory_space<vmem>> -> memref<1x80xi32, #tpu.memory_space<vmem>>
        %dma_start3A_148 = tpu.memref_squeeze %dma_start3A_147 : memref<1x80xi32, #tpu.memory_space<vmem>> -> memref<80xi32, #tpu.memory_space<vmem>>
        %dma_start3A_149 = arith.constant 0 : i32
        %dma_start3A_150 = arith.constant 0 : i32
        %dma_start3A_151 = tpu.memref_slice %arg4[%dma_start3A_149, %dma_start3A_150] : memref<10000x128xf32, #tpu.memory_space<hbm>> -> memref<10000x128xf32, #tpu.memory_space<hbm>>
        tpu.enqueue_indirect_dma source(%dma_start3A_151 : memref<10000x128xf32, #tpu.memory_space<hbm>>) target(%arg11 : memref<80x128xf32, #tpu.memory_space<vmem>>) offsets(%dma_start3A_148 : memref<80xi32, #tpu.memory_space<vmem>>) semaphore(%arg18 : memref<!tpu.dma_semaphore, #tpu.memory_space<semaphore_mem>>)
        %dma_start3A_152 = arith.constant 0 : i32
        %dma_start3A_153 = arith.constant 0 : i32
        %dma_start3A_154 = tpu.memref_slice %arg10[%dma_start3A_152, %dma_start3A_153] : memref<50x80xi32, #tpu.memory_space<vmem>> -> memref<1x80xi32, #tpu.memory_space<vmem>>
        %dma_start3A_155 = tpu.memref_squeeze %dma_start3A_154 : memref<1x80xi32, #tpu.memory_space<vmem>> -> memref<80xi32, #tpu.memory_space<vmem>>
        %dma_start3A_156 = arith.constant 0 : i32
        %dma_start3A_157 = arith.constant 0 : i32
        %dma_start3A_158 = tpu.memref_slice %arg2[%dma_start3A_156, %dma_start3A_157] : memref<10000x64xf32, #tpu.memory_space<hbm>> -> memref<10000x64xf32, #tpu.memory_space<hbm>>
        tpu.enqueue_indirect_dma source(%dma_start3A_158 : memref<10000x64xf32, #tpu.memory_space<hbm>>) target(%arg13 : memref<80x64xf32, #tpu.memory_space<vmem>>) offsets(%dma_start3A_155 : memref<80xi32, #tpu.memory_space<vmem>>) semaphore(%arg18 : memref<!tpu.dma_semaphore, #tpu.memory_space<semaphore_mem>>)
        %scan3A_159 = arith.constant 0 : i32
        %scan3A_160 = arith.constant 0 : i32
        %scan3A_161 = arith.constant 25 : i32
        %scan3A_162 = arith.addi %scan3A_160, %scan3A_161 : i32
        %scan3A_163 = arith.constant 1 : i32
        scf.for %scan3A_165 = %scan3A_160 to %scan3A_162 step %scan3A_163  : i32 {
          %mul3A_166 = arith.constant 2 : i32
          %mul3A_167 = arith.muli %mul3A_166, %scan3A_165 : i32
          %add3A_168 = arith.constant 0 : i32
          %add3A_169 = arith.addi %mul3A_167, %add3A_168 : i32
          %add3A_170 = arith.constant 1 : i32
          %add3A_171 = arith.addi %add3A_169, %add3A_170 : i32
          %lt3A_172 = arith.constant 50 : i32
          %lt3A_173 = arith.cmpi slt, %add3A_171, %lt3A_172 : i32
          %convert_element_type3A_174 = arith.extui %lt3A_173 : i1 to i32
          %cond3A_175 = arith.constant 0 : i32
          %cond3A_176 = arith.cmpi ne, %convert_element_type3A_174, %cond3A_175 : i32
          scf.if %cond3A_176 {
            %add3A_223 = arith.constant 1 : i32
            %add3A_224 = arith.addi %add3A_169, %add3A_223 : i32
            %dma_start3A_225 = arith.constant 0 : i32
            %dma_start3A_226 = tpu.memref_slice %arg9[%add3A_224, %dma_start3A_225] : memref<50x80xi32, #tpu.memory_space<vmem>> -> memref<1x80xi32, #tpu.memory_space<vmem>>
            %dma_start3A_227 = tpu.memref_squeeze %dma_start3A_226 : memref<1x80xi32, #tpu.memory_space<vmem>> -> memref<80xi32, #tpu.memory_space<vmem>>
            %dma_start3A_228 = arith.constant 0 : i32
            %dma_start3A_229 = arith.constant 0 : i32
            %dma_start3A_230 = tpu.memref_slice %arg4[%dma_start3A_228, %dma_start3A_229] : memref<10000x128xf32, #tpu.memory_space<hbm>> -> memref<10000x128xf32, #tpu.memory_space<hbm>>
            tpu.enqueue_indirect_dma source(%dma_start3A_230 : memref<10000x128xf32, #tpu.memory_space<hbm>>) target(%arg12 : memref<80x128xf32, #tpu.memory_space<vmem>>) offsets(%dma_start3A_227 : memref<80xi32, #tpu.memory_space<vmem>>) semaphore(%arg19 : memref<!tpu.dma_semaphore, #tpu.memory_space<semaphore_mem>>)
            %dma_start3A_231 = arith.constant 0 : i32
            %dma_start3A_232 = tpu.memref_slice %arg10[%add3A_224, %dma_start3A_231] : memref<50x80xi32, #tpu.memory_space<vmem>> -> memref<1x80xi32, #tpu.memory_space<vmem>>
            %dma_start3A_233 = tpu.memref_squeeze %dma_start3A_232 : memref<1x80xi32, #tpu.memory_space<vmem>> -> memref<80xi32, #tpu.memory_space<vmem>>
            %dma_start3A_234 = arith.constant 0 : i32
            %dma_start3A_235 = arith.constant 0 : i32
            %dma_start3A_236 = tpu.memref_slice %arg2[%dma_start3A_234, %dma_start3A_235] : memref<10000x64xf32, #tpu.memory_space<hbm>> -> memref<10000x64xf32, #tpu.memory_space<hbm>>
            tpu.enqueue_indirect_dma source(%dma_start3A_236 : memref<10000x64xf32, #tpu.memory_space<hbm>>) target(%arg14 : memref<80x64xf32, #tpu.memory_space<vmem>>) offsets(%dma_start3A_233 : memref<80xi32, #tpu.memory_space<vmem>>) semaphore(%arg19 : memref<!tpu.dma_semaphore, #tpu.memory_space<semaphore_mem>>)
          } else {
          }
          %dma_wait3A = arith.constant 0 : i32
          %dma_wait3A_177 = tpu.memref_slice %arg9[%add3A_169, %dma_wait3A] : memref<50x80xi32, #tpu.memory_space<vmem>> -> memref<1x80xi32, #tpu.memory_space<vmem>>
          %dma_wait3A_178 = tpu.memref_squeeze %dma_wait3A_177 : memref<1x80xi32, #tpu.memory_space<vmem>> -> memref<80xi32, #tpu.memory_space<vmem>>
          %dma_wait3A_179 = arith.constant 0 : i32
          %dma_wait3A_180 = arith.constant 0 : i32
          %dma_wait3A_181 = tpu.memref_slice %arg4[%dma_wait3A_179, %dma_wait3A_180] : memref<10000x128xf32, #tpu.memory_space<hbm>> -> memref<10000x128xf32, #tpu.memory_space<hbm>>
          tpu.wait_indirect_dma semaphore(%arg18 : memref<!tpu.dma_semaphore, #tpu.memory_space<semaphore_mem>>) src(%dma_wait3A_181 : memref<10000x128xf32, #tpu.memory_space<hbm>>) dst(%arg11 : memref<80x128xf32, #tpu.memory_space<vmem>>)
          %dma_wait3A_182 = arith.constant 0 : i32
          %dma_wait3A_183 = tpu.memref_slice %arg10[%add3A_169, %dma_wait3A_182] : memref<50x80xi32, #tpu.memory_space<vmem>> -> memref<1x80xi32, #tpu.memory_space<vmem>>
          %dma_wait3A_184 = tpu.memref_squeeze %dma_wait3A_183 : memref<1x80xi32, #tpu.memory_space<vmem>> -> memref<80xi32, #tpu.memory_space<vmem>>
          %dma_wait3A_185 = arith.constant 0 : i32
          %dma_wait3A_186 = arith.constant 0 : i32
          %dma_wait3A_187 = tpu.memref_slice %arg2[%dma_wait3A_185, %dma_wait3A_186] : memref<10000x64xf32, #tpu.memory_space<hbm>> -> memref<10000x64xf32, #tpu.memory_space<hbm>>
          tpu.wait_indirect_dma semaphore(%arg18 : memref<!tpu.dma_semaphore, #tpu.memory_space<semaphore_mem>>) src(%dma_wait3A_187 : memref<10000x64xf32, #tpu.memory_space<hbm>>) dst(%arg13 : memref<80x64xf32, #tpu.memory_space<vmem>>)
          %scan3A_188 = arith.constant 0 : i32
          %scan3A_189 = arith.constant 0 : i32
          %scan3A_190 = arith.constant 40 : i32
          %scan3A_191 = arith.addi %scan3A_189, %scan3A_190 : i32
          %scan3A_192 = arith.constant 1 : i32
          scf.for %scan3A_223 = %scan3A_189 to %scan3A_191 step %scan3A_192  : i32 {
            %mul3A_224 = arith.constant 2 : i32
            %mul3A_225 = arith.muli %mul3A_224, %scan3A_223 : i32
            %mul3A_226 = arith.constant 2 : i32
            %mul3A_227 = arith.muli %mul3A_226, %scan3A_223 : i32
            %add3A_228 = arith.constant 1 : i32
            %add3A_229 = arith.addi %mul3A_227, %add3A_228 : i32
            %get3A = arith.index_cast %mul3A_225 : i32 to index
            %get3A_230 = arith.constant 0 : index
            %get3A_231 = tpu.vector_load %arg11[%get3A, %get3A_230] {strides = array<i32>} : memref<80x128xf32, #tpu.memory_space<vmem>>, vector<1x16xf32>,
            %get3A_232 = vector.shape_cast %get3A_231 : vector<1x16xf32> to vector<16xf32>
            %get3A_233 = arith.index_cast %mul3A_225 : i32 to index
            %get3A_234 = arith.constant 0 : index
            %get3A_235 = tpu.vector_load %arg13[%get3A_233, %get3A_234] {strides = array<i32>} : memref<80x64xf32, #tpu.memory_space<vmem>>, vector<1x16xf32>,
            %get3A_236 = vector.shape_cast %get3A_235 : vector<1x16xf32> to vector<16xf32>
            %get3A_237 = arith.index_cast %mul3A_225 : i32 to index
            %get3A_238 = arith.constant 64 : index
            %get3A_239 = tpu.vector_load %arg11[%get3A_237, %get3A_238] {strides = array<i32>} : memref<80x128xf32, #tpu.memory_space<vmem>>, vector<1x16xf32>,
            %get3A_240 = vector.shape_cast %get3A_239 : vector<1x16xf32> to vector<16xf32>
            %get3A_241 = arith.index_cast %mul3A_225 : i32 to index
            %get3A_242 = arith.constant 16 : index
            %get3A_243 = tpu.vector_load %arg11[%get3A_241, %get3A_242] {strides = array<i32>} : memref<80x128xf32, #tpu.memory_space<vmem>>, vector<1x16xf32>,
            %get3A_244 = vector.shape_cast %get3A_243 : vector<1x16xf32> to vector<16xf32>
            %get3A_245 = arith.index_cast %mul3A_225 : i32 to index
            %get3A_246 = arith.constant 16 : index
            %get3A_247 = tpu.vector_load %arg13[%get3A_245, %get3A_246] {strides = array<i32>} : memref<80x64xf32, #tpu.memory_space<vmem>>, vector<1x16xf32>,
            %get3A_248 = vector.shape_cast %get3A_247 : vector<1x16xf32> to vector<16xf32>
            %get3A_249 = arith.index_cast %mul3A_225 : i32 to index
            %get3A_250 = arith.constant 80 : index
            %get3A_251 = tpu.vector_load %arg11[%get3A_249, %get3A_250] {strides = array<i32>} : memref<80x128xf32, #tpu.memory_space<vmem>>, vector<1x16xf32>,
            %get3A_252 = vector.shape_cast %get3A_251 : vector<1x16xf32> to vector<16xf32>
            %get3A_253 = arith.index_cast %mul3A_225 : i32 to index
            %get3A_254 = arith.constant 32 : index
            %get3A_255 = tpu.vector_load %arg11[%get3A_253, %get3A_254] {strides = array<i32>} : memref<80x128xf32, #tpu.memory_space<vmem>>, vector<1x16xf32>,
            %get3A_256 = vector.shape_cast %get3A_255 : vector<1x16xf32> to vector<16xf32>
            %get3A_257 = arith.index_cast %mul3A_225 : i32 to index
            %get3A_258 = arith.constant 32 : index
            %get3A_259 = tpu.vector_load %arg13[%get3A_257, %get3A_258] {strides = array<i32>} : memref<80x64xf32, #tpu.memory_space<vmem>>, vector<1x16xf32>,
            %get3A_260 = vector.shape_cast %get3A_259 : vector<1x16xf32> to vector<16xf32>
            %get3A_261 = arith.index_cast %mul3A_225 : i32 to index
            %get3A_262 = arith.constant 96 : index
            %get3A_263 = tpu.vector_load %arg11[%get3A_261, %get3A_262] {strides = array<i32>} : memref<80x128xf32, #tpu.memory_space<vmem>>, vector<1x16xf32>,
            %get3A_264 = vector.shape_cast %get3A_263 : vector<1x16xf32> to vector<16xf32>
            %get3A_265 = arith.index_cast %mul3A_225 : i32 to index
            %get3A_266 = arith.constant 48 : index
            %get3A_267 = tpu.vector_load %arg11[%get3A_265, %get3A_266] {strides = array<i32>} : memref<80x128xf32, #tpu.memory_space<vmem>>, vector<1x16xf32>,
            %get3A_268 = vector.shape_cast %get3A_267 : vector<1x16xf32> to vector<16xf32>
            %get3A_269 = arith.index_cast %mul3A_225 : i32 to index
            %get3A_270 = arith.constant 48 : index
            %get3A_271 = tpu.vector_load %arg13[%get3A_269, %get3A_270] {strides = array<i32>} : memref<80x64xf32, #tpu.memory_space<vmem>>, vector<1x16xf32>,
            %get3A_272 = vector.shape_cast %get3A_271 : vector<1x16xf32> to vector<16xf32>
            %get3A_273 = arith.index_cast %mul3A_225 : i32 to index
            %get3A_274 = arith.constant 112 : index
            %get3A_275 = tpu.vector_load %arg11[%get3A_273, %get3A_274] {strides = array<i32>} : memref<80x128xf32, #tpu.memory_space<vmem>>, vector<1x16xf32>,
            %get3A_276 = vector.shape_cast %get3A_275 : vector<1x16xf32> to vector<16xf32>
            %get3A_277 = arith.index_cast %add3A_229 : i32 to index
            %get3A_278 = arith.constant 0 : index
            %get3A_279 = tpu.vector_load %arg11[%get3A_277, %get3A_278] {strides = array<i32>} : memref<80x128xf32, #tpu.memory_space<vmem>>, vector<1x16xf32>,
            %get3A_280 = vector.shape_cast %get3A_279 : vector<1x16xf32> to vector<16xf32>
            %get3A_281 = arith.index_cast %add3A_229 : i32 to index
            %get3A_282 = arith.constant 0 : index
            %get3A_283 = tpu.vector_load %arg13[%get3A_281, %get3A_282] {strides = array<i32>} : memref<80x64xf32, #tpu.memory_space<vmem>>, vector<1x16xf32>,
            %get3A_284 = vector.shape_cast %get3A_283 : vector<1x16xf32> to vector<16xf32>
            %get3A_285 = arith.index_cast %add3A_229 : i32 to index
            %get3A_286 = arith.constant 64 : index
            %get3A_287 = tpu.vector_load %arg11[%get3A_285, %get3A_286] {strides = array<i32>} : memref<80x128xf32, #tpu.memory_space<vmem>>, vector<1x16xf32>,
            %get3A_288 = vector.shape_cast %get3A_287 : vector<1x16xf32> to vector<16xf32>
            %get3A_289 = arith.index_cast %add3A_229 : i32 to index
            %get3A_290 = arith.constant 16 : index
            %get3A_291 = tpu.vector_load %arg11[%get3A_289, %get3A_290] {strides = array<i32>} : memref<80x128xf32, #tpu.memory_space<vmem>>, vector<1x16xf32>,
            %get3A_292 = vector.shape_cast %get3A_291 : vector<1x16xf32> to vector<16xf32>
            %get3A_293 = arith.index_cast %add3A_229 : i32 to index
            %get3A_294 = arith.constant 16 : index
            %get3A_295 = tpu.vector_load %arg13[%get3A_293, %get3A_294] {strides = array<i32>} : memref<80x64xf32, #tpu.memory_space<vmem>>, vector<1x16xf32>,
            %get3A_296 = vector.shape_cast %get3A_295 : vector<1x16xf32> to vector<16xf32>
            %get3A_297 = arith.index_cast %add3A_229 : i32 to index
            %get3A_298 = arith.constant 80 : index
            %get3A_299 = tpu.vector_load %arg11[%get3A_297, %get3A_298] {strides = array<i32>} : memref<80x128xf32, #tpu.memory_space<vmem>>, vector<1x16xf32>,
            %get3A_300 = vector.shape_cast %get3A_299 : vector<1x16xf32> to vector<16xf32>
            %get3A_301 = arith.index_cast %add3A_229 : i32 to index
            %get3A_302 = arith.constant 32 : index
            %get3A_303 = tpu.vector_load %arg11[%get3A_301, %get3A_302] {strides = array<i32>} : memref<80x128xf32, #tpu.memory_space<vmem>>, vector<1x16xf32>,
            %get3A_304 = vector.shape_cast %get3A_303 : vector<1x16xf32> to vector<16xf32>
            %get3A_305 = arith.index_cast %add3A_229 : i32 to index
            %get3A_306 = arith.constant 32 : index
            %get3A_307 = tpu.vector_load %arg13[%get3A_305, %get3A_306] {strides = array<i32>} : memref<80x64xf32, #tpu.memory_space<vmem>>, vector<1x16xf32>,
            %get3A_308 = vector.shape_cast %get3A_307 : vector<1x16xf32> to vector<16xf32>
            %get3A_309 = arith.index_cast %add3A_229 : i32 to index
            %get3A_310 = arith.constant 96 : index
            %get3A_311 = tpu.vector_load %arg11[%get3A_309, %get3A_310] {strides = array<i32>} : memref<80x128xf32, #tpu.memory_space<vmem>>, vector<1x16xf32>,
            %get3A_312 = vector.shape_cast %get3A_311 : vector<1x16xf32> to vector<16xf32>
            %get3A_313 = arith.index_cast %add3A_229 : i32 to index
            %get3A_314 = arith.constant 48 : index
            %get3A_315 = tpu.vector_load %arg11[%get3A_313, %get3A_314] {strides = array<i32>} : memref<80x128xf32, #tpu.memory_space<vmem>>, vector<1x16xf32>,
            %get3A_316 = vector.shape_cast %get3A_315 : vector<1x16xf32> to vector<16xf32>
            %get3A_317 = arith.index_cast %add3A_229 : i32 to index
            %get3A_318 = arith.constant 48 : index
            %get3A_319 = tpu.vector_load %arg13[%get3A_317, %get3A_318] {strides = array<i32>} : memref<80x64xf32, #tpu.memory_space<vmem>>, vector<1x16xf32>,
            %get3A_320 = vector.shape_cast %get3A_319 : vector<1x16xf32> to vector<16xf32>
            %get3A_321 = arith.index_cast %add3A_229 : i32 to index
            %get3A_322 = arith.constant 112 : index
            %get3A_323 = tpu.vector_load %arg11[%get3A_321, %get3A_322] {strides = array<i32>} : memref<80x128xf32, #tpu.memory_space<vmem>>, vector<1x16xf32>,
            %get3A_324 = vector.shape_cast %get3A_323 : vector<1x16xf32> to vector<16xf32>
            %broadcast_in_dim3A_325 = arith.constant 0.000000e+00 : f32
            %broadcast_in_dim3A_326 = vector.broadcast %broadcast_in_dim3A_325 : f32 to vector<16xf32>
            %mul3A_327 = arith.mulf %get3A_232, %get3A_236 : vector<16xf32>
            %broadcast_in_dim3A_328 = vector.shape_cast %xor3A_125 : vector<16xi32> to vector<16x1xi32>
            %gather3A = vector.shape_cast %broadcast_in_dim3A_328 : vector<16x1xi32> to vector<16xi32>
            %gather3A_329 = tpu.dynamic_gather %mul3A_327[%gather3A] in [0] : vector<16xf32>, vector<16xi32> -> vector<16xf32>
            %add3A_330 = arith.addf %mul3A_327, %gather3A_329 : vector<16xf32>
            %broadcast_in_dim3A_331 = vector.shape_cast %xor3A_128 : vector<16xi32> to vector<16x1xi32>
            %gather3A_332 = vector.shape_cast %broadcast_in_dim3A_331 : vector<16x1xi32> to vector<16xi32>
            %gather3A_333 = tpu.dynamic_gather %add3A_330[%gather3A_332] in [0] : vector<16xf32>, vector<16xi32> -> vector<16xf32>
            %add3A_334 = arith.addf %add3A_330, %gather3A_333 : vector<16xf32>
            %broadcast_in_dim3A_335 = vector.shape_cast %xor3A_131 : vector<16xi32> to vector<16x1xi32>
            %gather3A_336 = vector.shape_cast %broadcast_in_dim3A_335 : vector<16x1xi32> to vector<16xi32>
            %gather3A_337 = tpu.dynamic_gather %add3A_334[%gather3A_336] in [0] : vector<16xf32>, vector<16xi32> -> vector<16xf32>
            %add3A_338 = arith.addf %add3A_334, %gather3A_337 : vector<16xf32>
            %broadcast_in_dim3A_339 = vector.shape_cast %xor3A_134 : vector<16xi32> to vector<16x1xi32>
            %gather3A_340 = vector.shape_cast %broadcast_in_dim3A_339 : vector<16x1xi32> to vector<16xi32>
            %gather3A_341 = tpu.dynamic_gather %add3A_338[%gather3A_340] in [0] : vector<16xf32>, vector<16xi32> -> vector<16xf32>
            %add3A_342 = arith.addf %add3A_338, %gather3A_341 : vector<16xf32>
            %mul3A_343 = arith.constant 2.500000e-01 : f32
            %mul3A_344 = vector.broadcast %mul3A_343 : f32 to vector<16xf32>
            %mul3A_345 = arith.mulf %add3A_342, %mul3A_344 : vector<16xf32>
            %jit3A = arith.constant -5.000000e+00 : f32
            %jit3A_346 = arith.constant 5.000000e+00 : f32
            %max3A = vector.broadcast %jit3A : f32 to vector<16xf32>
            %max3A_347 = arith.maximumf %max3A, %mul3A_345 : vector<16xf32>
            %min3A = vector.broadcast %jit3A_346 : f32 to vector<16xf32>
            %min3A_348 = arith.minimumf %min3A, %max3A_347 : vector<16xf32>
            %exp3A = math.exp %min3A_348 : vector<16xf32>
            %mul3A_349 = arith.mulf %get3A_240, %exp3A : vector<16xf32>
            %eq3A_350 = arith.constant 0 : i32
            %eq3A_351 = vector.broadcast %eq3A_350 : i32 to vector<16xi32>
            %eq3A_352 = arith.cmpi eq, %iota3A, %eq3A_351 : vector<16xi32>
            %select_n3A = arith.select %eq3A_352, %exp3A, %broadcast_in_dim3A_326 : vector<16xi1>, vector<16xf32>
            %mul3A_353 = arith.mulf %get3A_244, %get3A_248 : vector<16xf32>
            %broadcast_in_dim3A_354 = vector.shape_cast %xor3A_125 : vector<16xi32> to vector<16x1xi32>
            %gather3A_355 = vector.shape_cast %broadcast_in_dim3A_354 : vector<16x1xi32> to vector<16xi32>
            %gather3A_356 = tpu.dynamic_gather %mul3A_353[%gather3A_355] in [0] : vector<16xf32>, vector<16xi32> -> vector<16xf32>
            %add3A_357 = arith.addf %mul3A_353, %gather3A_356 : vector<16xf32>
            %broadcast_in_dim3A_358 = vector.shape_cast %xor3A_128 : vector<16xi32> to vector<16x1xi32>
            %gather3A_359 = vector.shape_cast %broadcast_in_dim3A_358 : vector<16x1xi32> to vector<16xi32>
            %gather3A_360 = tpu.dynamic_gather %add3A_357[%gather3A_359] in [0] : vector<16xf32>, vector<16xi32> -> vector<16xf32>
            %add3A_361 = arith.addf %add3A_357, %gather3A_360 : vector<16xf32>
            %broadcast_in_dim3A_362 = vector.shape_cast %xor3A_131 : vector<16xi32> to vector<16x1xi32>
            %gather3A_363 = vector.shape_cast %broadcast_in_dim3A_362 : vector<16x1xi32> to vector<16xi32>
            %gather3A_364 = tpu.dynamic_gather %add3A_361[%gather3A_363] in [0] : vector<16xf32>, vector<16xi32> -> vector<16xf32>
            %add3A_365 = arith.addf %add3A_361, %gather3A_364 : vector<16xf32>
            %broadcast_in_dim3A_366 = vector.shape_cast %xor3A_134 : vector<16xi32> to vector<16x1xi32>
            %gather3A_367 = vector.shape_cast %broadcast_in_dim3A_366 : vector<16x1xi32> to vector<16xi32>
            %gather3A_368 = tpu.dynamic_gather %add3A_365[%gather3A_367] in [0] : vector<16xf32>, vector<16xi32> -> vector<16xf32>
            %add3A_369 = arith.addf %add3A_365, %gather3A_368 : vector<16xf32>
            %mul3A_370 = arith.constant 2.500000e-01 : f32
            %mul3A_371 = vector.broadcast %mul3A_370 : f32 to vector<16xf32>
            %mul3A_372 = arith.mulf %add3A_369, %mul3A_371 : vector<16xf32>
            %jit3A_373 = arith.constant -5.000000e+00 : f32
            %jit3A_374 = arith.constant 5.000000e+00 : f32
            %max3A_375 = vector.broadcast %jit3A_373 : f32 to vector<16xf32>
            %max3A_376 = arith.maximumf %max3A_375, %mul3A_372 : vector<16xf32>
            %min3A_377 = vector.broadcast %jit3A_374 : f32 to vector<16xf32>
            %min3A_378 = arith.minimumf %min3A_377, %max3A_376 : vector<16xf32>
            %exp3A_379 = math.exp %min3A_378 : vector<16xf32>
            %mul3A_380 = arith.mulf %get3A_252, %exp3A_379 : vector<16xf32>
            %eq3A_381 = arith.constant 1 : i32
            %eq3A_382 = vector.broadcast %eq3A_381 : i32 to vector<16xi32>
            %eq3A_383 = arith.cmpi eq, %iota3A, %eq3A_382 : vector<16xi32>
            %select_n3A_384 = arith.select %eq3A_383, %exp3A_379, %select_n3A : vector<16xi1>, vector<16xf32>
            %mul3A_385 = arith.mulf %get3A_256, %get3A_260 : vector<16xf32>
            %broadcast_in_dim3A_386 = vector.shape_cast %xor3A_125 : vector<16xi32> to vector<16x1xi32>
            %gather3A_387 = vector.shape_cast %broadcast_in_dim3A_386 : vector<16x1xi32> to vector<16xi32>
            %gather3A_388 = tpu.dynamic_gather %mul3A_385[%gather3A_387] in [0] : vector<16xf32>, vector<16xi32> -> vector<16xf32>
            %add3A_389 = arith.addf %mul3A_385, %gather3A_388 : vector<16xf32>
            %broadcast_in_dim3A_390 = vector.shape_cast %xor3A_128 : vector<16xi32> to vector<16x1xi32>
            %gather3A_391 = vector.shape_cast %broadcast_in_dim3A_390 : vector<16x1xi32> to vector<16xi32>
            %gather3A_392 = tpu.dynamic_gather %add3A_389[%gather3A_391] in [0] : vector<16xf32>, vector<16xi32> -> vector<16xf32>
            %add3A_393 = arith.addf %add3A_389, %gather3A_392 : vector<16xf32>
            %broadcast_in_dim3A_394 = vector.shape_cast %xor3A_131 : vector<16xi32> to vector<16x1xi32>
            %gather3A_395 = vector.shape_cast %broadcast_in_dim3A_394 : vector<16x1xi32> to vector<16xi32>
            %gather3A_396 = tpu.dynamic_gather %add3A_393[%gather3A_395] in [0] : vector<16xf32>, vector<16xi32> -> vector<16xf32>
            %add3A_397 = arith.addf %add3A_393, %gather3A_396 : vector<16xf32>
            %broadcast_in_dim3A_398 = vector.shape_cast %xor3A_134 : vector<16xi32> to vector<16x1xi32>
            %gather3A_399 = vector.shape_cast %broadcast_in_dim3A_398 : vector<16x1xi32> to vector<16xi32>
            %gather3A_400 = tpu.dynamic_gather %add3A_397[%gather3A_399] in [0] : vector<16xf32>, vector<16xi32> -> vector<16xf32>
            %add3A_401 = arith.addf %add3A_397, %gather3A_400 : vector<16xf32>
            %mul3A_402 = arith.constant 2.500000e-01 : f32
            %mul3A_403 = vector.broadcast %mul3A_402 : f32 to vector<16xf32>
            %mul3A_404 = arith.mulf %add3A_401, %mul3A_403 : vector<16xf32>
            %jit3A_405 = arith.constant -5.000000e+00 : f32
            %jit3A_406 = arith.constant 5.000000e+00 : f32
            %max3A_407 = vector.broadcast %jit3A_405 : f32 to vector<16xf32>
            %max3A_408 = arith.maximumf %max3A_407, %mul3A_404 : vector<16xf32>
            %min3A_409 = vector.broadcast %jit3A_406 : f32 to vector<16xf32>
            %min3A_410 = arith.minimumf %min3A_409, %max3A_408 : vector<16xf32>
            %exp3A_411 = math.exp %min3A_410 : vector<16xf32>
            %mul3A_412 = arith.mulf %get3A_264, %exp3A_411 : vector<16xf32>
            %eq3A_413 = arith.constant 2 : i32
            %eq3A_414 = vector.broadcast %eq3A_413 : i32 to vector<16xi32>
            %eq3A_415 = arith.cmpi eq, %iota3A, %eq3A_414 : vector<16xi32>
            %select_n3A_416 = arith.select %eq3A_415, %exp3A_411, %select_n3A_384 : vector<16xi1>, vector<16xf32>
            %mul3A_417 = arith.mulf %get3A_268, %get3A_272 : vector<16xf32>
            %broadcast_in_dim3A_418 = vector.shape_cast %xor3A_125 : vector<16xi32> to vector<16x1xi32>
            %gather3A_419 = vector.shape_cast %broadcast_in_dim3A_418 : vector<16x1xi32> to vector<16xi32>
            %gather3A_420 = tpu.dynamic_gather %mul3A_417[%gather3A_419] in [0] : vector<16xf32>, vector<16xi32> -> vector<16xf32>
            %add3A_421 = arith.addf %mul3A_417, %gather3A_420 : vector<16xf32>
            %broadcast_in_dim3A_422 = vector.shape_cast %xor3A_128 : vector<16xi32> to vector<16x1xi32>
            %gather3A_423 = vector.shape_cast %broadcast_in_dim3A_422 : vector<16x1xi32> to vector<16xi32>
            %gather3A_424 = tpu.dynamic_gather %add3A_421[%gather3A_423] in [0] : vector<16xf32>, vector<16xi32> -> vector<16xf32>
            %add3A_425 = arith.addf %add3A_421, %gather3A_424 : vector<16xf32>
            %broadcast_in_dim3A_426 = vector.shape_cast %xor3A_131 : vector<16xi32> to vector<16x1xi32>
            %gather3A_427 = vector.shape_cast %broadcast_in_dim3A_426 : vector<16x1xi32> to vector<16xi32>
            %gather3A_428 = tpu.dynamic_gather %add3A_425[%gather3A_427] in [0] : vector<16xf32>, vector<16xi32> -> vector<16xf32>
            %add3A_429 = arith.addf %add3A_425, %gather3A_428 : vector<16xf32>
            %broadcast_in_dim3A_430 = vector.shape_cast %xor3A_134 : vector<16xi32> to vector<16x1xi32>
            %gather3A_431 = vector.shape_cast %broadcast_in_dim3A_430 : vector<16x1xi32> to vector<16xi32>
            %gather3A_432 = tpu.dynamic_gather %add3A_429[%gather3A_431] in [0] : vector<16xf32>, vector<16xi32> -> vector<16xf32>
            %add3A_433 = arith.addf %add3A_429, %gather3A_432 : vector<16xf32>
            %mul3A_434 = arith.constant 2.500000e-01 : f32
            %mul3A_435 = vector.broadcast %mul3A_434 : f32 to vector<16xf32>
            %mul3A_436 = arith.mulf %add3A_433, %mul3A_435 : vector<16xf32>
            %jit3A_437 = arith.constant -5.000000e+00 : f32
            %jit3A_438 = arith.constant 5.000000e+00 : f32
            %max3A_439 = vector.broadcast %jit3A_437 : f32 to vector<16xf32>
            %max3A_440 = arith.maximumf %max3A_439, %mul3A_436 : vector<16xf32>
            %min3A_441 = vector.broadcast %jit3A_438 : f32 to vector<16xf32>
            %min3A_442 = arith.minimumf %min3A_441, %max3A_440 : vector<16xf32>
            %exp3A_443 = math.exp %min3A_442 : vector<16xf32>
            %mul3A_444 = arith.mulf %get3A_276, %exp3A_443 : vector<16xf32>
            %eq3A_445 = arith.constant 3 : i32
            %eq3A_446 = vector.broadcast %eq3A_445 : i32 to vector<16xi32>
            %eq3A_447 = arith.cmpi eq, %iota3A, %eq3A_446 : vector<16xi32>
            %select_n3A_448 = arith.select %eq3A_447, %exp3A_443, %select_n3A_416 : vector<16xi1>, vector<16xf32>
            %broadcast_in_dim3A_449 = arith.constant 0.000000e+00 : f32
            %broadcast_in_dim3A_450 = vector.broadcast %broadcast_in_dim3A_449 : f32 to vector<16xf32>
            %mul3A_451 = arith.mulf %get3A_280, %get3A_284 : vector<16xf32>
            %broadcast_in_dim3A_452 = vector.shape_cast %xor3A_125 : vector<16xi32> to vector<16x1xi32>
            %gather3A_453 = vector.shape_cast %broadcast_in_dim3A_452 : vector<16x1xi32> to vector<16xi32>
            %gather3A_454 = tpu.dynamic_gather %mul3A_451[%gather3A_453] in [0] : vector<16xf32>, vector<16xi32> -> vector<16xf32>
            %add3A_455 = arith.addf %mul3A_451, %gather3A_454 : vector<16xf32>
            %broadcast_in_dim3A_456 = vector.shape_cast %xor3A_128 : vector<16xi32> to vector<16x1xi32>
            %gather3A_457 = vector.shape_cast %broadcast_in_dim3A_456 : vector<16x1xi32> to vector<16xi32>
            %gather3A_458 = tpu.dynamic_gather %add3A_455[%gather3A_457] in [0] : vector<16xf32>, vector<16xi32> -> vector<16xf32>
            %add3A_459 = arith.addf %add3A_455, %gather3A_458 : vector<16xf32>
            %broadcast_in_dim3A_460 = vector.shape_cast %xor3A_131 : vector<16xi32> to vector<16x1xi32>
            %gather3A_461 = vector.shape_cast %broadcast_in_dim3A_460 : vector<16x1xi32> to vector<16xi32>
            %gather3A_462 = tpu.dynamic_gather %add3A_459[%gather3A_461] in [0] : vector<16xf32>, vector<16xi32> -> vector<16xf32>
            %add3A_463 = arith.addf %add3A_459, %gather3A_462 : vector<16xf32>
            %broadcast_in_dim3A_464 = vector.shape_cast %xor3A_134 : vector<16xi32> to vector<16x1xi32>
            %gather3A_465 = vector.shape_cast %broadcast_in_dim3A_464 : vector<16x1xi32> to vector<16xi32>
            %gather3A_466 = tpu.dynamic_gather %add3A_463[%gather3A_465] in [0] : vector<16xf32>, vector<16xi32> -> vector<16xf32>
            %add3A_467 = arith.addf %add3A_463, %gather3A_466 : vector<16xf32>
            %mul3A_468 = arith.constant 2.500000e-01 : f32
            %mul3A_469 = vector.broadcast %mul3A_468 : f32 to vector<16xf32>
            %mul3A_470 = arith.mulf %add3A_467, %mul3A_469 : vector<16xf32>
            %jit3A_471 = arith.constant -5.000000e+00 : f32
            %jit3A_472 = arith.constant 5.000000e+00 : f32
            %max3A_473 = vector.broadcast %jit3A_471 : f32 to vector<16xf32>
            %max3A_474 = arith.maximumf %max3A_473, %mul3A_470 : vector<16xf32>
            %min3A_475 = vector.broadcast %jit3A_472 : f32 to vector<16xf32>
            %min3A_476 = arith.minimumf %min3A_475, %max3A_474 : vector<16xf32>
            %exp3A_477 = math.exp %min3A_476 : vector<16xf32>
            %mul3A_478 = arith.mulf %get3A_288, %exp3A_477 : vector<16xf32>
            %eq3A_479 = arith.constant 0 : i32
            %eq3A_480 = vector.broadcast %eq3A_479 : i32 to vector<16xi32>
            %eq3A_481 = arith.cmpi eq, %iota3A, %eq3A_480 : vector<16xi32>
            %select_n3A_482 = arith.select %eq3A_481, %exp3A_477, %broadcast_in_dim3A_450 : vector<16xi1>, vector<16xf32>
            %mul3A_483 = arith.mulf %get3A_292, %get3A_296 : vector<16xf32>
            %broadcast_in_dim3A_484 = vector.shape_cast %xor3A_125 : vector<16xi32> to vector<16x1xi32>
            %gather3A_485 = vector.shape_cast %broadcast_in_dim3A_484 : vector<16x1xi32> to vector<16xi32>
            %gather3A_486 = tpu.dynamic_gather %mul3A_483[%gather3A_485] in [0] : vector<16xf32>, vector<16xi32> -> vector<16xf32>
            %add3A_487 = arith.addf %mul3A_483, %gather3A_486 : vector<16xf32>
            %broadcast_in_dim3A_488 = vector.shape_cast %xor3A_128 : vector<16xi32> to vector<16x1xi32>
            %gather3A_489 = vector.shape_cast %broadcast_in_dim3A_488 : vector<16x1xi32> to vector<16xi32>
            %gather3A_490 = tpu.dynamic_gather %add3A_487[%gather3A_489] in [0] : vector<16xf32>, vector<16xi32> -> vector<16xf32>
            %add3A_491 = arith.addf %add3A_487, %gather3A_490 : vector<16xf32>
            %broadcast_in_dim3A_492 = vector.shape_cast %xor3A_131 : vector<16xi32> to vector<16x1xi32>
            %gather3A_493 = vector.shape_cast %broadcast_in_dim3A_492 : vector<16x1xi32> to vector<16xi32>
            %gather3A_494 = tpu.dynamic_gather %add3A_491[%gather3A_493] in [0] : vector<16xf32>, vector<16xi32> -> vector<16xf32>
            %add3A_495 = arith.addf %add3A_491, %gather3A_494 : vector<16xf32>
            %broadcast_in_dim3A_496 = vector.shape_cast %xor3A_134 : vector<16xi32> to vector<16x1xi32>
            %gather3A_497 = vector.shape_cast %broadcast_in_dim3A_496 : vector<16x1xi32> to vector<16xi32>
            %gather3A_498 = tpu.dynamic_gather %add3A_495[%gather3A_497] in [0] : vector<16xf32>, vector<16xi32> -> vector<16xf32>
            %add3A_499 = arith.addf %add3A_495, %gather3A_498 : vector<16xf32>
            %mul3A_500 = arith.constant 2.500000e-01 : f32
            %mul3A_501 = vector.broadcast %mul3A_500 : f32 to vector<16xf32>
            %mul3A_502 = arith.mulf %add3A_499, %mul3A_501 : vector<16xf32>
            %jit3A_503 = arith.constant -5.000000e+00 : f32
            %jit3A_504 = arith.constant 5.000000e+00 : f32
            %max3A_505 = vector.broadcast %jit3A_503 : f32 to vector<16xf32>
            %max3A_506 = arith.maximumf %max3A_505, %mul3A_502 : vector<16xf32>
            %min3A_507 = vector.broadcast %jit3A_504 : f32 to vector<16xf32>
            %min3A_508 = arith.minimumf %min3A_507, %max3A_506 : vector<16xf32>
            %exp3A_509 = math.exp %min3A_508 : vector<16xf32>
            %mul3A_510 = arith.mulf %get3A_300, %exp3A_509 : vector<16xf32>
            %eq3A_511 = arith.constant 1 : i32
            %eq3A_512 = vector.broadcast %eq3A_511 : i32 to vector<16xi32>
            %eq3A_513 = arith.cmpi eq, %iota3A, %eq3A_512 : vector<16xi32>
            %select_n3A_514 = arith.select %eq3A_513, %exp3A_509, %select_n3A_482 : vector<16xi1>, vector<16xf32>
            %mul3A_515 = arith.mulf %get3A_304, %get3A_308 : vector<16xf32>
            %broadcast_in_dim3A_516 = vector.shape_cast %xor3A_125 : vector<16xi32> to vector<16x1xi32>
            %gather3A_517 = vector.shape_cast %broadcast_in_dim3A_516 : vector<16x1xi32> to vector<16xi32>
            %gather3A_518 = tpu.dynamic_gather %mul3A_515[%gather3A_517] in [0] : vector<16xf32>, vector<16xi32> -> vector<16xf32>
            %add3A_519 = arith.addf %mul3A_515, %gather3A_518 : vector<16xf32>
            %broadcast_in_dim3A_520 = vector.shape_cast %xor3A_128 : vector<16xi32> to vector<16x1xi32>
            %gather3A_521 = vector.shape_cast %broadcast_in_dim3A_520 : vector<16x1xi32> to vector<16xi32>
            %gather3A_522 = tpu.dynamic_gather %add3A_519[%gather3A_521] in [0] : vector<16xf32>, vector<16xi32> -> vector<16xf32>
            %add3A_523 = arith.addf %add3A_519, %gather3A_522 : vector<16xf32>
            %broadcast_in_dim3A_524 = vector.shape_cast %xor3A_131 : vector<16xi32> to vector<16x1xi32>
            %gather3A_525 = vector.shape_cast %broadcast_in_dim3A_524 : vector<16x1xi32> to vector<16xi32>
            %gather3A_526 = tpu.dynamic_gather %add3A_523[%gather3A_525] in [0] : vector<16xf32>, vector<16xi32> -> vector<16xf32>
            %add3A_527 = arith.addf %add3A_523, %gather3A_526 : vector<16xf32>
            %broadcast_in_dim3A_528 = vector.shape_cast %xor3A_134 : vector<16xi32> to vector<16x1xi32>
            %gather3A_529 = vector.shape_cast %broadcast_in_dim3A_528 : vector<16x1xi32> to vector<16xi32>
            %gather3A_530 = tpu.dynamic_gather %add3A_527[%gather3A_529] in [0] : vector<16xf32>, vector<16xi32> -> vector<16xf32>
            %add3A_531 = arith.addf %add3A_527, %gather3A_530 : vector<16xf32>
            %mul3A_532 = arith.constant 2.500000e-01 : f32
            %mul3A_533 = vector.broadcast %mul3A_532 : f32 to vector<16xf32>
            %mul3A_534 = arith.mulf %add3A_531, %mul3A_533 : vector<16xf32>
            %jit3A_535 = arith.constant -5.000000e+00 : f32
            %jit3A_536 = arith.constant 5.000000e+00 : f32
            %max3A_537 = vector.broadcast %jit3A_535 : f32 to vector<16xf32>
            %max3A_538 = arith.maximumf %max3A_537, %mul3A_534 : vector<16xf32>
            %min3A_539 = vector.broadcast %jit3A_536 : f32 to vector<16xf32>
            %min3A_540 = arith.minimumf %min3A_539, %max3A_538 : vector<16xf32>
            %exp3A_541 = math.exp %min3A_540 : vector<16xf32>
            %mul3A_542 = arith.mulf %get3A_312, %exp3A_541 : vector<16xf32>
            %eq3A_543 = arith.constant 2 : i32
            %eq3A_544 = vector.broadcast %eq3A_543 : i32 to vector<16xi32>
            %eq3A_545 = arith.cmpi eq, %iota3A, %eq3A_544 : vector<16xi32>
            %select_n3A_546 = arith.select %eq3A_545, %exp3A_541, %select_n3A_514 : vector<16xi1>, vector<16xf32>
            %mul3A_547 = arith.mulf %get3A_316, %get3A_320 : vector<16xf32>
            %broadcast_in_dim3A_548 = vector.shape_cast %xor3A_125 : vector<16xi32> to vector<16x1xi32>
            %gather3A_549 = vector.shape_cast %broadcast_in_dim3A_548 : vector<16x1xi32> to vector<16xi32>
            %gather3A_550 = tpu.dynamic_gather %mul3A_547[%gather3A_549] in [0] : vector<16xf32>, vector<16xi32> -> vector<16xf32>
            %add3A_551 = arith.addf %mul3A_547, %gather3A_550 : vector<16xf32>
            %broadcast_in_dim3A_552 = vector.shape_cast %xor3A_128 : vector<16xi32> to vector<16x1xi32>
            %gather3A_553 = vector.shape_cast %broadcast_in_dim3A_552 : vector<16x1xi32> to vector<16xi32>
            %gather3A_554 = tpu.dynamic_gather %add3A_551[%gather3A_553] in [0] : vector<16xf32>, vector<16xi32> -> vector<16xf32>
            %add3A_555 = arith.addf %add3A_551, %gather3A_554 : vector<16xf32>
            %broadcast_in_dim3A_556 = vector.shape_cast %xor3A_131 : vector<16xi32> to vector<16x1xi32>
            %gather3A_557 = vector.shape_cast %broadcast_in_dim3A_556 : vector<16x1xi32> to vector<16xi32>
            %gather3A_558 = tpu.dynamic_gather %add3A_555[%gather3A_557] in [0] : vector<16xf32>, vector<16xi32> -> vector<16xf32>
            %add3A_559 = arith.addf %add3A_555, %gather3A_558 : vector<16xf32>
            %broadcast_in_dim3A_560 = vector.shape_cast %xor3A_134 : vector<16xi32> to vector<16x1xi32>
            %gather3A_561 = vector.shape_cast %broadcast_in_dim3A_560 : vector<16x1xi32> to vector<16xi32>
            %gather3A_562 = tpu.dynamic_gather %add3A_559[%gather3A_561] in [0] : vector<16xf32>, vector<16xi32> -> vector<16xf32>
            %add3A_563 = arith.addf %add3A_559, %gather3A_562 : vector<16xf32>
            %mul3A_564 = arith.constant 2.500000e-01 : f32
            %mul3A_565 = vector.broadcast %mul3A_564 : f32 to vector<16xf32>
            %mul3A_566 = arith.mulf %add3A_563, %mul3A_565 : vector<16xf32>
            %jit3A_567 = arith.constant -5.000000e+00 : f32
            %jit3A_568 = arith.constant 5.000000e+00 : f32
            %max3A_569 = vector.broadcast %jit3A_567 : f32 to vector<16xf32>
            %max3A_570 = arith.maximumf %max3A_569, %mul3A_566 : vector<16xf32>
            %min3A_571 = vector.broadcast %jit3A_568 : f32 to vector<16xf32>
            %min3A_572 = arith.minimumf %min3A_571, %max3A_570 : vector<16xf32>
            %exp3A_573 = math.exp %min3A_572 : vector<16xf32>
            %mul3A_574 = arith.mulf %get3A_324, %exp3A_573 : vector<16xf32>
            %eq3A_575 = arith.constant 3 : i32
            %eq3A_576 = vector.broadcast %eq3A_575 : i32 to vector<16xi32>
            %eq3A_577 = arith.cmpi eq, %iota3A, %eq3A_576 : vector<16xi32>
            %select_n3A_578 = arith.select %eq3A_577, %exp3A_573, %select_n3A_546 : vector<16xi1>, vector<16xf32>
            %swap3A = arith.index_cast %mul3A_225 : i32 to index
            %swap3A_579 = arith.constant 0 : index
            %swap3A_580 = tpu.vector_load %arg15[%swap3A, %swap3A_579] {strides = array<i32>} : memref<80x80xf32, #tpu.memory_space<vmem>>, vector<1x16xf32>,
            %swap3A_581 = vector.shape_cast %swap3A_580 : vector<1x16xf32> to vector<16xf32>
            %swap3A_582 = vector.shape_cast %mul3A_349 : vector<16xf32> to vector<1x16xf32>
            tpu.vector_store %arg15[%swap3A, %swap3A_579], %swap3A_582 {strides = array<i32>} : memref<80x80xf32, #tpu.memory_space<vmem>>, vector<1x16xf32>,
            %swap3A_583 = arith.index_cast %mul3A_225 : i32 to index
            %swap3A_584 = arith.constant 16 : index
            %swap3A_585 = tpu.vector_load %arg15[%swap3A_583, %swap3A_584] {strides = array<i32>} : memref<80x80xf32, #tpu.memory_space<vmem>>, vector<1x16xf32>,
            %swap3A_586 = vector.shape_cast %swap3A_585 : vector<1x16xf32> to vector<16xf32>
            %swap3A_587 = vector.shape_cast %mul3A_380 : vector<16xf32> to vector<1x16xf32>
            tpu.vector_store %arg15[%swap3A_583, %swap3A_584], %swap3A_587 {strides = array<i32>} : memref<80x80xf32, #tpu.memory_space<vmem>>, vector<1x16xf32>,
            %swap3A_588 = arith.index_cast %mul3A_225 : i32 to index
            %swap3A_589 = arith.constant 32 : index
            %swap3A_590 = tpu.vector_load %arg15[%swap3A_588, %swap3A_589] {strides = array<i32>} : memref<80x80xf32, #tpu.memory_space<vmem>>, vector<1x16xf32>,
            %swap3A_591 = vector.shape_cast %swap3A_590 : vector<1x16xf32> to vector<16xf32>
            %swap3A_592 = vector.shape_cast %mul3A_412 : vector<16xf32> to vector<1x16xf32>
            tpu.vector_store %arg15[%swap3A_588, %swap3A_589], %swap3A_592 {strides = array<i32>} : memref<80x80xf32, #tpu.memory_space<vmem>>, vector<1x16xf32>,
            %swap3A_593 = arith.index_cast %mul3A_225 : i32 to index
            %swap3A_594 = arith.constant 48 : index
            %swap3A_595 = tpu.vector_load %arg15[%swap3A_593, %swap3A_594] {strides = array<i32>} : memref<80x80xf32, #tpu.memory_space<vmem>>, vector<1x16xf32>,
            %swap3A_596 = vector.shape_cast %swap3A_595 : vector<1x16xf32> to vector<16xf32>
            %swap3A_597 = vector.shape_cast %mul3A_444 : vector<16xf32> to vector<1x16xf32>
            tpu.vector_store %arg15[%swap3A_593, %swap3A_594], %swap3A_597 {strides = array<i32>} : memref<80x80xf32, #tpu.memory_space<vmem>>, vector<1x16xf32>,
            %swap3A_598 = arith.index_cast %mul3A_225 : i32 to index
            %swap3A_599 = arith.constant 64 : index
            %swap3A_600 = tpu.vector_load %arg15[%swap3A_598, %swap3A_599] {strides = array<i32>} : memref<80x80xf32, #tpu.memory_space<vmem>>, vector<1x16xf32>,
            %swap3A_601 = vector.shape_cast %swap3A_600 : vector<1x16xf32> to vector<16xf32>
            %swap3A_602 = vector.shape_cast %select_n3A_448 : vector<16xf32> to vector<1x16xf32>
            tpu.vector_store %arg15[%swap3A_598, %swap3A_599], %swap3A_602 {strides = array<i32>} : memref<80x80xf32, #tpu.memory_space<vmem>>, vector<1x16xf32>,
            %swap3A_603 = arith.index_cast %add3A_229 : i32 to index
            %swap3A_604 = arith.constant 0 : index
            %swap3A_605 = tpu.vector_load %arg15[%swap3A_603, %swap3A_604] {strides = array<i32>} : memref<80x80xf32, #tpu.memory_space<vmem>>, vector<1x16xf32>,
            %swap3A_606 = vector.shape_cast %swap3A_605 : vector<1x16xf32> to vector<16xf32>
            %swap3A_607 = vector.shape_cast %mul3A_478 : vector<16xf32> to vector<1x16xf32>
            tpu.vector_store %arg15[%swap3A_603, %swap3A_604], %swap3A_607 {strides = array<i32>} : memref<80x80xf32, #tpu.memory_space<vmem>>, vector<1x16xf32>,
            %swap3A_608 = arith.index_cast %add3A_229 : i32 to index
            %swap3A_609 = arith.constant 16 : index
            %swap3A_610 = tpu.vector_load %arg15[%swap3A_608, %swap3A_609] {strides = array<i32>} : memref<80x80xf32, #tpu.memory_space<vmem>>, vector<1x16xf32>,
            %swap3A_611 = vector.shape_cast %swap3A_610 : vector<1x16xf32> to vector<16xf32>
            %swap3A_612 = vector.shape_cast %mul3A_510 : vector<16xf32> to vector<1x16xf32>
            tpu.vector_store %arg15[%swap3A_608, %swap3A_609], %swap3A_612 {strides = array<i32>} : memref<80x80xf32, #tpu.memory_space<vmem>>, vector<1x16xf32>,
            %swap3A_613 = arith.index_cast %add3A_229 : i32 to index
            %swap3A_614 = arith.constant 32 : index
            %swap3A_615 = tpu.vector_load %arg15[%swap3A_613, %swap3A_614] {strides = array<i32>} : memref<80x80xf32, #tpu.memory_space<vmem>>, vector<1x16xf32>,
            %swap3A_616 = vector.shape_cast %swap3A_615 : vector<1x16xf32> to vector<16xf32>
            %swap3A_617 = vector.shape_cast %mul3A_542 : vector<16xf32> to vector<1x16xf32>
            tpu.vector_store %arg15[%swap3A_613, %swap3A_614], %swap3A_617 {strides = array<i32>} : memref<80x80xf32, #tpu.memory_space<vmem>>, vector<1x16xf32>,
            %swap3A_618 = arith.index_cast %add3A_229 : i32 to index
            %swap3A_619 = arith.constant 48 : index
            %swap3A_620 = tpu.vector_load %arg15[%swap3A_618, %swap3A_619] {strides = array<i32>} : memref<80x80xf32, #tpu.memory_space<vmem>>, vector<1x16xf32>,
            %swap3A_621 = vector.shape_cast %swap3A_620 : vector<1x16xf32> to vector<16xf32>
            %swap3A_622 = vector.shape_cast %mul3A_574 : vector<16xf32> to vector<1x16xf32>
            tpu.vector_store %arg15[%swap3A_618, %swap3A_619], %swap3A_622 {strides = array<i32>} : memref<80x80xf32, #tpu.memory_space<vmem>>, vector<1x16xf32>,
            %swap3A_623 = arith.index_cast %add3A_229 : i32 to index
            %swap3A_624 = arith.constant 64 : index
            %swap3A_625 = tpu.vector_load %arg15[%swap3A_623, %swap3A_624] {strides = array<i32>} : memref<80x80xf32, #tpu.memory_space<vmem>>, vector<1x16xf32>,
            %swap3A_626 = vector.shape_cast %swap3A_625 : vector<1x16xf32> to vector<16xf32>
            %swap3A_627 = vector.shape_cast %select_n3A_578 : vector<16xf32> to vector<1x16xf32>
            tpu.vector_store %arg15[%swap3A_623, %swap3A_624], %swap3A_627 {strides = array<i32>} : memref<80x80xf32, #tpu.memory_space<vmem>>, vector<1x16xf32>,
          }
          %scan3A_193 = arith.constant 40 : i32
          "tpu.region"() ({
            %run_scoped3A = tpu.sem_alloc : memref<!tpu.dma_semaphore, #tpu.memory_space<semaphore_mem>>
            %dma_start3A_223 = arith.constant 0 : i32
            %dma_start3A_224 = tpu.memref_slice %arg10[%add3A_169, %dma_start3A_223] : memref<50x80xi32, #tpu.memory_space<vmem>> -> memref<1x80xi32, #tpu.memory_space<vmem>>
            %dma_start3A_225 = tpu.memref_squeeze %dma_start3A_224 : memref<1x80xi32, #tpu.memory_space<vmem>> -> memref<80xi32, #tpu.memory_space<vmem>>
            %dma_start3A_226 = arith.constant 0 : i32
            %dma_start3A_227 = arith.constant 0 : i32
            %dma_start3A_228 = tpu.memref_slice %arg17[%dma_start3A_226, %dma_start3A_227] : memref<10000x80xf32, #tpu.memory_space<vmem_shared>> -> memref<10000x80xf32, #tpu.memory_space<vmem_shared>>
            tpu.enqueue_indirect_dma source(%arg15 : memref<80x80xf32, #tpu.memory_space<vmem>>) target(%dma_start3A_228 : memref<10000x80xf32, #tpu.memory_space<vmem_shared>>) offsets(%dma_start3A_225 : memref<80xi32, #tpu.memory_space<vmem>>) semaphore(%run_scoped3A : memref<!tpu.dma_semaphore, #tpu.memory_space<semaphore_mem>>) {add = true}
            %dma_wait3A_229 = arith.constant 0 : i32
            %dma_wait3A_230 = tpu.memref_slice %arg10[%add3A_169, %dma_wait3A_229] : memref<50x80xi32, #tpu.memory_space<vmem>> -> memref<1x80xi32, #tpu.memory_space<vmem>>
            %dma_wait3A_231 = tpu.memref_squeeze %dma_wait3A_230 : memref<1x80xi32, #tpu.memory_space<vmem>> -> memref<80xi32, #tpu.memory_space<vmem>>
            %dma_wait3A_232 = arith.constant 0 : i32
            %dma_wait3A_233 = arith.constant 0 : i32
            %dma_wait3A_234 = tpu.memref_slice %arg17[%dma_wait3A_232, %dma_wait3A_233] : memref<10000x80xf32, #tpu.memory_space<vmem_shared>> -> memref<10000x80xf32, #tpu.memory_space<vmem_shared>>
            tpu.wait_indirect_dma semaphore(%run_scoped3A : memref<!tpu.dma_semaphore, #tpu.memory_space<semaphore_mem>>) src(%arg15 : memref<80x80xf32, #tpu.memory_space<vmem>>) dst(%dma_wait3A_234 : memref<10000x80xf32, #tpu.memory_space<vmem_shared>>)
            tpu.yield
          }) : () -> ()
          %mul3A_194 = arith.constant 2 : i32
          %mul3A_195 = arith.muli %mul3A_194, %scan3A_165 : i32
          %add3A_196 = arith.constant 1 : i32
          %add3A_197 = arith.addi %mul3A_195, %add3A_196 : i32
          %add3A_198 = arith.constant 1 : i32
          %add3A_199 = arith.addi %add3A_197, %add3A_198 : i32
          %lt3A_200 = arith.constant 50 : i32
          %lt3A_201 = arith.cmpi slt, %add3A_199, %lt3A_200 : i32
          %convert_element_type3A_202 = arith.extui %lt3A_201 : i1 to i32
          %cond3A_203 = arith.constant 0 : i32
          %cond3A_204 = arith.cmpi ne, %convert_element_type3A_202, %cond3A_203 : i32
          scf.if %cond3A_204 {
            %add3A_223 = arith.constant 1 : i32
            %add3A_224 = arith.addi %add3A_197, %add3A_223 : i32
            %dma_start3A_225 = arith.constant 0 : i32
            %dma_start3A_226 = tpu.memref_slice %arg9[%add3A_224, %dma_start3A_225] : memref<50x80xi32, #tpu.memory_space<vmem>> -> memref<1x80xi32, #tpu.memory_space<vmem>>
            %dma_start3A_227 = tpu.memref_squeeze %dma_start3A_226 : memref<1x80xi32, #tpu.memory_space<vmem>> -> memref<80xi32, #tpu.memory_space<vmem>>
            %dma_start3A_228 = arith.constant 0 : i32
            %dma_start3A_229 = arith.constant 0 : i32
            %dma_start3A_230 = tpu.memref_slice %arg4[%dma_start3A_228, %dma_start3A_229] : memref<10000x128xf32, #tpu.memory_space<hbm>> -> memref<10000x128xf32, #tpu.memory_space<hbm>>
            tpu.enqueue_indirect_dma source(%dma_start3A_230 : memref<10000x128xf32, #tpu.memory_space<hbm>>) target(%arg11 : memref<80x128xf32, #tpu.memory_space<vmem>>) offsets(%dma_start3A_227 : memref<80xi32, #tpu.memory_space<vmem>>) semaphore(%arg18 : memref<!tpu.dma_semaphore, #tpu.memory_space<semaphore_mem>>)
            %dma_start3A_231 = arith.constant 0 : i32
            %dma_start3A_232 = tpu.memref_slice %arg10[%add3A_224, %dma_start3A_231] : memref<50x80xi32, #tpu.memory_space<vmem>> -> memref<1x80xi32, #tpu.memory_space<vmem>>
            %dma_start3A_233 = tpu.memref_squeeze %dma_start3A_232 : memref<1x80xi32, #tpu.memory_space<vmem>> -> memref<80xi32, #tpu.memory_space<vmem>>
            %dma_start3A_234 = arith.constant 0 : i32
            %dma_start3A_235 = arith.constant 0 : i32
            %dma_start3A_236 = tpu.memref_slice %arg2[%dma_start3A_234, %dma_start3A_235] : memref<10000x64xf32, #tpu.memory_space<hbm>> -> memref<10000x64xf32, #tpu.memory_space<hbm>>
            tpu.enqueue_indirect_dma source(%dma_start3A_236 : memref<10000x64xf32, #tpu.memory_space<hbm>>) target(%arg13 : memref<80x64xf32, #tpu.memory_space<vmem>>) offsets(%dma_start3A_233 : memref<80xi32, #tpu.memory_space<vmem>>) semaphore(%arg18 : memref<!tpu.dma_semaphore, #tpu.memory_space<semaphore_mem>>)
          } else {
          }
          %dma_wait3A_205 = arith.constant 0 : i32
          %dma_wait3A_206 = tpu.memref_slice %arg9[%add3A_197, %dma_wait3A_205] : memref<50x80xi32, #tpu.memory_space<vmem>> -> memref<1x80xi32, #tpu.memory_space<vmem>>
          %dma_wait3A_207 = tpu.memref_squeeze %dma_wait3A_206 : memref<1x80xi32, #tpu.memory_space<vmem>> -> memref<80xi32, #tpu.memory_space<vmem>>
          %dma_wait3A_208 = arith.constant 0 : i32
          %dma_wait3A_209 = arith.constant 0 : i32
          %dma_wait3A_210 = tpu.memref_slice %arg4[%dma_wait3A_208, %dma_wait3A_209] : memref<10000x128xf32, #tpu.memory_space<hbm>> -> memref<10000x128xf32, #tpu.memory_space<hbm>>
          tpu.wait_indirect_dma semaphore(%arg19 : memref<!tpu.dma_semaphore, #tpu.memory_space<semaphore_mem>>) src(%dma_wait3A_210 : memref<10000x128xf32, #tpu.memory_space<hbm>>) dst(%arg12 : memref<80x128xf32, #tpu.memory_space<vmem>>)
          %dma_wait3A_211 = arith.constant 0 : i32
          %dma_wait3A_212 = tpu.memref_slice %arg10[%add3A_197, %dma_wait3A_211] : memref<50x80xi32, #tpu.memory_space<vmem>> -> memref<1x80xi32, #tpu.memory_space<vmem>>
          %dma_wait3A_213 = tpu.memref_squeeze %dma_wait3A_212 : memref<1x80xi32, #tpu.memory_space<vmem>> -> memref<80xi32, #tpu.memory_space<vmem>>
          %dma_wait3A_214 = arith.constant 0 : i32
          %dma_wait3A_215 = arith.constant 0 : i32
          %dma_wait3A_216 = tpu.memref_slice %arg2[%dma_wait3A_214, %dma_wait3A_215] : memref<10000x64xf32, #tpu.memory_space<hbm>> -> memref<10000x64xf32, #tpu.memory_space<hbm>>
          tpu.wait_indirect_dma semaphore(%arg19 : memref<!tpu.dma_semaphore, #tpu.memory_space<semaphore_mem>>) src(%dma_wait3A_216 : memref<10000x64xf32, #tpu.memory_space<hbm>>) dst(%arg14 : memref<80x64xf32, #tpu.memory_space<vmem>>)
          %scan3A_217 = arith.constant 0 : i32
          %scan3A_218 = arith.constant 0 : i32
          %scan3A_219 = arith.constant 40 : i32
          %scan3A_220 = arith.addi %scan3A_218, %scan3A_219 : i32
          %scan3A_221 = arith.constant 1 : i32
          scf.for %scan3A_223 = %scan3A_218 to %scan3A_220 step %scan3A_221  : i32 {
            %mul3A_224 = arith.constant 2 : i32
            %mul3A_225 = arith.muli %mul3A_224, %scan3A_223 : i32
            %mul3A_226 = arith.constant 2 : i32
            %mul3A_227 = arith.muli %mul3A_226, %scan3A_223 : i32
            %add3A_228 = arith.constant 1 : i32
            %add3A_229 = arith.addi %mul3A_227, %add3A_228 : i32
            %get3A = arith.index_cast %mul3A_225 : i32 to index
            %get3A_230 = arith.constant 0 : index
            %get3A_231 = tpu.vector_load %arg12[%get3A, %get3A_230] {strides = array<i32>} : memref<80x128xf32, #tpu.memory_space<vmem>>, vector<1x16xf32>,
            %get3A_232 = vector.shape_cast %get3A_231 : vector<1x16xf32> to vector<16xf32>
            %get3A_233 = arith.index_cast %mul3A_225 : i32 to index
            %get3A_234 = arith.constant 0 : index
            %get3A_235 = tpu.vector_load %arg14[%get3A_233, %get3A_234] {strides = array<i32>} : memref<80x64xf32, #tpu.memory_space<vmem>>, vector<1x16xf32>,
            %get3A_236 = vector.shape_cast %get3A_235 : vector<1x16xf32> to vector<16xf32>
            %get3A_237 = arith.index_cast %mul3A_225 : i32 to index
            %get3A_238 = arith.constant 64 : index
            %get3A_239 = tpu.vector_load %arg12[%get3A_237, %get3A_238] {strides = array<i32>} : memref<80x128xf32, #tpu.memory_space<vmem>>, vector<1x16xf32>,
            %get3A_240 = vector.shape_cast %get3A_239 : vector<1x16xf32> to vector<16xf32>
            %get3A_241 = arith.index_cast %mul3A_225 : i32 to index
            %get3A_242 = arith.constant 16 : index
            %get3A_243 = tpu.vector_load %arg12[%get3A_241, %get3A_242] {strides = array<i32>} : memref<80x128xf32, #tpu.memory_space<vmem>>, vector<1x16xf32>,
            %get3A_244 = vector.shape_cast %get3A_243 : vector<1x16xf32> to vector<16xf32>
            %get3A_245 = arith.index_cast %mul3A_225 : i32 to index
            %get3A_246 = arith.constant 16 : index
            %get3A_247 = tpu.vector_load %arg14[%get3A_245, %get3A_246] {strides = array<i32>} : memref<80x64xf32, #tpu.memory_space<vmem>>, vector<1x16xf32>,
            %get3A_248 = vector.shape_cast %get3A_247 : vector<1x16xf32> to vector<16xf32>
            %get3A_249 = arith.index_cast %mul3A_225 : i32 to index
            %get3A_250 = arith.constant 80 : index
            %get3A_251 = tpu.vector_load %arg12[%get3A_249, %get3A_250] {strides = array<i32>} : memref<80x128xf32, #tpu.memory_space<vmem>>, vector<1x16xf32>,
            %get3A_252 = vector.shape_cast %get3A_251 : vector<1x16xf32> to vector<16xf32>
            %get3A_253 = arith.index_cast %mul3A_225 : i32 to index
            %get3A_254 = arith.constant 32 : index
            %get3A_255 = tpu.vector_load %arg12[%get3A_253, %get3A_254] {strides = array<i32>} : memref<80x128xf32, #tpu.memory_space<vmem>>, vector<1x16xf32>,
            %get3A_256 = vector.shape_cast %get3A_255 : vector<1x16xf32> to vector<16xf32>
            %get3A_257 = arith.index_cast %mul3A_225 : i32 to index
            %get3A_258 = arith.constant 32 : index
            %get3A_259 = tpu.vector_load %arg14[%get3A_257, %get3A_258] {strides = array<i32>} : memref<80x64xf32, #tpu.memory_space<vmem>>, vector<1x16xf32>,
            %get3A_260 = vector.shape_cast %get3A_259 : vector<1x16xf32> to vector<16xf32>
            %get3A_261 = arith.index_cast %mul3A_225 : i32 to index
            %get3A_262 = arith.constant 96 : index
            %get3A_263 = tpu.vector_load %arg12[%get3A_261, %get3A_262] {strides = array<i32>} : memref<80x128xf32, #tpu.memory_space<vmem>>, vector<1x16xf32>,
            %get3A_264 = vector.shape_cast %get3A_263 : vector<1x16xf32> to vector<16xf32>
            %get3A_265 = arith.index_cast %mul3A_225 : i32 to index
            %get3A_266 = arith.constant 48 : index
            %get3A_267 = tpu.vector_load %arg12[%get3A_265, %get3A_266] {strides = array<i32>} : memref<80x128xf32, #tpu.memory_space<vmem>>, vector<1x16xf32>,
            %get3A_268 = vector.shape_cast %get3A_267 : vector<1x16xf32> to vector<16xf32>
            %get3A_269 = arith.index_cast %mul3A_225 : i32 to index
            %get3A_270 = arith.constant 48 : index
            %get3A_271 = tpu.vector_load %arg14[%get3A_269, %get3A_270] {strides = array<i32>} : memref<80x64xf32, #tpu.memory_space<vmem>>, vector<1x16xf32>,
            %get3A_272 = vector.shape_cast %get3A_271 : vector<1x16xf32> to vector<16xf32>
            %get3A_273 = arith.index_cast %mul3A_225 : i32 to index
            %get3A_274 = arith.constant 112 : index
            %get3A_275 = tpu.vector_load %arg12[%get3A_273, %get3A_274] {strides = array<i32>} : memref<80x128xf32, #tpu.memory_space<vmem>>, vector<1x16xf32>,
            %get3A_276 = vector.shape_cast %get3A_275 : vector<1x16xf32> to vector<16xf32>
            %get3A_277 = arith.index_cast %add3A_229 : i32 to index
            %get3A_278 = arith.constant 0 : index
            %get3A_279 = tpu.vector_load %arg12[%get3A_277, %get3A_278] {strides = array<i32>} : memref<80x128xf32, #tpu.memory_space<vmem>>, vector<1x16xf32>,
            %get3A_280 = vector.shape_cast %get3A_279 : vector<1x16xf32> to vector<16xf32>
            %get3A_281 = arith.index_cast %add3A_229 : i32 to index
            %get3A_282 = arith.constant 0 : index
            %get3A_283 = tpu.vector_load %arg14[%get3A_281, %get3A_282] {strides = array<i32>} : memref<80x64xf32, #tpu.memory_space<vmem>>, vector<1x16xf32>,
            %get3A_284 = vector.shape_cast %get3A_283 : vector<1x16xf32> to vector<16xf32>
            %get3A_285 = arith.index_cast %add3A_229 : i32 to index
            %get3A_286 = arith.constant 64 : index
            %get3A_287 = tpu.vector_load %arg12[%get3A_285, %get3A_286] {strides = array<i32>} : memref<80x128xf32, #tpu.memory_space<vmem>>, vector<1x16xf32>,
            %get3A_288 = vector.shape_cast %get3A_287 : vector<1x16xf32> to vector<16xf32>
            %get3A_289 = arith.index_cast %add3A_229 : i32 to index
            %get3A_290 = arith.constant 16 : index
            %get3A_291 = tpu.vector_load %arg12[%get3A_289, %get3A_290] {strides = array<i32>} : memref<80x128xf32, #tpu.memory_space<vmem>>, vector<1x16xf32>,
            %get3A_292 = vector.shape_cast %get3A_291 : vector<1x16xf32> to vector<16xf32>
            %get3A_293 = arith.index_cast %add3A_229 : i32 to index
            %get3A_294 = arith.constant 16 : index
            %get3A_295 = tpu.vector_load %arg14[%get3A_293, %get3A_294] {strides = array<i32>} : memref<80x64xf32, #tpu.memory_space<vmem>>, vector<1x16xf32>,
            %get3A_296 = vector.shape_cast %get3A_295 : vector<1x16xf32> to vector<16xf32>
            %get3A_297 = arith.index_cast %add3A_229 : i32 to index
            %get3A_298 = arith.constant 80 : index
            %get3A_299 = tpu.vector_load %arg12[%get3A_297, %get3A_298] {strides = array<i32>} : memref<80x128xf32, #tpu.memory_space<vmem>>, vector<1x16xf32>,
            %get3A_300 = vector.shape_cast %get3A_299 : vector<1x16xf32> to vector<16xf32>
            %get3A_301 = arith.index_cast %add3A_229 : i32 to index
            %get3A_302 = arith.constant 32 : index
            %get3A_303 = tpu.vector_load %arg12[%get3A_301, %get3A_302] {strides = array<i32>} : memref<80x128xf32, #tpu.memory_space<vmem>>, vector<1x16xf32>,
            %get3A_304 = vector.shape_cast %get3A_303 : vector<1x16xf32> to vector<16xf32>
            %get3A_305 = arith.index_cast %add3A_229 : i32 to index
            %get3A_306 = arith.constant 32 : index
            %get3A_307 = tpu.vector_load %arg14[%get3A_305, %get3A_306] {strides = array<i32>} : memref<80x64xf32, #tpu.memory_space<vmem>>, vector<1x16xf32>,
            %get3A_308 = vector.shape_cast %get3A_307 : vector<1x16xf32> to vector<16xf32>
            %get3A_309 = arith.index_cast %add3A_229 : i32 to index
            %get3A_310 = arith.constant 96 : index
            %get3A_311 = tpu.vector_load %arg12[%get3A_309, %get3A_310] {strides = array<i32>} : memref<80x128xf32, #tpu.memory_space<vmem>>, vector<1x16xf32>,
            %get3A_312 = vector.shape_cast %get3A_311 : vector<1x16xf32> to vector<16xf32>
            %get3A_313 = arith.index_cast %add3A_229 : i32 to index
            %get3A_314 = arith.constant 48 : index
            %get3A_315 = tpu.vector_load %arg12[%get3A_313, %get3A_314] {strides = array<i32>} : memref<80x128xf32, #tpu.memory_space<vmem>>, vector<1x16xf32>,
            %get3A_316 = vector.shape_cast %get3A_315 : vector<1x16xf32> to vector<16xf32>
            %get3A_317 = arith.index_cast %add3A_229 : i32 to index
            %get3A_318 = arith.constant 48 : index
            %get3A_319 = tpu.vector_load %arg14[%get3A_317, %get3A_318] {strides = array<i32>} : memref<80x64xf32, #tpu.memory_space<vmem>>, vector<1x16xf32>,
            %get3A_320 = vector.shape_cast %get3A_319 : vector<1x16xf32> to vector<16xf32>
            %get3A_321 = arith.index_cast %add3A_229 : i32 to index
            %get3A_322 = arith.constant 112 : index
            %get3A_323 = tpu.vector_load %arg12[%get3A_321, %get3A_322] {strides = array<i32>} : memref<80x128xf32, #tpu.memory_space<vmem>>, vector<1x16xf32>,
            %get3A_324 = vector.shape_cast %get3A_323 : vector<1x16xf32> to vector<16xf32>
            %broadcast_in_dim3A_325 = arith.constant 0.000000e+00 : f32
            %broadcast_in_dim3A_326 = vector.broadcast %broadcast_in_dim3A_325 : f32 to vector<16xf32>
            %mul3A_327 = arith.mulf %get3A_232, %get3A_236 : vector<16xf32>
            %broadcast_in_dim3A_328 = vector.shape_cast %xor3A_125 : vector<16xi32> to vector<16x1xi32>
            %gather3A = vector.shape_cast %broadcast_in_dim3A_328 : vector<16x1xi32> to vector<16xi32>
            %gather3A_329 = tpu.dynamic_gather %mul3A_327[%gather3A] in [0] : vector<16xf32>, vector<16xi32> -> vector<16xf32>
            %add3A_330 = arith.addf %mul3A_327, %gather3A_329 : vector<16xf32>
            %broadcast_in_dim3A_331 = vector.shape_cast %xor3A_128 : vector<16xi32> to vector<16x1xi32>
            %gather3A_332 = vector.shape_cast %broadcast_in_dim3A_331 : vector<16x1xi32> to vector<16xi32>
            %gather3A_333 = tpu.dynamic_gather %add3A_330[%gather3A_332] in [0] : vector<16xf32>, vector<16xi32> -> vector<16xf32>
            %add3A_334 = arith.addf %add3A_330, %gather3A_333 : vector<16xf32>
            %broadcast_in_dim3A_335 = vector.shape_cast %xor3A_131 : vector<16xi32> to vector<16x1xi32>
            %gather3A_336 = vector.shape_cast %broadcast_in_dim3A_335 : vector<16x1xi32> to vector<16xi32>
            %gather3A_337 = tpu.dynamic_gather %add3A_334[%gather3A_336] in [0] : vector<16xf32>, vector<16xi32> -> vector<16xf32>
            %add3A_338 = arith.addf %add3A_334, %gather3A_337 : vector<16xf32>
            %broadcast_in_dim3A_339 = vector.shape_cast %xor3A_134 : vector<16xi32> to vector<16x1xi32>
            %gather3A_340 = vector.shape_cast %broadcast_in_dim3A_339 : vector<16x1xi32> to vector<16xi32>
            %gather3A_341 = tpu.dynamic_gather %add3A_338[%gather3A_340] in [0] : vector<16xf32>, vector<16xi32> -> vector<16xf32>
            %add3A_342 = arith.addf %add3A_338, %gather3A_341 : vector<16xf32>
            %mul3A_343 = arith.constant 2.500000e-01 : f32
            %mul3A_344 = vector.broadcast %mul3A_343 : f32 to vector<16xf32>
            %mul3A_345 = arith.mulf %add3A_342, %mul3A_344 : vector<16xf32>
            %jit3A = arith.constant -5.000000e+00 : f32
            %jit3A_346 = arith.constant 5.000000e+00 : f32
            %max3A = vector.broadcast %jit3A : f32 to vector<16xf32>
            %max3A_347 = arith.maximumf %max3A, %mul3A_345 : vector<16xf32>
            %min3A = vector.broadcast %jit3A_346 : f32 to vector<16xf32>
            %min3A_348 = arith.minimumf %min3A, %max3A_347 : vector<16xf32>
            %exp3A = math.exp %min3A_348 : vector<16xf32>
            %mul3A_349 = arith.mulf %get3A_240, %exp3A : vector<16xf32>
            %eq3A_350 = arith.constant 0 : i32
            %eq3A_351 = vector.broadcast %eq3A_350 : i32 to vector<16xi32>
            %eq3A_352 = arith.cmpi eq, %iota3A, %eq3A_351 : vector<16xi32>
            %select_n3A = arith.select %eq3A_352, %exp3A, %broadcast_in_dim3A_326 : vector<16xi1>, vector<16xf32>
            %mul3A_353 = arith.mulf %get3A_244, %get3A_248 : vector<16xf32>
            %broadcast_in_dim3A_354 = vector.shape_cast %xor3A_125 : vector<16xi32> to vector<16x1xi32>
            %gather3A_355 = vector.shape_cast %broadcast_in_dim3A_354 : vector<16x1xi32> to vector<16xi32>
            %gather3A_356 = tpu.dynamic_gather %mul3A_353[%gather3A_355] in [0] : vector<16xf32>, vector<16xi32> -> vector<16xf32>
            %add3A_357 = arith.addf %mul3A_353, %gather3A_356 : vector<16xf32>
            %broadcast_in_dim3A_358 = vector.shape_cast %xor3A_128 : vector<16xi32> to vector<16x1xi32>
            %gather3A_359 = vector.shape_cast %broadcast_in_dim3A_358 : vector<16x1xi32> to vector<16xi32>
            %gather3A_360 = tpu.dynamic_gather %add3A_357[%gather3A_359] in [0] : vector<16xf32>, vector<16xi32> -> vector<16xf32>
            %add3A_361 = arith.addf %add3A_357, %gather3A_360 : vector<16xf32>
            %broadcast_in_dim3A_362 = vector.shape_cast %xor3A_131 : vector<16xi32> to vector<16x1xi32>
            %gather3A_363 = vector.shape_cast %broadcast_in_dim3A_362 : vector<16x1xi32> to vector<16xi32>
            %gather3A_364 = tpu.dynamic_gather %add3A_361[%gather3A_363] in [0] : vector<16xf32>, vector<16xi32> -> vector<16xf32>
            %add3A_365 = arith.addf %add3A_361, %gather3A_364 : vector<16xf32>
            %broadcast_in_dim3A_366 = vector.shape_cast %xor3A_134 : vector<16xi32> to vector<16x1xi32>
            %gather3A_367 = vector.shape_cast %broadcast_in_dim3A_366 : vector<16x1xi32> to vector<16xi32>
            %gather3A_368 = tpu.dynamic_gather %add3A_365[%gather3A_367] in [0] : vector<16xf32>, vector<16xi32> -> vector<16xf32>
            %add3A_369 = arith.addf %add3A_365, %gather3A_368 : vector<16xf32>
            %mul3A_370 = arith.constant 2.500000e-01 : f32
            %mul3A_371 = vector.broadcast %mul3A_370 : f32 to vector<16xf32>
            %mul3A_372 = arith.mulf %add3A_369, %mul3A_371 : vector<16xf32>
            %jit3A_373 = arith.constant -5.000000e+00 : f32
            %jit3A_374 = arith.constant 5.000000e+00 : f32
            %max3A_375 = vector.broadcast %jit3A_373 : f32 to vector<16xf32>
            %max3A_376 = arith.maximumf %max3A_375, %mul3A_372 : vector<16xf32>
            %min3A_377 = vector.broadcast %jit3A_374 : f32 to vector<16xf32>
            %min3A_378 = arith.minimumf %min3A_377, %max3A_376 : vector<16xf32>
            %exp3A_379 = math.exp %min3A_378 : vector<16xf32>
            %mul3A_380 = arith.mulf %get3A_252, %exp3A_379 : vector<16xf32>
            %eq3A_381 = arith.constant 1 : i32
            %eq3A_382 = vector.broadcast %eq3A_381 : i32 to vector<16xi32>
            %eq3A_383 = arith.cmpi eq, %iota3A, %eq3A_382 : vector<16xi32>
            %select_n3A_384 = arith.select %eq3A_383, %exp3A_379, %select_n3A : vector<16xi1>, vector<16xf32>
            %mul3A_385 = arith.mulf %get3A_256, %get3A_260 : vector<16xf32>
            %broadcast_in_dim3A_386 = vector.shape_cast %xor3A_125 : vector<16xi32> to vector<16x1xi32>
            %gather3A_387 = vector.shape_cast %broadcast_in_dim3A_386 : vector<16x1xi32> to vector<16xi32>
            %gather3A_388 = tpu.dynamic_gather %mul3A_385[%gather3A_387] in [0] : vector<16xf32>, vector<16xi32> -> vector<16xf32>
            %add3A_389 = arith.addf %mul3A_385, %gather3A_388 : vector<16xf32>
            %broadcast_in_dim3A_390 = vector.shape_cast %xor3A_128 : vector<16xi32> to vector<16x1xi32>
            %gather3A_391 = vector.shape_cast %broadcast_in_dim3A_390 : vector<16x1xi32> to vector<16xi32>
            %gather3A_392 = tpu.dynamic_gather %add3A_389[%gather3A_391] in [0] : vector<16xf32>, vector<16xi32> -> vector<16xf32>
            %add3A_393 = arith.addf %add3A_389, %gather3A_392 : vector<16xf32>
            %broadcast_in_dim3A_394 = vector.shape_cast %xor3A_131 : vector<16xi32> to vector<16x1xi32>
            %gather3A_395 = vector.shape_cast %broadcast_in_dim3A_394 : vector<16x1xi32> to vector<16xi32>
            %gather3A_396 = tpu.dynamic_gather %add3A_393[%gather3A_395] in [0] : vector<16xf32>, vector<16xi32> -> vector<16xf32>
            %add3A_397 = arith.addf %add3A_393, %gather3A_396 : vector<16xf32>
            %broadcast_in_dim3A_398 = vector.shape_cast %xor3A_134 : vector<16xi32> to vector<16x1xi32>
            %gather3A_399 = vector.shape_cast %broadcast_in_dim3A_398 : vector<16x1xi32> to vector<16xi32>
            %gather3A_400 = tpu.dynamic_gather %add3A_397[%gather3A_399] in [0] : vector<16xf32>, vector<16xi32> -> vector<16xf32>
            %add3A_401 = arith.addf %add3A_397, %gather3A_400 : vector<16xf32>
            %mul3A_402 = arith.constant 2.500000e-01 : f32
            %mul3A_403 = vector.broadcast %mul3A_402 : f32 to vector<16xf32>
            %mul3A_404 = arith.mulf %add3A_401, %mul3A_403 : vector<16xf32>
            %jit3A_405 = arith.constant -5.000000e+00 : f32
            %jit3A_406 = arith.constant 5.000000e+00 : f32
            %max3A_407 = vector.broadcast %jit3A_405 : f32 to vector<16xf32>
            %max3A_408 = arith.maximumf %max3A_407, %mul3A_404 : vector<16xf32>
            %min3A_409 = vector.broadcast %jit3A_406 : f32 to vector<16xf32>
            %min3A_410 = arith.minimumf %min3A_409, %max3A_408 : vector<16xf32>
            %exp3A_411 = math.exp %min3A_410 : vector<16xf32>
            %mul3A_412 = arith.mulf %get3A_264, %exp3A_411 : vector<16xf32>
            %eq3A_413 = arith.constant 2 : i32
            %eq3A_414 = vector.broadcast %eq3A_413 : i32 to vector<16xi32>
            %eq3A_415 = arith.cmpi eq, %iota3A, %eq3A_414 : vector<16xi32>
            %select_n3A_416 = arith.select %eq3A_415, %exp3A_411, %select_n3A_384 : vector<16xi1>, vector<16xf32>
            %mul3A_417 = arith.mulf %get3A_268, %get3A_272 : vector<16xf32>
            %broadcast_in_dim3A_418 = vector.shape_cast %xor3A_125 : vector<16xi32> to vector<16x1xi32>
            %gather3A_419 = vector.shape_cast %broadcast_in_dim3A_418 : vector<16x1xi32> to vector<16xi32>
            %gather3A_420 = tpu.dynamic_gather %mul3A_417[%gather3A_419] in [0] : vector<16xf32>, vector<16xi32> -> vector<16xf32>
            %add3A_421 = arith.addf %mul3A_417, %gather3A_420 : vector<16xf32>
            %broadcast_in_dim3A_422 = vector.shape_cast %xor3A_128 : vector<16xi32> to vector<16x1xi32>
            %gather3A_423 = vector.shape_cast %broadcast_in_dim3A_422 : vector<16x1xi32> to vector<16xi32>
            %gather3A_424 = tpu.dynamic_gather %add3A_421[%gather3A_423] in [0] : vector<16xf32>, vector<16xi32> -> vector<16xf32>
            %add3A_425 = arith.addf %add3A_421, %gather3A_424 : vector<16xf32>
            %broadcast_in_dim3A_426 = vector.shape_cast %xor3A_131 : vector<16xi32> to vector<16x1xi32>
            %gather3A_427 = vector.shape_cast %broadcast_in_dim3A_426 : vector<16x1xi32> to vector<16xi32>
            %gather3A_428 = tpu.dynamic_gather %add3A_425[%gather3A_427] in [0] : vector<16xf32>, vector<16xi32> -> vector<16xf32>
            %add3A_429 = arith.addf %add3A_425, %gather3A_428 : vector<16xf32>
            %broadcast_in_dim3A_430 = vector.shape_cast %xor3A_134 : vector<16xi32> to vector<16x1xi32>
            %gather3A_431 = vector.shape_cast %broadcast_in_dim3A_430 : vector<16x1xi32> to vector<16xi32>
            %gather3A_432 = tpu.dynamic_gather %add3A_429[%gather3A_431] in [0] : vector<16xf32>, vector<16xi32> -> vector<16xf32>
            %add3A_433 = arith.addf %add3A_429, %gather3A_432 : vector<16xf32>
            %mul3A_434 = arith.constant 2.500000e-01 : f32
            %mul3A_435 = vector.broadcast %mul3A_434 : f32 to vector<16xf32>
            %mul3A_436 = arith.mulf %add3A_433, %mul3A_435 : vector<16xf32>
            %jit3A_437 = arith.constant -5.000000e+00 : f32
            %jit3A_438 = arith.constant 5.000000e+00 : f32
            %max3A_439 = vector.broadcast %jit3A_437 : f32 to vector<16xf32>
            %max3A_440 = arith.maximumf %max3A_439, %mul3A_436 : vector<16xf32>
            %min3A_441 = vector.broadcast %jit3A_438 : f32 to vector<16xf32>
            %min3A_442 = arith.minimumf %min3A_441, %max3A_440 : vector<16xf32>
            %exp3A_443 = math.exp %min3A_442 : vector<16xf32>
            %mul3A_444 = arith.mulf %get3A_276, %exp3A_443 : vector<16xf32>
            %eq3A_445 = arith.constant 3 : i32
            %eq3A_446 = vector.broadcast %eq3A_445 : i32 to vector<16xi32>
            %eq3A_447 = arith.cmpi eq, %iota3A, %eq3A_446 : vector<16xi32>
            %select_n3A_448 = arith.select %eq3A_447, %exp3A_443, %select_n3A_416 : vector<16xi1>, vector<16xf32>
            %broadcast_in_dim3A_449 = arith.constant 0.000000e+00 : f32
            %broadcast_in_dim3A_450 = vector.broadcast %broadcast_in_dim3A_449 : f32 to vector<16xf32>
            %mul3A_451 = arith.mulf %get3A_280, %get3A_284 : vector<16xf32>
            %broadcast_in_dim3A_452 = vector.shape_cast %xor3A_125 : vector<16xi32> to vector<16x1xi32>
            %gather3A_453 = vector.shape_cast %broadcast_in_dim3A_452 : vector<16x1xi32> to vector<16xi32>
            %gather3A_454 = tpu.dynamic_gather %mul3A_451[%gather3A_453] in [0] : vector<16xf32>, vector<16xi32> -> vector<16xf32>
            %add3A_455 = arith.addf %mul3A_451, %gather3A_454 : vector<16xf32>
            %broadcast_in_dim3A_456 = vector.shape_cast %xor3A_128 : vector<16xi32> to vector<16x1xi32>
            %gather3A_457 = vector.shape_cast %broadcast_in_dim3A_456 : vector<16x1xi32> to vector<16xi32>
            %gather3A_458 = tpu.dynamic_gather %add3A_455[%gather3A_457] in [0] : vector<16xf32>, vector<16xi32> -> vector<16xf32>
            %add3A_459 = arith.addf %add3A_455, %gather3A_458 : vector<16xf32>
            %broadcast_in_dim3A_460 = vector.shape_cast %xor3A_131 : vector<16xi32> to vector<16x1xi32>
            %gather3A_461 = vector.shape_cast %broadcast_in_dim3A_460 : vector<16x1xi32> to vector<16xi32>
            %gather3A_462 = tpu.dynamic_gather %add3A_459[%gather3A_461] in [0] : vector<16xf32>, vector<16xi32> -> vector<16xf32>
            %add3A_463 = arith.addf %add3A_459, %gather3A_462 : vector<16xf32>
            %broadcast_in_dim3A_464 = vector.shape_cast %xor3A_134 : vector<16xi32> to vector<16x1xi32>
            %gather3A_465 = vector.shape_cast %broadcast_in_dim3A_464 : vector<16x1xi32> to vector<16xi32>
            %gather3A_466 = tpu.dynamic_gather %add3A_463[%gather3A_465] in [0] : vector<16xf32>, vector<16xi32> -> vector<16xf32>
            %add3A_467 = arith.addf %add3A_463, %gather3A_466 : vector<16xf32>
            %mul3A_468 = arith.constant 2.500000e-01 : f32
            %mul3A_469 = vector.broadcast %mul3A_468 : f32 to vector<16xf32>
            %mul3A_470 = arith.mulf %add3A_467, %mul3A_469 : vector<16xf32>
            %jit3A_471 = arith.constant -5.000000e+00 : f32
            %jit3A_472 = arith.constant 5.000000e+00 : f32
            %max3A_473 = vector.broadcast %jit3A_471 : f32 to vector<16xf32>
            %max3A_474 = arith.maximumf %max3A_473, %mul3A_470 : vector<16xf32>
            %min3A_475 = vector.broadcast %jit3A_472 : f32 to vector<16xf32>
            %min3A_476 = arith.minimumf %min3A_475, %max3A_474 : vector<16xf32>
            %exp3A_477 = math.exp %min3A_476 : vector<16xf32>
            %mul3A_478 = arith.mulf %get3A_288, %exp3A_477 : vector<16xf32>
            %eq3A_479 = arith.constant 0 : i32
            %eq3A_480 = vector.broadcast %eq3A_479 : i32 to vector<16xi32>
            %eq3A_481 = arith.cmpi eq, %iota3A, %eq3A_480 : vector<16xi32>
            %select_n3A_482 = arith.select %eq3A_481, %exp3A_477, %broadcast_in_dim3A_450 : vector<16xi1>, vector<16xf32>
            %mul3A_483 = arith.mulf %get3A_292, %get3A_296 : vector<16xf32>
            %broadcast_in_dim3A_484 = vector.shape_cast %xor3A_125 : vector<16xi32> to vector<16x1xi32>
            %gather3A_485 = vector.shape_cast %broadcast_in_dim3A_484 : vector<16x1xi32> to vector<16xi32>
            %gather3A_486 = tpu.dynamic_gather %mul3A_483[%gather3A_485] in [0] : vector<16xf32>, vector<16xi32> -> vector<16xf32>
            %add3A_487 = arith.addf %mul3A_483, %gather3A_486 : vector<16xf32>
            %broadcast_in_dim3A_488 = vector.shape_cast %xor3A_128 : vector<16xi32> to vector<16x1xi32>
            %gather3A_489 = vector.shape_cast %broadcast_in_dim3A_488 : vector<16x1xi32> to vector<16xi32>
            %gather3A_490 = tpu.dynamic_gather %add3A_487[%gather3A_489] in [0] : vector<16xf32>, vector<16xi32> -> vector<16xf32>
            %add3A_491 = arith.addf %add3A_487, %gather3A_490 : vector<16xf32>
            %broadcast_in_dim3A_492 = vector.shape_cast %xor3A_131 : vector<16xi32> to vector<16x1xi32>
            %gather3A_493 = vector.shape_cast %broadcast_in_dim3A_492 : vector<16x1xi32> to vector<16xi32>
            %gather3A_494 = tpu.dynamic_gather %add3A_491[%gather3A_493] in [0] : vector<16xf32>, vector<16xi32> -> vector<16xf32>
            %add3A_495 = arith.addf %add3A_491, %gather3A_494 : vector<16xf32>
            %broadcast_in_dim3A_496 = vector.shape_cast %xor3A_134 : vector<16xi32> to vector<16x1xi32>
            %gather3A_497 = vector.shape_cast %broadcast_in_dim3A_496 : vector<16x1xi32> to vector<16xi32>
            %gather3A_498 = tpu.dynamic_gather %add3A_495[%gather3A_497] in [0] : vector<16xf32>, vector<16xi32> -> vector<16xf32>
            %add3A_499 = arith.addf %add3A_495, %gather3A_498 : vector<16xf32>
            %mul3A_500 = arith.constant 2.500000e-01 : f32
            %mul3A_501 = vector.broadcast %mul3A_500 : f32 to vector<16xf32>
            %mul3A_502 = arith.mulf %add3A_499, %mul3A_501 : vector<16xf32>
            %jit3A_503 = arith.constant -5.000000e+00 : f32
            %jit3A_504 = arith.constant 5.000000e+00 : f32
            %max3A_505 = vector.broadcast %jit3A_503 : f32 to vector<16xf32>
            %max3A_506 = arith.maximumf %max3A_505, %mul3A_502 : vector<16xf32>
            %min3A_507 = vector.broadcast %jit3A_504 : f32 to vector<16xf32>
            %min3A_508 = arith.minimumf %min3A_507, %max3A_506 : vector<16xf32>
            %exp3A_509 = math.exp %min3A_508 : vector<16xf32>
            %mul3A_510 = arith.mulf %get3A_300, %exp3A_509 : vector<16xf32>
            %eq3A_511 = arith.constant 1 : i32
            %eq3A_512 = vector.broadcast %eq3A_511 : i32 to vector<16xi32>
            %eq3A_513 = arith.cmpi eq, %iota3A, %eq3A_512 : vector<16xi32>
            %select_n3A_514 = arith.select %eq3A_513, %exp3A_509, %select_n3A_482 : vector<16xi1>, vector<16xf32>
            %mul3A_515 = arith.mulf %get3A_304, %get3A_308 : vector<16xf32>
            %broadcast_in_dim3A_516 = vector.shape_cast %xor3A_125 : vector<16xi32> to vector<16x1xi32>
            %gather3A_517 = vector.shape_cast %broadcast_in_dim3A_516 : vector<16x1xi32> to vector<16xi32>
            %gather3A_518 = tpu.dynamic_gather %mul3A_515[%gather3A_517] in [0] : vector<16xf32>, vector<16xi32> -> vector<16xf32>
            %add3A_519 = arith.addf %mul3A_515, %gather3A_518 : vector<16xf32>
            %broadcast_in_dim3A_520 = vector.shape_cast %xor3A_128 : vector<16xi32> to vector<16x1xi32>
            %gather3A_521 = vector.shape_cast %broadcast_in_dim3A_520 : vector<16x1xi32> to vector<16xi32>
            %gather3A_522 = tpu.dynamic_gather %add3A_519[%gather3A_521] in [0] : vector<16xf32>, vector<16xi32> -> vector<16xf32>
            %add3A_523 = arith.addf %add3A_519, %gather3A_522 : vector<16xf32>
            %broadcast_in_dim3A_524 = vector.shape_cast %xor3A_131 : vector<16xi32> to vector<16x1xi32>
            %gather3A_525 = vector.shape_cast %broadcast_in_dim3A_524 : vector<16x1xi32> to vector<16xi32>
            %gather3A_526 = tpu.dynamic_gather %add3A_523[%gather3A_525] in [0] : vector<16xf32>, vector<16xi32> -> vector<16xf32>
            %add3A_527 = arith.addf %add3A_523, %gather3A_526 : vector<16xf32>
            %broadcast_in_dim3A_528 = vector.shape_cast %xor3A_134 : vector<16xi32> to vector<16x1xi32>
            %gather3A_529 = vector.shape_cast %broadcast_in_dim3A_528 : vector<16x1xi32> to vector<16xi32>
            %gather3A_530 = tpu.dynamic_gather %add3A_527[%gather3A_529] in [0] : vector<16xf32>, vector<16xi32> -> vector<16xf32>
            %add3A_531 = arith.addf %add3A_527, %gather3A_530 : vector<16xf32>
            %mul3A_532 = arith.constant 2.500000e-01 : f32
            %mul3A_533 = vector.broadcast %mul3A_532 : f32 to vector<16xf32>
            %mul3A_534 = arith.mulf %add3A_531, %mul3A_533 : vector<16xf32>
            %jit3A_535 = arith.constant -5.000000e+00 : f32
            %jit3A_536 = arith.constant 5.000000e+00 : f32
            %max3A_537 = vector.broadcast %jit3A_535 : f32 to vector<16xf32>
            %max3A_538 = arith.maximumf %max3A_537, %mul3A_534 : vector<16xf32>
            %min3A_539 = vector.broadcast %jit3A_536 : f32 to vector<16xf32>
            %min3A_540 = arith.minimumf %min3A_539, %max3A_538 : vector<16xf32>
            %exp3A_541 = math.exp %min3A_540 : vector<16xf32>
            %mul3A_542 = arith.mulf %get3A_312, %exp3A_541 : vector<16xf32>
            %eq3A_543 = arith.constant 2 : i32
            %eq3A_544 = vector.broadcast %eq3A_543 : i32 to vector<16xi32>
            %eq3A_545 = arith.cmpi eq, %iota3A, %eq3A_544 : vector<16xi32>
            %select_n3A_546 = arith.select %eq3A_545, %exp3A_541, %select_n3A_514 : vector<16xi1>, vector<16xf32>
            %mul3A_547 = arith.mulf %get3A_316, %get3A_320 : vector<16xf32>
            %broadcast_in_dim3A_548 = vector.shape_cast %xor3A_125 : vector<16xi32> to vector<16x1xi32>
            %gather3A_549 = vector.shape_cast %broadcast_in_dim3A_548 : vector<16x1xi32> to vector<16xi32>
            %gather3A_550 = tpu.dynamic_gather %mul3A_547[%gather3A_549] in [0] : vector<16xf32>, vector<16xi32> -> vector<16xf32>
            %add3A_551 = arith.addf %mul3A_547, %gather3A_550 : vector<16xf32>
            %broadcast_in_dim3A_552 = vector.shape_cast %xor3A_128 : vector<16xi32> to vector<16x1xi32>
            %gather3A_553 = vector.shape_cast %broadcast_in_dim3A_552 : vector<16x1xi32> to vector<16xi32>
            %gather3A_554 = tpu.dynamic_gather %add3A_551[%gather3A_553] in [0] : vector<16xf32>, vector<16xi32> -> vector<16xf32>
            %add3A_555 = arith.addf %add3A_551, %gather3A_554 : vector<16xf32>
            %broadcast_in_dim3A_556 = vector.shape_cast %xor3A_131 : vector<16xi32> to vector<16x1xi32>
            %gather3A_557 = vector.shape_cast %broadcast_in_dim3A_556 : vector<16x1xi32> to vector<16xi32>
            %gather3A_558 = tpu.dynamic_gather %add3A_555[%gather3A_557] in [0] : vector<16xf32>, vector<16xi32> -> vector<16xf32>
            %add3A_559 = arith.addf %add3A_555, %gather3A_558 : vector<16xf32>
            %broadcast_in_dim3A_560 = vector.shape_cast %xor3A_134 : vector<16xi32> to vector<16x1xi32>
            %gather3A_561 = vector.shape_cast %broadcast_in_dim3A_560 : vector<16x1xi32> to vector<16xi32>
            %gather3A_562 = tpu.dynamic_gather %add3A_559[%gather3A_561] in [0] : vector<16xf32>, vector<16xi32> -> vector<16xf32>
            %add3A_563 = arith.addf %add3A_559, %gather3A_562 : vector<16xf32>
            %mul3A_564 = arith.constant 2.500000e-01 : f32
            %mul3A_565 = vector.broadcast %mul3A_564 : f32 to vector<16xf32>
            %mul3A_566 = arith.mulf %add3A_563, %mul3A_565 : vector<16xf32>
            %jit3A_567 = arith.constant -5.000000e+00 : f32
            %jit3A_568 = arith.constant 5.000000e+00 : f32
            %max3A_569 = vector.broadcast %jit3A_567 : f32 to vector<16xf32>
            %max3A_570 = arith.maximumf %max3A_569, %mul3A_566 : vector<16xf32>
            %min3A_571 = vector.broadcast %jit3A_568 : f32 to vector<16xf32>
            %min3A_572 = arith.minimumf %min3A_571, %max3A_570 : vector<16xf32>
            %exp3A_573 = math.exp %min3A_572 : vector<16xf32>
            %mul3A_574 = arith.mulf %get3A_324, %exp3A_573 : vector<16xf32>
            %eq3A_575 = arith.constant 3 : i32
            %eq3A_576 = vector.broadcast %eq3A_575 : i32 to vector<16xi32>
            %eq3A_577 = arith.cmpi eq, %iota3A, %eq3A_576 : vector<16xi32>
            %select_n3A_578 = arith.select %eq3A_577, %exp3A_573, %select_n3A_546 : vector<16xi1>, vector<16xf32>
            %swap3A = arith.index_cast %mul3A_225 : i32 to index
            %swap3A_579 = arith.constant 0 : index
            %swap3A_580 = tpu.vector_load %arg16[%swap3A, %swap3A_579] {strides = array<i32>} : memref<80x80xf32, #tpu.memory_space<vmem>>, vector<1x16xf32>,
            %swap3A_581 = vector.shape_cast %swap3A_580 : vector<1x16xf32> to vector<16xf32>
            %swap3A_582 = vector.shape_cast %mul3A_349 : vector<16xf32> to vector<1x16xf32>
            tpu.vector_store %arg16[%swap3A, %swap3A_579], %swap3A_582 {strides = array<i32>} : memref<80x80xf32, #tpu.memory_space<vmem>>, vector<1x16xf32>,
            %swap3A_583 = arith.index_cast %mul3A_225 : i32 to index
            %swap3A_584 = arith.constant 16 : index
            %swap3A_585 = tpu.vector_load %arg16[%swap3A_583, %swap3A_584] {strides = array<i32>} : memref<80x80xf32, #tpu.memory_space<vmem>>, vector<1x16xf32>,
            %swap3A_586 = vector.shape_cast %swap3A_585 : vector<1x16xf32> to vector<16xf32>
            %swap3A_587 = vector.shape_cast %mul3A_380 : vector<16xf32> to vector<1x16xf32>
            tpu.vector_store %arg16[%swap3A_583, %swap3A_584], %swap3A_587 {strides = array<i32>} : memref<80x80xf32, #tpu.memory_space<vmem>>, vector<1x16xf32>,
            %swap3A_588 = arith.index_cast %mul3A_225 : i32 to index
            %swap3A_589 = arith.constant 32 : index
            %swap3A_590 = tpu.vector_load %arg16[%swap3A_588, %swap3A_589] {strides = array<i32>} : memref<80x80xf32, #tpu.memory_space<vmem>>, vector<1x16xf32>,
            %swap3A_591 = vector.shape_cast %swap3A_590 : vector<1x16xf32> to vector<16xf32>
            %swap3A_592 = vector.shape_cast %mul3A_412 : vector<16xf32> to vector<1x16xf32>
            tpu.vector_store %arg16[%swap3A_588, %swap3A_589], %swap3A_592 {strides = array<i32>} : memref<80x80xf32, #tpu.memory_space<vmem>>, vector<1x16xf32>,
            %swap3A_593 = arith.index_cast %mul3A_225 : i32 to index
            %swap3A_594 = arith.constant 48 : index
            %swap3A_595 = tpu.vector_load %arg16[%swap3A_593, %swap3A_594] {strides = array<i32>} : memref<80x80xf32, #tpu.memory_space<vmem>>, vector<1x16xf32>,
            %swap3A_596 = vector.shape_cast %swap3A_595 : vector<1x16xf32> to vector<16xf32>
            %swap3A_597 = vector.shape_cast %mul3A_444 : vector<16xf32> to vector<1x16xf32>
            tpu.vector_store %arg16[%swap3A_593, %swap3A_594], %swap3A_597 {strides = array<i32>} : memref<80x80xf32, #tpu.memory_space<vmem>>, vector<1x16xf32>,
            %swap3A_598 = arith.index_cast %mul3A_225 : i32 to index
            %swap3A_599 = arith.constant 64 : index
            %swap3A_600 = tpu.vector_load %arg16[%swap3A_598, %swap3A_599] {strides = array<i32>} : memref<80x80xf32, #tpu.memory_space<vmem>>, vector<1x16xf32>,
            %swap3A_601 = vector.shape_cast %swap3A_600 : vector<1x16xf32> to vector<16xf32>
            %swap3A_602 = vector.shape_cast %select_n3A_448 : vector<16xf32> to vector<1x16xf32>
            tpu.vector_store %arg16[%swap3A_598, %swap3A_599], %swap3A_602 {strides = array<i32>} : memref<80x80xf32, #tpu.memory_space<vmem>>, vector<1x16xf32>,
            %swap3A_603 = arith.index_cast %add3A_229 : i32 to index
            %swap3A_604 = arith.constant 0 : index
            %swap3A_605 = tpu.vector_load %arg16[%swap3A_603, %swap3A_604] {strides = array<i32>} : memref<80x80xf32, #tpu.memory_space<vmem>>, vector<1x16xf32>,
            %swap3A_606 = vector.shape_cast %swap3A_605 : vector<1x16xf32> to vector<16xf32>
            %swap3A_607 = vector.shape_cast %mul3A_478 : vector<16xf32> to vector<1x16xf32>
            tpu.vector_store %arg16[%swap3A_603, %swap3A_604], %swap3A_607 {strides = array<i32>} : memref<80x80xf32, #tpu.memory_space<vmem>>, vector<1x16xf32>,
            %swap3A_608 = arith.index_cast %add3A_229 : i32 to index
            %swap3A_609 = arith.constant 16 : index
            %swap3A_610 = tpu.vector_load %arg16[%swap3A_608, %swap3A_609] {strides = array<i32>} : memref<80x80xf32, #tpu.memory_space<vmem>>, vector<1x16xf32>,
            %swap3A_611 = vector.shape_cast %swap3A_610 : vector<1x16xf32> to vector<16xf32>
            %swap3A_612 = vector.shape_cast %mul3A_510 : vector<16xf32> to vector<1x16xf32>
            tpu.vector_store %arg16[%swap3A_608, %swap3A_609], %swap3A_612 {strides = array<i32>} : memref<80x80xf32, #tpu.memory_space<vmem>>, vector<1x16xf32>,
            %swap3A_613 = arith.index_cast %add3A_229 : i32 to index
            %swap3A_614 = arith.constant 32 : index
            %swap3A_615 = tpu.vector_load %arg16[%swap3A_613, %swap3A_614] {strides = array<i32>} : memref<80x80xf32, #tpu.memory_space<vmem>>, vector<1x16xf32>,
            %swap3A_616 = vector.shape_cast %swap3A_615 : vector<1x16xf32> to vector<16xf32>
            %swap3A_617 = vector.shape_cast %mul3A_542 : vector<16xf32> to vector<1x16xf32>
            tpu.vector_store %arg16[%swap3A_613, %swap3A_614], %swap3A_617 {strides = array<i32>} : memref<80x80xf32, #tpu.memory_space<vmem>>, vector<1x16xf32>,
            %swap3A_618 = arith.index_cast %add3A_229 : i32 to index
            %swap3A_619 = arith.constant 48 : index
            %swap3A_620 = tpu.vector_load %arg16[%swap3A_618, %swap3A_619] {strides = array<i32>} : memref<80x80xf32, #tpu.memory_space<vmem>>, vector<1x16xf32>,
            %swap3A_621 = vector.shape_cast %swap3A_620 : vector<1x16xf32> to vector<16xf32>
            %swap3A_622 = vector.shape_cast %mul3A_574 : vector<16xf32> to vector<1x16xf32>
            tpu.vector_store %arg16[%swap3A_618, %swap3A_619], %swap3A_622 {strides = array<i32>} : memref<80x80xf32, #tpu.memory_space<vmem>>, vector<1x16xf32>,
            %swap3A_623 = arith.index_cast %add3A_229 : i32 to index
            %swap3A_624 = arith.constant 64 : index
            %swap3A_625 = tpu.vector_load %arg16[%swap3A_623, %swap3A_624] {strides = array<i32>} : memref<80x80xf32, #tpu.memory_space<vmem>>, vector<1x16xf32>,
            %swap3A_626 = vector.shape_cast %swap3A_625 : vector<1x16xf32> to vector<16xf32>
            %swap3A_627 = vector.shape_cast %select_n3A_578 : vector<16xf32> to vector<1x16xf32>
            tpu.vector_store %arg16[%swap3A_623, %swap3A_624], %swap3A_627 {strides = array<i32>} : memref<80x80xf32, #tpu.memory_space<vmem>>, vector<1x16xf32>,
          }
          %scan3A_222 = arith.constant 40 : i32
          "tpu.region"() ({
            %run_scoped3A = tpu.sem_alloc : memref<!tpu.dma_semaphore, #tpu.memory_space<semaphore_mem>>
            %dma_start3A_223 = arith.constant 0 : i32
            %dma_start3A_224 = tpu.memref_slice %arg10[%add3A_197, %dma_start3A_223] : memref<50x80xi32, #tpu.memory_space<vmem>> -> memref<1x80xi32, #tpu.memory_space<vmem>>
            %dma_start3A_225 = tpu.memref_squeeze %dma_start3A_224 : memref<1x80xi32, #tpu.memory_space<vmem>> -> memref<80xi32, #tpu.memory_space<vmem>>
            %dma_start3A_226 = arith.constant 0 : i32
            %dma_start3A_227 = arith.constant 0 : i32
            %dma_start3A_228 = tpu.memref_slice %arg17[%dma_start3A_226, %dma_start3A_227] : memref<10000x80xf32, #tpu.memory_space<vmem_shared>> -> memref<10000x80xf32, #tpu.memory_space<vmem_shared>>
            tpu.enqueue_indirect_dma source(%arg16 : memref<80x80xf32, #tpu.memory_space<vmem>>) target(%dma_start3A_228 : memref<10000x80xf32, #tpu.memory_space<vmem_shared>>) offsets(%dma_start3A_225 : memref<80xi32, #tpu.memory_space<vmem>>) semaphore(%run_scoped3A : memref<!tpu.dma_semaphore, #tpu.memory_space<semaphore_mem>>) {add = true}
            %dma_wait3A_229 = arith.constant 0 : i32
            %dma_wait3A_230 = tpu.memref_slice %arg10[%add3A_197, %dma_wait3A_229] : memref<50x80xi32, #tpu.memory_space<vmem>> -> memref<1x80xi32, #tpu.memory_space<vmem>>
            %dma_wait3A_231 = tpu.memref_squeeze %dma_wait3A_230 : memref<1x80xi32, #tpu.memory_space<vmem>> -> memref<80xi32, #tpu.memory_space<vmem>>
            %dma_wait3A_232 = arith.constant 0 : i32
            %dma_wait3A_233 = arith.constant 0 : i32
            %dma_wait3A_234 = tpu.memref_slice %arg17[%dma_wait3A_232, %dma_wait3A_233] : memref<10000x80xf32, #tpu.memory_space<vmem_shared>> -> memref<10000x80xf32, #tpu.memory_space<vmem_shared>>
            tpu.wait_indirect_dma semaphore(%run_scoped3A : memref<!tpu.dma_semaphore, #tpu.memory_space<semaphore_mem>>) src(%arg16 : memref<80x80xf32, #tpu.memory_space<vmem>>) dst(%dma_wait3A_234 : memref<10000x80xf32, #tpu.memory_space<vmem_shared>>)
            tpu.yield
          }) : () -> ()
        }
        %scan3A_164 = arith.constant 25 : i32
      }
      %scan3A_140 = arith.constant 5 : i32
    } else {
    }
    %eq3A_62 = arith.constant 1 : i32
    %eq3A_63 = arith.cmpi eq, %arg0, %eq3A_62 : i32
    %convert_element_type3A_64 = arith.extui %eq3A_63 : i1 to i32
    %cond3A_65 = arith.constant 0 : i32
    %cond3A_66 = arith.cmpi ne, %convert_element_type3A_64, %cond3A_65 : i32
    scf.if %cond3A_66 {
      %iota3A = tpu.iota {dimensions = array<i32: 0>} : vector<16xi32>
      %xor3A = arith.constant 1 : i32
      %xor3A_124 = vector.broadcast %xor3A : i32 to vector<16xi32>
      %xor3A_125 = arith.xori %iota3A, %xor3A_124 : vector<16xi32>
      %xor3A_126 = arith.constant 2 : i32
      %xor3A_127 = vector.broadcast %xor3A_126 : i32 to vector<16xi32>
      %xor3A_128 = arith.xori %iota3A, %xor3A_127 : vector<16xi32>
      %xor3A_129 = arith.constant 4 : i32
      %xor3A_130 = vector.broadcast %xor3A_129 : i32 to vector<16xi32>
      %xor3A_131 = arith.xori %iota3A, %xor3A_130 : vector<16xi32>
      %xor3A_132 = arith.constant 8 : i32
      %xor3A_133 = vector.broadcast %xor3A_132 : i32 to vector<16xi32>
      %xor3A_134 = arith.xori %iota3A, %xor3A_133 : vector<16xi32>
      %scan3A_135 = arith.constant 0 : i32
      %scan3A_136 = arith.constant 0 : i32
      %scan3A_137 = arith.constant 5 : i32
      %scan3A_138 = arith.addi %scan3A_136, %scan3A_137 : i32
      %scan3A_139 = arith.constant 1 : i32
      scf.for %scan3A_141 = %scan3A_136 to %scan3A_138 step %scan3A_139  : i32 {
        %mul3A = arith.constant 250 : i32
        %mul3A_142 = arith.muli %arg1, %mul3A : i32
        %mul3A_143 = arith.constant 50 : i32
        %mul3A_144 = arith.muli %scan3A_141, %mul3A_143 : i32
        %add3A_145 = arith.addi %mul3A_142, %mul3A_144 : i32
        "tpu.region"() ({
          %run_scoped3A = tpu.sem_alloc : memref<!tpu.dma_semaphore, #tpu.memory_space<semaphore_mem>>
          %dma_start3A_165 = arith.constant 0 : i32
          %dma_start3A_166 = tpu.memref_slice %arg6[%add3A_145, %dma_start3A_165] : memref<4000x80xi32, #tpu.memory_space<hbm>> -> memref<50x80xi32, #tpu.memory_space<hbm>>
          %dma_start3A_167 = arith.constant 0 : i32
          %dma_start3A_168 = tpu.memref_slice %arg6[%add3A_145, %dma_start3A_167] : memref<4000x80xi32, #tpu.memory_space<hbm>> -> memref<50x80xi32, #tpu.memory_space<hbm>>
          tpu.enqueue_dma source(%dma_start3A_168 : memref<50x80xi32, #tpu.memory_space<hbm>>) target(%arg9 : memref<50x80xi32, #tpu.memory_space<vmem>>) target_semaphore(%run_scoped3A : memref<!tpu.dma_semaphore, #tpu.memory_space<semaphore_mem>>)
          %dma_wait3A = arith.constant 0 : i32
          %dma_wait3A_169 = tpu.memref_slice %arg6[%add3A_145, %dma_wait3A] : memref<4000x80xi32, #tpu.memory_space<hbm>> -> memref<50x80xi32, #tpu.memory_space<hbm>>
          %dma_wait3A_170 = arith.constant 0 : i32
          %dma_wait3A_171 = tpu.memref_slice %arg6[%add3A_145, %dma_wait3A_170] : memref<4000x80xi32, #tpu.memory_space<hbm>> -> memref<50x80xi32, #tpu.memory_space<hbm>>
          tpu.wait_dma2 semaphore(%run_scoped3A : memref<!tpu.dma_semaphore, #tpu.memory_space<semaphore_mem>>) src(%dma_wait3A_171 : memref<50x80xi32, #tpu.memory_space<hbm>>) dst(%arg9 : memref<50x80xi32, #tpu.memory_space<vmem>>)
          tpu.yield
        }) : () -> ()
        "tpu.region"() ({
          %run_scoped3A = tpu.sem_alloc : memref<!tpu.dma_semaphore, #tpu.memory_space<semaphore_mem>>
          %dma_start3A_165 = arith.constant 0 : i32
          %dma_start3A_166 = tpu.memref_slice %arg7[%add3A_145, %dma_start3A_165] : memref<4000x80xi32, #tpu.memory_space<hbm>> -> memref<50x80xi32, #tpu.memory_space<hbm>>
          %dma_start3A_167 = arith.constant 0 : i32
          %dma_start3A_168 = tpu.memref_slice %arg7[%add3A_145, %dma_start3A_167] : memref<4000x80xi32, #tpu.memory_space<hbm>> -> memref<50x80xi32, #tpu.memory_space<hbm>>
          tpu.enqueue_dma source(%dma_start3A_168 : memref<50x80xi32, #tpu.memory_space<hbm>>) target(%arg10 : memref<50x80xi32, #tpu.memory_space<vmem>>) target_semaphore(%run_scoped3A : memref<!tpu.dma_semaphore, #tpu.memory_space<semaphore_mem>>)
          %dma_wait3A = arith.constant 0 : i32
          %dma_wait3A_169 = tpu.memref_slice %arg7[%add3A_145, %dma_wait3A] : memref<4000x80xi32, #tpu.memory_space<hbm>> -> memref<50x80xi32, #tpu.memory_space<hbm>>
          %dma_wait3A_170 = arith.constant 0 : i32
          %dma_wait3A_171 = tpu.memref_slice %arg7[%add3A_145, %dma_wait3A_170] : memref<4000x80xi32, #tpu.memory_space<hbm>> -> memref<50x80xi32, #tpu.memory_space<hbm>>
          tpu.wait_dma2 semaphore(%run_scoped3A : memref<!tpu.dma_semaphore, #tpu.memory_space<semaphore_mem>>) src(%dma_wait3A_171 : memref<50x80xi32, #tpu.memory_space<hbm>>) dst(%arg10 : memref<50x80xi32, #tpu.memory_space<vmem>>)
          tpu.yield
        }) : () -> ()
        %dma_start3A = arith.constant 0 : i32
        %dma_start3A_146 = arith.constant 0 : i32
        %dma_start3A_147 = tpu.memref_slice %arg9[%dma_start3A, %dma_start3A_146] : memref<50x80xi32, #tpu.memory_space<vmem>> -> memref<1x80xi32, #tpu.memory_space<vmem>>
        %dma_start3A_148 = tpu.memref_squeeze %dma_start3A_147 : memref<1x80xi32, #tpu.memory_space<vmem>> -> memref<80xi32, #tpu.memory_space<vmem>>
        %dma_start3A_149 = arith.constant 0 : i32
        %dma_start3A_150 = arith.constant 0 : i32
        %dma_start3A_151 = tpu.memref_slice %arg5[%dma_start3A_149, %dma_start3A_150] : memref<10000x128xf32, #tpu.memory_space<hbm>> -> memref<10000x128xf32, #tpu.memory_space<hbm>>
        tpu.enqueue_indirect_dma source(%dma_start3A_151 : memref<10000x128xf32, #tpu.memory_space<hbm>>) target(%arg11 : memref<80x128xf32, #tpu.memory_space<vmem>>) offsets(%dma_start3A_148 : memref<80xi32, #tpu.memory_space<vmem>>) semaphore(%arg18 : memref<!tpu.dma_semaphore, #tpu.memory_space<semaphore_mem>>)
        %dma_start3A_152 = arith.constant 0 : i32
        %dma_start3A_153 = arith.constant 0 : i32
        %dma_start3A_154 = tpu.memref_slice %arg10[%dma_start3A_152, %dma_start3A_153] : memref<50x80xi32, #tpu.memory_space<vmem>> -> memref<1x80xi32, #tpu.memory_space<vmem>>
        %dma_start3A_155 = tpu.memref_squeeze %dma_start3A_154 : memref<1x80xi32, #tpu.memory_space<vmem>> -> memref<80xi32, #tpu.memory_space<vmem>>
        %dma_start3A_156 = arith.constant 0 : i32
        %dma_start3A_157 = arith.constant 0 : i32
        %dma_start3A_158 = tpu.memref_slice %arg3[%dma_start3A_156, %dma_start3A_157] : memref<10000x64xf32, #tpu.memory_space<hbm>> -> memref<10000x64xf32, #tpu.memory_space<hbm>>
        tpu.enqueue_indirect_dma source(%dma_start3A_158 : memref<10000x64xf32, #tpu.memory_space<hbm>>) target(%arg13 : memref<80x64xf32, #tpu.memory_space<vmem>>) offsets(%dma_start3A_155 : memref<80xi32, #tpu.memory_space<vmem>>) semaphore(%arg18 : memref<!tpu.dma_semaphore, #tpu.memory_space<semaphore_mem>>)
        %scan3A_159 = arith.constant 0 : i32
        %scan3A_160 = arith.constant 0 : i32
        %scan3A_161 = arith.constant 25 : i32
        %scan3A_162 = arith.addi %scan3A_160, %scan3A_161 : i32
        %scan3A_163 = arith.constant 1 : i32
        scf.for %scan3A_165 = %scan3A_160 to %scan3A_162 step %scan3A_163  : i32 {
          %mul3A_166 = arith.constant 2 : i32
          %mul3A_167 = arith.muli %mul3A_166, %scan3A_165 : i32
          %add3A_168 = arith.constant 0 : i32
          %add3A_169 = arith.addi %mul3A_167, %add3A_168 : i32
          %add3A_170 = arith.constant 1 : i32
          %add3A_171 = arith.addi %add3A_169, %add3A_170 : i32
          %lt3A_172 = arith.constant 50 : i32
          %lt3A_173 = arith.cmpi slt, %add3A_171, %lt3A_172 : i32
          %convert_element_type3A_174 = arith.extui %lt3A_173 : i1 to i32
          %cond3A_175 = arith.constant 0 : i32
          %cond3A_176 = arith.cmpi ne, %convert_element_type3A_174, %cond3A_175 : i32
          scf.if %cond3A_176 {
            %add3A_223 = arith.constant 1 : i32
            %add3A_224 = arith.addi %add3A_169, %add3A_223 : i32
            %dma_start3A_225 = arith.constant 0 : i32
            %dma_start3A_226 = tpu.memref_slice %arg9[%add3A_224, %dma_start3A_225] : memref<50x80xi32, #tpu.memory_space<vmem>> -> memref<1x80xi32, #tpu.memory_space<vmem>>
            %dma_start3A_227 = tpu.memref_squeeze %dma_start3A_226 : memref<1x80xi32, #tpu.memory_space<vmem>> -> memref<80xi32, #tpu.memory_space<vmem>>
            %dma_start3A_228 = arith.constant 0 : i32
            %dma_start3A_229 = arith.constant 0 : i32
            %dma_start3A_230 = tpu.memref_slice %arg5[%dma_start3A_228, %dma_start3A_229] : memref<10000x128xf32, #tpu.memory_space<hbm>> -> memref<10000x128xf32, #tpu.memory_space<hbm>>
            tpu.enqueue_indirect_dma source(%dma_start3A_230 : memref<10000x128xf32, #tpu.memory_space<hbm>>) target(%arg12 : memref<80x128xf32, #tpu.memory_space<vmem>>) offsets(%dma_start3A_227 : memref<80xi32, #tpu.memory_space<vmem>>) semaphore(%arg19 : memref<!tpu.dma_semaphore, #tpu.memory_space<semaphore_mem>>)
            %dma_start3A_231 = arith.constant 0 : i32
            %dma_start3A_232 = tpu.memref_slice %arg10[%add3A_224, %dma_start3A_231] : memref<50x80xi32, #tpu.memory_space<vmem>> -> memref<1x80xi32, #tpu.memory_space<vmem>>
            %dma_start3A_233 = tpu.memref_squeeze %dma_start3A_232 : memref<1x80xi32, #tpu.memory_space<vmem>> -> memref<80xi32, #tpu.memory_space<vmem>>
            %dma_start3A_234 = arith.constant 0 : i32
            %dma_start3A_235 = arith.constant 0 : i32
            %dma_start3A_236 = tpu.memref_slice %arg3[%dma_start3A_234, %dma_start3A_235] : memref<10000x64xf32, #tpu.memory_space<hbm>> -> memref<10000x64xf32, #tpu.memory_space<hbm>>
            tpu.enqueue_indirect_dma source(%dma_start3A_236 : memref<10000x64xf32, #tpu.memory_space<hbm>>) target(%arg14 : memref<80x64xf32, #tpu.memory_space<vmem>>) offsets(%dma_start3A_233 : memref<80xi32, #tpu.memory_space<vmem>>) semaphore(%arg19 : memref<!tpu.dma_semaphore, #tpu.memory_space<semaphore_mem>>)
          } else {
          }
          %dma_wait3A = arith.constant 0 : i32
          %dma_wait3A_177 = tpu.memref_slice %arg9[%add3A_169, %dma_wait3A] : memref<50x80xi32, #tpu.memory_space<vmem>> -> memref<1x80xi32, #tpu.memory_space<vmem>>
          %dma_wait3A_178 = tpu.memref_squeeze %dma_wait3A_177 : memref<1x80xi32, #tpu.memory_space<vmem>> -> memref<80xi32, #tpu.memory_space<vmem>>
          %dma_wait3A_179 = arith.constant 0 : i32
          %dma_wait3A_180 = arith.constant 0 : i32
          %dma_wait3A_181 = tpu.memref_slice %arg5[%dma_wait3A_179, %dma_wait3A_180] : memref<10000x128xf32, #tpu.memory_space<hbm>> -> memref<10000x128xf32, #tpu.memory_space<hbm>>
          tpu.wait_indirect_dma semaphore(%arg18 : memref<!tpu.dma_semaphore, #tpu.memory_space<semaphore_mem>>) src(%dma_wait3A_181 : memref<10000x128xf32, #tpu.memory_space<hbm>>) dst(%arg11 : memref<80x128xf32, #tpu.memory_space<vmem>>)
          %dma_wait3A_182 = arith.constant 0 : i32
          %dma_wait3A_183 = tpu.memref_slice %arg10[%add3A_169, %dma_wait3A_182] : memref<50x80xi32, #tpu.memory_space<vmem>> -> memref<1x80xi32, #tpu.memory_space<vmem>>
          %dma_wait3A_184 = tpu.memref_squeeze %dma_wait3A_183 : memref<1x80xi32, #tpu.memory_space<vmem>> -> memref<80xi32, #tpu.memory_space<vmem>>
          %dma_wait3A_185 = arith.constant 0 : i32
          %dma_wait3A_186 = arith.constant 0 : i32
          %dma_wait3A_187 = tpu.memref_slice %arg3[%dma_wait3A_185, %dma_wait3A_186] : memref<10000x64xf32, #tpu.memory_space<hbm>> -> memref<10000x64xf32, #tpu.memory_space<hbm>>
          tpu.wait_indirect_dma semaphore(%arg18 : memref<!tpu.dma_semaphore, #tpu.memory_space<semaphore_mem>>) src(%dma_wait3A_187 : memref<10000x64xf32, #tpu.memory_space<hbm>>) dst(%arg13 : memref<80x64xf32, #tpu.memory_space<vmem>>)
          %scan3A_188 = arith.constant 0 : i32
          %scan3A_189 = arith.constant 0 : i32
          %scan3A_190 = arith.constant 40 : i32
          %scan3A_191 = arith.addi %scan3A_189, %scan3A_190 : i32
          %scan3A_192 = arith.constant 1 : i32
          scf.for %scan3A_223 = %scan3A_189 to %scan3A_191 step %scan3A_192  : i32 {
            %mul3A_224 = arith.constant 2 : i32
            %mul3A_225 = arith.muli %mul3A_224, %scan3A_223 : i32
            %mul3A_226 = arith.constant 2 : i32
            %mul3A_227 = arith.muli %mul3A_226, %scan3A_223 : i32
            %add3A_228 = arith.constant 1 : i32
            %add3A_229 = arith.addi %mul3A_227, %add3A_228 : i32
            %get3A = arith.index_cast %mul3A_225 : i32 to index
            %get3A_230 = arith.constant 0 : index
            %get3A_231 = tpu.vector_load %arg11[%get3A, %get3A_230] {strides = array<i32>} : memref<80x128xf32, #tpu.memory_space<vmem>>, vector<1x16xf32>,
            %get3A_232 = vector.shape_cast %get3A_231 : vector<1x16xf32> to vector<16xf32>
            %get3A_233 = arith.index_cast %mul3A_225 : i32 to index
            %get3A_234 = arith.constant 0 : index
            %get3A_235 = tpu.vector_load %arg13[%get3A_233, %get3A_234] {strides = array<i32>} : memref<80x64xf32, #tpu.memory_space<vmem>>, vector<1x16xf32>,
            %get3A_236 = vector.shape_cast %get3A_235 : vector<1x16xf32> to vector<16xf32>
            %get3A_237 = arith.index_cast %mul3A_225 : i32 to index
            %get3A_238 = arith.constant 64 : index
            %get3A_239 = tpu.vector_load %arg11[%get3A_237, %get3A_238] {strides = array<i32>} : memref<80x128xf32, #tpu.memory_space<vmem>>, vector<1x16xf32>,
            %get3A_240 = vector.shape_cast %get3A_239 : vector<1x16xf32> to vector<16xf32>
            %get3A_241 = arith.index_cast %mul3A_225 : i32 to index
            %get3A_242 = arith.constant 16 : index
            %get3A_243 = tpu.vector_load %arg11[%get3A_241, %get3A_242] {strides = array<i32>} : memref<80x128xf32, #tpu.memory_space<vmem>>, vector<1x16xf32>,
            %get3A_244 = vector.shape_cast %get3A_243 : vector<1x16xf32> to vector<16xf32>
            %get3A_245 = arith.index_cast %mul3A_225 : i32 to index
            %get3A_246 = arith.constant 16 : index
            %get3A_247 = tpu.vector_load %arg13[%get3A_245, %get3A_246] {strides = array<i32>} : memref<80x64xf32, #tpu.memory_space<vmem>>, vector<1x16xf32>,
            %get3A_248 = vector.shape_cast %get3A_247 : vector<1x16xf32> to vector<16xf32>
            %get3A_249 = arith.index_cast %mul3A_225 : i32 to index
            %get3A_250 = arith.constant 80 : index
            %get3A_251 = tpu.vector_load %arg11[%get3A_249, %get3A_250] {strides = array<i32>} : memref<80x128xf32, #tpu.memory_space<vmem>>, vector<1x16xf32>,
            %get3A_252 = vector.shape_cast %get3A_251 : vector<1x16xf32> to vector<16xf32>
            %get3A_253 = arith.index_cast %mul3A_225 : i32 to index
            %get3A_254 = arith.constant 32 : index
            %get3A_255 = tpu.vector_load %arg11[%get3A_253, %get3A_254] {strides = array<i32>} : memref<80x128xf32, #tpu.memory_space<vmem>>, vector<1x16xf32>,
            %get3A_256 = vector.shape_cast %get3A_255 : vector<1x16xf32> to vector<16xf32>
            %get3A_257 = arith.index_cast %mul3A_225 : i32 to index
            %get3A_258 = arith.constant 32 : index
            %get3A_259 = tpu.vector_load %arg13[%get3A_257, %get3A_258] {strides = array<i32>} : memref<80x64xf32, #tpu.memory_space<vmem>>, vector<1x16xf32>,
            %get3A_260 = vector.shape_cast %get3A_259 : vector<1x16xf32> to vector<16xf32>
            %get3A_261 = arith.index_cast %mul3A_225 : i32 to index
            %get3A_262 = arith.constant 96 : index
            %get3A_263 = tpu.vector_load %arg11[%get3A_261, %get3A_262] {strides = array<i32>} : memref<80x128xf32, #tpu.memory_space<vmem>>, vector<1x16xf32>,
            %get3A_264 = vector.shape_cast %get3A_263 : vector<1x16xf32> to vector<16xf32>
            %get3A_265 = arith.index_cast %mul3A_225 : i32 to index
            %get3A_266 = arith.constant 48 : index
            %get3A_267 = tpu.vector_load %arg11[%get3A_265, %get3A_266] {strides = array<i32>} : memref<80x128xf32, #tpu.memory_space<vmem>>, vector<1x16xf32>,
            %get3A_268 = vector.shape_cast %get3A_267 : vector<1x16xf32> to vector<16xf32>
            %get3A_269 = arith.index_cast %mul3A_225 : i32 to index
            %get3A_270 = arith.constant 48 : index
            %get3A_271 = tpu.vector_load %arg13[%get3A_269, %get3A_270] {strides = array<i32>} : memref<80x64xf32, #tpu.memory_space<vmem>>, vector<1x16xf32>,
            %get3A_272 = vector.shape_cast %get3A_271 : vector<1x16xf32> to vector<16xf32>
            %get3A_273 = arith.index_cast %mul3A_225 : i32 to index
            %get3A_274 = arith.constant 112 : index
            %get3A_275 = tpu.vector_load %arg11[%get3A_273, %get3A_274] {strides = array<i32>} : memref<80x128xf32, #tpu.memory_space<vmem>>, vector<1x16xf32>,
            %get3A_276 = vector.shape_cast %get3A_275 : vector<1x16xf32> to vector<16xf32>
            %get3A_277 = arith.index_cast %add3A_229 : i32 to index
            %get3A_278 = arith.constant 0 : index
            %get3A_279 = tpu.vector_load %arg11[%get3A_277, %get3A_278] {strides = array<i32>} : memref<80x128xf32, #tpu.memory_space<vmem>>, vector<1x16xf32>,
            %get3A_280 = vector.shape_cast %get3A_279 : vector<1x16xf32> to vector<16xf32>
            %get3A_281 = arith.index_cast %add3A_229 : i32 to index
            %get3A_282 = arith.constant 0 : index
            %get3A_283 = tpu.vector_load %arg13[%get3A_281, %get3A_282] {strides = array<i32>} : memref<80x64xf32, #tpu.memory_space<vmem>>, vector<1x16xf32>,
            %get3A_284 = vector.shape_cast %get3A_283 : vector<1x16xf32> to vector<16xf32>
            %get3A_285 = arith.index_cast %add3A_229 : i32 to index
            %get3A_286 = arith.constant 64 : index
            %get3A_287 = tpu.vector_load %arg11[%get3A_285, %get3A_286] {strides = array<i32>} : memref<80x128xf32, #tpu.memory_space<vmem>>, vector<1x16xf32>,
            %get3A_288 = vector.shape_cast %get3A_287 : vector<1x16xf32> to vector<16xf32>
            %get3A_289 = arith.index_cast %add3A_229 : i32 to index
            %get3A_290 = arith.constant 16 : index
            %get3A_291 = tpu.vector_load %arg11[%get3A_289, %get3A_290] {strides = array<i32>} : memref<80x128xf32, #tpu.memory_space<vmem>>, vector<1x16xf32>,
            %get3A_292 = vector.shape_cast %get3A_291 : vector<1x16xf32> to vector<16xf32>
            %get3A_293 = arith.index_cast %add3A_229 : i32 to index
            %get3A_294 = arith.constant 16 : index
            %get3A_295 = tpu.vector_load %arg13[%get3A_293, %get3A_294] {strides = array<i32>} : memref<80x64xf32, #tpu.memory_space<vmem>>, vector<1x16xf32>,
            %get3A_296 = vector.shape_cast %get3A_295 : vector<1x16xf32> to vector<16xf32>
            %get3A_297 = arith.index_cast %add3A_229 : i32 to index
            %get3A_298 = arith.constant 80 : index
            %get3A_299 = tpu.vector_load %arg11[%get3A_297, %get3A_298] {strides = array<i32>} : memref<80x128xf32, #tpu.memory_space<vmem>>, vector<1x16xf32>,
            %get3A_300 = vector.shape_cast %get3A_299 : vector<1x16xf32> to vector<16xf32>
            %get3A_301 = arith.index_cast %add3A_229 : i32 to index
            %get3A_302 = arith.constant 32 : index
            %get3A_303 = tpu.vector_load %arg11[%get3A_301, %get3A_302] {strides = array<i32>} : memref<80x128xf32, #tpu.memory_space<vmem>>, vector<1x16xf32>,
            %get3A_304 = vector.shape_cast %get3A_303 : vector<1x16xf32> to vector<16xf32>
            %get3A_305 = arith.index_cast %add3A_229 : i32 to index
            %get3A_306 = arith.constant 32 : index
            %get3A_307 = tpu.vector_load %arg13[%get3A_305, %get3A_306] {strides = array<i32>} : memref<80x64xf32, #tpu.memory_space<vmem>>, vector<1x16xf32>,
            %get3A_308 = vector.shape_cast %get3A_307 : vector<1x16xf32> to vector<16xf32>
            %get3A_309 = arith.index_cast %add3A_229 : i32 to index
            %get3A_310 = arith.constant 96 : index
            %get3A_311 = tpu.vector_load %arg11[%get3A_309, %get3A_310] {strides = array<i32>} : memref<80x128xf32, #tpu.memory_space<vmem>>, vector<1x16xf32>,
            %get3A_312 = vector.shape_cast %get3A_311 : vector<1x16xf32> to vector<16xf32>
            %get3A_313 = arith.index_cast %add3A_229 : i32 to index
            %get3A_314 = arith.constant 48 : index
            %get3A_315 = tpu.vector_load %arg11[%get3A_313, %get3A_314] {strides = array<i32>} : memref<80x128xf32, #tpu.memory_space<vmem>>, vector<1x16xf32>,
            %get3A_316 = vector.shape_cast %get3A_315 : vector<1x16xf32> to vector<16xf32>
            %get3A_317 = arith.index_cast %add3A_229 : i32 to index
            %get3A_318 = arith.constant 48 : index
            %get3A_319 = tpu.vector_load %arg13[%get3A_317, %get3A_318] {strides = array<i32>} : memref<80x64xf32, #tpu.memory_space<vmem>>, vector<1x16xf32>,
            %get3A_320 = vector.shape_cast %get3A_319 : vector<1x16xf32> to vector<16xf32>
            %get3A_321 = arith.index_cast %add3A_229 : i32 to index
            %get3A_322 = arith.constant 112 : index
            %get3A_323 = tpu.vector_load %arg11[%get3A_321, %get3A_322] {strides = array<i32>} : memref<80x128xf32, #tpu.memory_space<vmem>>, vector<1x16xf32>,
            %get3A_324 = vector.shape_cast %get3A_323 : vector<1x16xf32> to vector<16xf32>
            %broadcast_in_dim3A_325 = arith.constant 0.000000e+00 : f32
            %broadcast_in_dim3A_326 = vector.broadcast %broadcast_in_dim3A_325 : f32 to vector<16xf32>
            %mul3A_327 = arith.mulf %get3A_232, %get3A_236 : vector<16xf32>
            %broadcast_in_dim3A_328 = vector.shape_cast %xor3A_125 : vector<16xi32> to vector<16x1xi32>
            %gather3A = vector.shape_cast %broadcast_in_dim3A_328 : vector<16x1xi32> to vector<16xi32>
            %gather3A_329 = tpu.dynamic_gather %mul3A_327[%gather3A] in [0] : vector<16xf32>, vector<16xi32> -> vector<16xf32>
            %add3A_330 = arith.addf %mul3A_327, %gather3A_329 : vector<16xf32>
            %broadcast_in_dim3A_331 = vector.shape_cast %xor3A_128 : vector<16xi32> to vector<16x1xi32>
            %gather3A_332 = vector.shape_cast %broadcast_in_dim3A_331 : vector<16x1xi32> to vector<16xi32>
            %gather3A_333 = tpu.dynamic_gather %add3A_330[%gather3A_332] in [0] : vector<16xf32>, vector<16xi32> -> vector<16xf32>
            %add3A_334 = arith.addf %add3A_330, %gather3A_333 : vector<16xf32>
            %broadcast_in_dim3A_335 = vector.shape_cast %xor3A_131 : vector<16xi32> to vector<16x1xi32>
            %gather3A_336 = vector.shape_cast %broadcast_in_dim3A_335 : vector<16x1xi32> to vector<16xi32>
            %gather3A_337 = tpu.dynamic_gather %add3A_334[%gather3A_336] in [0] : vector<16xf32>, vector<16xi32> -> vector<16xf32>
            %add3A_338 = arith.addf %add3A_334, %gather3A_337 : vector<16xf32>
            %broadcast_in_dim3A_339 = vector.shape_cast %xor3A_134 : vector<16xi32> to vector<16x1xi32>
            %gather3A_340 = vector.shape_cast %broadcast_in_dim3A_339 : vector<16x1xi32> to vector<16xi32>
            %gather3A_341 = tpu.dynamic_gather %add3A_338[%gather3A_340] in [0] : vector<16xf32>, vector<16xi32> -> vector<16xf32>
            %add3A_342 = arith.addf %add3A_338, %gather3A_341 : vector<16xf32>
            %mul3A_343 = arith.constant 2.500000e-01 : f32
            %mul3A_344 = vector.broadcast %mul3A_343 : f32 to vector<16xf32>
            %mul3A_345 = arith.mulf %add3A_342, %mul3A_344 : vector<16xf32>
            %jit3A = arith.constant -5.000000e+00 : f32
            %jit3A_346 = arith.constant 5.000000e+00 : f32
            %max3A = vector.broadcast %jit3A : f32 to vector<16xf32>
            %max3A_347 = arith.maximumf %max3A, %mul3A_345 : vector<16xf32>
            %min3A = vector.broadcast %jit3A_346 : f32 to vector<16xf32>
            %min3A_348 = arith.minimumf %min3A, %max3A_347 : vector<16xf32>
            %exp3A = math.exp %min3A_348 : vector<16xf32>
            %mul3A_349 = arith.mulf %get3A_240, %exp3A : vector<16xf32>
            %eq3A_350 = arith.constant 0 : i32
            %eq3A_351 = vector.broadcast %eq3A_350 : i32 to vector<16xi32>
            %eq3A_352 = arith.cmpi eq, %iota3A, %eq3A_351 : vector<16xi32>
            %select_n3A = arith.select %eq3A_352, %exp3A, %broadcast_in_dim3A_326 : vector<16xi1>, vector<16xf32>
            %mul3A_353 = arith.mulf %get3A_244, %get3A_248 : vector<16xf32>
            %broadcast_in_dim3A_354 = vector.shape_cast %xor3A_125 : vector<16xi32> to vector<16x1xi32>
            %gather3A_355 = vector.shape_cast %broadcast_in_dim3A_354 : vector<16x1xi32> to vector<16xi32>
            %gather3A_356 = tpu.dynamic_gather %mul3A_353[%gather3A_355] in [0] : vector<16xf32>, vector<16xi32> -> vector<16xf32>
            %add3A_357 = arith.addf %mul3A_353, %gather3A_356 : vector<16xf32>
            %broadcast_in_dim3A_358 = vector.shape_cast %xor3A_128 : vector<16xi32> to vector<16x1xi32>
            %gather3A_359 = vector.shape_cast %broadcast_in_dim3A_358 : vector<16x1xi32> to vector<16xi32>
            %gather3A_360 = tpu.dynamic_gather %add3A_357[%gather3A_359] in [0] : vector<16xf32>, vector<16xi32> -> vector<16xf32>
            %add3A_361 = arith.addf %add3A_357, %gather3A_360 : vector<16xf32>
            %broadcast_in_dim3A_362 = vector.shape_cast %xor3A_131 : vector<16xi32> to vector<16x1xi32>
            %gather3A_363 = vector.shape_cast %broadcast_in_dim3A_362 : vector<16x1xi32> to vector<16xi32>
            %gather3A_364 = tpu.dynamic_gather %add3A_361[%gather3A_363] in [0] : vector<16xf32>, vector<16xi32> -> vector<16xf32>
            %add3A_365 = arith.addf %add3A_361, %gather3A_364 : vector<16xf32>
            %broadcast_in_dim3A_366 = vector.shape_cast %xor3A_134 : vector<16xi32> to vector<16x1xi32>
            %gather3A_367 = vector.shape_cast %broadcast_in_dim3A_366 : vector<16x1xi32> to vector<16xi32>
            %gather3A_368 = tpu.dynamic_gather %add3A_365[%gather3A_367] in [0] : vector<16xf32>, vector<16xi32> -> vector<16xf32>
            %add3A_369 = arith.addf %add3A_365, %gather3A_368 : vector<16xf32>
            %mul3A_370 = arith.constant 2.500000e-01 : f32
            %mul3A_371 = vector.broadcast %mul3A_370 : f32 to vector<16xf32>
            %mul3A_372 = arith.mulf %add3A_369, %mul3A_371 : vector<16xf32>
            %jit3A_373 = arith.constant -5.000000e+00 : f32
            %jit3A_374 = arith.constant 5.000000e+00 : f32
            %max3A_375 = vector.broadcast %jit3A_373 : f32 to vector<16xf32>
            %max3A_376 = arith.maximumf %max3A_375, %mul3A_372 : vector<16xf32>
            %min3A_377 = vector.broadcast %jit3A_374 : f32 to vector<16xf32>
            %min3A_378 = arith.minimumf %min3A_377, %max3A_376 : vector<16xf32>
            %exp3A_379 = math.exp %min3A_378 : vector<16xf32>
            %mul3A_380 = arith.mulf %get3A_252, %exp3A_379 : vector<16xf32>
            %eq3A_381 = arith.constant 1 : i32
            %eq3A_382 = vector.broadcast %eq3A_381 : i32 to vector<16xi32>
            %eq3A_383 = arith.cmpi eq, %iota3A, %eq3A_382 : vector<16xi32>
            %select_n3A_384 = arith.select %eq3A_383, %exp3A_379, %select_n3A : vector<16xi1>, vector<16xf32>
            %mul3A_385 = arith.mulf %get3A_256, %get3A_260 : vector<16xf32>
            %broadcast_in_dim3A_386 = vector.shape_cast %xor3A_125 : vector<16xi32> to vector<16x1xi32>
            %gather3A_387 = vector.shape_cast %broadcast_in_dim3A_386 : vector<16x1xi32> to vector<16xi32>
            %gather3A_388 = tpu.dynamic_gather %mul3A_385[%gather3A_387] in [0] : vector<16xf32>, vector<16xi32> -> vector<16xf32>
            %add3A_389 = arith.addf %mul3A_385, %gather3A_388 : vector<16xf32>
            %broadcast_in_dim3A_390 = vector.shape_cast %xor3A_128 : vector<16xi32> to vector<16x1xi32>
            %gather3A_391 = vector.shape_cast %broadcast_in_dim3A_390 : vector<16x1xi32> to vector<16xi32>
            %gather3A_392 = tpu.dynamic_gather %add3A_389[%gather3A_391] in [0] : vector<16xf32>, vector<16xi32> -> vector<16xf32>
            %add3A_393 = arith.addf %add3A_389, %gather3A_392 : vector<16xf32>
            %broadcast_in_dim3A_394 = vector.shape_cast %xor3A_131 : vector<16xi32> to vector<16x1xi32>
            %gather3A_395 = vector.shape_cast %broadcast_in_dim3A_394 : vector<16x1xi32> to vector<16xi32>
            %gather3A_396 = tpu.dynamic_gather %add3A_393[%gather3A_395] in [0] : vector<16xf32>, vector<16xi32> -> vector<16xf32>
            %add3A_397 = arith.addf %add3A_393, %gather3A_396 : vector<16xf32>
            %broadcast_in_dim3A_398 = vector.shape_cast %xor3A_134 : vector<16xi32> to vector<16x1xi32>
            %gather3A_399 = vector.shape_cast %broadcast_in_dim3A_398 : vector<16x1xi32> to vector<16xi32>
            %gather3A_400 = tpu.dynamic_gather %add3A_397[%gather3A_399] in [0] : vector<16xf32>, vector<16xi32> -> vector<16xf32>
            %add3A_401 = arith.addf %add3A_397, %gather3A_400 : vector<16xf32>
            %mul3A_402 = arith.constant 2.500000e-01 : f32
            %mul3A_403 = vector.broadcast %mul3A_402 : f32 to vector<16xf32>
            %mul3A_404 = arith.mulf %add3A_401, %mul3A_403 : vector<16xf32>
            %jit3A_405 = arith.constant -5.000000e+00 : f32
            %jit3A_406 = arith.constant 5.000000e+00 : f32
            %max3A_407 = vector.broadcast %jit3A_405 : f32 to vector<16xf32>
            %max3A_408 = arith.maximumf %max3A_407, %mul3A_404 : vector<16xf32>
            %min3A_409 = vector.broadcast %jit3A_406 : f32 to vector<16xf32>
            %min3A_410 = arith.minimumf %min3A_409, %max3A_408 : vector<16xf32>
            %exp3A_411 = math.exp %min3A_410 : vector<16xf32>
            %mul3A_412 = arith.mulf %get3A_264, %exp3A_411 : vector<16xf32>
            %eq3A_413 = arith.constant 2 : i32
            %eq3A_414 = vector.broadcast %eq3A_413 : i32 to vector<16xi32>
            %eq3A_415 = arith.cmpi eq, %iota3A, %eq3A_414 : vector<16xi32>
            %select_n3A_416 = arith.select %eq3A_415, %exp3A_411, %select_n3A_384 : vector<16xi1>, vector<16xf32>
            %mul3A_417 = arith.mulf %get3A_268, %get3A_272 : vector<16xf32>
            %broadcast_in_dim3A_418 = vector.shape_cast %xor3A_125 : vector<16xi32> to vector<16x1xi32>
            %gather3A_419 = vector.shape_cast %broadcast_in_dim3A_418 : vector<16x1xi32> to vector<16xi32>
            %gather3A_420 = tpu.dynamic_gather %mul3A_417[%gather3A_419] in [0] : vector<16xf32>, vector<16xi32> -> vector<16xf32>
            %add3A_421 = arith.addf %mul3A_417, %gather3A_420 : vector<16xf32>
            %broadcast_in_dim3A_422 = vector.shape_cast %xor3A_128 : vector<16xi32> to vector<16x1xi32>
            %gather3A_423 = vector.shape_cast %broadcast_in_dim3A_422 : vector<16x1xi32> to vector<16xi32>
            %gather3A_424 = tpu.dynamic_gather %add3A_421[%gather3A_423] in [0] : vector<16xf32>, vector<16xi32> -> vector<16xf32>
            %add3A_425 = arith.addf %add3A_421, %gather3A_424 : vector<16xf32>
            %broadcast_in_dim3A_426 = vector.shape_cast %xor3A_131 : vector<16xi32> to vector<16x1xi32>
            %gather3A_427 = vector.shape_cast %broadcast_in_dim3A_426 : vector<16x1xi32> to vector<16xi32>
            %gather3A_428 = tpu.dynamic_gather %add3A_425[%gather3A_427] in [0] : vector<16xf32>, vector<16xi32> -> vector<16xf32>
            %add3A_429 = arith.addf %add3A_425, %gather3A_428 : vector<16xf32>
            %broadcast_in_dim3A_430 = vector.shape_cast %xor3A_134 : vector<16xi32> to vector<16x1xi32>
            %gather3A_431 = vector.shape_cast %broadcast_in_dim3A_430 : vector<16x1xi32> to vector<16xi32>
            %gather3A_432 = tpu.dynamic_gather %add3A_429[%gather3A_431] in [0] : vector<16xf32>, vector<16xi32> -> vector<16xf32>
            %add3A_433 = arith.addf %add3A_429, %gather3A_432 : vector<16xf32>
            %mul3A_434 = arith.constant 2.500000e-01 : f32
            %mul3A_435 = vector.broadcast %mul3A_434 : f32 to vector<16xf32>
            %mul3A_436 = arith.mulf %add3A_433, %mul3A_435 : vector<16xf32>
            %jit3A_437 = arith.constant -5.000000e+00 : f32
            %jit3A_438 = arith.constant 5.000000e+00 : f32
            %max3A_439 = vector.broadcast %jit3A_437 : f32 to vector<16xf32>
            %max3A_440 = arith.maximumf %max3A_439, %mul3A_436 : vector<16xf32>
            %min3A_441 = vector.broadcast %jit3A_438 : f32 to vector<16xf32>
            %min3A_442 = arith.minimumf %min3A_441, %max3A_440 : vector<16xf32>
            %exp3A_443 = math.exp %min3A_442 : vector<16xf32>
            %mul3A_444 = arith.mulf %get3A_276, %exp3A_443 : vector<16xf32>
            %eq3A_445 = arith.constant 3 : i32
            %eq3A_446 = vector.broadcast %eq3A_445 : i32 to vector<16xi32>
            %eq3A_447 = arith.cmpi eq, %iota3A, %eq3A_446 : vector<16xi32>
            %select_n3A_448 = arith.select %eq3A_447, %exp3A_443, %select_n3A_416 : vector<16xi1>, vector<16xf32>
            %broadcast_in_dim3A_449 = arith.constant 0.000000e+00 : f32
            %broadcast_in_dim3A_450 = vector.broadcast %broadcast_in_dim3A_449 : f32 to vector<16xf32>
            %mul3A_451 = arith.mulf %get3A_280, %get3A_284 : vector<16xf32>
            %broadcast_in_dim3A_452 = vector.shape_cast %xor3A_125 : vector<16xi32> to vector<16x1xi32>
            %gather3A_453 = vector.shape_cast %broadcast_in_dim3A_452 : vector<16x1xi32> to vector<16xi32>
            %gather3A_454 = tpu.dynamic_gather %mul3A_451[%gather3A_453] in [0] : vector<16xf32>, vector<16xi32> -> vector<16xf32>
            %add3A_455 = arith.addf %mul3A_451, %gather3A_454 : vector<16xf32>
            %broadcast_in_dim3A_456 = vector.shape_cast %xor3A_128 : vector<16xi32> to vector<16x1xi32>
            %gather3A_457 = vector.shape_cast %broadcast_in_dim3A_456 : vector<16x1xi32> to vector<16xi32>
            %gather3A_458 = tpu.dynamic_gather %add3A_455[%gather3A_457] in [0] : vector<16xf32>, vector<16xi32> -> vector<16xf32>
            %add3A_459 = arith.addf %add3A_455, %gather3A_458 : vector<16xf32>
            %broadcast_in_dim3A_460 = vector.shape_cast %xor3A_131 : vector<16xi32> to vector<16x1xi32>
            %gather3A_461 = vector.shape_cast %broadcast_in_dim3A_460 : vector<16x1xi32> to vector<16xi32>
            %gather3A_462 = tpu.dynamic_gather %add3A_459[%gather3A_461] in [0] : vector<16xf32>, vector<16xi32> -> vector<16xf32>
            %add3A_463 = arith.addf %add3A_459, %gather3A_462 : vector<16xf32>
            %broadcast_in_dim3A_464 = vector.shape_cast %xor3A_134 : vector<16xi32> to vector<16x1xi32>
            %gather3A_465 = vector.shape_cast %broadcast_in_dim3A_464 : vector<16x1xi32> to vector<16xi32>
            %gather3A_466 = tpu.dynamic_gather %add3A_463[%gather3A_465] in [0] : vector<16xf32>, vector<16xi32> -> vector<16xf32>
            %add3A_467 = arith.addf %add3A_463, %gather3A_466 : vector<16xf32>
            %mul3A_468 = arith.constant 2.500000e-01 : f32
            %mul3A_469 = vector.broadcast %mul3A_468 : f32 to vector<16xf32>
            %mul3A_470 = arith.mulf %add3A_467, %mul3A_469 : vector<16xf32>
            %jit3A_471 = arith.constant -5.000000e+00 : f32
            %jit3A_472 = arith.constant 5.000000e+00 : f32
            %max3A_473 = vector.broadcast %jit3A_471 : f32 to vector<16xf32>
            %max3A_474 = arith.maximumf %max3A_473, %mul3A_470 : vector<16xf32>
            %min3A_475 = vector.broadcast %jit3A_472 : f32 to vector<16xf32>
            %min3A_476 = arith.minimumf %min3A_475, %max3A_474 : vector<16xf32>
            %exp3A_477 = math.exp %min3A_476 : vector<16xf32>
            %mul3A_478 = arith.mulf %get3A_288, %exp3A_477 : vector<16xf32>
            %eq3A_479 = arith.constant 0 : i32
            %eq3A_480 = vector.broadcast %eq3A_479 : i32 to vector<16xi32>
            %eq3A_481 = arith.cmpi eq, %iota3A, %eq3A_480 : vector<16xi32>
            %select_n3A_482 = arith.select %eq3A_481, %exp3A_477, %broadcast_in_dim3A_450 : vector<16xi1>, vector<16xf32>
            %mul3A_483 = arith.mulf %get3A_292, %get3A_296 : vector<16xf32>
            %broadcast_in_dim3A_484 = vector.shape_cast %xor3A_125 : vector<16xi32> to vector<16x1xi32>
            %gather3A_485 = vector.shape_cast %broadcast_in_dim3A_484 : vector<16x1xi32> to vector<16xi32>
            %gather3A_486 = tpu.dynamic_gather %mul3A_483[%gather3A_485] in [0] : vector<16xf32>, vector<16xi32> -> vector<16xf32>
            %add3A_487 = arith.addf %mul3A_483, %gather3A_486 : vector<16xf32>
            %broadcast_in_dim3A_488 = vector.shape_cast %xor3A_128 : vector<16xi32> to vector<16x1xi32>
            %gather3A_489 = vector.shape_cast %broadcast_in_dim3A_488 : vector<16x1xi32> to vector<16xi32>
            %gather3A_490 = tpu.dynamic_gather %add3A_487[%gather3A_489] in [0] : vector<16xf32>, vector<16xi32> -> vector<16xf32>
            %add3A_491 = arith.addf %add3A_487, %gather3A_490 : vector<16xf32>
            %broadcast_in_dim3A_492 = vector.shape_cast %xor3A_131 : vector<16xi32> to vector<16x1xi32>
            %gather3A_493 = vector.shape_cast %broadcast_in_dim3A_492 : vector<16x1xi32> to vector<16xi32>
            %gather3A_494 = tpu.dynamic_gather %add3A_491[%gather3A_493] in [0] : vector<16xf32>, vector<16xi32> -> vector<16xf32>
            %add3A_495 = arith.addf %add3A_491, %gather3A_494 : vector<16xf32>
            %broadcast_in_dim3A_496 = vector.shape_cast %xor3A_134 : vector<16xi32> to vector<16x1xi32>
            %gather3A_497 = vector.shape_cast %broadcast_in_dim3A_496 : vector<16x1xi32> to vector<16xi32>
            %gather3A_498 = tpu.dynamic_gather %add3A_495[%gather3A_497] in [0] : vector<16xf32>, vector<16xi32> -> vector<16xf32>
            %add3A_499 = arith.addf %add3A_495, %gather3A_498 : vector<16xf32>
            %mul3A_500 = arith.constant 2.500000e-01 : f32
            %mul3A_501 = vector.broadcast %mul3A_500 : f32 to vector<16xf32>
            %mul3A_502 = arith.mulf %add3A_499, %mul3A_501 : vector<16xf32>
            %jit3A_503 = arith.constant -5.000000e+00 : f32
            %jit3A_504 = arith.constant 5.000000e+00 : f32
            %max3A_505 = vector.broadcast %jit3A_503 : f32 to vector<16xf32>
            %max3A_506 = arith.maximumf %max3A_505, %mul3A_502 : vector<16xf32>
            %min3A_507 = vector.broadcast %jit3A_504 : f32 to vector<16xf32>
            %min3A_508 = arith.minimumf %min3A_507, %max3A_506 : vector<16xf32>
            %exp3A_509 = math.exp %min3A_508 : vector<16xf32>
            %mul3A_510 = arith.mulf %get3A_300, %exp3A_509 : vector<16xf32>
            %eq3A_511 = arith.constant 1 : i32
            %eq3A_512 = vector.broadcast %eq3A_511 : i32 to vector<16xi32>
            %eq3A_513 = arith.cmpi eq, %iota3A, %eq3A_512 : vector<16xi32>
            %select_n3A_514 = arith.select %eq3A_513, %exp3A_509, %select_n3A_482 : vector<16xi1>, vector<16xf32>
            %mul3A_515 = arith.mulf %get3A_304, %get3A_308 : vector<16xf32>
            %broadcast_in_dim3A_516 = vector.shape_cast %xor3A_125 : vector<16xi32> to vector<16x1xi32>
            %gather3A_517 = vector.shape_cast %broadcast_in_dim3A_516 : vector<16x1xi32> to vector<16xi32>
            %gather3A_518 = tpu.dynamic_gather %mul3A_515[%gather3A_517] in [0] : vector<16xf32>, vector<16xi32> -> vector<16xf32>
            %add3A_519 = arith.addf %mul3A_515, %gather3A_518 : vector<16xf32>
            %broadcast_in_dim3A_520 = vector.shape_cast %xor3A_128 : vector<16xi32> to vector<16x1xi32>
            %gather3A_521 = vector.shape_cast %broadcast_in_dim3A_520 : vector<16x1xi32> to vector<16xi32>
            %gather3A_522 = tpu.dynamic_gather %add3A_519[%gather3A_521] in [0] : vector<16xf32>, vector<16xi32> -> vector<16xf32>
            %add3A_523 = arith.addf %add3A_519, %gather3A_522 : vector<16xf32>
            %broadcast_in_dim3A_524 = vector.shape_cast %xor3A_131 : vector<16xi32> to vector<16x1xi32>
            %gather3A_525 = vector.shape_cast %broadcast_in_dim3A_524 : vector<16x1xi32> to vector<16xi32>
            %gather3A_526 = tpu.dynamic_gather %add3A_523[%gather3A_525] in [0] : vector<16xf32>, vector<16xi32> -> vector<16xf32>
            %add3A_527 = arith.addf %add3A_523, %gather3A_526 : vector<16xf32>
            %broadcast_in_dim3A_528 = vector.shape_cast %xor3A_134 : vector<16xi32> to vector<16x1xi32>
            %gather3A_529 = vector.shape_cast %broadcast_in_dim3A_528 : vector<16x1xi32> to vector<16xi32>
            %gather3A_530 = tpu.dynamic_gather %add3A_527[%gather3A_529] in [0] : vector<16xf32>, vector<16xi32> -> vector<16xf32>
            %add3A_531 = arith.addf %add3A_527, %gather3A_530 : vector<16xf32>
            %mul3A_532 = arith.constant 2.500000e-01 : f32
            %mul3A_533 = vector.broadcast %mul3A_532 : f32 to vector<16xf32>
            %mul3A_534 = arith.mulf %add3A_531, %mul3A_533 : vector<16xf32>
            %jit3A_535 = arith.constant -5.000000e+00 : f32
            %jit3A_536 = arith.constant 5.000000e+00 : f32
            %max3A_537 = vector.broadcast %jit3A_535 : f32 to vector<16xf32>
            %max3A_538 = arith.maximumf %max3A_537, %mul3A_534 : vector<16xf32>
            %min3A_539 = vector.broadcast %jit3A_536 : f32 to vector<16xf32>
            %min3A_540 = arith.minimumf %min3A_539, %max3A_538 : vector<16xf32>
            %exp3A_541 = math.exp %min3A_540 : vector<16xf32>
            %mul3A_542 = arith.mulf %get3A_312, %exp3A_541 : vector<16xf32>
            %eq3A_543 = arith.constant 2 : i32
            %eq3A_544 = vector.broadcast %eq3A_543 : i32 to vector<16xi32>
            %eq3A_545 = arith.cmpi eq, %iota3A, %eq3A_544 : vector<16xi32>
            %select_n3A_546 = arith.select %eq3A_545, %exp3A_541, %select_n3A_514 : vector<16xi1>, vector<16xf32>
            %mul3A_547 = arith.mulf %get3A_316, %get3A_320 : vector<16xf32>
            %broadcast_in_dim3A_548 = vector.shape_cast %xor3A_125 : vector<16xi32> to vector<16x1xi32>
            %gather3A_549 = vector.shape_cast %broadcast_in_dim3A_548 : vector<16x1xi32> to vector<16xi32>
            %gather3A_550 = tpu.dynamic_gather %mul3A_547[%gather3A_549] in [0] : vector<16xf32>, vector<16xi32> -> vector<16xf32>
            %add3A_551 = arith.addf %mul3A_547, %gather3A_550 : vector<16xf32>
            %broadcast_in_dim3A_552 = vector.shape_cast %xor3A_128 : vector<16xi32> to vector<16x1xi32>
            %gather3A_553 = vector.shape_cast %broadcast_in_dim3A_552 : vector<16x1xi32> to vector<16xi32>
            %gather3A_554 = tpu.dynamic_gather %add3A_551[%gather3A_553] in [0] : vector<16xf32>, vector<16xi32> -> vector<16xf32>
            %add3A_555 = arith.addf %add3A_551, %gather3A_554 : vector<16xf32>
            %broadcast_in_dim3A_556 = vector.shape_cast %xor3A_131 : vector<16xi32> to vector<16x1xi32>
            %gather3A_557 = vector.shape_cast %broadcast_in_dim3A_556 : vector<16x1xi32> to vector<16xi32>
            %gather3A_558 = tpu.dynamic_gather %add3A_555[%gather3A_557] in [0] : vector<16xf32>, vector<16xi32> -> vector<16xf32>
            %add3A_559 = arith.addf %add3A_555, %gather3A_558 : vector<16xf32>
            %broadcast_in_dim3A_560 = vector.shape_cast %xor3A_134 : vector<16xi32> to vector<16x1xi32>
            %gather3A_561 = vector.shape_cast %broadcast_in_dim3A_560 : vector<16x1xi32> to vector<16xi32>
            %gather3A_562 = tpu.dynamic_gather %add3A_559[%gather3A_561] in [0] : vector<16xf32>, vector<16xi32> -> vector<16xf32>
            %add3A_563 = arith.addf %add3A_559, %gather3A_562 : vector<16xf32>
            %mul3A_564 = arith.constant 2.500000e-01 : f32
            %mul3A_565 = vector.broadcast %mul3A_564 : f32 to vector<16xf32>
            %mul3A_566 = arith.mulf %add3A_563, %mul3A_565 : vector<16xf32>
            %jit3A_567 = arith.constant -5.000000e+00 : f32
            %jit3A_568 = arith.constant 5.000000e+00 : f32
            %max3A_569 = vector.broadcast %jit3A_567 : f32 to vector<16xf32>
            %max3A_570 = arith.maximumf %max3A_569, %mul3A_566 : vector<16xf32>
            %min3A_571 = vector.broadcast %jit3A_568 : f32 to vector<16xf32>
            %min3A_572 = arith.minimumf %min3A_571, %max3A_570 : vector<16xf32>
            %exp3A_573 = math.exp %min3A_572 : vector<16xf32>
            %mul3A_574 = arith.mulf %get3A_324, %exp3A_573 : vector<16xf32>
            %eq3A_575 = arith.constant 3 : i32
            %eq3A_576 = vector.broadcast %eq3A_575 : i32 to vector<16xi32>
            %eq3A_577 = arith.cmpi eq, %iota3A, %eq3A_576 : vector<16xi32>
            %select_n3A_578 = arith.select %eq3A_577, %exp3A_573, %select_n3A_546 : vector<16xi1>, vector<16xf32>
            %swap3A = arith.index_cast %mul3A_225 : i32 to index
            %swap3A_579 = arith.constant 0 : index
            %swap3A_580 = tpu.vector_load %arg15[%swap3A, %swap3A_579] {strides = array<i32>} : memref<80x80xf32, #tpu.memory_space<vmem>>, vector<1x16xf32>,
            %swap3A_581 = vector.shape_cast %swap3A_580 : vector<1x16xf32> to vector<16xf32>
            %swap3A_582 = vector.shape_cast %mul3A_349 : vector<16xf32> to vector<1x16xf32>
            tpu.vector_store %arg15[%swap3A, %swap3A_579], %swap3A_582 {strides = array<i32>} : memref<80x80xf32, #tpu.memory_space<vmem>>, vector<1x16xf32>,
            %swap3A_583 = arith.index_cast %mul3A_225 : i32 to index
            %swap3A_584 = arith.constant 16 : index
            %swap3A_585 = tpu.vector_load %arg15[%swap3A_583, %swap3A_584] {strides = array<i32>} : memref<80x80xf32, #tpu.memory_space<vmem>>, vector<1x16xf32>,
            %swap3A_586 = vector.shape_cast %swap3A_585 : vector<1x16xf32> to vector<16xf32>
            %swap3A_587 = vector.shape_cast %mul3A_380 : vector<16xf32> to vector<1x16xf32>
            tpu.vector_store %arg15[%swap3A_583, %swap3A_584], %swap3A_587 {strides = array<i32>} : memref<80x80xf32, #tpu.memory_space<vmem>>, vector<1x16xf32>,
            %swap3A_588 = arith.index_cast %mul3A_225 : i32 to index
            %swap3A_589 = arith.constant 32 : index
            %swap3A_590 = tpu.vector_load %arg15[%swap3A_588, %swap3A_589] {strides = array<i32>} : memref<80x80xf32, #tpu.memory_space<vmem>>, vector<1x16xf32>,
            %swap3A_591 = vector.shape_cast %swap3A_590 : vector<1x16xf32> to vector<16xf32>
            %swap3A_592 = vector.shape_cast %mul3A_412 : vector<16xf32> to vector<1x16xf32>
            tpu.vector_store %arg15[%swap3A_588, %swap3A_589], %swap3A_592 {strides = array<i32>} : memref<80x80xf32, #tpu.memory_space<vmem>>, vector<1x16xf32>,
            %swap3A_593 = arith.index_cast %mul3A_225 : i32 to index
            %swap3A_594 = arith.constant 48 : index
            %swap3A_595 = tpu.vector_load %arg15[%swap3A_593, %swap3A_594] {strides = array<i32>} : memref<80x80xf32, #tpu.memory_space<vmem>>, vector<1x16xf32>,
            %swap3A_596 = vector.shape_cast %swap3A_595 : vector<1x16xf32> to vector<16xf32>
            %swap3A_597 = vector.shape_cast %mul3A_444 : vector<16xf32> to vector<1x16xf32>
            tpu.vector_store %arg15[%swap3A_593, %swap3A_594], %swap3A_597 {strides = array<i32>} : memref<80x80xf32, #tpu.memory_space<vmem>>, vector<1x16xf32>,
            %swap3A_598 = arith.index_cast %mul3A_225 : i32 to index
            %swap3A_599 = arith.constant 64 : index
            %swap3A_600 = tpu.vector_load %arg15[%swap3A_598, %swap3A_599] {strides = array<i32>} : memref<80x80xf32, #tpu.memory_space<vmem>>, vector<1x16xf32>,
            %swap3A_601 = vector.shape_cast %swap3A_600 : vector<1x16xf32> to vector<16xf32>
            %swap3A_602 = vector.shape_cast %select_n3A_448 : vector<16xf32> to vector<1x16xf32>
            tpu.vector_store %arg15[%swap3A_598, %swap3A_599], %swap3A_602 {strides = array<i32>} : memref<80x80xf32, #tpu.memory_space<vmem>>, vector<1x16xf32>,
            %swap3A_603 = arith.index_cast %add3A_229 : i32 to index
            %swap3A_604 = arith.constant 0 : index
            %swap3A_605 = tpu.vector_load %arg15[%swap3A_603, %swap3A_604] {strides = array<i32>} : memref<80x80xf32, #tpu.memory_space<vmem>>, vector<1x16xf32>,
            %swap3A_606 = vector.shape_cast %swap3A_605 : vector<1x16xf32> to vector<16xf32>
            %swap3A_607 = vector.shape_cast %mul3A_478 : vector<16xf32> to vector<1x16xf32>
            tpu.vector_store %arg15[%swap3A_603, %swap3A_604], %swap3A_607 {strides = array<i32>} : memref<80x80xf32, #tpu.memory_space<vmem>>, vector<1x16xf32>,
            %swap3A_608 = arith.index_cast %add3A_229 : i32 to index
            %swap3A_609 = arith.constant 16 : index
            %swap3A_610 = tpu.vector_load %arg15[%swap3A_608, %swap3A_609] {strides = array<i32>} : memref<80x80xf32, #tpu.memory_space<vmem>>, vector<1x16xf32>,
            %swap3A_611 = vector.shape_cast %swap3A_610 : vector<1x16xf32> to vector<16xf32>
            %swap3A_612 = vector.shape_cast %mul3A_510 : vector<16xf32> to vector<1x16xf32>
            tpu.vector_store %arg15[%swap3A_608, %swap3A_609], %swap3A_612 {strides = array<i32>} : memref<80x80xf32, #tpu.memory_space<vmem>>, vector<1x16xf32>,
            %swap3A_613 = arith.index_cast %add3A_229 : i32 to index
            %swap3A_614 = arith.constant 32 : index
            %swap3A_615 = tpu.vector_load %arg15[%swap3A_613, %swap3A_614] {strides = array<i32>} : memref<80x80xf32, #tpu.memory_space<vmem>>, vector<1x16xf32>,
            %swap3A_616 = vector.shape_cast %swap3A_615 : vector<1x16xf32> to vector<16xf32>
            %swap3A_617 = vector.shape_cast %mul3A_542 : vector<16xf32> to vector<1x16xf32>
            tpu.vector_store %arg15[%swap3A_613, %swap3A_614], %swap3A_617 {strides = array<i32>} : memref<80x80xf32, #tpu.memory_space<vmem>>, vector<1x16xf32>,
            %swap3A_618 = arith.index_cast %add3A_229 : i32 to index
            %swap3A_619 = arith.constant 48 : index
            %swap3A_620 = tpu.vector_load %arg15[%swap3A_618, %swap3A_619] {strides = array<i32>} : memref<80x80xf32, #tpu.memory_space<vmem>>, vector<1x16xf32>,
            %swap3A_621 = vector.shape_cast %swap3A_620 : vector<1x16xf32> to vector<16xf32>
            %swap3A_622 = vector.shape_cast %mul3A_574 : vector<16xf32> to vector<1x16xf32>
            tpu.vector_store %arg15[%swap3A_618, %swap3A_619], %swap3A_622 {strides = array<i32>} : memref<80x80xf32, #tpu.memory_space<vmem>>, vector<1x16xf32>,
            %swap3A_623 = arith.index_cast %add3A_229 : i32 to index
            %swap3A_624 = arith.constant 64 : index
            %swap3A_625 = tpu.vector_load %arg15[%swap3A_623, %swap3A_624] {strides = array<i32>} : memref<80x80xf32, #tpu.memory_space<vmem>>, vector<1x16xf32>,
            %swap3A_626 = vector.shape_cast %swap3A_625 : vector<1x16xf32> to vector<16xf32>
            %swap3A_627 = vector.shape_cast %select_n3A_578 : vector<16xf32> to vector<1x16xf32>
            tpu.vector_store %arg15[%swap3A_623, %swap3A_624], %swap3A_627 {strides = array<i32>} : memref<80x80xf32, #tpu.memory_space<vmem>>, vector<1x16xf32>,
          }
          %scan3A_193 = arith.constant 40 : i32
          "tpu.region"() ({
            %run_scoped3A = tpu.sem_alloc : memref<!tpu.dma_semaphore, #tpu.memory_space<semaphore_mem>>
            %dma_start3A_223 = arith.constant 0 : i32
            %dma_start3A_224 = tpu.memref_slice %arg10[%add3A_169, %dma_start3A_223] : memref<50x80xi32, #tpu.memory_space<vmem>> -> memref<1x80xi32, #tpu.memory_space<vmem>>
            %dma_start3A_225 = tpu.memref_squeeze %dma_start3A_224 : memref<1x80xi32, #tpu.memory_space<vmem>> -> memref<80xi32, #tpu.memory_space<vmem>>
            %dma_start3A_226 = arith.constant 0 : i32
            %dma_start3A_227 = arith.constant 0 : i32
            %dma_start3A_228 = tpu.memref_slice %arg17[%dma_start3A_226, %dma_start3A_227] : memref<10000x80xf32, #tpu.memory_space<vmem_shared>> -> memref<10000x80xf32, #tpu.memory_space<vmem_shared>>
            tpu.enqueue_indirect_dma source(%arg15 : memref<80x80xf32, #tpu.memory_space<vmem>>) target(%dma_start3A_228 : memref<10000x80xf32, #tpu.memory_space<vmem_shared>>) offsets(%dma_start3A_225 : memref<80xi32, #tpu.memory_space<vmem>>) semaphore(%run_scoped3A : memref<!tpu.dma_semaphore, #tpu.memory_space<semaphore_mem>>) {add = true}
            %dma_wait3A_229 = arith.constant 0 : i32
            %dma_wait3A_230 = tpu.memref_slice %arg10[%add3A_169, %dma_wait3A_229] : memref<50x80xi32, #tpu.memory_space<vmem>> -> memref<1x80xi32, #tpu.memory_space<vmem>>
            %dma_wait3A_231 = tpu.memref_squeeze %dma_wait3A_230 : memref<1x80xi32, #tpu.memory_space<vmem>> -> memref<80xi32, #tpu.memory_space<vmem>>
            %dma_wait3A_232 = arith.constant 0 : i32
            %dma_wait3A_233 = arith.constant 0 : i32
            %dma_wait3A_234 = tpu.memref_slice %arg17[%dma_wait3A_232, %dma_wait3A_233] : memref<10000x80xf32, #tpu.memory_space<vmem_shared>> -> memref<10000x80xf32, #tpu.memory_space<vmem_shared>>
            tpu.wait_indirect_dma semaphore(%run_scoped3A : memref<!tpu.dma_semaphore, #tpu.memory_space<semaphore_mem>>) src(%arg15 : memref<80x80xf32, #tpu.memory_space<vmem>>) dst(%dma_wait3A_234 : memref<10000x80xf32, #tpu.memory_space<vmem_shared>>)
            tpu.yield
          }) : () -> ()
          %mul3A_194 = arith.constant 2 : i32
          %mul3A_195 = arith.muli %mul3A_194, %scan3A_165 : i32
          %add3A_196 = arith.constant 1 : i32
          %add3A_197 = arith.addi %mul3A_195, %add3A_196 : i32
          %add3A_198 = arith.constant 1 : i32
          %add3A_199 = arith.addi %add3A_197, %add3A_198 : i32
          %lt3A_200 = arith.constant 50 : i32
          %lt3A_201 = arith.cmpi slt, %add3A_199, %lt3A_200 : i32
          %convert_element_type3A_202 = arith.extui %lt3A_201 : i1 to i32
          %cond3A_203 = arith.constant 0 : i32
          %cond3A_204 = arith.cmpi ne, %convert_element_type3A_202, %cond3A_203 : i32
          scf.if %cond3A_204 {
            %add3A_223 = arith.constant 1 : i32
            %add3A_224 = arith.addi %add3A_197, %add3A_223 : i32
            %dma_start3A_225 = arith.constant 0 : i32
            %dma_start3A_226 = tpu.memref_slice %arg9[%add3A_224, %dma_start3A_225] : memref<50x80xi32, #tpu.memory_space<vmem>> -> memref<1x80xi32, #tpu.memory_space<vmem>>
            %dma_start3A_227 = tpu.memref_squeeze %dma_start3A_226 : memref<1x80xi32, #tpu.memory_space<vmem>> -> memref<80xi32, #tpu.memory_space<vmem>>
            %dma_start3A_228 = arith.constant 0 : i32
            %dma_start3A_229 = arith.constant 0 : i32
            %dma_start3A_230 = tpu.memref_slice %arg5[%dma_start3A_228, %dma_start3A_229] : memref<10000x128xf32, #tpu.memory_space<hbm>> -> memref<10000x128xf32, #tpu.memory_space<hbm>>
            tpu.enqueue_indirect_dma source(%dma_start3A_230 : memref<10000x128xf32, #tpu.memory_space<hbm>>) target(%arg11 : memref<80x128xf32, #tpu.memory_space<vmem>>) offsets(%dma_start3A_227 : memref<80xi32, #tpu.memory_space<vmem>>) semaphore(%arg18 : memref<!tpu.dma_semaphore, #tpu.memory_space<semaphore_mem>>)
            %dma_start3A_231 = arith.constant 0 : i32
            %dma_start3A_232 = tpu.memref_slice %arg10[%add3A_224, %dma_start3A_231] : memref<50x80xi32, #tpu.memory_space<vmem>> -> memref<1x80xi32, #tpu.memory_space<vmem>>
            %dma_start3A_233 = tpu.memref_squeeze %dma_start3A_232 : memref<1x80xi32, #tpu.memory_space<vmem>> -> memref<80xi32, #tpu.memory_space<vmem>>
            %dma_start3A_234 = arith.constant 0 : i32
            %dma_start3A_235 = arith.constant 0 : i32
            %dma_start3A_236 = tpu.memref_slice %arg3[%dma_start3A_234, %dma_start3A_235] : memref<10000x64xf32, #tpu.memory_space<hbm>> -> memref<10000x64xf32, #tpu.memory_space<hbm>>
            tpu.enqueue_indirect_dma source(%dma_start3A_236 : memref<10000x64xf32, #tpu.memory_space<hbm>>) target(%arg13 : memref<80x64xf32, #tpu.memory_space<vmem>>) offsets(%dma_start3A_233 : memref<80xi32, #tpu.memory_space<vmem>>) semaphore(%arg18 : memref<!tpu.dma_semaphore, #tpu.memory_space<semaphore_mem>>)
          } else {
          }
          %dma_wait3A_205 = arith.constant 0 : i32
          %dma_wait3A_206 = tpu.memref_slice %arg9[%add3A_197, %dma_wait3A_205] : memref<50x80xi32, #tpu.memory_space<vmem>> -> memref<1x80xi32, #tpu.memory_space<vmem>>
          %dma_wait3A_207 = tpu.memref_squeeze %dma_wait3A_206 : memref<1x80xi32, #tpu.memory_space<vmem>> -> memref<80xi32, #tpu.memory_space<vmem>>
          %dma_wait3A_208 = arith.constant 0 : i32
          %dma_wait3A_209 = arith.constant 0 : i32
          %dma_wait3A_210 = tpu.memref_slice %arg5[%dma_wait3A_208, %dma_wait3A_209] : memref<10000x128xf32, #tpu.memory_space<hbm>> -> memref<10000x128xf32, #tpu.memory_space<hbm>>
          tpu.wait_indirect_dma semaphore(%arg19 : memref<!tpu.dma_semaphore, #tpu.memory_space<semaphore_mem>>) src(%dma_wait3A_210 : memref<10000x128xf32, #tpu.memory_space<hbm>>) dst(%arg12 : memref<80x128xf32, #tpu.memory_space<vmem>>)
          %dma_wait3A_211 = arith.constant 0 : i32
          %dma_wait3A_212 = tpu.memref_slice %arg10[%add3A_197, %dma_wait3A_211] : memref<50x80xi32, #tpu.memory_space<vmem>> -> memref<1x80xi32, #tpu.memory_space<vmem>>
          %dma_wait3A_213 = tpu.memref_squeeze %dma_wait3A_212 : memref<1x80xi32, #tpu.memory_space<vmem>> -> memref<80xi32, #tpu.memory_space<vmem>>
          %dma_wait3A_214 = arith.constant 0 : i32
          %dma_wait3A_215 = arith.constant 0 : i32
          %dma_wait3A_216 = tpu.memref_slice %arg3[%dma_wait3A_214, %dma_wait3A_215] : memref<10000x64xf32, #tpu.memory_space<hbm>> -> memref<10000x64xf32, #tpu.memory_space<hbm>>
          tpu.wait_indirect_dma semaphore(%arg19 : memref<!tpu.dma_semaphore, #tpu.memory_space<semaphore_mem>>) src(%dma_wait3A_216 : memref<10000x64xf32, #tpu.memory_space<hbm>>) dst(%arg14 : memref<80x64xf32, #tpu.memory_space<vmem>>)
          %scan3A_217 = arith.constant 0 : i32
          %scan3A_218 = arith.constant 0 : i32
          %scan3A_219 = arith.constant 40 : i32
          %scan3A_220 = arith.addi %scan3A_218, %scan3A_219 : i32
          %scan3A_221 = arith.constant 1 : i32
          scf.for %scan3A_223 = %scan3A_218 to %scan3A_220 step %scan3A_221  : i32 {
            %mul3A_224 = arith.constant 2 : i32
            %mul3A_225 = arith.muli %mul3A_224, %scan3A_223 : i32
            %mul3A_226 = arith.constant 2 : i32
            %mul3A_227 = arith.muli %mul3A_226, %scan3A_223 : i32
            %add3A_228 = arith.constant 1 : i32
            %add3A_229 = arith.addi %mul3A_227, %add3A_228 : i32
            %get3A = arith.index_cast %mul3A_225 : i32 to index
            %get3A_230 = arith.constant 0 : index
            %get3A_231 = tpu.vector_load %arg12[%get3A, %get3A_230] {strides = array<i32>} : memref<80x128xf32, #tpu.memory_space<vmem>>, vector<1x16xf32>,
            %get3A_232 = vector.shape_cast %get3A_231 : vector<1x16xf32> to vector<16xf32>
            %get3A_233 = arith.index_cast %mul3A_225 : i32 to index
            %get3A_234 = arith.constant 0 : index
            %get3A_235 = tpu.vector_load %arg14[%get3A_233, %get3A_234] {strides = array<i32>} : memref<80x64xf32, #tpu.memory_space<vmem>>, vector<1x16xf32>,
            %get3A_236 = vector.shape_cast %get3A_235 : vector<1x16xf32> to vector<16xf32>
            %get3A_237 = arith.index_cast %mul3A_225 : i32 to index
            %get3A_238 = arith.constant 64 : index
            %get3A_239 = tpu.vector_load %arg12[%get3A_237, %get3A_238] {strides = array<i32>} : memref<80x128xf32, #tpu.memory_space<vmem>>, vector<1x16xf32>,
            %get3A_240 = vector.shape_cast %get3A_239 : vector<1x16xf32> to vector<16xf32>
            %get3A_241 = arith.index_cast %mul3A_225 : i32 to index
            %get3A_242 = arith.constant 16 : index
            %get3A_243 = tpu.vector_load %arg12[%get3A_241, %get3A_242] {strides = array<i32>} : memref<80x128xf32, #tpu.memory_space<vmem>>, vector<1x16xf32>,
            %get3A_244 = vector.shape_cast %get3A_243 : vector<1x16xf32> to vector<16xf32>
            %get3A_245 = arith.index_cast %mul3A_225 : i32 to index
            %get3A_246 = arith.constant 16 : index
            %get3A_247 = tpu.vector_load %arg14[%get3A_245, %get3A_246] {strides = array<i32>} : memref<80x64xf32, #tpu.memory_space<vmem>>, vector<1x16xf32>,
            %get3A_248 = vector.shape_cast %get3A_247 : vector<1x16xf32> to vector<16xf32>
            %get3A_249 = arith.index_cast %mul3A_225 : i32 to index
            %get3A_250 = arith.constant 80 : index
            %get3A_251 = tpu.vector_load %arg12[%get3A_249, %get3A_250] {strides = array<i32>} : memref<80x128xf32, #tpu.memory_space<vmem>>, vector<1x16xf32>,
            %get3A_252 = vector.shape_cast %get3A_251 : vector<1x16xf32> to vector<16xf32>
            %get3A_253 = arith.index_cast %mul3A_225 : i32 to index
            %get3A_254 = arith.constant 32 : index
            %get3A_255 = tpu.vector_load %arg12[%get3A_253, %get3A_254] {strides = array<i32>} : memref<80x128xf32, #tpu.memory_space<vmem>>, vector<1x16xf32>,
            %get3A_256 = vector.shape_cast %get3A_255 : vector<1x16xf32> to vector<16xf32>
            %get3A_257 = arith.index_cast %mul3A_225 : i32 to index
            %get3A_258 = arith.constant 32 : index
            %get3A_259 = tpu.vector_load %arg14[%get3A_257, %get3A_258] {strides = array<i32>} : memref<80x64xf32, #tpu.memory_space<vmem>>, vector<1x16xf32>,
            %get3A_260 = vector.shape_cast %get3A_259 : vector<1x16xf32> to vector<16xf32>
            %get3A_261 = arith.index_cast %mul3A_225 : i32 to index
            %get3A_262 = arith.constant 96 : index
            %get3A_263 = tpu.vector_load %arg12[%get3A_261, %get3A_262] {strides = array<i32>} : memref<80x128xf32, #tpu.memory_space<vmem>>, vector<1x16xf32>,
            %get3A_264 = vector.shape_cast %get3A_263 : vector<1x16xf32> to vector<16xf32>
            %get3A_265 = arith.index_cast %mul3A_225 : i32 to index
            %get3A_266 = arith.constant 48 : index
            %get3A_267 = tpu.vector_load %arg12[%get3A_265, %get3A_266] {strides = array<i32>} : memref<80x128xf32, #tpu.memory_space<vmem>>, vector<1x16xf32>,
            %get3A_268 = vector.shape_cast %get3A_267 : vector<1x16xf32> to vector<16xf32>
            %get3A_269 = arith.index_cast %mul3A_225 : i32 to index
            %get3A_270 = arith.constant 48 : index
            %get3A_271 = tpu.vector_load %arg14[%get3A_269, %get3A_270] {strides = array<i32>} : memref<80x64xf32, #tpu.memory_space<vmem>>, vector<1x16xf32>,
            %get3A_272 = vector.shape_cast %get3A_271 : vector<1x16xf32> to vector<16xf32>
            %get3A_273 = arith.index_cast %mul3A_225 : i32 to index
            %get3A_274 = arith.constant 112 : index
            %get3A_275 = tpu.vector_load %arg12[%get3A_273, %get3A_274] {strides = array<i32>} : memref<80x128xf32, #tpu.memory_space<vmem>>, vector<1x16xf32>,
            %get3A_276 = vector.shape_cast %get3A_275 : vector<1x16xf32> to vector<16xf32>
            %get3A_277 = arith.index_cast %add3A_229 : i32 to index
            %get3A_278 = arith.constant 0 : index
            %get3A_279 = tpu.vector_load %arg12[%get3A_277, %get3A_278] {strides = array<i32>} : memref<80x128xf32, #tpu.memory_space<vmem>>, vector<1x16xf32>,
            %get3A_280 = vector.shape_cast %get3A_279 : vector<1x16xf32> to vector<16xf32>
            %get3A_281 = arith.index_cast %add3A_229 : i32 to index
            %get3A_282 = arith.constant 0 : index
            %get3A_283 = tpu.vector_load %arg14[%get3A_281, %get3A_282] {strides = array<i32>} : memref<80x64xf32, #tpu.memory_space<vmem>>, vector<1x16xf32>,
            %get3A_284 = vector.shape_cast %get3A_283 : vector<1x16xf32> to vector<16xf32>
            %get3A_285 = arith.index_cast %add3A_229 : i32 to index
            %get3A_286 = arith.constant 64 : index
            %get3A_287 = tpu.vector_load %arg12[%get3A_285, %get3A_286] {strides = array<i32>} : memref<80x128xf32, #tpu.memory_space<vmem>>, vector<1x16xf32>,
            %get3A_288 = vector.shape_cast %get3A_287 : vector<1x16xf32> to vector<16xf32>
            %get3A_289 = arith.index_cast %add3A_229 : i32 to index
            %get3A_290 = arith.constant 16 : index
            %get3A_291 = tpu.vector_load %arg12[%get3A_289, %get3A_290] {strides = array<i32>} : memref<80x128xf32, #tpu.memory_space<vmem>>, vector<1x16xf32>,
            %get3A_292 = vector.shape_cast %get3A_291 : vector<1x16xf32> to vector<16xf32>
            %get3A_293 = arith.index_cast %add3A_229 : i32 to index
            %get3A_294 = arith.constant 16 : index
            %get3A_295 = tpu.vector_load %arg14[%get3A_293, %get3A_294] {strides = array<i32>} : memref<80x64xf32, #tpu.memory_space<vmem>>, vector<1x16xf32>,
            %get3A_296 = vector.shape_cast %get3A_295 : vector<1x16xf32> to vector<16xf32>
            %get3A_297 = arith.index_cast %add3A_229 : i32 to index
            %get3A_298 = arith.constant 80 : index
            %get3A_299 = tpu.vector_load %arg12[%get3A_297, %get3A_298] {strides = array<i32>} : memref<80x128xf32, #tpu.memory_space<vmem>>, vector<1x16xf32>,
            %get3A_300 = vector.shape_cast %get3A_299 : vector<1x16xf32> to vector<16xf32>
            %get3A_301 = arith.index_cast %add3A_229 : i32 to index
            %get3A_302 = arith.constant 32 : index
            %get3A_303 = tpu.vector_load %arg12[%get3A_301, %get3A_302] {strides = array<i32>} : memref<80x128xf32, #tpu.memory_space<vmem>>, vector<1x16xf32>,
            %get3A_304 = vector.shape_cast %get3A_303 : vector<1x16xf32> to vector<16xf32>
            %get3A_305 = arith.index_cast %add3A_229 : i32 to index
            %get3A_306 = arith.constant 32 : index
            %get3A_307 = tpu.vector_load %arg14[%get3A_305, %get3A_306] {strides = array<i32>} : memref<80x64xf32, #tpu.memory_space<vmem>>, vector<1x16xf32>,
            %get3A_308 = vector.shape_cast %get3A_307 : vector<1x16xf32> to vector<16xf32>
            %get3A_309 = arith.index_cast %add3A_229 : i32 to index
            %get3A_310 = arith.constant 96 : index
            %get3A_311 = tpu.vector_load %arg12[%get3A_309, %get3A_310] {strides = array<i32>} : memref<80x128xf32, #tpu.memory_space<vmem>>, vector<1x16xf32>,
            %get3A_312 = vector.shape_cast %get3A_311 : vector<1x16xf32> to vector<16xf32>
            %get3A_313 = arith.index_cast %add3A_229 : i32 to index
            %get3A_314 = arith.constant 48 : index
            %get3A_315 = tpu.vector_load %arg12[%get3A_313, %get3A_314] {strides = array<i32>} : memref<80x128xf32, #tpu.memory_space<vmem>>, vector<1x16xf32>,
            %get3A_316 = vector.shape_cast %get3A_315 : vector<1x16xf32> to vector<16xf32>
            %get3A_317 = arith.index_cast %add3A_229 : i32 to index
            %get3A_318 = arith.constant 48 : index
            %get3A_319 = tpu.vector_load %arg14[%get3A_317, %get3A_318] {strides = array<i32>} : memref<80x64xf32, #tpu.memory_space<vmem>>, vector<1x16xf32>,
            %get3A_320 = vector.shape_cast %get3A_319 : vector<1x16xf32> to vector<16xf32>
            %get3A_321 = arith.index_cast %add3A_229 : i32 to index
            %get3A_322 = arith.constant 112 : index
            %get3A_323 = tpu.vector_load %arg12[%get3A_321, %get3A_322] {strides = array<i32>} : memref<80x128xf32, #tpu.memory_space<vmem>>, vector<1x16xf32>,
            %get3A_324 = vector.shape_cast %get3A_323 : vector<1x16xf32> to vector<16xf32>
            %broadcast_in_dim3A_325 = arith.constant 0.000000e+00 : f32
            %broadcast_in_dim3A_326 = vector.broadcast %broadcast_in_dim3A_325 : f32 to vector<16xf32>
            %mul3A_327 = arith.mulf %get3A_232, %get3A_236 : vector<16xf32>
            %broadcast_in_dim3A_328 = vector.shape_cast %xor3A_125 : vector<16xi32> to vector<16x1xi32>
            %gather3A = vector.shape_cast %broadcast_in_dim3A_328 : vector<16x1xi32> to vector<16xi32>
            %gather3A_329 = tpu.dynamic_gather %mul3A_327[%gather3A] in [0] : vector<16xf32>, vector<16xi32> -> vector<16xf32>
            %add3A_330 = arith.addf %mul3A_327, %gather3A_329 : vector<16xf32>
            %broadcast_in_dim3A_331 = vector.shape_cast %xor3A_128 : vector<16xi32> to vector<16x1xi32>
            %gather3A_332 = vector.shape_cast %broadcast_in_dim3A_331 : vector<16x1xi32> to vector<16xi32>
            %gather3A_333 = tpu.dynamic_gather %add3A_330[%gather3A_332] in [0] : vector<16xf32>, vector<16xi32> -> vector<16xf32>
            %add3A_334 = arith.addf %add3A_330, %gather3A_333 : vector<16xf32>
            %broadcast_in_dim3A_335 = vector.shape_cast %xor3A_131 : vector<16xi32> to vector<16x1xi32>
            %gather3A_336 = vector.shape_cast %broadcast_in_dim3A_335 : vector<16x1xi32> to vector<16xi32>
            %gather3A_337 = tpu.dynamic_gather %add3A_334[%gather3A_336] in [0] : vector<16xf32>, vector<16xi32> -> vector<16xf32>
            %add3A_338 = arith.addf %add3A_334, %gather3A_337 : vector<16xf32>
            %broadcast_in_dim3A_339 = vector.shape_cast %xor3A_134 : vector<16xi32> to vector<16x1xi32>
            %gather3A_340 = vector.shape_cast %broadcast_in_dim3A_339 : vector<16x1xi32> to vector<16xi32>
            %gather3A_341 = tpu.dynamic_gather %add3A_338[%gather3A_340] in [0] : vector<16xf32>, vector<16xi32> -> vector<16xf32>
            %add3A_342 = arith.addf %add3A_338, %gather3A_341 : vector<16xf32>
            %mul3A_343 = arith.constant 2.500000e-01 : f32
            %mul3A_344 = vector.broadcast %mul3A_343 : f32 to vector<16xf32>
            %mul3A_345 = arith.mulf %add3A_342, %mul3A_344 : vector<16xf32>
            %jit3A = arith.constant -5.000000e+00 : f32
            %jit3A_346 = arith.constant 5.000000e+00 : f32
            %max3A = vector.broadcast %jit3A : f32 to vector<16xf32>
            %max3A_347 = arith.maximumf %max3A, %mul3A_345 : vector<16xf32>
            %min3A = vector.broadcast %jit3A_346 : f32 to vector<16xf32>
            %min3A_348 = arith.minimumf %min3A, %max3A_347 : vector<16xf32>
            %exp3A = math.exp %min3A_348 : vector<16xf32>
            %mul3A_349 = arith.mulf %get3A_240, %exp3A : vector<16xf32>
            %eq3A_350 = arith.constant 0 : i32
            %eq3A_351 = vector.broadcast %eq3A_350 : i32 to vector<16xi32>
            %eq3A_352 = arith.cmpi eq, %iota3A, %eq3A_351 : vector<16xi32>
            %select_n3A = arith.select %eq3A_352, %exp3A, %broadcast_in_dim3A_326 : vector<16xi1>, vector<16xf32>
            %mul3A_353 = arith.mulf %get3A_244, %get3A_248 : vector<16xf32>
            %broadcast_in_dim3A_354 = vector.shape_cast %xor3A_125 : vector<16xi32> to vector<16x1xi32>
            %gather3A_355 = vector.shape_cast %broadcast_in_dim3A_354 : vector<16x1xi32> to vector<16xi32>
            %gather3A_356 = tpu.dynamic_gather %mul3A_353[%gather3A_355] in [0] : vector<16xf32>, vector<16xi32> -> vector<16xf32>
            %add3A_357 = arith.addf %mul3A_353, %gather3A_356 : vector<16xf32>
            %broadcast_in_dim3A_358 = vector.shape_cast %xor3A_128 : vector<16xi32> to vector<16x1xi32>
            %gather3A_359 = vector.shape_cast %broadcast_in_dim3A_358 : vector<16x1xi32> to vector<16xi32>
            %gather3A_360 = tpu.dynamic_gather %add3A_357[%gather3A_359] in [0] : vector<16xf32>, vector<16xi32> -> vector<16xf32>
            %add3A_361 = arith.addf %add3A_357, %gather3A_360 : vector<16xf32>
            %broadcast_in_dim3A_362 = vector.shape_cast %xor3A_131 : vector<16xi32> to vector<16x1xi32>
            %gather3A_363 = vector.shape_cast %broadcast_in_dim3A_362 : vector<16x1xi32> to vector<16xi32>
            %gather3A_364 = tpu.dynamic_gather %add3A_361[%gather3A_363] in [0] : vector<16xf32>, vector<16xi32> -> vector<16xf32>
            %add3A_365 = arith.addf %add3A_361, %gather3A_364 : vector<16xf32>
            %broadcast_in_dim3A_366 = vector.shape_cast %xor3A_134 : vector<16xi32> to vector<16x1xi32>
            %gather3A_367 = vector.shape_cast %broadcast_in_dim3A_366 : vector<16x1xi32> to vector<16xi32>
            %gather3A_368 = tpu.dynamic_gather %add3A_365[%gather3A_367] in [0] : vector<16xf32>, vector<16xi32> -> vector<16xf32>
            %add3A_369 = arith.addf %add3A_365, %gather3A_368 : vector<16xf32>
            %mul3A_370 = arith.constant 2.500000e-01 : f32
            %mul3A_371 = vector.broadcast %mul3A_370 : f32 to vector<16xf32>
            %mul3A_372 = arith.mulf %add3A_369, %mul3A_371 : vector<16xf32>
            %jit3A_373 = arith.constant -5.000000e+00 : f32
            %jit3A_374 = arith.constant 5.000000e+00 : f32
            %max3A_375 = vector.broadcast %jit3A_373 : f32 to vector<16xf32>
            %max3A_376 = arith.maximumf %max3A_375, %mul3A_372 : vector<16xf32>
            %min3A_377 = vector.broadcast %jit3A_374 : f32 to vector<16xf32>
            %min3A_378 = arith.minimumf %min3A_377, %max3A_376 : vector<16xf32>
            %exp3A_379 = math.exp %min3A_378 : vector<16xf32>
            %mul3A_380 = arith.mulf %get3A_252, %exp3A_379 : vector<16xf32>
            %eq3A_381 = arith.constant 1 : i32
            %eq3A_382 = vector.broadcast %eq3A_381 : i32 to vector<16xi32>
            %eq3A_383 = arith.cmpi eq, %iota3A, %eq3A_382 : vector<16xi32>
            %select_n3A_384 = arith.select %eq3A_383, %exp3A_379, %select_n3A : vector<16xi1>, vector<16xf32>
            %mul3A_385 = arith.mulf %get3A_256, %get3A_260 : vector<16xf32>
            %broadcast_in_dim3A_386 = vector.shape_cast %xor3A_125 : vector<16xi32> to vector<16x1xi32>
            %gather3A_387 = vector.shape_cast %broadcast_in_dim3A_386 : vector<16x1xi32> to vector<16xi32>
            %gather3A_388 = tpu.dynamic_gather %mul3A_385[%gather3A_387] in [0] : vector<16xf32>, vector<16xi32> -> vector<16xf32>
            %add3A_389 = arith.addf %mul3A_385, %gather3A_388 : vector<16xf32>
            %broadcast_in_dim3A_390 = vector.shape_cast %xor3A_128 : vector<16xi32> to vector<16x1xi32>
            %gather3A_391 = vector.shape_cast %broadcast_in_dim3A_390 : vector<16x1xi32> to vector<16xi32>
            %gather3A_392 = tpu.dynamic_gather %add3A_389[%gather3A_391] in [0] : vector<16xf32>, vector<16xi32> -> vector<16xf32>
            %add3A_393 = arith.addf %add3A_389, %gather3A_392 : vector<16xf32>
            %broadcast_in_dim3A_394 = vector.shape_cast %xor3A_131 : vector<16xi32> to vector<16x1xi32>
            %gather3A_395 = vector.shape_cast %broadcast_in_dim3A_394 : vector<16x1xi32> to vector<16xi32>
            %gather3A_396 = tpu.dynamic_gather %add3A_393[%gather3A_395] in [0] : vector<16xf32>, vector<16xi32> -> vector<16xf32>
            %add3A_397 = arith.addf %add3A_393, %gather3A_396 : vector<16xf32>
            %broadcast_in_dim3A_398 = vector.shape_cast %xor3A_134 : vector<16xi32> to vector<16x1xi32>
            %gather3A_399 = vector.shape_cast %broadcast_in_dim3A_398 : vector<16x1xi32> to vector<16xi32>
            %gather3A_400 = tpu.dynamic_gather %add3A_397[%gather3A_399] in [0] : vector<16xf32>, vector<16xi32> -> vector<16xf32>
            %add3A_401 = arith.addf %add3A_397, %gather3A_400 : vector<16xf32>
            %mul3A_402 = arith.constant 2.500000e-01 : f32
            %mul3A_403 = vector.broadcast %mul3A_402 : f32 to vector<16xf32>
            %mul3A_404 = arith.mulf %add3A_401, %mul3A_403 : vector<16xf32>
            %jit3A_405 = arith.constant -5.000000e+00 : f32
            %jit3A_406 = arith.constant 5.000000e+00 : f32
            %max3A_407 = vector.broadcast %jit3A_405 : f32 to vector<16xf32>
            %max3A_408 = arith.maximumf %max3A_407, %mul3A_404 : vector<16xf32>
            %min3A_409 = vector.broadcast %jit3A_406 : f32 to vector<16xf32>
            %min3A_410 = arith.minimumf %min3A_409, %max3A_408 : vector<16xf32>
            %exp3A_411 = math.exp %min3A_410 : vector<16xf32>
            %mul3A_412 = arith.mulf %get3A_264, %exp3A_411 : vector<16xf32>
            %eq3A_413 = arith.constant 2 : i32
            %eq3A_414 = vector.broadcast %eq3A_413 : i32 to vector<16xi32>
            %eq3A_415 = arith.cmpi eq, %iota3A, %eq3A_414 : vector<16xi32>
            %select_n3A_416 = arith.select %eq3A_415, %exp3A_411, %select_n3A_384 : vector<16xi1>, vector<16xf32>
            %mul3A_417 = arith.mulf %get3A_268, %get3A_272 : vector<16xf32>
            %broadcast_in_dim3A_418 = vector.shape_cast %xor3A_125 : vector<16xi32> to vector<16x1xi32>
            %gather3A_419 = vector.shape_cast %broadcast_in_dim3A_418 : vector<16x1xi32> to vector<16xi32>
            %gather3A_420 = tpu.dynamic_gather %mul3A_417[%gather3A_419] in [0] : vector<16xf32>, vector<16xi32> -> vector<16xf32>
            %add3A_421 = arith.addf %mul3A_417, %gather3A_420 : vector<16xf32>
            %broadcast_in_dim3A_422 = vector.shape_cast %xor3A_128 : vector<16xi32> to vector<16x1xi32>
            %gather3A_423 = vector.shape_cast %broadcast_in_dim3A_422 : vector<16x1xi32> to vector<16xi32>
            %gather3A_424 = tpu.dynamic_gather %add3A_421[%gather3A_423] in [0] : vector<16xf32>, vector<16xi32> -> vector<16xf32>
            %add3A_425 = arith.addf %add3A_421, %gather3A_424 : vector<16xf32>
            %broadcast_in_dim3A_426 = vector.shape_cast %xor3A_131 : vector<16xi32> to vector<16x1xi32>
            %gather3A_427 = vector.shape_cast %broadcast_in_dim3A_426 : vector<16x1xi32> to vector<16xi32>
            %gather3A_428 = tpu.dynamic_gather %add3A_425[%gather3A_427] in [0] : vector<16xf32>, vector<16xi32> -> vector<16xf32>
            %add3A_429 = arith.addf %add3A_425, %gather3A_428 : vector<16xf32>
            %broadcast_in_dim3A_430 = vector.shape_cast %xor3A_134 : vector<16xi32> to vector<16x1xi32>
            %gather3A_431 = vector.shape_cast %broadcast_in_dim3A_430 : vector<16x1xi32> to vector<16xi32>
            %gather3A_432 = tpu.dynamic_gather %add3A_429[%gather3A_431] in [0] : vector<16xf32>, vector<16xi32> -> vector<16xf32>
            %add3A_433 = arith.addf %add3A_429, %gather3A_432 : vector<16xf32>
            %mul3A_434 = arith.constant 2.500000e-01 : f32
            %mul3A_435 = vector.broadcast %mul3A_434 : f32 to vector<16xf32>
            %mul3A_436 = arith.mulf %add3A_433, %mul3A_435 : vector<16xf32>
            %jit3A_437 = arith.constant -5.000000e+00 : f32
            %jit3A_438 = arith.constant 5.000000e+00 : f32
            %max3A_439 = vector.broadcast %jit3A_437 : f32 to vector<16xf32>
            %max3A_440 = arith.maximumf %max3A_439, %mul3A_436 : vector<16xf32>
            %min3A_441 = vector.broadcast %jit3A_438 : f32 to vector<16xf32>
            %min3A_442 = arith.minimumf %min3A_441, %max3A_440 : vector<16xf32>
            %exp3A_443 = math.exp %min3A_442 : vector<16xf32>
            %mul3A_444 = arith.mulf %get3A_276, %exp3A_443 : vector<16xf32>
            %eq3A_445 = arith.constant 3 : i32
            %eq3A_446 = vector.broadcast %eq3A_445 : i32 to vector<16xi32>
            %eq3A_447 = arith.cmpi eq, %iota3A, %eq3A_446 : vector<16xi32>
            %select_n3A_448 = arith.select %eq3A_447, %exp3A_443, %select_n3A_416 : vector<16xi1>, vector<16xf32>
            %broadcast_in_dim3A_449 = arith.constant 0.000000e+00 : f32
            %broadcast_in_dim3A_450 = vector.broadcast %broadcast_in_dim3A_449 : f32 to vector<16xf32>
            %mul3A_451 = arith.mulf %get3A_280, %get3A_284 : vector<16xf32>
            %broadcast_in_dim3A_452 = vector.shape_cast %xor3A_125 : vector<16xi32> to vector<16x1xi32>
            %gather3A_453 = vector.shape_cast %broadcast_in_dim3A_452 : vector<16x1xi32> to vector<16xi32>
            %gather3A_454 = tpu.dynamic_gather %mul3A_451[%gather3A_453] in [0] : vector<16xf32>, vector<16xi32> -> vector<16xf32>
            %add3A_455 = arith.addf %mul3A_451, %gather3A_454 : vector<16xf32>
            %broadcast_in_dim3A_456 = vector.shape_cast %xor3A_128 : vector<16xi32> to vector<16x1xi32>
            %gather3A_457 = vector.shape_cast %broadcast_in_dim3A_456 : vector<16x1xi32> to vector<16xi32>
            %gather3A_458 = tpu.dynamic_gather %add3A_455[%gather3A_457] in [0] : vector<16xf32>, vector<16xi32> -> vector<16xf32>
            %add3A_459 = arith.addf %add3A_455, %gather3A_458 : vector<16xf32>
            %broadcast_in_dim3A_460 = vector.shape_cast %xor3A_131 : vector<16xi32> to vector<16x1xi32>
            %gather3A_461 = vector.shape_cast %broadcast_in_dim3A_460 : vector<16x1xi32> to vector<16xi32>
            %gather3A_462 = tpu.dynamic_gather %add3A_459[%gather3A_461] in [0] : vector<16xf32>, vector<16xi32> -> vector<16xf32>
            %add3A_463 = arith.addf %add3A_459, %gather3A_462 : vector<16xf32>
            %broadcast_in_dim3A_464 = vector.shape_cast %xor3A_134 : vector<16xi32> to vector<16x1xi32>
            %gather3A_465 = vector.shape_cast %broadcast_in_dim3A_464 : vector<16x1xi32> to vector<16xi32>
            %gather3A_466 = tpu.dynamic_gather %add3A_463[%gather3A_465] in [0] : vector<16xf32>, vector<16xi32> -> vector<16xf32>
            %add3A_467 = arith.addf %add3A_463, %gather3A_466 : vector<16xf32>
            %mul3A_468 = arith.constant 2.500000e-01 : f32
            %mul3A_469 = vector.broadcast %mul3A_468 : f32 to vector<16xf32>
            %mul3A_470 = arith.mulf %add3A_467, %mul3A_469 : vector<16xf32>
            %jit3A_471 = arith.constant -5.000000e+00 : f32
            %jit3A_472 = arith.constant 5.000000e+00 : f32
            %max3A_473 = vector.broadcast %jit3A_471 : f32 to vector<16xf32>
            %max3A_474 = arith.maximumf %max3A_473, %mul3A_470 : vector<16xf32>
            %min3A_475 = vector.broadcast %jit3A_472 : f32 to vector<16xf32>
            %min3A_476 = arith.minimumf %min3A_475, %max3A_474 : vector<16xf32>
            %exp3A_477 = math.exp %min3A_476 : vector<16xf32>
            %mul3A_478 = arith.mulf %get3A_288, %exp3A_477 : vector<16xf32>
            %eq3A_479 = arith.constant 0 : i32
            %eq3A_480 = vector.broadcast %eq3A_479 : i32 to vector<16xi32>
            %eq3A_481 = arith.cmpi eq, %iota3A, %eq3A_480 : vector<16xi32>
            %select_n3A_482 = arith.select %eq3A_481, %exp3A_477, %broadcast_in_dim3A_450 : vector<16xi1>, vector<16xf32>
            %mul3A_483 = arith.mulf %get3A_292, %get3A_296 : vector<16xf32>
            %broadcast_in_dim3A_484 = vector.shape_cast %xor3A_125 : vector<16xi32> to vector<16x1xi32>
            %gather3A_485 = vector.shape_cast %broadcast_in_dim3A_484 : vector<16x1xi32> to vector<16xi32>
            %gather3A_486 = tpu.dynamic_gather %mul3A_483[%gather3A_485] in [0] : vector<16xf32>, vector<16xi32> -> vector<16xf32>
            %add3A_487 = arith.addf %mul3A_483, %gather3A_486 : vector<16xf32>
            %broadcast_in_dim3A_488 = vector.shape_cast %xor3A_128 : vector<16xi32> to vector<16x1xi32>
            %gather3A_489 = vector.shape_cast %broadcast_in_dim3A_488 : vector<16x1xi32> to vector<16xi32>
            %gather3A_490 = tpu.dynamic_gather %add3A_487[%gather3A_489] in [0] : vector<16xf32>, vector<16xi32> -> vector<16xf32>
            %add3A_491 = arith.addf %add3A_487, %gather3A_490 : vector<16xf32>
            %broadcast_in_dim3A_492 = vector.shape_cast %xor3A_131 : vector<16xi32> to vector<16x1xi32>
            %gather3A_493 = vector.shape_cast %broadcast_in_dim3A_492 : vector<16x1xi32> to vector<16xi32>
            %gather3A_494 = tpu.dynamic_gather %add3A_491[%gather3A_493] in [0] : vector<16xf32>, vector<16xi32> -> vector<16xf32>
            %add3A_495 = arith.addf %add3A_491, %gather3A_494 : vector<16xf32>
            %broadcast_in_dim3A_496 = vector.shape_cast %xor3A_134 : vector<16xi32> to vector<16x1xi32>
            %gather3A_497 = vector.shape_cast %broadcast_in_dim3A_496 : vector<16x1xi32> to vector<16xi32>
            %gather3A_498 = tpu.dynamic_gather %add3A_495[%gather3A_497] in [0] : vector<16xf32>, vector<16xi32> -> vector<16xf32>
            %add3A_499 = arith.addf %add3A_495, %gather3A_498 : vector<16xf32>
            %mul3A_500 = arith.constant 2.500000e-01 : f32
            %mul3A_501 = vector.broadcast %mul3A_500 : f32 to vector<16xf32>
            %mul3A_502 = arith.mulf %add3A_499, %mul3A_501 : vector<16xf32>
            %jit3A_503 = arith.constant -5.000000e+00 : f32
            %jit3A_504 = arith.constant 5.000000e+00 : f32
            %max3A_505 = vector.broadcast %jit3A_503 : f32 to vector<16xf32>
            %max3A_506 = arith.maximumf %max3A_505, %mul3A_502 : vector<16xf32>
            %min3A_507 = vector.broadcast %jit3A_504 : f32 to vector<16xf32>
            %min3A_508 = arith.minimumf %min3A_507, %max3A_506 : vector<16xf32>
            %exp3A_509 = math.exp %min3A_508 : vector<16xf32>
            %mul3A_510 = arith.mulf %get3A_300, %exp3A_509 : vector<16xf32>
            %eq3A_511 = arith.constant 1 : i32
            %eq3A_512 = vector.broadcast %eq3A_511 : i32 to vector<16xi32>
            %eq3A_513 = arith.cmpi eq, %iota3A, %eq3A_512 : vector<16xi32>
            %select_n3A_514 = arith.select %eq3A_513, %exp3A_509, %select_n3A_482 : vector<16xi1>, vector<16xf32>
            %mul3A_515 = arith.mulf %get3A_304, %get3A_308 : vector<16xf32>
            %broadcast_in_dim3A_516 = vector.shape_cast %xor3A_125 : vector<16xi32> to vector<16x1xi32>
            %gather3A_517 = vector.shape_cast %broadcast_in_dim3A_516 : vector<16x1xi32> to vector<16xi32>
            %gather3A_518 = tpu.dynamic_gather %mul3A_515[%gather3A_517] in [0] : vector<16xf32>, vector<16xi32> -> vector<16xf32>
            %add3A_519 = arith.addf %mul3A_515, %gather3A_518 : vector<16xf32>
            %broadcast_in_dim3A_520 = vector.shape_cast %xor3A_128 : vector<16xi32> to vector<16x1xi32>
            %gather3A_521 = vector.shape_cast %broadcast_in_dim3A_520 : vector<16x1xi32> to vector<16xi32>
            %gather3A_522 = tpu.dynamic_gather %add3A_519[%gather3A_521] in [0] : vector<16xf32>, vector<16xi32> -> vector<16xf32>
            %add3A_523 = arith.addf %add3A_519, %gather3A_522 : vector<16xf32>
            %broadcast_in_dim3A_524 = vector.shape_cast %xor3A_131 : vector<16xi32> to vector<16x1xi32>
            %gather3A_525 = vector.shape_cast %broadcast_in_dim3A_524 : vector<16x1xi32> to vector<16xi32>
            %gather3A_526 = tpu.dynamic_gather %add3A_523[%gather3A_525] in [0] : vector<16xf32>, vector<16xi32> -> vector<16xf32>
            %add3A_527 = arith.addf %add3A_523, %gather3A_526 : vector<16xf32>
            %broadcast_in_dim3A_528 = vector.shape_cast %xor3A_134 : vector<16xi32> to vector<16x1xi32>
            %gather3A_529 = vector.shape_cast %broadcast_in_dim3A_528 : vector<16x1xi32> to vector<16xi32>
            %gather3A_530 = tpu.dynamic_gather %add3A_527[%gather3A_529] in [0] : vector<16xf32>, vector<16xi32> -> vector<16xf32>
            %add3A_531 = arith.addf %add3A_527, %gather3A_530 : vector<16xf32>
            %mul3A_532 = arith.constant 2.500000e-01 : f32
            %mul3A_533 = vector.broadcast %mul3A_532 : f32 to vector<16xf32>
            %mul3A_534 = arith.mulf %add3A_531, %mul3A_533 : vector<16xf32>
            %jit3A_535 = arith.constant -5.000000e+00 : f32
            %jit3A_536 = arith.constant 5.000000e+00 : f32
            %max3A_537 = vector.broadcast %jit3A_535 : f32 to vector<16xf32>
            %max3A_538 = arith.maximumf %max3A_537, %mul3A_534 : vector<16xf32>
            %min3A_539 = vector.broadcast %jit3A_536 : f32 to vector<16xf32>
            %min3A_540 = arith.minimumf %min3A_539, %max3A_538 : vector<16xf32>
            %exp3A_541 = math.exp %min3A_540 : vector<16xf32>
            %mul3A_542 = arith.mulf %get3A_312, %exp3A_541 : vector<16xf32>
            %eq3A_543 = arith.constant 2 : i32
            %eq3A_544 = vector.broadcast %eq3A_543 : i32 to vector<16xi32>
            %eq3A_545 = arith.cmpi eq, %iota3A, %eq3A_544 : vector<16xi32>
            %select_n3A_546 = arith.select %eq3A_545, %exp3A_541, %select_n3A_514 : vector<16xi1>, vector<16xf32>
            %mul3A_547 = arith.mulf %get3A_316, %get3A_320 : vector<16xf32>
            %broadcast_in_dim3A_548 = vector.shape_cast %xor3A_125 : vector<16xi32> to vector<16x1xi32>
            %gather3A_549 = vector.shape_cast %broadcast_in_dim3A_548 : vector<16x1xi32> to vector<16xi32>
            %gather3A_550 = tpu.dynamic_gather %mul3A_547[%gather3A_549] in [0] : vector<16xf32>, vector<16xi32> -> vector<16xf32>
            %add3A_551 = arith.addf %mul3A_547, %gather3A_550 : vector<16xf32>
            %broadcast_in_dim3A_552 = vector.shape_cast %xor3A_128 : vector<16xi32> to vector<16x1xi32>
            %gather3A_553 = vector.shape_cast %broadcast_in_dim3A_552 : vector<16x1xi32> to vector<16xi32>
            %gather3A_554 = tpu.dynamic_gather %add3A_551[%gather3A_553] in [0] : vector<16xf32>, vector<16xi32> -> vector<16xf32>
            %add3A_555 = arith.addf %add3A_551, %gather3A_554 : vector<16xf32>
            %broadcast_in_dim3A_556 = vector.shape_cast %xor3A_131 : vector<16xi32> to vector<16x1xi32>
            %gather3A_557 = vector.shape_cast %broadcast_in_dim3A_556 : vector<16x1xi32> to vector<16xi32>
            %gather3A_558 = tpu.dynamic_gather %add3A_555[%gather3A_557] in [0] : vector<16xf32>, vector<16xi32> -> vector<16xf32>
            %add3A_559 = arith.addf %add3A_555, %gather3A_558 : vector<16xf32>
            %broadcast_in_dim3A_560 = vector.shape_cast %xor3A_134 : vector<16xi32> to vector<16x1xi32>
            %gather3A_561 = vector.shape_cast %broadcast_in_dim3A_560 : vector<16x1xi32> to vector<16xi32>
            %gather3A_562 = tpu.dynamic_gather %add3A_559[%gather3A_561] in [0] : vector<16xf32>, vector<16xi32> -> vector<16xf32>
            %add3A_563 = arith.addf %add3A_559, %gather3A_562 : vector<16xf32>
            %mul3A_564 = arith.constant 2.500000e-01 : f32
            %mul3A_565 = vector.broadcast %mul3A_564 : f32 to vector<16xf32>
            %mul3A_566 = arith.mulf %add3A_563, %mul3A_565 : vector<16xf32>
            %jit3A_567 = arith.constant -5.000000e+00 : f32
            %jit3A_568 = arith.constant 5.000000e+00 : f32
            %max3A_569 = vector.broadcast %jit3A_567 : f32 to vector<16xf32>
            %max3A_570 = arith.maximumf %max3A_569, %mul3A_566 : vector<16xf32>
            %min3A_571 = vector.broadcast %jit3A_568 : f32 to vector<16xf32>
            %min3A_572 = arith.minimumf %min3A_571, %max3A_570 : vector<16xf32>
            %exp3A_573 = math.exp %min3A_572 : vector<16xf32>
            %mul3A_574 = arith.mulf %get3A_324, %exp3A_573 : vector<16xf32>
            %eq3A_575 = arith.constant 3 : i32
            %eq3A_576 = vector.broadcast %eq3A_575 : i32 to vector<16xi32>
            %eq3A_577 = arith.cmpi eq, %iota3A, %eq3A_576 : vector<16xi32>
            %select_n3A_578 = arith.select %eq3A_577, %exp3A_573, %select_n3A_546 : vector<16xi1>, vector<16xf32>
            %swap3A = arith.index_cast %mul3A_225 : i32 to index
            %swap3A_579 = arith.constant 0 : index
            %swap3A_580 = tpu.vector_load %arg16[%swap3A, %swap3A_579] {strides = array<i32>} : memref<80x80xf32, #tpu.memory_space<vmem>>, vector<1x16xf32>,
            %swap3A_581 = vector.shape_cast %swap3A_580 : vector<1x16xf32> to vector<16xf32>
            %swap3A_582 = vector.shape_cast %mul3A_349 : vector<16xf32> to vector<1x16xf32>
            tpu.vector_store %arg16[%swap3A, %swap3A_579], %swap3A_582 {strides = array<i32>} : memref<80x80xf32, #tpu.memory_space<vmem>>, vector<1x16xf32>,
            %swap3A_583 = arith.index_cast %mul3A_225 : i32 to index
            %swap3A_584 = arith.constant 16 : index
            %swap3A_585 = tpu.vector_load %arg16[%swap3A_583, %swap3A_584] {strides = array<i32>} : memref<80x80xf32, #tpu.memory_space<vmem>>, vector<1x16xf32>,
            %swap3A_586 = vector.shape_cast %swap3A_585 : vector<1x16xf32> to vector<16xf32>
            %swap3A_587 = vector.shape_cast %mul3A_380 : vector<16xf32> to vector<1x16xf32>
            tpu.vector_store %arg16[%swap3A_583, %swap3A_584], %swap3A_587 {strides = array<i32>} : memref<80x80xf32, #tpu.memory_space<vmem>>, vector<1x16xf32>,
            %swap3A_588 = arith.index_cast %mul3A_225 : i32 to index
            %swap3A_589 = arith.constant 32 : index
            %swap3A_590 = tpu.vector_load %arg16[%swap3A_588, %swap3A_589] {strides = array<i32>} : memref<80x80xf32, #tpu.memory_space<vmem>>, vector<1x16xf32>,
            %swap3A_591 = vector.shape_cast %swap3A_590 : vector<1x16xf32> to vector<16xf32>
            %swap3A_592 = vector.shape_cast %mul3A_412 : vector<16xf32> to vector<1x16xf32>
            tpu.vector_store %arg16[%swap3A_588, %swap3A_589], %swap3A_592 {strides = array<i32>} : memref<80x80xf32, #tpu.memory_space<vmem>>, vector<1x16xf32>,
            %swap3A_593 = arith.index_cast %mul3A_225 : i32 to index
            %swap3A_594 = arith.constant 48 : index
            %swap3A_595 = tpu.vector_load %arg16[%swap3A_593, %swap3A_594] {strides = array<i32>} : memref<80x80xf32, #tpu.memory_space<vmem>>, vector<1x16xf32>,
            %swap3A_596 = vector.shape_cast %swap3A_595 : vector<1x16xf32> to vector<16xf32>
            %swap3A_597 = vector.shape_cast %mul3A_444 : vector<16xf32> to vector<1x16xf32>
            tpu.vector_store %arg16[%swap3A_593, %swap3A_594], %swap3A_597 {strides = array<i32>} : memref<80x80xf32, #tpu.memory_space<vmem>>, vector<1x16xf32>,
            %swap3A_598 = arith.index_cast %mul3A_225 : i32 to index
            %swap3A_599 = arith.constant 64 : index
            %swap3A_600 = tpu.vector_load %arg16[%swap3A_598, %swap3A_599] {strides = array<i32>} : memref<80x80xf32, #tpu.memory_space<vmem>>, vector<1x16xf32>,
            %swap3A_601 = vector.shape_cast %swap3A_600 : vector<1x16xf32> to vector<16xf32>
            %swap3A_602 = vector.shape_cast %select_n3A_448 : vector<16xf32> to vector<1x16xf32>
            tpu.vector_store %arg16[%swap3A_598, %swap3A_599], %swap3A_602 {strides = array<i32>} : memref<80x80xf32, #tpu.memory_space<vmem>>, vector<1x16xf32>,
            %swap3A_603 = arith.index_cast %add3A_229 : i32 to index
            %swap3A_604 = arith.constant 0 : index
            %swap3A_605 = tpu.vector_load %arg16[%swap3A_603, %swap3A_604] {strides = array<i32>} : memref<80x80xf32, #tpu.memory_space<vmem>>, vector<1x16xf32>,
            %swap3A_606 = vector.shape_cast %swap3A_605 : vector<1x16xf32> to vector<16xf32>
            %swap3A_607 = vector.shape_cast %mul3A_478 : vector<16xf32> to vector<1x16xf32>
            tpu.vector_store %arg16[%swap3A_603, %swap3A_604], %swap3A_607 {strides = array<i32>} : memref<80x80xf32, #tpu.memory_space<vmem>>, vector<1x16xf32>,
            %swap3A_608 = arith.index_cast %add3A_229 : i32 to index
            %swap3A_609 = arith.constant 16 : index
            %swap3A_610 = tpu.vector_load %arg16[%swap3A_608, %swap3A_609] {strides = array<i32>} : memref<80x80xf32, #tpu.memory_space<vmem>>, vector<1x16xf32>,
            %swap3A_611 = vector.shape_cast %swap3A_610 : vector<1x16xf32> to vector<16xf32>
            %swap3A_612 = vector.shape_cast %mul3A_510 : vector<16xf32> to vector<1x16xf32>
            tpu.vector_store %arg16[%swap3A_608, %swap3A_609], %swap3A_612 {strides = array<i32>} : memref<80x80xf32, #tpu.memory_space<vmem>>, vector<1x16xf32>,
            %swap3A_613 = arith.index_cast %add3A_229 : i32 to index
            %swap3A_614 = arith.constant 32 : index
            %swap3A_615 = tpu.vector_load %arg16[%swap3A_613, %swap3A_614] {strides = array<i32>} : memref<80x80xf32, #tpu.memory_space<vmem>>, vector<1x16xf32>,
            %swap3A_616 = vector.shape_cast %swap3A_615 : vector<1x16xf32> to vector<16xf32>
            %swap3A_617 = vector.shape_cast %mul3A_542 : vector<16xf32> to vector<1x16xf32>
            tpu.vector_store %arg16[%swap3A_613, %swap3A_614], %swap3A_617 {strides = array<i32>} : memref<80x80xf32, #tpu.memory_space<vmem>>, vector<1x16xf32>,
            %swap3A_618 = arith.index_cast %add3A_229 : i32 to index
            %swap3A_619 = arith.constant 48 : index
            %swap3A_620 = tpu.vector_load %arg16[%swap3A_618, %swap3A_619] {strides = array<i32>} : memref<80x80xf32, #tpu.memory_space<vmem>>, vector<1x16xf32>,
            %swap3A_621 = vector.shape_cast %swap3A_620 : vector<1x16xf32> to vector<16xf32>
            %swap3A_622 = vector.shape_cast %mul3A_574 : vector<16xf32> to vector<1x16xf32>
            tpu.vector_store %arg16[%swap3A_618, %swap3A_619], %swap3A_622 {strides = array<i32>} : memref<80x80xf32, #tpu.memory_space<vmem>>, vector<1x16xf32>,
            %swap3A_623 = arith.index_cast %add3A_229 : i32 to index
            %swap3A_624 = arith.constant 64 : index
            %swap3A_625 = tpu.vector_load %arg16[%swap3A_623, %swap3A_624] {strides = array<i32>} : memref<80x80xf32, #tpu.memory_space<vmem>>, vector<1x16xf32>,
            %swap3A_626 = vector.shape_cast %swap3A_625 : vector<1x16xf32> to vector<16xf32>
            %swap3A_627 = vector.shape_cast %select_n3A_578 : vector<16xf32> to vector<1x16xf32>
            tpu.vector_store %arg16[%swap3A_623, %swap3A_624], %swap3A_627 {strides = array<i32>} : memref<80x80xf32, #tpu.memory_space<vmem>>, vector<1x16xf32>,
          }
          %scan3A_222 = arith.constant 40 : i32
          "tpu.region"() ({
            %run_scoped3A = tpu.sem_alloc : memref<!tpu.dma_semaphore, #tpu.memory_space<semaphore_mem>>
            %dma_start3A_223 = arith.constant 0 : i32
            %dma_start3A_224 = tpu.memref_slice %arg10[%add3A_197, %dma_start3A_223] : memref<50x80xi32, #tpu.memory_space<vmem>> -> memref<1x80xi32, #tpu.memory_space<vmem>>
            %dma_start3A_225 = tpu.memref_squeeze %dma_start3A_224 : memref<1x80xi32, #tpu.memory_space<vmem>> -> memref<80xi32, #tpu.memory_space<vmem>>
            %dma_start3A_226 = arith.constant 0 : i32
            %dma_start3A_227 = arith.constant 0 : i32
            %dma_start3A_228 = tpu.memref_slice %arg17[%dma_start3A_226, %dma_start3A_227] : memref<10000x80xf32, #tpu.memory_space<vmem_shared>> -> memref<10000x80xf32, #tpu.memory_space<vmem_shared>>
            tpu.enqueue_indirect_dma source(%arg16 : memref<80x80xf32, #tpu.memory_space<vmem>>) target(%dma_start3A_228 : memref<10000x80xf32, #tpu.memory_space<vmem_shared>>) offsets(%dma_start3A_225 : memref<80xi32, #tpu.memory_space<vmem>>) semaphore(%run_scoped3A : memref<!tpu.dma_semaphore, #tpu.memory_space<semaphore_mem>>) {add = true}
            %dma_wait3A_229 = arith.constant 0 : i32
            %dma_wait3A_230 = tpu.memref_slice %arg10[%add3A_197, %dma_wait3A_229] : memref<50x80xi32, #tpu.memory_space<vmem>> -> memref<1x80xi32, #tpu.memory_space<vmem>>
            %dma_wait3A_231 = tpu.memref_squeeze %dma_wait3A_230 : memref<1x80xi32, #tpu.memory_space<vmem>> -> memref<80xi32, #tpu.memory_space<vmem>>
            %dma_wait3A_232 = arith.constant 0 : i32
            %dma_wait3A_233 = arith.constant 0 : i32
            %dma_wait3A_234 = tpu.memref_slice %arg17[%dma_wait3A_232, %dma_wait3A_233] : memref<10000x80xf32, #tpu.memory_space<vmem_shared>> -> memref<10000x80xf32, #tpu.memory_space<vmem_shared>>
            tpu.wait_indirect_dma semaphore(%run_scoped3A : memref<!tpu.dma_semaphore, #tpu.memory_space<semaphore_mem>>) src(%arg16 : memref<80x80xf32, #tpu.memory_space<vmem>>) dst(%dma_wait3A_234 : memref<10000x80xf32, #tpu.memory_space<vmem_shared>>)
            tpu.yield
          }) : () -> ()
        }
        %scan3A_164 = arith.constant 25 : i32
      }
      %scan3A_140 = arith.constant 5 : i32
    } else {
    }
    %barrier3A_67 = arith.constant 0 : index
    tpu.barrier barrier_id(%barrier3A_67)
    %add3A_68 = arith.constant 0 : i32
    %add3A_69 = arith.addi %arg1, %add3A_68 : i32
    %lt3A_70 = arith.constant 125 : i32
    %lt3A_71 = arith.cmpi slt, %add3A_69, %lt3A_70 : i32
    %convert_element_type3A_72 = arith.extui %lt3A_71 : i1 to i32
    %cond3A_73 = arith.constant 0 : i32
    %cond3A_74 = arith.cmpi ne, %convert_element_type3A_72, %cond3A_73 : i32
    scf.if %cond3A_74 {
      %mul3A = arith.constant 80 : i32
      %mul3A_124 = arith.muli %add3A_69, %mul3A : i32
      "tpu.region"() ({
        %run_scoped3A = tpu.sem_alloc : memref<!tpu.dma_semaphore, #tpu.memory_space<semaphore_mem>>
        %dma_start3A = arith.constant 0 : i32
        %dma_start3A_127 = tpu.memref_slice %arg17[%mul3A_124, %dma_start3A] : memref<10000x80xf32, #tpu.memory_space<vmem_shared>> -> memref<80x80xf32, #tpu.memory_space<vmem_shared>>
        %dma_start3A_128 = arith.constant 0 : i32
        %dma_start3A_129 = tpu.memref_slice %arg17[%mul3A_124, %dma_start3A_128] : memref<10000x80xf32, #tpu.memory_space<vmem_shared>> -> memref<80x80xf32, #tpu.memory_space<vmem_shared>>
        tpu.enqueue_dma source(%dma_start3A_129 : memref<80x80xf32, #tpu.memory_space<vmem_shared>>) target(%arg15 : memref<80x80xf32, #tpu.memory_space<vmem>>) target_semaphore(%run_scoped3A : memref<!tpu.dma_semaphore, #tpu.memory_space<semaphore_mem>>)
        %dma_wait3A = arith.constant 0 : i32
        %dma_wait3A_130 = tpu.memref_slice %arg17[%mul3A_124, %dma_wait3A] : memref<10000x80xf32, #tpu.memory_space<vmem_shared>> -> memref<80x80xf32, #tpu.memory_space<vmem_shared>>
        %dma_wait3A_131 = arith.constant 0 : i32
        %dma_wait3A_132 = tpu.memref_slice %arg17[%mul3A_124, %dma_wait3A_131] : memref<10000x80xf32, #tpu.memory_space<vmem_shared>> -> memref<80x80xf32, #tpu.memory_space<vmem_shared>>
        tpu.wait_dma2 semaphore(%run_scoped3A : memref<!tpu.dma_semaphore, #tpu.memory_space<semaphore_mem>>) src(%dma_wait3A_132 : memref<80x80xf32, #tpu.memory_space<vmem_shared>>) dst(%arg15 : memref<80x80xf32, #tpu.memory_space<vmem>>)
        tpu.yield
      }) : () -> ()
      %mul3A_125 = arith.constant 80 : i32
      %mul3A_126 = arith.muli %add3A_69, %mul3A_125 : i32
      "tpu.region"() ({
        %run_scoped3A = tpu.sem_alloc : memref<!tpu.dma_semaphore, #tpu.memory_space<semaphore_mem>>
        %dma_start3A = arith.constant 0 : i32
        %dma_start3A_127 = tpu.memref_slice %arg8[%arg0, %mul3A_126, %dma_start3A] : memref<2x10000x80xf32, #tpu.memory_space<hbm>> -> memref<1x80x80xf32, #tpu.memory_space<hbm>>
        %dma_start3A_128 = tpu.memref_squeeze %dma_start3A_127 : memref<1x80x80xf32, #tpu.memory_space<hbm>> -> memref<80x80xf32, #tpu.memory_space<hbm>>
        %dma_start3A_129 = arith.constant 0 : i32
        %dma_start3A_130 = tpu.memref_slice %arg8[%arg0, %mul3A_126, %dma_start3A_129] : memref<2x10000x80xf32, #tpu.memory_space<hbm>> -> memref<1x80x80xf32, #tpu.memory_space<hbm>>
        %dma_start3A_131 = tpu.memref_squeeze %dma_start3A_130 : memref<1x80x80xf32, #tpu.memory_space<hbm>> -> memref<80x80xf32, #tpu.memory_space<hbm>>
        tpu.enqueue_dma source(%arg15 : memref<80x80xf32, #tpu.memory_space<vmem>>) target(%dma_start3A_131 : memref<80x80xf32, #tpu.memory_space<hbm>>) target_semaphore(%run_scoped3A : memref<!tpu.dma_semaphore, #tpu.memory_space<semaphore_mem>>)
        %dma_wait3A = arith.constant 0 : i32
        %dma_wait3A_132 = tpu.memref_slice %arg8[%arg0, %mul3A_126, %dma_wait3A] : memref<2x10000x80xf32, #tpu.memory_space<hbm>> -> memref<1x80x80xf32, #tpu.memory_space<hbm>>
        %dma_wait3A_133 = tpu.memref_squeeze %dma_wait3A_132 : memref<1x80x80xf32, #tpu.memory_space<hbm>> -> memref<80x80xf32, #tpu.memory_space<hbm>>
        %dma_wait3A_134 = arith.constant 0 : i32
        %dma_wait3A_135 = tpu.memref_slice %arg8[%arg0, %mul3A_126, %dma_wait3A_134] : memref<2x10000x80xf32, #tpu.memory_space<hbm>> -> memref<1x80x80xf32, #tpu.memory_space<hbm>>
        %dma_wait3A_136 = tpu.memref_squeeze %dma_wait3A_135 : memref<1x80x80xf32, #tpu.memory_space<hbm>> -> memref<80x80xf32, #tpu.memory_space<hbm>>
        tpu.wait_dma2 semaphore(%run_scoped3A : memref<!tpu.dma_semaphore, #tpu.memory_space<semaphore_mem>>) src(%arg15 : memref<80x80xf32, #tpu.memory_space<vmem>>) dst(%dma_wait3A_136 : memref<80x80xf32, #tpu.memory_space<hbm>>)
        tpu.yield
      }) : () -> ()
    } else {
    }
    %add3A_75 = arith.constant 16 : i32
    %add3A_76 = arith.addi %arg1, %add3A_75 : i32
    %lt3A_77 = arith.constant 125 : i32
    %lt3A_78 = arith.cmpi slt, %add3A_76, %lt3A_77 : i32
    %convert_element_type3A_79 = arith.extui %lt3A_78 : i1 to i32
    %cond3A_80 = arith.constant 0 : i32
    %cond3A_81 = arith.cmpi ne, %convert_element_type3A_79, %cond3A_80 : i32
    scf.if %cond3A_81 {
      %mul3A = arith.constant 80 : i32
      %mul3A_124 = arith.muli %add3A_76, %mul3A : i32
      "tpu.region"() ({
        %run_scoped3A = tpu.sem_alloc : memref<!tpu.dma_semaphore, #tpu.memory_space<semaphore_mem>>
        %dma_start3A = arith.constant 0 : i32
        %dma_start3A_127 = tpu.memref_slice %arg17[%mul3A_124, %dma_start3A] : memref<10000x80xf32, #tpu.memory_space<vmem_shared>> -> memref<80x80xf32, #tpu.memory_space<vmem_shared>>
        %dma_start3A_128 = arith.constant 0 : i32
        %dma_start3A_129 = tpu.memref_slice %arg17[%mul3A_124, %dma_start3A_128] : memref<10000x80xf32, #tpu.memory_space<vmem_shared>> -> memref<80x80xf32, #tpu.memory_space<vmem_shared>>
        tpu.enqueue_dma source(%dma_start3A_129 : memref<80x80xf32, #tpu.memory_space<vmem_shared>>) target(%arg15 : memref<80x80xf32, #tpu.memory_space<vmem>>) target_semaphore(%run_scoped3A : memref<!tpu.dma_semaphore, #tpu.memory_space<semaphore_mem>>)
        %dma_wait3A = arith.constant 0 : i32
        %dma_wait3A_130 = tpu.memref_slice %arg17[%mul3A_124, %dma_wait3A] : memref<10000x80xf32, #tpu.memory_space<vmem_shared>> -> memref<80x80xf32, #tpu.memory_space<vmem_shared>>
        %dma_wait3A_131 = arith.constant 0 : i32
        %dma_wait3A_132 = tpu.memref_slice %arg17[%mul3A_124, %dma_wait3A_131] : memref<10000x80xf32, #tpu.memory_space<vmem_shared>> -> memref<80x80xf32, #tpu.memory_space<vmem_shared>>
        tpu.wait_dma2 semaphore(%run_scoped3A : memref<!tpu.dma_semaphore, #tpu.memory_space<semaphore_mem>>) src(%dma_wait3A_132 : memref<80x80xf32, #tpu.memory_space<vmem_shared>>) dst(%arg15 : memref<80x80xf32, #tpu.memory_space<vmem>>)
        tpu.yield
      }) : () -> ()
      %mul3A_125 = arith.constant 80 : i32
      %mul3A_126 = arith.muli %add3A_76, %mul3A_125 : i32
      "tpu.region"() ({
        %run_scoped3A = tpu.sem_alloc : memref<!tpu.dma_semaphore, #tpu.memory_space<semaphore_mem>>
        %dma_start3A = arith.constant 0 : i32
        %dma_start3A_127 = tpu.memref_slice %arg8[%arg0, %mul3A_126, %dma_start3A] : memref<2x10000x80xf32, #tpu.memory_space<hbm>> -> memref<1x80x80xf32, #tpu.memory_space<hbm>>
        %dma_start3A_128 = tpu.memref_squeeze %dma_start3A_127 : memref<1x80x80xf32, #tpu.memory_space<hbm>> -> memref<80x80xf32, #tpu.memory_space<hbm>>
        %dma_start3A_129 = arith.constant 0 : i32
        %dma_start3A_130 = tpu.memref_slice %arg8[%arg0, %mul3A_126, %dma_start3A_129] : memref<2x10000x80xf32, #tpu.memory_space<hbm>> -> memref<1x80x80xf32, #tpu.memory_space<hbm>>
        %dma_start3A_131 = tpu.memref_squeeze %dma_start3A_130 : memref<1x80x80xf32, #tpu.memory_space<hbm>> -> memref<80x80xf32, #tpu.memory_space<hbm>>
        tpu.enqueue_dma source(%arg15 : memref<80x80xf32, #tpu.memory_space<vmem>>) target(%dma_start3A_131 : memref<80x80xf32, #tpu.memory_space<hbm>>) target_semaphore(%run_scoped3A : memref<!tpu.dma_semaphore, #tpu.memory_space<semaphore_mem>>)
        %dma_wait3A = arith.constant 0 : i32
        %dma_wait3A_132 = tpu.memref_slice %arg8[%arg0, %mul3A_126, %dma_wait3A] : memref<2x10000x80xf32, #tpu.memory_space<hbm>> -> memref<1x80x80xf32, #tpu.memory_space<hbm>>
        %dma_wait3A_133 = tpu.memref_squeeze %dma_wait3A_132 : memref<1x80x80xf32, #tpu.memory_space<hbm>> -> memref<80x80xf32, #tpu.memory_space<hbm>>
        %dma_wait3A_134 = arith.constant 0 : i32
        %dma_wait3A_135 = tpu.memref_slice %arg8[%arg0, %mul3A_126, %dma_wait3A_134] : memref<2x10000x80xf32, #tpu.memory_space<hbm>> -> memref<1x80x80xf32, #tpu.memory_space<hbm>>
        %dma_wait3A_136 = tpu.memref_squeeze %dma_wait3A_135 : memref<1x80x80xf32, #tpu.memory_space<hbm>> -> memref<80x80xf32, #tpu.memory_space<hbm>>
        tpu.wait_dma2 semaphore(%run_scoped3A : memref<!tpu.dma_semaphore, #tpu.memory_space<semaphore_mem>>) src(%arg15 : memref<80x80xf32, #tpu.memory_space<vmem>>) dst(%dma_wait3A_136 : memref<80x80xf32, #tpu.memory_space<hbm>>)
        tpu.yield
      }) : () -> ()
    } else {
    }
    %add3A_82 = arith.constant 32 : i32
    %add3A_83 = arith.addi %arg1, %add3A_82 : i32
    %lt3A_84 = arith.constant 125 : i32
    %lt3A_85 = arith.cmpi slt, %add3A_83, %lt3A_84 : i32
    %convert_element_type3A_86 = arith.extui %lt3A_85 : i1 to i32
    %cond3A_87 = arith.constant 0 : i32
    %cond3A_88 = arith.cmpi ne, %convert_element_type3A_86, %cond3A_87 : i32
    scf.if %cond3A_88 {
      %mul3A = arith.constant 80 : i32
      %mul3A_124 = arith.muli %add3A_83, %mul3A : i32
      "tpu.region"() ({
        %run_scoped3A = tpu.sem_alloc : memref<!tpu.dma_semaphore, #tpu.memory_space<semaphore_mem>>
        %dma_start3A = arith.constant 0 : i32
        %dma_start3A_127 = tpu.memref_slice %arg17[%mul3A_124, %dma_start3A] : memref<10000x80xf32, #tpu.memory_space<vmem_shared>> -> memref<80x80xf32, #tpu.memory_space<vmem_shared>>
        %dma_start3A_128 = arith.constant 0 : i32
        %dma_start3A_129 = tpu.memref_slice %arg17[%mul3A_124, %dma_start3A_128] : memref<10000x80xf32, #tpu.memory_space<vmem_shared>> -> memref<80x80xf32, #tpu.memory_space<vmem_shared>>
        tpu.enqueue_dma source(%dma_start3A_129 : memref<80x80xf32, #tpu.memory_space<vmem_shared>>) target(%arg15 : memref<80x80xf32, #tpu.memory_space<vmem>>) target_semaphore(%run_scoped3A : memref<!tpu.dma_semaphore, #tpu.memory_space<semaphore_mem>>)
        %dma_wait3A = arith.constant 0 : i32
        %dma_wait3A_130 = tpu.memref_slice %arg17[%mul3A_124, %dma_wait3A] : memref<10000x80xf32, #tpu.memory_space<vmem_shared>> -> memref<80x80xf32, #tpu.memory_space<vmem_shared>>
        %dma_wait3A_131 = arith.constant 0 : i32
        %dma_wait3A_132 = tpu.memref_slice %arg17[%mul3A_124, %dma_wait3A_131] : memref<10000x80xf32, #tpu.memory_space<vmem_shared>> -> memref<80x80xf32, #tpu.memory_space<vmem_shared>>
        tpu.wait_dma2 semaphore(%run_scoped3A : memref<!tpu.dma_semaphore, #tpu.memory_space<semaphore_mem>>) src(%dma_wait3A_132 : memref<80x80xf32, #tpu.memory_space<vmem_shared>>) dst(%arg15 : memref<80x80xf32, #tpu.memory_space<vmem>>)
        tpu.yield
      }) : () -> ()
      %mul3A_125 = arith.constant 80 : i32
      %mul3A_126 = arith.muli %add3A_83, %mul3A_125 : i32
      "tpu.region"() ({
        %run_scoped3A = tpu.sem_alloc : memref<!tpu.dma_semaphore, #tpu.memory_space<semaphore_mem>>
        %dma_start3A = arith.constant 0 : i32
        %dma_start3A_127 = tpu.memref_slice %arg8[%arg0, %mul3A_126, %dma_start3A] : memref<2x10000x80xf32, #tpu.memory_space<hbm>> -> memref<1x80x80xf32, #tpu.memory_space<hbm>>
        %dma_start3A_128 = tpu.memref_squeeze %dma_start3A_127 : memref<1x80x80xf32, #tpu.memory_space<hbm>> -> memref<80x80xf32, #tpu.memory_space<hbm>>
        %dma_start3A_129 = arith.constant 0 : i32
        %dma_start3A_130 = tpu.memref_slice %arg8[%arg0, %mul3A_126, %dma_start3A_129] : memref<2x10000x80xf32, #tpu.memory_space<hbm>> -> memref<1x80x80xf32, #tpu.memory_space<hbm>>
        %dma_start3A_131 = tpu.memref_squeeze %dma_start3A_130 : memref<1x80x80xf32, #tpu.memory_space<hbm>> -> memref<80x80xf32, #tpu.memory_space<hbm>>
        tpu.enqueue_dma source(%arg15 : memref<80x80xf32, #tpu.memory_space<vmem>>) target(%dma_start3A_131 : memref<80x80xf32, #tpu.memory_space<hbm>>) target_semaphore(%run_scoped3A : memref<!tpu.dma_semaphore, #tpu.memory_space<semaphore_mem>>)
        %dma_wait3A = arith.constant 0 : i32
        %dma_wait3A_132 = tpu.memref_slice %arg8[%arg0, %mul3A_126, %dma_wait3A] : memref<2x10000x80xf32, #tpu.memory_space<hbm>> -> memref<1x80x80xf32, #tpu.memory_space<hbm>>
        %dma_wait3A_133 = tpu.memref_squeeze %dma_wait3A_132 : memref<1x80x80xf32, #tpu.memory_space<hbm>> -> memref<80x80xf32, #tpu.memory_space<hbm>>
        %dma_wait3A_134 = arith.constant 0 : i32
        %dma_wait3A_135 = tpu.memref_slice %arg8[%arg0, %mul3A_126, %dma_wait3A_134] : memref<2x10000x80xf32, #tpu.memory_space<hbm>> -> memref<1x80x80xf32, #tpu.memory_space<hbm>>
        %dma_wait3A_136 = tpu.memref_squeeze %dma_wait3A_135 : memref<1x80x80xf32, #tpu.memory_space<hbm>> -> memref<80x80xf32, #tpu.memory_space<hbm>>
        tpu.wait_dma2 semaphore(%run_scoped3A : memref<!tpu.dma_semaphore, #tpu.memory_space<semaphore_mem>>) src(%arg15 : memref<80x80xf32, #tpu.memory_space<vmem>>) dst(%dma_wait3A_136 : memref<80x80xf32, #tpu.memory_space<hbm>>)
        tpu.yield
      }) : () -> ()
    } else {
    }
    %add3A_89 = arith.constant 48 : i32
    %add3A_90 = arith.addi %arg1, %add3A_89 : i32
    %lt3A_91 = arith.constant 125 : i32
    %lt3A_92 = arith.cmpi slt, %add3A_90, %lt3A_91 : i32
    %convert_element_type3A_93 = arith.extui %lt3A_92 : i1 to i32
    %cond3A_94 = arith.constant 0 : i32
    %cond3A_95 = arith.cmpi ne, %convert_element_type3A_93, %cond3A_94 : i32
    scf.if %cond3A_95 {
      %mul3A = arith.constant 80 : i32
      %mul3A_124 = arith.muli %add3A_90, %mul3A : i32
      "tpu.region"() ({
        %run_scoped3A = tpu.sem_alloc : memref<!tpu.dma_semaphore, #tpu.memory_space<semaphore_mem>>
        %dma_start3A = arith.constant 0 : i32
        %dma_start3A_127 = tpu.memref_slice %arg17[%mul3A_124, %dma_start3A] : memref<10000x80xf32, #tpu.memory_space<vmem_shared>> -> memref<80x80xf32, #tpu.memory_space<vmem_shared>>
        %dma_start3A_128 = arith.constant 0 : i32
        %dma_start3A_129 = tpu.memref_slice %arg17[%mul3A_124, %dma_start3A_128] : memref<10000x80xf32, #tpu.memory_space<vmem_shared>> -> memref<80x80xf32, #tpu.memory_space<vmem_shared>>
        tpu.enqueue_dma source(%dma_start3A_129 : memref<80x80xf32, #tpu.memory_space<vmem_shared>>) target(%arg15 : memref<80x80xf32, #tpu.memory_space<vmem>>) target_semaphore(%run_scoped3A : memref<!tpu.dma_semaphore, #tpu.memory_space<semaphore_mem>>)
        %dma_wait3A = arith.constant 0 : i32
        %dma_wait3A_130 = tpu.memref_slice %arg17[%mul3A_124, %dma_wait3A] : memref<10000x80xf32, #tpu.memory_space<vmem_shared>> -> memref<80x80xf32, #tpu.memory_space<vmem_shared>>
        %dma_wait3A_131 = arith.constant 0 : i32
        %dma_wait3A_132 = tpu.memref_slice %arg17[%mul3A_124, %dma_wait3A_131] : memref<10000x80xf32, #tpu.memory_space<vmem_shared>> -> memref<80x80xf32, #tpu.memory_space<vmem_shared>>
        tpu.wait_dma2 semaphore(%run_scoped3A : memref<!tpu.dma_semaphore, #tpu.memory_space<semaphore_mem>>) src(%dma_wait3A_132 : memref<80x80xf32, #tpu.memory_space<vmem_shared>>) dst(%arg15 : memref<80x80xf32, #tpu.memory_space<vmem>>)
        tpu.yield
      }) : () -> ()
      %mul3A_125 = arith.constant 80 : i32
      %mul3A_126 = arith.muli %add3A_90, %mul3A_125 : i32
      "tpu.region"() ({
        %run_scoped3A = tpu.sem_alloc : memref<!tpu.dma_semaphore, #tpu.memory_space<semaphore_mem>>
        %dma_start3A = arith.constant 0 : i32
        %dma_start3A_127 = tpu.memref_slice %arg8[%arg0, %mul3A_126, %dma_start3A] : memref<2x10000x80xf32, #tpu.memory_space<hbm>> -> memref<1x80x80xf32, #tpu.memory_space<hbm>>
        %dma_start3A_128 = tpu.memref_squeeze %dma_start3A_127 : memref<1x80x80xf32, #tpu.memory_space<hbm>> -> memref<80x80xf32, #tpu.memory_space<hbm>>
        %dma_start3A_129 = arith.constant 0 : i32
        %dma_start3A_130 = tpu.memref_slice %arg8[%arg0, %mul3A_126, %dma_start3A_129] : memref<2x10000x80xf32, #tpu.memory_space<hbm>> -> memref<1x80x80xf32, #tpu.memory_space<hbm>>
        %dma_start3A_131 = tpu.memref_squeeze %dma_start3A_130 : memref<1x80x80xf32, #tpu.memory_space<hbm>> -> memref<80x80xf32, #tpu.memory_space<hbm>>
        tpu.enqueue_dma source(%arg15 : memref<80x80xf32, #tpu.memory_space<vmem>>) target(%dma_start3A_131 : memref<80x80xf32, #tpu.memory_space<hbm>>) target_semaphore(%run_scoped3A : memref<!tpu.dma_semaphore, #tpu.memory_space<semaphore_mem>>)
        %dma_wait3A = arith.constant 0 : i32
        %dma_wait3A_132 = tpu.memref_slice %arg8[%arg0, %mul3A_126, %dma_wait3A] : memref<2x10000x80xf32, #tpu.memory_space<hbm>> -> memref<1x80x80xf32, #tpu.memory_space<hbm>>
        %dma_wait3A_133 = tpu.memref_squeeze %dma_wait3A_132 : memref<1x80x80xf32, #tpu.memory_space<hbm>> -> memref<80x80xf32, #tpu.memory_space<hbm>>
        %dma_wait3A_134 = arith.constant 0 : i32
        %dma_wait3A_135 = tpu.memref_slice %arg8[%arg0, %mul3A_126, %dma_wait3A_134] : memref<2x10000x80xf32, #tpu.memory_space<hbm>> -> memref<1x80x80xf32, #tpu.memory_space<hbm>>
        %dma_wait3A_136 = tpu.memref_squeeze %dma_wait3A_135 : memref<1x80x80xf32, #tpu.memory_space<hbm>> -> memref<80x80xf32, #tpu.memory_space<hbm>>
        tpu.wait_dma2 semaphore(%run_scoped3A : memref<!tpu.dma_semaphore, #tpu.memory_space<semaphore_mem>>) src(%arg15 : memref<80x80xf32, #tpu.memory_space<vmem>>) dst(%dma_wait3A_136 : memref<80x80xf32, #tpu.memory_space<hbm>>)
        tpu.yield
      }) : () -> ()
    } else {
    }
    %add3A_96 = arith.constant 64 : i32
    %add3A_97 = arith.addi %arg1, %add3A_96 : i32
    %lt3A_98 = arith.constant 125 : i32
    %lt3A_99 = arith.cmpi slt, %add3A_97, %lt3A_98 : i32
    %convert_element_type3A_100 = arith.extui %lt3A_99 : i1 to i32
    %cond3A_101 = arith.constant 0 : i32
    %cond3A_102 = arith.cmpi ne, %convert_element_type3A_100, %cond3A_101 : i32
    scf.if %cond3A_102 {
      %mul3A = arith.constant 80 : i32
      %mul3A_124 = arith.muli %add3A_97, %mul3A : i32
      "tpu.region"() ({
        %run_scoped3A = tpu.sem_alloc : memref<!tpu.dma_semaphore, #tpu.memory_space<semaphore_mem>>
        %dma_start3A = arith.constant 0 : i32
        %dma_start3A_127 = tpu.memref_slice %arg17[%mul3A_124, %dma_start3A] : memref<10000x80xf32, #tpu.memory_space<vmem_shared>> -> memref<80x80xf32, #tpu.memory_space<vmem_shared>>
        %dma_start3A_128 = arith.constant 0 : i32
        %dma_start3A_129 = tpu.memref_slice %arg17[%mul3A_124, %dma_start3A_128] : memref<10000x80xf32, #tpu.memory_space<vmem_shared>> -> memref<80x80xf32, #tpu.memory_space<vmem_shared>>
        tpu.enqueue_dma source(%dma_start3A_129 : memref<80x80xf32, #tpu.memory_space<vmem_shared>>) target(%arg15 : memref<80x80xf32, #tpu.memory_space<vmem>>) target_semaphore(%run_scoped3A : memref<!tpu.dma_semaphore, #tpu.memory_space<semaphore_mem>>)
        %dma_wait3A = arith.constant 0 : i32
        %dma_wait3A_130 = tpu.memref_slice %arg17[%mul3A_124, %dma_wait3A] : memref<10000x80xf32, #tpu.memory_space<vmem_shared>> -> memref<80x80xf32, #tpu.memory_space<vmem_shared>>
        %dma_wait3A_131 = arith.constant 0 : i32
        %dma_wait3A_132 = tpu.memref_slice %arg17[%mul3A_124, %dma_wait3A_131] : memref<10000x80xf32, #tpu.memory_space<vmem_shared>> -> memref<80x80xf32, #tpu.memory_space<vmem_shared>>
        tpu.wait_dma2 semaphore(%run_scoped3A : memref<!tpu.dma_semaphore, #tpu.memory_space<semaphore_mem>>) src(%dma_wait3A_132 : memref<80x80xf32, #tpu.memory_space<vmem_shared>>) dst(%arg15 : memref<80x80xf32, #tpu.memory_space<vmem>>)
        tpu.yield
      }) : () -> ()
      %mul3A_125 = arith.constant 80 : i32
      %mul3A_126 = arith.muli %add3A_97, %mul3A_125 : i32
      "tpu.region"() ({
        %run_scoped3A = tpu.sem_alloc : memref<!tpu.dma_semaphore, #tpu.memory_space<semaphore_mem>>
        %dma_start3A = arith.constant 0 : i32
        %dma_start3A_127 = tpu.memref_slice %arg8[%arg0, %mul3A_126, %dma_start3A] : memref<2x10000x80xf32, #tpu.memory_space<hbm>> -> memref<1x80x80xf32, #tpu.memory_space<hbm>>
        %dma_start3A_128 = tpu.memref_squeeze %dma_start3A_127 : memref<1x80x80xf32, #tpu.memory_space<hbm>> -> memref<80x80xf32, #tpu.memory_space<hbm>>
        %dma_start3A_129 = arith.constant 0 : i32
        %dma_start3A_130 = tpu.memref_slice %arg8[%arg0, %mul3A_126, %dma_start3A_129] : memref<2x10000x80xf32, #tpu.memory_space<hbm>> -> memref<1x80x80xf32, #tpu.memory_space<hbm>>
        %dma_start3A_131 = tpu.memref_squeeze %dma_start3A_130 : memref<1x80x80xf32, #tpu.memory_space<hbm>> -> memref<80x80xf32, #tpu.memory_space<hbm>>
        tpu.enqueue_dma source(%arg15 : memref<80x80xf32, #tpu.memory_space<vmem>>) target(%dma_start3A_131 : memref<80x80xf32, #tpu.memory_space<hbm>>) target_semaphore(%run_scoped3A : memref<!tpu.dma_semaphore, #tpu.memory_space<semaphore_mem>>)
        %dma_wait3A = arith.constant 0 : i32
        %dma_wait3A_132 = tpu.memref_slice %arg8[%arg0, %mul3A_126, %dma_wait3A] : memref<2x10000x80xf32, #tpu.memory_space<hbm>> -> memref<1x80x80xf32, #tpu.memory_space<hbm>>
        %dma_wait3A_133 = tpu.memref_squeeze %dma_wait3A_132 : memref<1x80x80xf32, #tpu.memory_space<hbm>> -> memref<80x80xf32, #tpu.memory_space<hbm>>
        %dma_wait3A_134 = arith.constant 0 : i32
        %dma_wait3A_135 = tpu.memref_slice %arg8[%arg0, %mul3A_126, %dma_wait3A_134] : memref<2x10000x80xf32, #tpu.memory_space<hbm>> -> memref<1x80x80xf32, #tpu.memory_space<hbm>>
        %dma_wait3A_136 = tpu.memref_squeeze %dma_wait3A_135 : memref<1x80x80xf32, #tpu.memory_space<hbm>> -> memref<80x80xf32, #tpu.memory_space<hbm>>
        tpu.wait_dma2 semaphore(%run_scoped3A : memref<!tpu.dma_semaphore, #tpu.memory_space<semaphore_mem>>) src(%arg15 : memref<80x80xf32, #tpu.memory_space<vmem>>) dst(%dma_wait3A_136 : memref<80x80xf32, #tpu.memory_space<hbm>>)
        tpu.yield
      }) : () -> ()
    } else {
    }
    %add3A_103 = arith.constant 80 : i32
    %add3A_104 = arith.addi %arg1, %add3A_103 : i32
    %lt3A_105 = arith.constant 125 : i32
    %lt3A_106 = arith.cmpi slt, %add3A_104, %lt3A_105 : i32
    %convert_element_type3A_107 = arith.extui %lt3A_106 : i1 to i32
    %cond3A_108 = arith.constant 0 : i32
    %cond3A_109 = arith.cmpi ne, %convert_element_type3A_107, %cond3A_108 : i32
    scf.if %cond3A_109 {
      %mul3A = arith.constant 80 : i32
      %mul3A_124 = arith.muli %add3A_104, %mul3A : i32
      "tpu.region"() ({
        %run_scoped3A = tpu.sem_alloc : memref<!tpu.dma_semaphore, #tpu.memory_space<semaphore_mem>>
        %dma_start3A = arith.constant 0 : i32
        %dma_start3A_127 = tpu.memref_slice %arg17[%mul3A_124, %dma_start3A] : memref<10000x80xf32, #tpu.memory_space<vmem_shared>> -> memref<80x80xf32, #tpu.memory_space<vmem_shared>>
        %dma_start3A_128 = arith.constant 0 : i32
        %dma_start3A_129 = tpu.memref_slice %arg17[%mul3A_124, %dma_start3A_128] : memref<10000x80xf32, #tpu.memory_space<vmem_shared>> -> memref<80x80xf32, #tpu.memory_space<vmem_shared>>
        tpu.enqueue_dma source(%dma_start3A_129 : memref<80x80xf32, #tpu.memory_space<vmem_shared>>) target(%arg15 : memref<80x80xf32, #tpu.memory_space<vmem>>) target_semaphore(%run_scoped3A : memref<!tpu.dma_semaphore, #tpu.memory_space<semaphore_mem>>)
        %dma_wait3A = arith.constant 0 : i32
        %dma_wait3A_130 = tpu.memref_slice %arg17[%mul3A_124, %dma_wait3A] : memref<10000x80xf32, #tpu.memory_space<vmem_shared>> -> memref<80x80xf32, #tpu.memory_space<vmem_shared>>
        %dma_wait3A_131 = arith.constant 0 : i32
        %dma_wait3A_132 = tpu.memref_slice %arg17[%mul3A_124, %dma_wait3A_131] : memref<10000x80xf32, #tpu.memory_space<vmem_shared>> -> memref<80x80xf32, #tpu.memory_space<vmem_shared>>
        tpu.wait_dma2 semaphore(%run_scoped3A : memref<!tpu.dma_semaphore, #tpu.memory_space<semaphore_mem>>) src(%dma_wait3A_132 : memref<80x80xf32, #tpu.memory_space<vmem_shared>>) dst(%arg15 : memref<80x80xf32, #tpu.memory_space<vmem>>)
        tpu.yield
      }) : () -> ()
      %mul3A_125 = arith.constant 80 : i32
      %mul3A_126 = arith.muli %add3A_104, %mul3A_125 : i32
      "tpu.region"() ({
        %run_scoped3A = tpu.sem_alloc : memref<!tpu.dma_semaphore, #tpu.memory_space<semaphore_mem>>
        %dma_start3A = arith.constant 0 : i32
        %dma_start3A_127 = tpu.memref_slice %arg8[%arg0, %mul3A_126, %dma_start3A] : memref<2x10000x80xf32, #tpu.memory_space<hbm>> -> memref<1x80x80xf32, #tpu.memory_space<hbm>>
        %dma_start3A_128 = tpu.memref_squeeze %dma_start3A_127 : memref<1x80x80xf32, #tpu.memory_space<hbm>> -> memref<80x80xf32, #tpu.memory_space<hbm>>
        %dma_start3A_129 = arith.constant 0 : i32
        %dma_start3A_130 = tpu.memref_slice %arg8[%arg0, %mul3A_126, %dma_start3A_129] : memref<2x10000x80xf32, #tpu.memory_space<hbm>> -> memref<1x80x80xf32, #tpu.memory_space<hbm>>
        %dma_start3A_131 = tpu.memref_squeeze %dma_start3A_130 : memref<1x80x80xf32, #tpu.memory_space<hbm>> -> memref<80x80xf32, #tpu.memory_space<hbm>>
        tpu.enqueue_dma source(%arg15 : memref<80x80xf32, #tpu.memory_space<vmem>>) target(%dma_start3A_131 : memref<80x80xf32, #tpu.memory_space<hbm>>) target_semaphore(%run_scoped3A : memref<!tpu.dma_semaphore, #tpu.memory_space<semaphore_mem>>)
        %dma_wait3A = arith.constant 0 : i32
        %dma_wait3A_132 = tpu.memref_slice %arg8[%arg0, %mul3A_126, %dma_wait3A] : memref<2x10000x80xf32, #tpu.memory_space<hbm>> -> memref<1x80x80xf32, #tpu.memory_space<hbm>>
        %dma_wait3A_133 = tpu.memref_squeeze %dma_wait3A_132 : memref<1x80x80xf32, #tpu.memory_space<hbm>> -> memref<80x80xf32, #tpu.memory_space<hbm>>
        %dma_wait3A_134 = arith.constant 0 : i32
        %dma_wait3A_135 = tpu.memref_slice %arg8[%arg0, %mul3A_126, %dma_wait3A_134] : memref<2x10000x80xf32, #tpu.memory_space<hbm>> -> memref<1x80x80xf32, #tpu.memory_space<hbm>>
        %dma_wait3A_136 = tpu.memref_squeeze %dma_wait3A_135 : memref<1x80x80xf32, #tpu.memory_space<hbm>> -> memref<80x80xf32, #tpu.memory_space<hbm>>
        tpu.wait_dma2 semaphore(%run_scoped3A : memref<!tpu.dma_semaphore, #tpu.memory_space<semaphore_mem>>) src(%arg15 : memref<80x80xf32, #tpu.memory_space<vmem>>) dst(%dma_wait3A_136 : memref<80x80xf32, #tpu.memory_space<hbm>>)
        tpu.yield
      }) : () -> ()
    } else {
    }
    %add3A_110 = arith.constant 96 : i32
    %add3A_111 = arith.addi %arg1, %add3A_110 : i32
    %lt3A_112 = arith.constant 125 : i32
    %lt3A_113 = arith.cmpi slt, %add3A_111, %lt3A_112 : i32
    %convert_element_type3A_114 = arith.extui %lt3A_113 : i1 to i32
    %cond3A_115 = arith.constant 0 : i32
    %cond3A_116 = arith.cmpi ne, %convert_element_type3A_114, %cond3A_115 : i32
    scf.if %cond3A_116 {
      %mul3A = arith.constant 80 : i32
      %mul3A_124 = arith.muli %add3A_111, %mul3A : i32
      "tpu.region"() ({
        %run_scoped3A = tpu.sem_alloc : memref<!tpu.dma_semaphore, #tpu.memory_space<semaphore_mem>>
        %dma_start3A = arith.constant 0 : i32
        %dma_start3A_127 = tpu.memref_slice %arg17[%mul3A_124, %dma_start3A] : memref<10000x80xf32, #tpu.memory_space<vmem_shared>> -> memref<80x80xf32, #tpu.memory_space<vmem_shared>>
        %dma_start3A_128 = arith.constant 0 : i32
        %dma_start3A_129 = tpu.memref_slice %arg17[%mul3A_124, %dma_start3A_128] : memref<10000x80xf32, #tpu.memory_space<vmem_shared>> -> memref<80x80xf32, #tpu.memory_space<vmem_shared>>
        tpu.enqueue_dma source(%dma_start3A_129 : memref<80x80xf32, #tpu.memory_space<vmem_shared>>) target(%arg15 : memref<80x80xf32, #tpu.memory_space<vmem>>) target_semaphore(%run_scoped3A : memref<!tpu.dma_semaphore, #tpu.memory_space<semaphore_mem>>)
        %dma_wait3A = arith.constant 0 : i32
        %dma_wait3A_130 = tpu.memref_slice %arg17[%mul3A_124, %dma_wait3A] : memref<10000x80xf32, #tpu.memory_space<vmem_shared>> -> memref<80x80xf32, #tpu.memory_space<vmem_shared>>
        %dma_wait3A_131 = arith.constant 0 : i32
        %dma_wait3A_132 = tpu.memref_slice %arg17[%mul3A_124, %dma_wait3A_131] : memref<10000x80xf32, #tpu.memory_space<vmem_shared>> -> memref<80x80xf32, #tpu.memory_space<vmem_shared>>
        tpu.wait_dma2 semaphore(%run_scoped3A : memref<!tpu.dma_semaphore, #tpu.memory_space<semaphore_mem>>) src(%dma_wait3A_132 : memref<80x80xf32, #tpu.memory_space<vmem_shared>>) dst(%arg15 : memref<80x80xf32, #tpu.memory_space<vmem>>)
        tpu.yield
      }) : () -> ()
      %mul3A_125 = arith.constant 80 : i32
      %mul3A_126 = arith.muli %add3A_111, %mul3A_125 : i32
      "tpu.region"() ({
        %run_scoped3A = tpu.sem_alloc : memref<!tpu.dma_semaphore, #tpu.memory_space<semaphore_mem>>
        %dma_start3A = arith.constant 0 : i32
        %dma_start3A_127 = tpu.memref_slice %arg8[%arg0, %mul3A_126, %dma_start3A] : memref<2x10000x80xf32, #tpu.memory_space<hbm>> -> memref<1x80x80xf32, #tpu.memory_space<hbm>>
        %dma_start3A_128 = tpu.memref_squeeze %dma_start3A_127 : memref<1x80x80xf32, #tpu.memory_space<hbm>> -> memref<80x80xf32, #tpu.memory_space<hbm>>
        %dma_start3A_129 = arith.constant 0 : i32
        %dma_start3A_130 = tpu.memref_slice %arg8[%arg0, %mul3A_126, %dma_start3A_129] : memref<2x10000x80xf32, #tpu.memory_space<hbm>> -> memref<1x80x80xf32, #tpu.memory_space<hbm>>
        %dma_start3A_131 = tpu.memref_squeeze %dma_start3A_130 : memref<1x80x80xf32, #tpu.memory_space<hbm>> -> memref<80x80xf32, #tpu.memory_space<hbm>>
        tpu.enqueue_dma source(%arg15 : memref<80x80xf32, #tpu.memory_space<vmem>>) target(%dma_start3A_131 : memref<80x80xf32, #tpu.memory_space<hbm>>) target_semaphore(%run_scoped3A : memref<!tpu.dma_semaphore, #tpu.memory_space<semaphore_mem>>)
        %dma_wait3A = arith.constant 0 : i32
        %dma_wait3A_132 = tpu.memref_slice %arg8[%arg0, %mul3A_126, %dma_wait3A] : memref<2x10000x80xf32, #tpu.memory_space<hbm>> -> memref<1x80x80xf32, #tpu.memory_space<hbm>>
        %dma_wait3A_133 = tpu.memref_squeeze %dma_wait3A_132 : memref<1x80x80xf32, #tpu.memory_space<hbm>> -> memref<80x80xf32, #tpu.memory_space<hbm>>
        %dma_wait3A_134 = arith.constant 0 : i32
        %dma_wait3A_135 = tpu.memref_slice %arg8[%arg0, %mul3A_126, %dma_wait3A_134] : memref<2x10000x80xf32, #tpu.memory_space<hbm>> -> memref<1x80x80xf32, #tpu.memory_space<hbm>>
        %dma_wait3A_136 = tpu.memref_squeeze %dma_wait3A_135 : memref<1x80x80xf32, #tpu.memory_space<hbm>> -> memref<80x80xf32, #tpu.memory_space<hbm>>
        tpu.wait_dma2 semaphore(%run_scoped3A : memref<!tpu.dma_semaphore, #tpu.memory_space<semaphore_mem>>) src(%arg15 : memref<80x80xf32, #tpu.memory_space<vmem>>) dst(%dma_wait3A_136 : memref<80x80xf32, #tpu.memory_space<hbm>>)
        tpu.yield
      }) : () -> ()
    } else {
    }
    %add3A_117 = arith.constant 112 : i32
    %add3A_118 = arith.addi %arg1, %add3A_117 : i32
    %lt3A_119 = arith.constant 125 : i32
    %lt3A_120 = arith.cmpi slt, %add3A_118, %lt3A_119 : i32
    %convert_element_type3A_121 = arith.extui %lt3A_120 : i1 to i32
    %cond3A_122 = arith.constant 0 : i32
    %cond3A_123 = arith.cmpi ne, %convert_element_type3A_121, %cond3A_122 : i32
    scf.if %cond3A_123 {
      %mul3A = arith.constant 80 : i32
      %mul3A_124 = arith.muli %add3A_118, %mul3A : i32
      "tpu.region"() ({
        %run_scoped3A = tpu.sem_alloc : memref<!tpu.dma_semaphore, #tpu.memory_space<semaphore_mem>>
        %dma_start3A = arith.constant 0 : i32
        %dma_start3A_127 = tpu.memref_slice %arg17[%mul3A_124, %dma_start3A] : memref<10000x80xf32, #tpu.memory_space<vmem_shared>> -> memref<80x80xf32, #tpu.memory_space<vmem_shared>>
        %dma_start3A_128 = arith.constant 0 : i32
        %dma_start3A_129 = tpu.memref_slice %arg17[%mul3A_124, %dma_start3A_128] : memref<10000x80xf32, #tpu.memory_space<vmem_shared>> -> memref<80x80xf32, #tpu.memory_space<vmem_shared>>
        tpu.enqueue_dma source(%dma_start3A_129 : memref<80x80xf32, #tpu.memory_space<vmem_shared>>) target(%arg15 : memref<80x80xf32, #tpu.memory_space<vmem>>) target_semaphore(%run_scoped3A : memref<!tpu.dma_semaphore, #tpu.memory_space<semaphore_mem>>)
        %dma_wait3A = arith.constant 0 : i32
        %dma_wait3A_130 = tpu.memref_slice %arg17[%mul3A_124, %dma_wait3A] : memref<10000x80xf32, #tpu.memory_space<vmem_shared>> -> memref<80x80xf32, #tpu.memory_space<vmem_shared>>
        %dma_wait3A_131 = arith.constant 0 : i32
        %dma_wait3A_132 = tpu.memref_slice %arg17[%mul3A_124, %dma_wait3A_131] : memref<10000x80xf32, #tpu.memory_space<vmem_shared>> -> memref<80x80xf32, #tpu.memory_space<vmem_shared>>
        tpu.wait_dma2 semaphore(%run_scoped3A : memref<!tpu.dma_semaphore, #tpu.memory_space<semaphore_mem>>) src(%dma_wait3A_132 : memref<80x80xf32, #tpu.memory_space<vmem_shared>>) dst(%arg15 : memref<80x80xf32, #tpu.memory_space<vmem>>)
        tpu.yield
      }) : () -> ()
      %mul3A_125 = arith.constant 80 : i32
      %mul3A_126 = arith.muli %add3A_118, %mul3A_125 : i32
      "tpu.region"() ({
        %run_scoped3A = tpu.sem_alloc : memref<!tpu.dma_semaphore, #tpu.memory_space<semaphore_mem>>
        %dma_start3A = arith.constant 0 : i32
        %dma_start3A_127 = tpu.memref_slice %arg8[%arg0, %mul3A_126, %dma_start3A] : memref<2x10000x80xf32, #tpu.memory_space<hbm>> -> memref<1x80x80xf32, #tpu.memory_space<hbm>>
        %dma_start3A_128 = tpu.memref_squeeze %dma_start3A_127 : memref<1x80x80xf32, #tpu.memory_space<hbm>> -> memref<80x80xf32, #tpu.memory_space<hbm>>
        %dma_start3A_129 = arith.constant 0 : i32
        %dma_start3A_130 = tpu.memref_slice %arg8[%arg0, %mul3A_126, %dma_start3A_129] : memref<2x10000x80xf32, #tpu.memory_space<hbm>> -> memref<1x80x80xf32, #tpu.memory_space<hbm>>
        %dma_start3A_131 = tpu.memref_squeeze %dma_start3A_130 : memref<1x80x80xf32, #tpu.memory_space<hbm>> -> memref<80x80xf32, #tpu.memory_space<hbm>>
        tpu.enqueue_dma source(%arg15 : memref<80x80xf32, #tpu.memory_space<vmem>>) target(%dma_start3A_131 : memref<80x80xf32, #tpu.memory_space<hbm>>) target_semaphore(%run_scoped3A : memref<!tpu.dma_semaphore, #tpu.memory_space<semaphore_mem>>)
        %dma_wait3A = arith.constant 0 : i32
        %dma_wait3A_132 = tpu.memref_slice %arg8[%arg0, %mul3A_126, %dma_wait3A] : memref<2x10000x80xf32, #tpu.memory_space<hbm>> -> memref<1x80x80xf32, #tpu.memory_space<hbm>>
        %dma_wait3A_133 = tpu.memref_squeeze %dma_wait3A_132 : memref<1x80x80xf32, #tpu.memory_space<hbm>> -> memref<80x80xf32, #tpu.memory_space<hbm>>
        %dma_wait3A_134 = arith.constant 0 : i32
        %dma_wait3A_135 = tpu.memref_slice %arg8[%arg0, %mul3A_126, %dma_wait3A_134] : memref<2x10000x80xf32, #tpu.memory_space<hbm>> -> memref<1x80x80xf32, #tpu.memory_space<hbm>>
        %dma_wait3A_136 = tpu.memref_squeeze %dma_wait3A_135 : memref<1x80x80xf32, #tpu.memory_space<hbm>> -> memref<80x80xf32, #tpu.memory_space<hbm>>
        tpu.wait_dma2 semaphore(%run_scoped3A : memref<!tpu.dma_semaphore, #tpu.memory_space<semaphore_mem>>) src(%arg15 : memref<80x80xf32, #tpu.memory_space<vmem>>) dst(%dma_wait3A_136 : memref<80x80xf32, #tpu.memory_space<hbm>>)
        tpu.yield
      }) : () -> ()
    } else {
    }
    return
  }
}

module attributes {stable_mosaic.version = 14 : i64} {
  func.func @_proj_body(%arg0: i32, %arg1: memref<2000x128xf32, #tpu.memory_space<vmem>>, %arg2: memref<128x384xf32, #tpu.memory_space<vmem>>, %arg3: memref<1x384xf32, #tpu.memory_space<vmem>>, %arg4: memref<2x2000x64xf32, #tpu.memory_space<vmem>>, %arg5: memref<2x2000x128xf32, #tpu.memory_space<vmem>>) attributes {dimension_semantics = [#tpu.dimension_semantics<arbitrary>], iteration_bounds = array<i64: 5>, scalar_prefetch = 0 : i64, scratch_operands = 0 : i64, tpu.core_type = #tpu.core_type<tc>, window_params = [{transform_indices = @transform_0, window_bounds = array<i64: 2000, 128>}, {pipeline_mode = #tpu.pipeline_mode<synchronous>, transform_indices = @transform_1, window_bounds = array<i64: 128, 384>}, {pipeline_mode = #tpu.pipeline_mode<synchronous>, transform_indices = @transform_2, window_bounds = array<i64: 1, 384>}, {transform_indices = @transform_3, window_bounds = array<i64: 2, 2000, 64>}, {transform_indices = @transform_4, window_bounds = array<i64: 2, 2000, 128>}]} {
    %get3A = arith.constant 0 : index
    %get3A_0 = arith.constant 0 : index
    %get3A_1 = vector.load %arg1[%get3A, %get3A_0] : memref<2000x128xf32, #tpu.memory_space<vmem>>, vector<2000x128xf32>
    %get3A_2 = arith.constant 0 : index
    %get3A_3 = arith.constant 0 : index
    %get3A_4 = vector.load %arg2[%get3A_2, %get3A_3] : memref<128x384xf32, #tpu.memory_space<vmem>>, vector<128x384xf32>
    %dot_general3A = arith.constant dense<0.000000e+00> : vector<2000x384xf32>
    %dot_general3A_5 = tpu.matmul %get3A_1, %get3A_4, %dot_general3A {dimension_numbers = #tpu.dot_dimension_numbers<[1], [0], [0], [1], [0, 0, 1, 1], [], []>, precision = #tpu.contract_precision<fp32>, transpose_lhs_hint = false} : vector<2000x128xf32>, vector<128x384xf32>, vector<2000x384xf32> -> vector<2000x384xf32>
    %get3A_6 = arith.constant 0 : index
    %get3A_7 = arith.constant 0 : index
    %get3A_8 = vector.load %arg3[%get3A_6, %get3A_7] : memref<1x384xf32, #tpu.memory_space<vmem>>, vector<1x384xf32>
    %add3A = vector.broadcast %get3A_8 : vector<1x384xf32> to vector<2000x384xf32>
    %add3A_9 = arith.addf %dot_general3A_5, %add3A : vector<2000x384xf32>
    %slice3A = vector.extract_strided_slice %add3A_9 {offsets = [0, 0], sizes = [2000, 64], strides = [1, 1]} : vector<2000x384xf32> to vector<2000x64xf32>
    %swap3A = arith.constant 0 : index
    %swap3A_10 = arith.constant 0 : index
    %swap3A_11 = arith.constant 0 : index
    %swap3A_12 = vector.load %arg4[%swap3A, %swap3A_10, %swap3A_11] : memref<2x2000x64xf32, #tpu.memory_space<vmem>>, vector<1x2000x64xf32>
    %swap3A_13 = vector.shape_cast %swap3A_12 : vector<1x2000x64xf32> to vector<2000x64xf32>
    %swap3A_14 = vector.shape_cast %slice3A : vector<2000x64xf32> to vector<1x2000x64xf32>
    tpu.vector_store %arg4[%swap3A, %swap3A_10, %swap3A_11], %swap3A_14 {strides = array<i32>} : memref<2x2000x64xf32, #tpu.memory_space<vmem>>, vector<1x2000x64xf32>,
    %slice3A_15 = vector.extract_strided_slice %add3A_9 {offsets = [0, 128], sizes = [2000, 64], strides = [1, 1]} : vector<2000x384xf32> to vector<2000x64xf32>
    %slice3A_16 = vector.extract_strided_slice %add3A_9 {offsets = [0, 256], sizes = [2000, 64], strides = [1, 1]} : vector<2000x384xf32> to vector<2000x64xf32>
    %concatenate3A = tpu.concatenate %slice3A_15, %slice3A_16 in 1 : vector<2000x64xf32>, vector<2000x64xf32> -> vector<2000x128xf32>
    %swap3A_17 = arith.constant 0 : index
    %swap3A_18 = arith.constant 0 : index
    %swap3A_19 = arith.constant 0 : index
    %swap3A_20 = vector.load %arg5[%swap3A_17, %swap3A_18, %swap3A_19] : memref<2x2000x128xf32, #tpu.memory_space<vmem>>, vector<1x2000x128xf32>
    %swap3A_21 = vector.shape_cast %swap3A_20 : vector<1x2000x128xf32> to vector<2000x128xf32>
    %swap3A_22 = vector.shape_cast %concatenate3A : vector<2000x128xf32> to vector<1x2000x128xf32>
    tpu.vector_store %arg5[%swap3A_17, %swap3A_18, %swap3A_19], %swap3A_22 {strides = array<i32>} : memref<2x2000x128xf32, #tpu.memory_space<vmem>>, vector<1x2000x128xf32>,
    %slice3A_23 = vector.extract_strided_slice %add3A_9 {offsets = [0, 64], sizes = [2000, 64], strides = [1, 1]} : vector<2000x384xf32> to vector<2000x64xf32>
    %swap3A_24 = arith.constant 1 : index
    %swap3A_25 = arith.constant 0 : index
    %swap3A_26 = arith.constant 0 : index
    %swap3A_27 = vector.load %arg4[%swap3A_24, %swap3A_25, %swap3A_26] : memref<2x2000x64xf32, #tpu.memory_space<vmem>>, vector<1x2000x64xf32>
    %swap3A_28 = vector.shape_cast %swap3A_27 : vector<1x2000x64xf32> to vector<2000x64xf32>
    %swap3A_29 = vector.shape_cast %slice3A_23 : vector<2000x64xf32> to vector<1x2000x64xf32>
    tpu.vector_store %arg4[%swap3A_24, %swap3A_25, %swap3A_26], %swap3A_29 {strides = array<i32>} : memref<2x2000x64xf32, #tpu.memory_space<vmem>>, vector<1x2000x64xf32>,
    %slice3A_30 = vector.extract_strided_slice %add3A_9 {offsets = [0, 192], sizes = [2000, 64], strides = [1, 1]} : vector<2000x384xf32> to vector<2000x64xf32>
    %slice3A_31 = vector.extract_strided_slice %add3A_9 {offsets = [0, 320], sizes = [2000, 64], strides = [1, 1]} : vector<2000x384xf32> to vector<2000x64xf32>
    %concatenate3A_32 = tpu.concatenate %slice3A_30, %slice3A_31 in 1 : vector<2000x64xf32>, vector<2000x64xf32> -> vector<2000x128xf32>
    %swap3A_33 = arith.constant 1 : index
    %swap3A_34 = arith.constant 0 : index
    %swap3A_35 = arith.constant 0 : index
    %swap3A_36 = vector.load %arg5[%swap3A_33, %swap3A_34, %swap3A_35] : memref<2x2000x128xf32, #tpu.memory_space<vmem>>, vector<1x2000x128xf32>
    %swap3A_37 = vector.shape_cast %swap3A_36 : vector<1x2000x128xf32> to vector<2000x128xf32>
    %swap3A_38 = vector.shape_cast %concatenate3A_32 : vector<2000x128xf32> to vector<1x2000x128xf32>
    tpu.vector_store %arg5[%swap3A_33, %swap3A_34, %swap3A_35], %swap3A_38 {strides = array<i32>} : memref<2x2000x128xf32, #tpu.memory_space<vmem>>, vector<1x2000x128xf32>,
    return
  }
  func.func @transform_0(%arg0: i32) -> (i32, i32) {
    %c0_i32 = arith.constant 0 : i32
    %c0_i32_0 = arith.constant 0 : i32
    return %arg0, %c0_i32 : i32, i32
  }
  func.func @transform_1(%arg0: i32) -> (i32, i32) {
    %c0_i32 = arith.constant 0 : i32
    %c0_i32_0 = arith.constant 0 : i32
    %c0_i32_1 = arith.constant 0 : i32
    return %c0_i32, %c0_i32_0 : i32, i32
  }
  func.func @transform_2(%arg0: i32) -> (i32, i32) {
    %c0_i32 = arith.constant 0 : i32
    %c0_i32_0 = arith.constant 0 : i32
    %c0_i32_1 = arith.constant 0 : i32
    return %c0_i32, %c0_i32_0 : i32, i32
  }
  func.func @transform_3(%arg0: i32) -> (i32, i32, i32) {
    %c0_i32 = arith.constant 0 : i32
    %c0_i32_0 = arith.constant 0 : i32
    %c0_i32_1 = arith.constant 0 : i32
    return %c0_i32, %arg0, %c0_i32_0 : i32, i32, i32
  }
  func.func @transform_4(%arg0: i32) -> (i32, i32, i32) {
    %c0_i32 = arith.constant 0 : i32
    %c0_i32_0 = arith.constant 0 : i32
    %c0_i32_1 = arith.constant 0 : i32
    return %c0_i32, %arg0, %c0_i32_0 : i32, i32, i32
  }
}

module attributes {stable_mosaic.version = 14 : i64} {
  func.func @_final_body(%arg0: i32, %arg1: memref<2000x80xf32, #tpu.memory_space<vmem>>, %arg2: memref<2000x80xf32, #tpu.memory_space<vmem>>, %arg3: memref<2000x128xf32, #tpu.memory_space<vmem>>) attributes {dimension_semantics = [#tpu.dimension_semantics<arbitrary>], iteration_bounds = array<i64: 5>, scalar_prefetch = 0 : i64, scratch_operands = 0 : i64, tpu.core_type = #tpu.core_type<tc>, window_params = [{transform_indices = @transform_0, window_bounds = array<i64: 2000, 80>}, {transform_indices = @transform_1, window_bounds = array<i64: 2000, 80>}, {transform_indices = @transform_2, window_bounds = array<i64: 2000, 128>}]} {
    %get3A = arith.constant 0 : index
    %get3A_0 = arith.constant 0 : index
    %get3A_1 = vector.load %arg1[%get3A, %get3A_0] : memref<2000x80xf32, #tpu.memory_space<vmem>>, vector<2000x80xf32>
    %slice3A = vector.extract_strided_slice %get3A_1 {offsets = [0, 0], sizes = [2000, 16], strides = [1, 1]} : vector<2000x80xf32> to vector<2000x16xf32>
    %slice3A_2 = vector.extract_strided_slice %get3A_1 {offsets = [0, 64], sizes = [2000, 1], strides = [1, 1]} : vector<2000x80xf32> to vector<2000x1xf32>
    %div3A = vector.broadcast %slice3A_2 : vector<2000x1xf32> to vector<2000x16xf32>
    %div3A_3 = arith.divf %slice3A, %div3A : vector<2000x16xf32>
    %slice3A_4 = vector.extract_strided_slice %get3A_1 {offsets = [0, 16], sizes = [2000, 16], strides = [1, 1]} : vector<2000x80xf32> to vector<2000x16xf32>
    %slice3A_5 = vector.extract_strided_slice %get3A_1 {offsets = [0, 65], sizes = [2000, 1], strides = [1, 1]} : vector<2000x80xf32> to vector<2000x1xf32>
    %div3A_6 = vector.broadcast %slice3A_5 : vector<2000x1xf32> to vector<2000x16xf32>
    %div3A_7 = arith.divf %slice3A_4, %div3A_6 : vector<2000x16xf32>
    %slice3A_8 = vector.extract_strided_slice %get3A_1 {offsets = [0, 32], sizes = [2000, 16], strides = [1, 1]} : vector<2000x80xf32> to vector<2000x16xf32>
    %slice3A_9 = vector.extract_strided_slice %get3A_1 {offsets = [0, 66], sizes = [2000, 1], strides = [1, 1]} : vector<2000x80xf32> to vector<2000x1xf32>
    %div3A_10 = vector.broadcast %slice3A_9 : vector<2000x1xf32> to vector<2000x16xf32>
    %div3A_11 = arith.divf %slice3A_8, %div3A_10 : vector<2000x16xf32>
    %slice3A_12 = vector.extract_strided_slice %get3A_1 {offsets = [0, 48], sizes = [2000, 16], strides = [1, 1]} : vector<2000x80xf32> to vector<2000x16xf32>
    %slice3A_13 = vector.extract_strided_slice %get3A_1 {offsets = [0, 67], sizes = [2000, 1], strides = [1, 1]} : vector<2000x80xf32> to vector<2000x1xf32>
    %div3A_14 = vector.broadcast %slice3A_13 : vector<2000x1xf32> to vector<2000x16xf32>
    %div3A_15 = arith.divf %slice3A_12, %div3A_14 : vector<2000x16xf32>
    %get3A_16 = arith.constant 0 : index
    %get3A_17 = arith.constant 0 : index
    %get3A_18 = vector.load %arg2[%get3A_16, %get3A_17] : memref<2000x80xf32, #tpu.memory_space<vmem>>, vector<2000x80xf32>
    %slice3A_19 = vector.extract_strided_slice %get3A_18 {offsets = [0, 0], sizes = [2000, 16], strides = [1, 1]} : vector<2000x80xf32> to vector<2000x16xf32>
    %slice3A_20 = vector.extract_strided_slice %get3A_18 {offsets = [0, 64], sizes = [2000, 1], strides = [1, 1]} : vector<2000x80xf32> to vector<2000x1xf32>
    %div3A_21 = vector.broadcast %slice3A_20 : vector<2000x1xf32> to vector<2000x16xf32>
    %div3A_22 = arith.divf %slice3A_19, %div3A_21 : vector<2000x16xf32>
    %slice3A_23 = vector.extract_strided_slice %get3A_18 {offsets = [0, 16], sizes = [2000, 16], strides = [1, 1]} : vector<2000x80xf32> to vector<2000x16xf32>
    %slice3A_24 = vector.extract_strided_slice %get3A_18 {offsets = [0, 65], sizes = [2000, 1], strides = [1, 1]} : vector<2000x80xf32> to vector<2000x1xf32>
    %div3A_25 = vector.broadcast %slice3A_24 : vector<2000x1xf32> to vector<2000x16xf32>
    %div3A_26 = arith.divf %slice3A_23, %div3A_25 : vector<2000x16xf32>
    %slice3A_27 = vector.extract_strided_slice %get3A_18 {offsets = [0, 32], sizes = [2000, 16], strides = [1, 1]} : vector<2000x80xf32> to vector<2000x16xf32>
    %slice3A_28 = vector.extract_strided_slice %get3A_18 {offsets = [0, 66], sizes = [2000, 1], strides = [1, 1]} : vector<2000x80xf32> to vector<2000x1xf32>
    %div3A_29 = vector.broadcast %slice3A_28 : vector<2000x1xf32> to vector<2000x16xf32>
    %div3A_30 = arith.divf %slice3A_27, %div3A_29 : vector<2000x16xf32>
    %slice3A_31 = vector.extract_strided_slice %get3A_18 {offsets = [0, 48], sizes = [2000, 16], strides = [1, 1]} : vector<2000x80xf32> to vector<2000x16xf32>
    %slice3A_32 = vector.extract_strided_slice %get3A_18 {offsets = [0, 67], sizes = [2000, 1], strides = [1, 1]} : vector<2000x80xf32> to vector<2000x1xf32>
    %div3A_33 = vector.broadcast %slice3A_32 : vector<2000x1xf32> to vector<2000x16xf32>
    %div3A_34 = arith.divf %slice3A_31, %div3A_33 : vector<2000x16xf32>
    %concatenate3A = tpu.concatenate %div3A_3, %div3A_7, %div3A_11, %div3A_15, %div3A_22, %div3A_26, %div3A_30, %div3A_34 in 1 : vector<2000x16xf32>, vector<2000x16xf32>, vector<2000x16xf32>, vector<2000x16xf32>, vector<2000x16xf32>, vector<2000x16xf32>, vector<2000x16xf32>, vector<2000x16xf32> -> vector<2000x128xf32>
    %swap3A = arith.constant 0 : index
    %swap3A_35 = arith.constant 0 : index
    %swap3A_36 = vector.load %arg3[%swap3A, %swap3A_35] : memref<2000x128xf32, #tpu.memory_space<vmem>>, vector<2000x128xf32>
    tpu.vector_store %arg3[%swap3A, %swap3A_35], %concatenate3A {strides = array<i32>} : memref<2000x128xf32, #tpu.memory_space<vmem>>, vector<2000x128xf32>,
    return
  }
  func.func @transform_0(%arg0: i32) -> (i32, i32) {
    %c0_i32 = arith.constant 0 : i32
    %c0_i32_0 = arith.constant 0 : i32
    return %arg0, %c0_i32 : i32, i32
  }
  func.func @transform_1(%arg0: i32) -> (i32, i32) {
    %c0_i32 = arith.constant 0 : i32
    %c0_i32_0 = arith.constant 0 : i32
    return %arg0, %c0_i32 : i32, i32
  }
  func.func @transform_2(%arg0: i32) -> (i32, i32) {
    %c0_i32 = arith.constant 0 : i32
    %c0_i32_0 = arith.constant 0 : i32
    return %arg0, %c0_i32 : i32, i32
  }
}

</mosaic_0001>

<sc_bundles>
// kernel: kernel.5.cloned.1.call-start
scs
__scs_entry_jumppad:
0x0: {  	(pc) =	sbr.rel $0x88, $3  }
0x1: {  	(tag) =	ssettag $0x0;
	lr =	simm.s32 $0x1  }
0x2: {  	[smem:$0x3F99] =	sst lr;
	_ =	strace $0xD0000000  }
0x3: {  	_ = 	snop  }
0x4: {  	_ = 	snop  }
0x5: {  	_ = 	snop  }
0x6: {  	_ = 	snop  }
0x7: {  	_ = 	snop  }
__scs_overlays_trampoline_lowered:
0x8: {  	[smem:$0x3FA8] =	sst s0  }
0x9: {  	[smem:$0x3FA9] =	sst s1  }
0xa: {  	[smem:$0x3FAA] =	sst s2  }
0xb: {  	[smem:$0x3FAB] =	sst s3  }
0xc: {  	[smem:$0x3FAC] =	sst s4  }
0xd: {  	[smem:$0x3FAD] =	sst s5  }
0xe: {  	[smem:$0x3FAE] =	sst s6  }
0xf: {  	[smem:$0x3FAF] =	sst s7  }
0x10: {  	[smem:$0x3FB0] =	sst s8  }
0x11: {  	[smem:$0x3FB1] =	sst s9;
	s0 =	simm.s32 @!p0 $0x0  }
0x12: {  	s1 =	sld [smem:$0x3F97];
	s0 =	simm.s32 @p0 $0x1  }
0x13: {  	[smem:$0x3FB2] =	sst s0;
	s0 =	simm.s32 @!p1 $0x0  }
0x14: {  	s2 =	sld [smem:$0x3F96];
	s0 =	simm.s32 @p1 $0x1  }
0x15: {  	[smem:$0x3FB3] =	sst s0;
	s0 =	simm.s32 @!p2 $0x0  }
0x16: {  	s3 =	sld [smem:$0x3FDB];
	s0 =	simm.s32 @p2 $0x1  }
0x17: {  	s4 =	simm.s32 $0x1BF5;
	[smem:$0x3FB5] =	sst s0  }
0x18: {  	s0 =	sld [smem:$0x3F98];
	_ =	swait.ge [sflag:s4], $0x0  }
0x19: {  	s7 =	sld [smem:$0x3F99]  }
0x1a: {  	s8 =	sadd.s32 $0xFFFFE003, lr  }
0x1b: {  	s9 =	sadd.s32 $0xFFFFFEF7, lr;
	s5 =	simm.s32 $0xFFFFFFFF;
	p2 =	slt.u32 s8, $0xFFFFF086  }
0x1c: {  	p1 =	slt.u32 s9, $0xF7A;
	s5 =	simm.s32 @!p2 $0x0  }
0x1d: {  	s5 =	simm.s32 @p1 $0x1;
	p0 =	seq.s32 s7, s2  }
0x1e: {  	s7 =	smul.u32 @!p0 $0xF7A, s2;
	p2 =	seq.s32 @!p0 s5, $0x0  }
0x1f: {  	s9 =	smul.u32 $0xF7A, s1;
	s8 =	simm.s32 @!p0 $0x1BF5;
	p2 =	por !p2, p0  }
0x20: {  	[sflag:s8] =	ssyncset.s32 @!p0 $0xFFFFF086;
	s6 =	sadd.s32 @!p0 s3, s7;
	s7 =	simm.s32 @!p0 $0x108  }
0x21: {  	s3 =	sadd.s32 s3, s9;
	s6 =	sadd.s32 @!p0 $0x88, s6;
	s7 =	simm.s32 @p2 $0x1082  }
0x22: {  	[simem:s7], [sflag:s8] =	dma.local @!p0 [hbm:s6], $0xF7A  }
0x23: {  	s9 =	sor.u32 $0xD0000000, s2;
	s6 =	simm.s32 $0x108;
	_ =	swait.ge @!p0 [sflag:s8], $0x0  }
0x24: {  	s3 =	sadd.s32 $0x88, s3;
	s6 =	simm.s32 @!p1 $0x1082;
	[sflag:s4] =	ssyncset.s32 $0xFFFFF086  }
0x25: {  	[simem:s6], [sflag:s4] =	dma.local [hbm:s3], $0xF7A  }
0x26: {  	[smem:$0x3F99] =	sst s1;
	(tag) =	ssettag s2;
	_ =	strace s9  }
0x27: {  	s1 =	sld [smem:$0x3FA9]  }
0x28: {  	s2 =	sld [smem:$0x3FAA]  }
0x29: {  	s4 =	sld [smem:$0x3FAC]  }
0x2a: {  	p0 =	seq.s32 s5, $0x0;
	s5 =	sld [smem:$0x3FAD]  }
0x2b: {  	s6 =	sld [smem:$0x3FAE]  }
0x2c: {  	s7 =	sld [smem:$0x3FAF]  }
0x2d: {  	s3 =	simm.s32 $0x108;
	s8 =	sld [smem:$0x3FB0]  }
0x2e: {  	s3 =	simm.s32 @!p0 $0x1082;
	s9 =	sld [smem:$0x3FB1]  }
0x2f: {  	lr =	sadd.s32 s0, s3;
	s0 =	sld [smem:$0x3FA8]  }
0x30: {  	s3 =	sld [smem:$0x3FAB]  }
0x31: {  	[smem:$0x3FB4] =	sst s10  }
0x32: {  	s10 =	sld [smem:$0x3FB2];
	_ =	sdelay $0x3  }
0x33: {  	p0 =	seq.s32 s10, $0x1;
	s10 =	sld [smem:$0x3FB4];
	_ =	sdelay $0x3  }
0x34: {  	[smem:$0x3FB4] =	sst s10  }
0x35: {  	s10 =	sld [smem:$0x3FB3];
	_ =	sdelay $0x3  }
0x36: {  	p1 =	seq.s32 s10, $0x1;
	s10 =	sld [smem:$0x3FB4];
	_ =	sdelay $0x3  }
0x37: {  	[smem:$0x3FB4] =	sst s10  }
0x38: {  	s10 =	sld [smem:$0x3FB5]  }
0x39: {  	_ = 	snop;
	(pc) =	sbr.ind lr, $3  }
0x3a: {  	_ = 	snop  }
0x3b: {  	_ = 	snop  }
0x3c: {  	p2 =	seq.s32 s10, $0x1;
	s10 =	sld [smem:$0x3FB4]  }
0x3d: {  	_ =	shalt  }
0x3e: {  	_ =	shalt  }
0x3f: {  	_ =	shalt  }
0x40: {  	_ =	shalt  }
0x41: {  	_ =	shalt  }
0x42: {  	_ =	shalt  }
0x43: {  	_ =	shalt  }
0x44: {  	_ =	shalt  }
0x45: {  	_ =	shalt  }
0x46: {  	_ =	shalt  }
0x47: {  	_ =	shalt  }
0x48: {  	_ =	shalt  }
0x49: {  	_ =	shalt  }
0x4a: {  	_ =	shalt  }
0x4b: {  	_ =	shalt  }
0x4c: {  	_ =	shalt  }
0x4d: {  	_ =	shalt  }
0x4e: {  	_ =	shalt  }
0x4f: {  	_ =	shalt  }
0x50: {  	_ =	shalt  }
0x51: {  	_ =	shalt  }
0x52: {  	_ =	shalt  }
0x53: {  	_ =	shalt  }
0x54: {  	_ =	shalt  }
0x55: {  	_ =	shalt  }
0x56: {  	_ =	shalt  }
0x57: {  	_ =	shalt  }
0x58: {  	_ =	shalt  }
0x59: {  	_ =	shalt  }
0x5a: {  	_ =	shalt  }
0x5b: {  	_ =	shalt  }
0x5c: {  	_ =	shalt  }
0x5d: {  	_ =	shalt  }
0x5e: {  	_ =	shalt  }
0x5f: {  	_ =	shalt  }
0x60: {  	_ =	shalt  }
0x61: {  	_ =	shalt  }
0x62: {  	_ =	shalt  }
0x63: {  	_ =	shalt  }
0x64: {  	_ =	shalt  }
0x65: {  	_ =	shalt  }
0x66: {  	_ =	shalt  }
0x67: {  	_ =	shalt  }
0x68: {  	_ =	shalt  }
0x69: {  	_ =	shalt  }
0x6a: {  	_ =	shalt  }
0x6b: {  	_ =	shalt  }
0x6c: {  	_ =	shalt  }
0x6d: {  	_ =	shalt  }
0x6e: {  	_ =	shalt  }
0x6f: {  	_ =	shalt  }
0x70: {  	_ =	shalt  }
0x71: {  	_ =	shalt  }
0x72: {  	_ =	shalt  }
0x73: {  	_ =	shalt  }
0x74: {  	_ =	shalt  }
0x75: {  	_ =	shalt  }
0x76: {  	_ =	shalt  }
0x77: {  	_ =	shalt  }
0x78: {  	_ =	shalt  }
0x79: {  	_ =	shalt  }
0x7a: {  	_ =	shalt  }
0x7b: {  	_ =	shalt  }
0x7c: {  	_ =	shalt  }
0x7d: {  	_ =	shalt  }
0x7e: {  	_ =	shalt  }
0x7f: {  	_ =	shalt  }
0x80: {  	_ =	shalt  }
0x81: {  	_ =	shalt  }
0x82: {  	_ =	shalt  }
0x83: {  	_ =	shalt  }
0x84: {  	_ =	shalt  }
0x85: {  	_ =	shalt  }
0x86: {  	_ =	shalt  }
0x87: {  	_ =	shalt  }
.Lfunc_end0:
.L_simem_size_0:
called_computation_lowered:
.L_overlay_start_0:
0x88: {  	s2 =	sld [smem:$0x3FD9]  }
0x89: {  	s3 =	sld [smem:$0x3FFE];
	_ =	sdelay $0x1  }
0x8a: {  	s1 =	srdreg.scid  }
0x8b: {  	s0 =	sand.u32 $0x1, s1  }
0x8c: {  	s17 =	sshll.u32 s0, $0xA;
	s2 =	sadd.s32 s3, s2  }
0x8d: {  	s2 =	sadd.s32 s2, s17  }
0x8e: {  	[smem:$0x3FC0] =	sst s2  }
0x8f: {  	_ = 	snop  }
0x90: {  	s2 =	sld [smem:$0x3FD0];
	(tm) =	ssettm $0x1  }
0x91: {  	s18 =	sld [smem:$0x3FFB];
	_ =	sdelay $0x3  }
0x92: {  	_ =	strace s18  }
0x93: {  	s3 =	sld [smem:$0x3FFC];
	_ =	sdelay $0x3  }
0x94: {  	_ =	strace s3  }
0x95: {  	s3 =	sld [smem:$0x3FFD];
	_ =	sdelay $0x3  }
0x96: {  	_ =	strace s3  }
0x97: {  	_ =	strace $0x8FFFFFFF  }
0x98: {  	s19 =	sld [smem:$0x3FDB];
	_ =	sdelay $0x1  }
0x99: {  	s4 =	simm.s32 $_scs_section_size  }
0x9a: {  	s5 =	simm.s32 $_size__tile_overlayer_lowered;
	s6 =	simm.s32 $_tile_overlayer_lowered  }
0x9b: {  	s22 =	simm.s32 $0x1BFF;
	s21 =	sshll.u32 s6, $0x1;
	s3 =	sadd.s32 s4, s19  }
0x9c: {  	s7 =	simm.s32 $0x0;
	s20 =	sshll.u32 s5, $0x1;
	s5 =	sadd.s32 s21, s3  }
0x9d: {  	[timem:s7], [sflag:s22] =	dma.local [hbm:s5], s20  }
0x9e: {  	_ =	swait.ge [sflag:s22], s20  }
0x9f: {  	s4 =	ssub.s32 $0x0, s20;
	[sflag:s22] =	ssyncset.done $0x0  }
0xa0: {  	[sflag:s22] =	ssyncadd.s32 s4;
	_ =	sdelay $0x1  }
0xa1: {  	s23 =	simm.s32 $0x1B8B  }
0xa2: {  	_ =	swait.ge [sflag:s23], $0x1  }
0xa3: {  	[sflag:s23] =	ssyncset.done $0x0  }
0xa4: {  	s25 =	simm.s32 $0x1B8E;
	s24 =	sld [smem:$0x3FFE];
	[sflag:s23] =	ssyncadd.s32 $0xFFFFFFFF  }
0xa5: {  	s26 =	simm.s32 $execute0_lowered;
	[smem:$0x3FD2] =	sst s25  }
0xa6: {  	s5 =	sshll.u32 s26, $0x1;
	_ =	strace $0x80000046;
	[dreg:$0x1] =	wrdreg $0xFFFFFFFF  }
0xa7: {  	s28 =	simm.s32 $_size_execute0_lowered;
	s3 =	sadd.s32 s3, s5;
	[dreg:$0x0] =	wrdreg $0x0  }
0xa8: {  	s5 =	sshll.u32 s28, $0x1;
	[dreg:$0x2] =	wrdreg s3  }
0xa9: {  	[dreg:$0x3] =	wrdreg s5  }
0xaa: {  	[dreg:$0x4] =	wrdreg $0xC0  }
0xab: {  	_ =	task [dreg:s7], $0x5FFFF  }
0xac: {  	[dreg:$0x1] =	wrdreg $0xFFFFFFFF  }
0xad: {  	[dreg:$0x0] =	wrdreg $0x60  }
0xae: {  	[dreg:$0x2] =	wrdreg s24  }
0xaf: {  	[dreg:$0x3] =	wrdreg s2  }
0xb0: {  	[dreg:$0x4] =	wrdreg $0xC9400  }
0xb1: {  	[dreg:$0x5] =	wrdreg $0x9  }
0xb2: {  	_ =	task.clear_ibuf [dreg:s7], $0x6FFFF;
	_ =	strace $0x90000046  }
0xb3: {  	s29 =	simm.s32 $0x9;
	_ =	strace $0x80000048  }
0xb4: {  	_ =	swait.ge [sflag:s29], $0x1  }
0xb5: {  	[sflag:s29] =	ssyncadd.s32 $0xFFFFFFFF  }
0xb6: {  	_ =	strace $0x90000048  }
0xb7: {  	_ =	sfence  }
0xb8: {  	s30 =	sld [smem:$0x0];
	_ =	sdelay $0x2  }
0xb9: {  	s31 =	sshll.u32 s1, $0xD;
	s1 =	sshrl.u32 s1, $0x2  }
0xba: {  	s3 =	sand.u32 $0x4000, s31;
	s1 =	sadd.s32 s1, s30  }
0xbb: {  	s0 =	sor.u32 s3, s0;
	s1 =	sshll.u32 s1, $0x11  }
0xbc: {  	s0 =	sor.u32 s1, s0  }
0xbd: {  	s0 =	sadd.s32 $0x8F2B, s0  }
0xbe: {  	[sflag:s0] =	ssyncadd.remote.s32 $0x1  }
0xbf: {  	_ =	sfence.sel $0xFFFF  }
0xc0: {  	[dreg:$0x0] =	wrdreg $0xFFFFFFFF;
	(pc) =	sbr.abs _section_cstart, $3  }
0xc1: {  	[dreg:$0x1] =	wrdreg $0xFFFFFFFF  }
0xc2: {  	_ =	task.clear_ibuf [dreg:s7], $0x2FFFF;
	_ =	strace $0x9FFFFFFF  }
0xc3: {  	(tm) =	ssettm $0x7FFFFFFF  }
tec
execute0_lowered:
.L_overlay_start_1:
0x0: {  	(tag) =	ssettag $0x1  }
0x1: {  	s12 =	rddreg [dreg:$0x0]  }
0x2: {  	s0 =	srdreg.scid;
	s1 =	simm.s32 $0x0;
	s26 =	stileid.u32  }
0x3: {  	s6 =	sand.u32 $0x1, s0;
	[smem:$0x7FF] =	sst s1;
	s3 =	sor.u32 $0x10, s26  }
0x4: {  	s13 =	sadd.s32 $0x76A00, s12;
	s14 =	sor.u32 $0x20, s26;
	s18 =	smul.u32 $0x6400, s3  }
0x5: {  	s19 =	sor.u32 $0x30, s26;
	s20 =	sor.u32 $0x40, s26;
	s9 =	smul.u32 $0xC3500, s6  }
0x6: {  	s21 =	sor.u32 $0x50, s26;
	s22 =	sor.u32 $0x60, s26;
	s4 =	smul.u32 $0x1900, s3  }
0x7: {  	s23 =	sor.u32 $0x70, s26;
	s0 =	ssub.s32 $0x2, s6;
	s3 =	smul.u32 $0x1900, s14  }
0x8: {  	p0 =	seq.s32 s6, $0x1;
	s6 =	smul.u32 $0x1900, s21;
	s2 =	sshrl.u32 s0, $0x1  }
0x9: {  	p1 =	sgt.u32 s26, $0xC;
	s0 =	ssub.s32 s0, s2;
	s2 =	smul.u32 $0x1900, s26  }
0xa: {  	s8 =	sadd.s32 s9, s4;
	s16 =	sadd.s32 s9, s3;
	s28 =	sadd.s32 s9, s6  }
0xb: {  	s18 =	sshrl.u32 s18, $0x2;
	s8 =	sshrl.u32 s8, $0x3;
	s11 =	sshrl.u32 s16, $0x3  }
0xc: {  	s16 =	sadd.s32 $0x32400, s12;
	s0 =	smax.u32 s0, $0x1;
	s5 =	sadd.s32 s2, s9  }
0xd: {  	s8 =	sadd.s32 s13, s8;
	s7 =	sshrl.u32 s5, $0x3;
	s5 =	smul.u32 $0x1900, s19  }
0xe: {  	s17 =	sadd.s32 s13, s11;
	[dreg:$0x5] =	wrdreg s8;
	s8 =	smul.u32 $0x1900, s22  }
0xf: {  	s11 =	sshrl.u32 s28, $0x3;
	[dreg:$0x6] =	wrdreg s17;
	s19 =	smul.u32 $0x6400, s19  }
0x10: {  	s11 =	sadd.s32 s13, s11;
	s15 =	sadd.s32 s13, s7;
	s7 =	smul.u32 $0x1900, s20  }
0x11: {  	s17 =	sadd.s32 $0x28600, s12;
	[dreg:$0x9] =	wrdreg s11;
	s20 =	smul.u32 $0x6400, s20  }
0x12: {  	[dreg:$0x4] =	wrdreg s15;
	s10 =	sadd.s32 s9, s5;
	s29 =	sadd.s32 s9, s8  }
0x13: {  	s28 =	sshrl.u32 s19, $0x2;
	s10 =	sshrl.u32 s10, $0x3;
	s25 =	sadd.s32 s9, s7  }
0x14: {  	s11 =	sshrl.u32 s29, $0x3;
	s29 =	smul.u32 $0x6400, s22;
	s24 =	sadd.s32 s13, s10  }
0x15: {  	s10 =	smul.u32 $0x1900, s23;
	s11 =	sadd.s32 s13, s11;
	[dreg:$0x7] =	wrdreg s24  }
0x16: {  	s15 =	sshrl.u32 s25, $0x3;
	s25 =	smul.u32 $0x6400, s26;
	[dreg:$0xa] =	wrdreg s11  }
0x17: {  	s15 =	sadd.s32 s13, s15;
	s11 =	rddreg [dreg:$0x2];
	s24 =	smul.u32 $0x6400, s14  }
0x18: {  	s14 =	sadd.s32 $0x4F600, s12;
	s19 =	sshrl.u32 s29, $0x2;
	[dreg:$0x8] =	wrdreg s15  }
0x19: {  	s30 =	sadd.s32 s9, s10;
	s9 =	rddreg [dreg:$0x1];
	s31 =	sshrl.u32 s25, $0x2  }
0x1a: {  	s25 =	smul.u32 $0x6400, s21;
	s21 =	sadd.s32 s19, s11;
	s15 =	sshrl.u32 s30, $0x3  }
0x1b: {  	s2 =	sadd.s32 s2, s11;
	s13 =	sadd.s32 s13, s15;
	s15 =	sadd.s32 $0x1400, s12  }
0x1c: {  	[dreg:$0xb] =	wrdreg s13;
	s13 =	sadd.s32 $0x63000, s12;
	s12 =	sadd.s32 s31, s11  }
0x1d: {  	s29 =	sadd.s32 s6, s11;
	_ =	strace $0x80000047;
	[dreg:$0xc] =	wrdreg s12  }
0x1e: {  	s6 =	simm.s32 $0x3;
	s30 =	sshrl.u32 s20, $0x2;
	[dreg:$0x12] =	wrdreg s21  }
0x1f: {  	s31 =	smul.u32 $0x6400, s23;
	s23 =	sadd.s32 s4, s11;
	[dreg:$0x14] =	wrdreg s2  }
0x20: {  	v0 =	vimm.s32 $0xEFCDAB89;
	s20 =	sshrl.u32 s25, $0x2;
	s25 =	sadd.s32 s5, s11;
	[dreg:$0x15] =	wrdreg s23  }
0x21: {  	v1 =	vimm.s32 $0x67452301;
	v2 =	vimm.s32 $0xDCFE98BA;
	s19 =	simm.s32 $0x4740;
	s24 =	sshrl.u32 s24, $0x2;
	[dreg:$0x17] =	wrdreg s25  }
0x22: {  	v3 =	vimm.s32 $0x54761032;
	v4 =	vimm.s32 $0xBA98FEDC;
	s5 =	simm.s32 $0x9740;
	s4 =	smul.u32 $0xFA, s26;
	[dreg:$0x19] =	wrdreg s29  }
0x23: {  	v5 =	vimm.s32 $0x32107654;
	v6 =	vimm.s32 $0xFEDCBA98;
	s12 =	sadd.s32 s18, s11;
	[dreg:$0x1c] =	wrdreg s0;
	s18 =	simm.s32 $0x6F40  }
0x24: {  	v7 =	vimm.s32 $0x76543210;
	vm0 =	vmmov $0x1;
	v0 =	vunpack.c.l.s4.s8 v0;
	s21 =	simm.s32 $0x1;
	[dreg:$0xd] =	wrdreg s12;
	s12 =	sadd.s32 s24, s11  }
0x25: {  	v1 =	vunpack.c.l.s4.s8 v1;
	v2 =	vunpack.c.l.s4.s8 v2;
	v3 =	vunpack.c.l.s4.s8 v3;
	s23 =	simm.s32 $0xB040;
	s24 =	sadd.s32 s3, s11;
	[dreg:$0xe] =	wrdreg s12  }
0x26: {  	v4 =	vunpack.c.l.s4.s8 v4;
	v5 =	vunpack.c.l.s4.s8 v5;
	v6 =	vunpack.c.l.s4.s8 v6;
	s22 =	sshrl.u32 s31, $0x2;
	s31 =	sadd.s32 s10, s11;
	[dreg:$0x16] =	wrdreg s24  }
0x27: {  	v7 =	vunpack.c.l.s4.s8 v7;
	v2 =	vunpack.c.0.s8.s32 v2;
	v3 =	vunpack.c.0.s8.s32 v3;
	s25 =	simm.s32 $0x0;
	s12 =	sadd.s32 s28, s11;
	[dreg:$0x1b] =	wrdreg s31  }
0x28: {  	v0 =	vunpack.c.0.s8.s32 v0;
	v4 =	vunpack.c.0.s8.s32 v4;
	v5 =	vunpack.c.0.s8.s32 v5;
	s10 =	simm.s32 $0x50;
	s28 =	sadd.s32 s7, s11;
	[dreg:$0xf] =	wrdreg s12  }
.Ltmp0:
0x29: {  	v1 =	vunpack.c.0.s8.s32 v1;
	v2 =	vcombine.low v3, v2;
	v3 =	vunpack.c.0.s8.s32 v6;
	s12 =	sadd.s32 s30, s11;
	[dreg:$0x18] =	wrdreg s28;
	(pc) =	sbr.rel .LBB2_1-.Ltmp0, $4  }
0x2a: {  	vm1 =	vcmask $0x310;
	v4 =	vcombine.low v5, v4;
	v5 =	vunpack.c.0.s8.s32 v7;
	s7 =	simm.s32 $0xFA0;
	s30 =	sadd.s32 s8, s11;
	[dreg:$0x10] =	wrdreg s12  }
0x2b: {  	vm2 =	vcmask $0x710;
	v1 =	vcombine.low v1, v0;
	v6 =	vand.u32 $0xF, v3;
	s24 =	simm.s32 $0x0;
	s12 =	sadd.s32 s20, s11;
	[dreg:$0x1a] =	wrdreg s30  }
0x2c: {  	vm3 =	vcmask $0xB10;
	v3 =	vand.u32 $0xF, v4;
	v4 =	vcombine.low v6, v5;
	s20 =	simm.s32 $0x8340;
	[dreg:$0x11] =	wrdreg s12;
	s12 =	sadd.s32 s22, s11  }
0x2d: {  	v0 =	vimm.f32 $0.0e+00;
	v1 =	vand.u32 $0xF, v1;
	v2 =	vand.u32 $0xF, v2;
	s22 =	simm.s32 $0x2;
	[dreg:$0x13] =	wrdreg s12;
	s12 =	simm.s32 $0x1F40  }
.LBB2_18:
0x2e: {  	[bflag:$0x0] =	sbarrier.arrive $0xFFFF  }
0x2f: {  	s0 =	rddreg [dreg:$0x14]  }
0x30: {  	[tilespmem:s5], [sflag:$0x3] =	stream.linear.gather [spmem:s0], $0x1900, $0x38;
	[tilespmem:$0x18C90] =	vst v63  }
0x31: {  	_ =	swait.ge [sflag:s6], $0x1900  }
0x32: {  	[sflag:s6] =	ssyncset.done $0x0  }
0x33: {  	s8 =	rddreg [dreg:$0x4];
	[sflag:s6] =	ssyncadd.s32 $0xFFFFE700  }
0x34: {  	[hbm4b:s8+s1] =	stream.linear.scatter [tilespmem:s5], [sflag:$0x3], $0x1900, $0x38;
	[tilespmem:$0x18C90] =	vst v63  }
0x35: {  	_ =	swait.ge [sflag:s6], $0x1900  }
0x36: {  	[sflag:s6] =	ssyncset.done $0x0  }
0x37: {  	s26 =	rddreg [dreg:$0x15];
	[sflag:s6] =	ssyncadd.s32 $0xFFFFE700  }
0x38: {  	[tilespmem:s5], [sflag:$0x3] =	stream.linear.gather [spmem:s26], $0x1900, $0x38;
	[tilespmem:$0x18C90] =	vst v63  }
0x39: {  	_ =	swait.ge [sflag:s6], $0x1900  }
0x3a: {  	[sflag:s6] =	ssyncset.done $0x0  }
0x3b: {  	s28 =	rddreg [dreg:$0x5];
	[sflag:s6] =	ssyncadd.s32 $0xFFFFE700  }
0x3c: {  	[hbm4b:s28+s1] =	stream.linear.scatter [tilespmem:s5], [sflag:$0x3], $0x1900, $0x38;
	[tilespmem:$0x18C90] =	vst v63  }
0x3d: {  	_ =	swait.ge [sflag:s6], $0x1900  }
0x3e: {  	[sflag:s6] =	ssyncset.done $0x0  }
0x3f: {  	s29 =	rddreg [dreg:$0x16];
	[sflag:s6] =	ssyncadd.s32 $0xFFFFE700  }
0x40: {  	[tilespmem:s5], [sflag:$0x3] =	stream.linear.gather [spmem:s29], $0x1900, $0x38;
	[tilespmem:$0x18C90] =	vst v63  }
0x41: {  	_ =	swait.ge [sflag:s6], $0x1900  }
0x42: {  	[sflag:s6] =	ssyncset.done $0x0  }
0x43: {  	s30 =	rddreg [dreg:$0x6];
	[sflag:s6] =	ssyncadd.s32 $0xFFFFE700  }
0x44: {  	[hbm4b:s30+s1] =	stream.linear.scatter [tilespmem:s5], [sflag:$0x3], $0x1900, $0x38;
	[tilespmem:$0x18C90] =	vst v63  }
0x45: {  	_ =	swait.ge [sflag:s6], $0x1900  }
0x46: {  	[sflag:s6] =	ssyncset.done $0x0  }
0x47: {  	s31 =	rddreg [dreg:$0x17];
	[sflag:s6] =	ssyncadd.s32 $0xFFFFE700  }
0x48: {  	[tilespmem:s5], [sflag:$0x3] =	stream.linear.gather [spmem:s31], $0x1900, $0x38;
	[tilespmem:$0x18C90] =	vst v63  }
0x49: {  	_ =	swait.ge [sflag:s6], $0x1900  }
0x4a: {  	[sflag:s6] =	ssyncset.done $0x0  }
0x4b: {  	s2 =	rddreg [dreg:$0x7];
	[sflag:s6] =	ssyncadd.s32 $0xFFFFE700  }
0x4c: {  	[hbm4b:s2+s1] =	stream.linear.scatter [tilespmem:s5], [sflag:$0x3], $0x1900, $0x38;
	[tilespmem:$0x18C90] =	vst v63  }
0x4d: {  	_ =	swait.ge [sflag:s6], $0x1900  }
0x4e: {  	[sflag:s6] =	ssyncset.done $0x0  }
0x4f: {  	s3 =	rddreg [dreg:$0x18];
	[sflag:s6] =	ssyncadd.s32 $0xFFFFE700  }
0x50: {  	[tilespmem:s5], [sflag:$0x3] =	stream.linear.gather [spmem:s3], $0x1900, $0x38;
	[tilespmem:$0x18C90] =	vst v63  }
0x51: {  	_ =	swait.ge [sflag:s6], $0x1900  }
0x52: {  	[sflag:s6] =	ssyncset.done $0x0  }
0x53: {  	s8 =	rddreg [dreg:$0x8];
	[sflag:s6] =	ssyncadd.s32 $0xFFFFE700  }
0x54: {  	[hbm4b:s8+s1] =	stream.linear.scatter [tilespmem:s5], [sflag:$0x3], $0x1900, $0x38;
	[tilespmem:$0x18C90] =	vst v63  }
0x55: {  	_ =	swait.ge [sflag:s6], $0x1900  }
0x56: {  	[sflag:s6] =	ssyncset.done $0x0  }
0x57: {  	s26 =	rddreg [dreg:$0x19];
	[sflag:s6] =	ssyncadd.s32 $0xFFFFE700  }
0x58: {  	[tilespmem:s5], [sflag:$0x3] =	stream.linear.gather [spmem:s26], $0x1900, $0x38;
	[tilespmem:$0x18C90] =	vst v63  }
0x59: {  	_ =	swait.ge [sflag:s6], $0x1900  }
0x5a: {  	[sflag:s6] =	ssyncset.done $0x0  }
0x5b: {  	s28 =	rddreg [dreg:$0x9];
	[sflag:s6] =	ssyncadd.s32 $0xFFFFE700  }
0x5c: {  	[hbm4b:s28+s1] =	stream.linear.scatter [tilespmem:s5], [sflag:$0x3], $0x1900, $0x38;
	[tilespmem:$0x18C90] =	vst v63  }
0x5d: {  	_ =	swait.ge [sflag:s6], $0x1900  }
0x5e: {  	[sflag:s6] =	ssyncset.done $0x0  }
0x5f: {  	s29 =	rddreg [dreg:$0x1a];
	[sflag:s6] =	ssyncadd.s32 $0xFFFFE700  }
0x60: {  	[tilespmem:s5], [sflag:$0x3] =	stream.linear.gather [spmem:s29], $0x1900, $0x38;
	[tilespmem:$0x18C90] =	vst v63  }
0x61: {  	_ =	swait.ge [sflag:s6], $0x1900  }
0x62: {  	[sflag:s6] =	ssyncset.done $0x0  }
0x63: {  	s30 =	rddreg [dreg:$0xa];
	[sflag:s6] =	ssyncadd.s32 $0xFFFFE700  }
0x64: {  	[hbm4b:s30+s1] =	stream.linear.scatter [tilespmem:s5], [sflag:$0x3], $0x1900, $0x38;
	[tilespmem:$0x18C90] =	vst v63  }
0x65: {  	_ =	swait.ge [sflag:s6], $0x1900  }
0x66: {  	[sflag:s6] =	ssyncset.done $0x0  }
0x67: {  	s0 =	simm.s32 @!p1 $0x9740;
	s2 =	rddreg [dreg:$0x1b];
	[sflag:s6] =	ssyncadd.s32 $0xFFFFE700  }
0x68: {  	[tilespmem:s0], [sflag:$0x3] =	stream.linear.gather @!p1 [spmem:s2], $0x1900, $0x38;
	[tilespmem:$0x18C90] =	vst v63  }
0x69: {  	s2 =	simm.s32 @!p1 $0x3  }
0x6a: {  	_ =	swait.ge @!p1 [sflag:s2], $0x1900  }
0x6b: {  	[sflag:s2] =	ssyncset.done @!p1 $0x0  }
0x6c: {  	s3 =	simm.s32 @!p1 $0x0;
	s8 =	rddreg [dreg:$0xb];
	[sflag:s2] =	ssyncadd.s32 @!p1 $0xFFFFE700  }
0x6d: {  	[hbm4b:s8+s3] =	stream.linear.scatter @!p1 [tilespmem:s0], [sflag:$0x3], $0x1900, $0x38;
	[tilespmem:$0x18C90] =	vst v63  }
0x6e: {  	_ =	swait.ge @!p1 [sflag:s2], $0x1900  }
0x6f: {  	s24 =	sadd.s32 $0x1, s24;
	s31 =	rddreg [dreg:$0x1c]  }
0x70: {  	p2 =	sne.s32 s24, s31  }
.Ltmp1:
0x71: {  	_ = 	snop;
	(pc) =	sbr.rel @!p2 .LBB2_19-.Ltmp1, $3  }
0x72: {  	_ =	sdelay $0x1  }
0x73: {  	[sflag:s2] =	ssyncset.done @!p1 $0x0  }
0x74: {  	[sflag:s2] =	ssyncadd.s32 @!p1 $0xFFFFE700  }
.LBB2_1:
0x75: {  	s2 =	simm.s32 $0x140;
	s0 =	simm.s32 $0x0  }
.LBB2_2:
0x76: {  	p2 =	sne.s32 s2, $0x62C0;
	[tilespmem:s0+$0x9780] =	vst v0;
	s3 =	smov.u32 s2;
	s2 =	sadd.s32 $0x140, s2  }
.Ltmp2:
0x77: {  	[tilespmem:s0+$0x9770] =	vst v0;
	(pc) =	sbr.rel @p2 .LBB2_2-.Ltmp2, $4  }
0x78: {  	[tilespmem:s0+$0x9760] =	vst v0  }
0x79: {  	[tilespmem:s0+$0x9740] =	vst v0  }
0x7a: {  	[tilespmem:s0+$0x9750] =	vst v0  }
0x7b: {  	s0 =	sshra.s32 s3, $0x2  }
0x7c: {  	[tilespmem:s0+$0x9780] =	vst v0  }
0x7d: {  	[tilespmem:s0+$0x9770] =	vst v0  }
0x7e: {  	[tilespmem:s0+$0x9760] =	vst v0  }
0x7f: {  	[tilespmem:s0+$0x9740] =	vst v0  }
0x80: {  	[tilespmem:s0+$0x9750] =	vst v0;
	s2 =	rddreg [dreg:$0xc]  }
0x81: {  	[spmem:s2] =	stream.linear.scatter [tilespmem:s5], [sflag:$0x3], $0x1900, $0x38;
	[tilespmem:$0x18C90] =	vst v63  }
0x82: {  	_ =	swait.ge [sflag:s6], $0x1900  }
0x83: {  	[sflag:s6] =	ssyncset.done $0x0  }
0x84: {  	s3 =	rddreg [dreg:$0xd];
	[sflag:s6] =	ssyncadd.s32 $0xFFFFE700  }
0x85: {  	[spmem:s3] =	stream.linear.scatter [tilespmem:s5], [sflag:$0x3], $0x1900, $0x38;
	[tilespmem:$0x18C90] =	vst v63  }
0x86: {  	_ =	swait.ge [sflag:s6], $0x1900  }
0x87: {  	[sflag:s6] =	ssyncset.done $0x0  }
0x88: {  	s8 =	rddreg [dreg:$0xe];
	[sflag:s6] =	ssyncadd.s32 $0xFFFFE700  }
0x89: {  	[spmem:s8] =	stream.linear.scatter [tilespmem:s5], [sflag:$0x3], $0x1900, $0x38;
	[tilespmem:$0x18C90] =	vst v63  }
0x8a: {  	_ =	swait.ge [sflag:s6], $0x1900  }
0x8b: {  	[sflag:s6] =	ssyncset.done $0x0  }
0x8c: {  	s26 =	rddreg [dreg:$0xf];
	[sflag:s6] =	ssyncadd.s32 $0xFFFFE700  }
0x8d: {  	[spmem:s26] =	stream.linear.scatter [tilespmem:s5], [sflag:$0x3], $0x1900, $0x38;
	[tilespmem:$0x18C90] =	vst v63  }
0x8e: {  	_ =	swait.ge [sflag:s6], $0x1900  }
0x8f: {  	[sflag:s6] =	ssyncset.done $0x0  }
0x90: {  	s29 =	rddreg [dreg:$0x10];
	[sflag:s6] =	ssyncadd.s32 $0xFFFFE700  }
0x91: {  	[spmem:s29] =	stream.linear.scatter [tilespmem:s5], [sflag:$0x3], $0x1900, $0x38;
	[tilespmem:$0x18C90] =	vst v63  }
0x92: {  	_ =	swait.ge [sflag:s6], $0x1900  }
0x93: {  	[sflag:s6] =	ssyncset.done $0x0  }
0x94: {  	s30 =	rddreg [dreg:$0x11];
	[sflag:s6] =	ssyncadd.s32 $0xFFFFE700  }
0x95: {  	[spmem:s30] =	stream.linear.scatter [tilespmem:s5], [sflag:$0x3], $0x1900, $0x38;
	[tilespmem:$0x18C90] =	vst v63  }
0x96: {  	_ =	swait.ge [sflag:s6], $0x1900  }
0x97: {  	[sflag:s6] =	ssyncset.done $0x0  }
0x98: {  	s31 =	rddreg [dreg:$0x12];
	[sflag:s6] =	ssyncadd.s32 $0xFFFFE700  }
0x99: {  	[spmem:s31] =	stream.linear.scatter [tilespmem:s5], [sflag:$0x3], $0x1900, $0x38;
	[tilespmem:$0x18C90] =	vst v63  }
0x9a: {  	_ =	swait.ge [sflag:s6], $0x1900  }
0x9b: {  	[sflag:s6] =	ssyncset.done $0x0  }
0x9c: {  	s0 =	simm.s32 @!p1 $0x9740;
	s2 =	rddreg [dreg:$0x13];
	[sflag:s6] =	ssyncadd.s32 $0xFFFFE700  }
0x9d: {  	[spmem:s2] =	stream.linear.scatter @!p1 [tilespmem:s0], [sflag:$0x3], $0x1900, $0x38;
	[tilespmem:$0x18C90] =	vst v63  }
0x9e: {  	s0 =	simm.s32 @!p1 $0x3  }
.Ltmp3:
0x9f: {  	_ =	swait.ge @!p1 [sflag:s0], $0x1900;
	(pc) =	sbr.rel @!p0 .LBB2_4-.Ltmp3, $4  }
0xa0: {  	[sflag:s0] =	ssyncset.done @!p1 $0x0  }
0xa1: {  	[sflag:s0] =	ssyncadd.s32 @!p1 $0xFFFFE700  }
0xa2: {  	[bflag:$0x0] =	sbarrier.arrive $0xFFFF  }
0xa3: {  	s28 =	simm.s32 $0x0;
	s26 =	simm.s32 $0x0  }
.LBB2_11:
0xa4: {  	s0 =	smul.u32 $0x32, s28;
	_ =	sdelay $0x1  }
0xa5: {  	s0 =	sadd.s32 s4, s0  }
0xa6: {  	s0 =	smul.u32 $0xA, s0;
	_ =	sdelay $0x1  }
0xa7: {  	s2 =	sadd.s32 s16, s0  }
0xa8: {  	[tilespmem:s25], [sflag:$0x3] =	stream.linear.gather [hbm4b:s2+s25], $0xFA0, $0x38;
	[tilespmem:$0x18C90] =	vst v63  }
0xa9: {  	_ =	swait.ge [sflag:s6], $0xFA0  }
0xaa: {  	[sflag:s6] =	ssyncset.done $0x0  }
0xab: {  	s0 =	sadd.s32 s17, s0;
	[sflag:s6] =	ssyncadd.s32 $0xFFFFF060  }
0xac: {  	[tilespmem:s7], [sflag:$0x3] =	stream.linear.gather [hbm4b:s0+s25], $0xFA0, $0x38;
	[tilespmem:$0x18C90] =	vst v63  }
0xad: {  	_ =	swait.ge [sflag:s6], $0xFA0  }
0xae: {  	[sflag:s6] =	ssyncset.done $0x0  }
0xaf: {  	[sflag:s6] =	ssyncadd.s32 $0xFFFFF060  }
0xb0: {  	[tilespmem:s12], [sflag:$0x1] =	stream.indirect.gather [hbm4b:s9+s10], $0x80, s25, s10, $0xb8;
	[tilespmem:$0x18C90] =	vst v63  }
0xb1: {  	s26 =	simm.s32 $0x0  }
0xb2: {  	[tilespmem:s18], [sflag:$0x1] =	stream.indirect.gather [hbm4b:s14+s10], $0x40, s7, s10, $0xb8;
	[tilespmem:$0x18C90] =	vst v63  }
.LBB2_12:
0xb3: {  	s29 =	sshllo.u32 s26, $0x1  }
0xb4: {  	s0 =	smul.u32 $0x50, s29;
	_ =	sdelay $0x1  }
0xb5: {  	[tilespmem:s19], [sflag:$0x2] =	stream.indirect.gather [hbm4b:s9+s10], $0x80, s0, s10, $0xb8;
	[tilespmem:$0x18C90] =	vst v63  }
0xb6: {  	s0 =	sadd.s32 $0xFA0, s0  }
0xb7: {  	[tilespmem:s20], [sflag:$0x2] =	stream.indirect.gather [hbm4b:s14+s10], $0x40, s0, s10, $0xb8;
	[tilespmem:$0x18C90] =	vst v63  }
0xb8: {  	_ =	swait.ge [sflag:s21], $0x2800  }
0xb9: {  	[sflag:s21] =	ssyncset.done $0x0  }
0xba: {  	[sflag:s21] =	ssyncadd.s32 $0xFFFFD800  }
0xbb: {  	_ =	swait.ge [sflag:s21], $0x1400  }
0xbc: {  	[sflag:s21] =	ssyncset.done $0x0  }
0xbd: {  	s8 =	simm.s32 $0x0;
	[sflag:s21] =	ssyncadd.s32 $0xFFFFEC00  }
0xbe: {  	v5 =	vld [tilespmem:s8+$0x6F90]  }
0xbf: {  	s31 =	simm.s32 $0x1FC0;
	v6 =	vld [tilespmem:s8+$0x6F70]  }
0xc0: {  	v7 =	vld [tilespmem:s31+$0xFFFFFFB0]  }
0xc1: {  	v8 =	vld [tilespmem:s31+$0xFFFFFF80]  }
0xc2: {  	v9 =	vld [tilespmem:s31+$0x10]  }
0xc3: {  	v10 =	vld [tilespmem:s31+$0xFFFFFF90]  }
0xc4: {  	v11 =	vld [tilespmem:s8+$0x6F40]  }
0xc5: {  	v12 =	vld [tilespmem:s8+$0x6F50]  }
0xc6: {  	v13 =	vld [tilespmem:s31+$0x20]  }
0xc7: {  	v14 =	vld [tilespmem:s8+$0x6FA0]  }
0xc8: {  	v15 =	vld [tilespmem:s31+$0x0]  }
0xc9: {  	v6 =	vmul.f32 v6, v7;
	v7 =	vld [tilespmem:s8+$0x6F80]  }
0xca: {  	v5 =	vmul.f32 v5, v9;
	v8 =	vmul.f32 v11, v8  }
0xcb: {  	v10 =	vmul.f32 v12, v10;
	v9 =	vperm.xlane v6, v1  }
0xcc: {  	v11 =	vperm.xlane v5, v1;
	v12 =	vperm.xlane v8, v1  }
0xcd: {  	v13 =	vmul.f32 v14, v13;
	v6 =	vadd.f32 v9, v6;
	v9 =	vperm.xlane v10, v1  }
0xce: {  	v5 =	vadd.f32 v11, v5;
	v8 =	vadd.f32 v12, v8;
	v7 =	vmul.f32 v7, v15  }
0xcf: {  	v14 =	vld [tilespmem:s8+$0x6FB0];
	v12 =	vperm.xlane v6, v2;
	v9 =	vadd.f32 v9, v10;
	v10 =	vperm.xlane v13, v1  }
0xd0: {  	v11 =	vld [tilespmem:s31+$0x30];
	v15 =	vperm.xlane v5, v2;
	v16 =	vperm.xlane v8, v2  }
0xd1: {  	v17 =	vld [tilespmem:s31+$0xFFFFFFA0];
	v6 =	vadd.f32 v12, v6;
	v12 =	vperm.xlane v7, v1;
	v10 =	vadd.f32 v10, v13  }
0xd2: {  	v13 =	vperm.xlane v9, v2;
	v5 =	vadd.f32 v15, v5;
	v15 =	vadd.f32 v16, v8;
	v16 =	vld [tilespmem:s8+$0x6F60]  }
0xd3: {  	v8 =	vperm.xlane v6, v3;
	v7 =	vadd.f32 v12, v7  }
0xd4: {  	v12 =	vperm.xlane v10, v2;
	v9 =	vadd.f32 v13, v9;
	v13 =	vperm.xlane v5, v3  }
0xd5: {  	v14 =	vmul.f32 v14, v11;
	v18 =	vadd.f32 v8, v6;
	v6 =	vperm.xlane v7, v2  }
0xd6: {  	v11 =	vperm.xlane v9, v3;
	v8 =	vadd.f32 v13, v5;
	v12 =	vadd.f32 v12, v10  }
0xd7: {  	v5 =	vperm.xlane v15, v3;
	v16 =	vmul.f32 v16, v17;
	v7 =	vadd.f32 v6, v7  }
0xd8: {  	v6 =	vperm.xlane v14, v1;
	v9 =	vadd.f32 v11, v9;
	v11 =	vperm.xlane v8, v4  }
0xd9: {  	v5 =	vadd.f32 v5, v15;
	v15 =	vperm.xlane v12, v3;
	v17 =	vperm.xlane v16, v1  }
0xda: {  	v19 =	vperm.xlane v18, v4;
	v10 =	vperm.xlane v7, v3;
	v13 =	vadd.f32 v6, v14  }
0xdb: {  	s2 =	simm.s32 $0x200;
	v6 =	vperm.xlane v5, v4;
	v12 =	vadd.f32 v15, v12;
	v14 =	vadd.f32 v17, v16  }
0xdc: {  	s30 =	simm.s32 $0x9790;
	s0 =	simm.s32 $0x9790;
	s8 =	simm.s32 $0x1FC0;
	v10 =	vadd.f32 v10, v7;
	v7 =	vadd.f32 v19, v18;
	v15 =	vperm.xlane v13, v2  }
.LBB2_13:
0xdd: {  	p2 =	sne.s32 s2, $0x4E00;
	v16 =	vperm.xlane v9, v4;
	v8 =	vadd.f32 v11, v8;
	s31 =	sadd.s32 $0x100, s31;
	s0 =	sadd.s32 $0xA0, s0  }
0xde: {  	v17 =	vperm.xlane v12, v4;
	s3 =	smov.u32 s2;
	s2 =	sadd.s32 $0x200, s2;
	v11 =	vperm.xlane v14, v2;
	v13 =	vadd.f32 v15, v13  }
0xdf: {  	v15 =	vperm.xlane v10, v4;
	v9 =	vadd.f32 v16, v9  }
0xe0: {  	v12 =	vadd.f32 v17, v12;
	v11 =	vadd.f32 v11, v14;
	v14 =	vperm.xlane v13, v3  }
0xe1: {  	v8 =	vmul.f32 $2.500000000e-01, v8;
	v9 =	vmul.f32 $2.500000000e-01, v9  }
0xe2: {  	v10 =	vadd.f32 v15, v10;
	v12 =	vmul.f32 $2.500000000e-01, v12;
	v13 =	vadd.f32 v14, v13  }
0xe3: {  	v5 =	vadd.f32 v6, v5;
	v8 =	vmax.f32 v8, $-5.000000000e+00;
	v6 =	vperm.xlane v11, v3  }
0xe4: {  	v7 =	vmul.f32 $2.500000000e-01, v7;
	v10 =	vmul.f32 $2.500000000e-01, v10;
	v8 =	vmin.f32 v8, $5.000000000e+00  }
0xe5: {  	v8 =	vmul.f32 $1.442695020e+00, v8;
	v6 =	vadd.f32 v6, v11;
	v11 =	vmax.f32 v12, $-5.000000000e+00  }
0xe6: {  	v7 =	vmax.f32 v7, $-5.000000000e+00;
	v10 =	vmax.f32 v10, $-5.000000000e+00;
	v11 =	vmin.f32 v11, $5.000000000e+00  }
0xe7: {  	v7 =	vmin.f32 v7, $5.000000000e+00;
	v10 =	vmin.f32 v10, $5.000000000e+00;
	v12 =	vperm.xlane v6, v4  }
0xe8: {  	v9 =	vmax.f32 v9, $-5.000000000e+00;
	v10 =	vmul.f32 $1.442695020e+00, v10;
	(erf) = vpow2.f32 v8  }
0xe9: {  	v5 =	vmul.f32 $2.500000000e-01, v5;
	v6 =	vadd.f32 v12, v6;
	v8 =	vmul.f32 $1.442695020e+00, v11  }
0xea: {  	v9 =	vmin.f32 v9, $5.000000000e+00;
	v11 =	vperm.xlane v13, v4;
	(erf) = vpow2.f32 v10  }
0xeb: {  	v5 =	vmax.f32 v5, $-5.000000000e+00;
	v6 =	vmul.f32 $2.500000000e-01, v6;
	(erf) = vpow2.f32 v8  }
0xec: {  	v5 =	vmin.f32 v5, $5.000000000e+00;
	v8 =	vmul.f32 $1.442695020e+00, v9;
	v9 =	vadd.f32 v11, v13  }
0xed: {  	v5 =	vmul.f32 $1.442695020e+00, v5;
	v6 =	vmax.f32 v6, $-5.000000000e+00;
	v10 =	vld [tilespmem:s8+$0x70]  }
0xee: {  	v6 =	vmin.f32 v6, $5.000000000e+00;
	v9 =	vmul.f32 $2.500000000e-01, v9;
	v11 =	vld [tilespmem:s8+$0x50]  }
0xef: {  	v13 =	vmul.f32 $1.442695020e+00, v6;
	v12 =	vld [tilespmem:s8+$0x40];
	(erf) = vpow2.f32 v5  }
0xf0: {  	v7 =	vmul.f32 $1.442695020e+00, v7;
	v9 =	vmax.f32 v9, $-5.000000000e+00;
	v5 =	vld [tilespmem:s8+$0x60];
	(erf) = vpow2.f32 v8  }
0xf1: {  	v9 =	vmin.f32 v9, $5.000000000e+00;
	v8 =	vld [tilespmem:s8+$0xFFFFFFF0];
	(erf) = vpow2.f32 v13;
	v6 =	vpop (erf)  }
0xf2: {  	v9 =	vmul.f32 $1.442695020e+00, v9;
	v13 =	vld [tilespmem:s8+$0xFFFFFFE0];
	(erf) = vpow2.f32 v7  }
0xf3: {  	v7 =	vld [tilespmem:s8+$0xFFFFFFD0];
	v11 =	vmul.f32 v6, v11;
	v14 =	vpop (erf)  }
0xf4: {  	v15 =	vld [tilespmem:s8+$0xFFFFFFC0];
	v12 =	vmul.f32 v14, v12;
	v14 =	vnsel vm0, $0x0, v14;
	v16 =	vpop (erf);
	(erf) = vpow2.f32 v9;
	s8 =	smov.u32 s31  }
0xf5: {  	s3 =	sshra.s32 s3, $0x2;
	v6 =	vsel vm1, v14, v6;
	v9 =	vmul.f32 v16, v5;
	[tilespmem:s30+$0x10] =	vst v11  }
0xf6: {  	v6 =	vsel vm2, v6, v16;
	[tilespmem:s30+$0x0] =	vst v12  }
0xf7: {  	[tilespmem:s30+$0x20] =	vst v9  }
0xf8: {  	v5 =	vpop (erf)  }
0xf9: {  	v14 =	vmul.f32 v5, v15;
	v5 =	vnsel vm0, $0x0, v5;
	v11 =	vpop (erf)  }
0xfa: {  	v15 =	vmul.f32 v11, v7;
	v5 =	vsel vm1, v5, v11;
	v11 =	vpop (erf)  }
0xfb: {  	v12 =	vmul.f32 v11, v13;
	v5 =	vsel vm2, v5, v11;
	[tilespmem:s30+$0xFFFFFFB0] =	vst v14;
	v9 =	vpop (erf)  }
0xfc: {  	v8 =	vmul.f32 v9, v8;
	v5 =	vsel vm3, v5, v9;
	[tilespmem:s30+$0xFFFFFFC0] =	vst v15  }
0xfd: {  	[tilespmem:s30+$0xFFFFFFD0] =	vst v12;
	v7 =	vpop (erf)  }
0xfe: {  	v9 =	vmul.f32 v7, v10;
	v6 =	vsel vm3, v6, v7;
	[tilespmem:s30+$0xFFFFFFE0] =	vst v8  }
0xff: {  	[tilespmem:s30+$0xFFFFFFF0] =	vst v5  }
0x100: {  	[tilespmem:s30+$0x30] =	vst v9  }
0x101: {  	[tilespmem:s30+$0x40] =	vst v6;
	s30 =	smov.u32 s0  }
0x102: {  	v5 =	vld [tilespmem:s3+$0x6F90]  }
0x103: {  	v6 =	vld [tilespmem:s3+$0x6F70]  }
0x104: {  	v7 =	vld [tilespmem:s31+$0xFFFFFFB0]  }
0x105: {  	v8 =	vld [tilespmem:s31+$0xFFFFFF80]  }
0x106: {  	v9 =	vld [tilespmem:s31+$0x10]  }
0x107: {  	v10 =	vld [tilespmem:s31+$0xFFFFFF90]  }
0x108: {  	v11 =	vld [tilespmem:s3+$0x6F40]  }
0x109: {  	v12 =	vld [tilespmem:s3+$0x6F50]  }
0x10a: {  	v6 =	vmul.f32 v6, v7;
	v13 =	vld [tilespmem:s31+$0x20]  }
0x10b: {  	v7 =	vld [tilespmem:s3+$0x6FA0]  }
0x10c: {  	v14 =	vld [tilespmem:s3+$0x6F80]  }
0x10d: {  	v5 =	vmul.f32 v5, v9;
	v15 =	vld [tilespmem:s31+$0x0];
	v8 =	vmul.f32 v11, v8  }
0x10e: {  	v9 =	vmul.f32 v12, v10;
	v10 =	vperm.xlane v6, v1  }
0x10f: {  	v12 =	vperm.xlane v5, v1;
	v11 =	vperm.xlane v8, v1  }
0x110: {  	v16 =	vperm.xlane v9, v1;
	v7 =	vmul.f32 v7, v13  }
0x111: {  	v6 =	vadd.f32 v10, v6;
	v8 =	vadd.f32 v11, v8  }
0x112: {  	v5 =	vadd.f32 v12, v5;
	v10 =	vld [tilespmem:s31+$0x30];
	v9 =	vadd.f32 v16, v9;
	v11 =	vperm.xlane v7, v1  }
0x113: {  	v13 =	vperm.xlane v6, v2;
	v14 =	vmul.f32 v14, v15;
	v12 =	vld [tilespmem:s31+$0xFFFFFFA0]  }
0x114: {  	v17 =	vperm.xlane v5, v2;
	v16 =	vperm.xlane v8, v2;
	v15 =	vld [tilespmem:s3+$0x6FB0];
	v7 =	vadd.f32 v11, v7  }
0x115: {  	v11 =	vperm.xlane v9, v2;
	v6 =	vadd.f32 v13, v6;
	v13 =	vperm.xlane v14, v1  }
0x116: {  	v5 =	vadd.f32 v17, v5;
	v16 =	vadd.f32 v16, v8;
	v17 =	vperm.xlane v7, v2  }
0x117: {  	v9 =	vadd.f32 v11, v9;
	v8 =	vperm.xlane v6, v3;
	v11 =	vadd.f32 v13, v14;
	v18 =	vld [tilespmem:s3+$0x6F60]  }
0x118: {  	v13 =	vperm.xlane v5, v3  }
0x119: {  	v19 =	vadd.f32 v8, v6;
	v6 =	vperm.xlane v11, v2;
	v10 =	vmul.f32 v15, v10  }
0x11a: {  	v14 =	vperm.xlane v9, v3;
	v8 =	vadd.f32 v13, v5;
	v7 =	vadd.f32 v17, v7  }
0x11b: {  	v5 =	vperm.xlane v16, v3;
	v15 =	vadd.f32 v6, v11;
	v6 =	vperm.xlane v10, v1  }
.Ltmp4:
0x11c: {  	v9 =	vadd.f32 v14, v9;
	v11 =	vperm.xlane v8, v4;
	v14 =	vmul.f32 v18, v12;
	(pc) =	sbr.rel @p2 .LBB2_13-.Ltmp4, $4  }
0x11d: {  	v5 =	vadd.f32 v5, v16;
	v16 =	vperm.xlane v7, v3;
	v12 =	vperm.xlane v15, v3  }
0x11e: {  	v18 =	vperm.xlane v19, v4;
	v13 =	vadd.f32 v6, v10;
	v17 =	vperm.xlane v14, v1  }
0x11f: {  	v6 =	vperm.xlane v5, v4;
	v10 =	vadd.f32 v12, v15;
	v12 =	vadd.f32 v16, v7  }
0x120: {  	v7 =	vadd.f32 v18, v19;
	v15 =	vperm.xlane v13, v2;
	v14 =	vadd.f32 v17, v14  }
0x121: {  	_ = 	snop  }
0x122: {  	v18 =	vperm.xlane v12, v4;
	v17 =	vperm.xlane v14, v2  }
0x123: {  	v16 =	vperm.xlane v9, v4;
	v8 =	vadd.f32 v11, v8;
	v5 =	vadd.f32 v6, v5  }
0x124: {  	v11 =	vperm.xlane v10, v4;
	v12 =	vadd.f32 v18, v12;
	v14 =	vadd.f32 v17, v14  }
0x125: {  	v13 =	vadd.f32 v15, v13;
	v9 =	vadd.f32 v16, v9;
	v8 =	vmul.f32 $2.500000000e-01, v8  }
0x126: {  	v10 =	vadd.f32 v11, v10;
	v11 =	vmul.f32 $2.500000000e-01, v12;
	v12 =	vperm.xlane v14, v3  }
0x127: {  	v5 =	vmul.f32 $2.500000000e-01, v5;
	v15 =	vperm.xlane v13, v3;
	v8 =	vmax.f32 v8, $-5.000000000e+00  }
0x128: {  	v10 =	vmul.f32 $2.500000000e-01, v10;
	v6 =	vmin.f32 v8, $5.000000000e+00;
	v8 =	vadd.f32 v12, v14  }
0x129: {  	v9 =	vmul.f32 $2.500000000e-01, v9;
	v6 =	vmul.f32 $1.442695020e+00, v6  }
0x12a: {  	v10 =	vmax.f32 v10, $-5.000000000e+00;
	v11 =	vmax.f32 v11, $-5.000000000e+00;
	v12 =	vperm.xlane v8, v4  }
0x12b: {  	v13 =	vadd.f32 v15, v13;
	v10 =	vmin.f32 v10, $5.000000000e+00;
	v11 =	vmin.f32 v11, $5.000000000e+00  }
0x12c: {  	v10 =	vmul.f32 $1.442695020e+00, v10;
	(erf) = vpow2.f32 v6;
	v6 =	vadd.f32 v12, v8  }
0x12d: {  	v8 =	vmax.f32 v9, $-5.000000000e+00;
	v9 =	vmul.f32 $1.442695020e+00, v11;
	v11 =	vperm.xlane v13, v4  }
0x12e: {  	v7 =	vmul.f32 $2.500000000e-01, v7;
	v5 =	vmax.f32 v5, $-5.000000000e+00  }
0x12f: {  	v5 =	vmin.f32 v5, $5.000000000e+00;
	(erf) = vpow2.f32 v10;
	v10 =	vadd.f32 v11, v13  }
0x130: {  	v5 =	vmul.f32 $1.442695020e+00, v5;
	v6 =	vmul.f32 $2.500000000e-01, v6  }
0x131: {  	v8 =	vmin.f32 v8, $5.000000000e+00;
	(erf) = vpow2.f32 v9;
	v9 =	vmul.f32 $2.500000000e-01, v10  }
0x132: {  	v7 =	vmax.f32 v7, $-5.000000000e+00;
	v8 =	vmul.f32 $1.442695020e+00, v8  }
0x133: {  	(erf) = vpow2.f32 v5;
	v6 =	vmax.f32 v6, $-5.000000000e+00;
	v9 =	vmax.f32 v9, $-5.000000000e+00  }
0x134: {  	(erf) = vpow2.f32 v8;
	v6 =	vmin.f32 v6, $5.000000000e+00;
	v9 =	vmin.f32 v9, $5.000000000e+00  }
0x135: {  	v7 =	vmin.f32 v7, $5.000000000e+00;
	v8 =	vld [tilespmem:s8+$0x50];
	v6 =	vmul.f32 $1.442695020e+00, v6;
	v9 =	vmul.f32 $1.442695020e+00, v9  }
0x136: {  	v7 =	vmul.f32 $1.442695020e+00, v7  }
0x137: {  	(erf) = vpow2.f32 v6  }
0x138: {  	v6 =	vld [tilespmem:s8+$0x40];
	(erf) = vpow2.f32 v7  }
0x139: {  	v10 =	vld [tilespmem:s8+$0xFFFFFFC0];
	(erf) = vpow2.f32 v9;
	v9 =	vpop (erf)  }
0x13a: {  	v7 =	vld [tilespmem:s8+$0x60];
	v8 =	vmul.f32 v9, v8  }
0x13b: {  	v14 =	vld [tilespmem:s8+$0xFFFFFFF0]  }
0x13c: {  	v11 =	vld [tilespmem:s8+$0xFFFFFFD0];
	v12 =	vpop (erf)  }
0x13d: {  	v13 =	vld [tilespmem:s8+$0xFFFFFFE0];
	v6 =	vmul.f32 v12, v6;
	v15 =	vpop (erf)  }
0x13e: {  	v5 =	vld [tilespmem:s8+$0x70];
	[tilespmem:s30+$0x10] =	vst v8;
	v8 =	vpop (erf)  }
0x13f: {  	v7 =	vmul.f32 v15, v7;
	[tilespmem:s30+$0x0] =	vst v6;
	v6 =	vmul.f32 v8, v10  }
0x140: {  	v10 =	vpop (erf)  }
0x141: {  	[tilespmem:s30+$0x20] =	vst v7;
	v8 =	vnsel vm0, $0x0, v8;
	v7 =	vmul.f32 v10, v11;
	v11 =	vpop (erf)  }
0x142: {  	v8 =	vsel vm1, v8, v10;
	v13 =	vmul.f32 v11, v13;
	[tilespmem:s30+$0xFFFFFFB0] =	vst v6  }
0x143: {  	v8 =	vsel vm2, v8, v11;
	[tilespmem:s30+$0xFFFFFFC0] =	vst v7;
	v7 =	vnsel vm0, $0x0, v12;
	v6 =	vpop (erf)  }
0x144: {  	[tilespmem:s30+$0xFFFFFFD0] =	vst v13;
	v7 =	vsel vm1, v7, v9;
	v10 =	vmul.f32 v6, v14;
	v6 =	vsel vm3, v8, v6  }
0x145: {  	s0 =	smul.u32 $0x280, s26;
	v11 =	vpop (erf);
	v7 =	vsel vm2, v7, v15;
	[tilespmem:s30+$0xFFFFFFF0] =	vst v6  }
0x146: {  	v5 =	vmul.f32 v11, v5;
	v6 =	vsel vm3, v7, v11;
	[tilespmem:s30+$0xFFFFFFE0] =	vst v10  }
0x147: {  	s0 =	sshra.s32 s0, $0x2;
	[tilespmem:s30+$0x40] =	vst v6  }
0x148: {  	p2 =	seq.s32 s26, $0x18;
	s0 =	sadd.s32 $0xFA0, s0;
	[tilespmem:s30+$0x30] =	vst v5  }
0x149: {  	[spmem:s11] =	stream.indirect.scatter.add.f32 [tilespmem:s5], [sflag:$0x3], $0x50, s0, s10, $0xb8;
	[tilespmem:$0x18C90] =	vst v63  }
0x14a: {  	s0 =	smul.u32 @!p2 $0xA0, s26;
	_ =	swait.ge [sflag:s6], $0x1900  }
0x14b: {  	s3 =	simm.s32 @!p2 $0x50;
	[sflag:s6] =	ssyncset.done $0x0  }
0x14c: {  	s8 =	simm.s32 @!p2 $0x1F40;
	s2 =	sadd.s32 @!p2 $0xA0, s0;
	[sflag:s6] =	ssyncadd.s32 $0xFFFFE700  }
0x14d: {  	[tilespmem:s8], [sflag:$0x1] =	stream.indirect.gather @!p2 [hbm4b:s9+s3], $0x80, s2, s3, $0xb8;
	[tilespmem:$0x18C90] =	vst v63  }
0x14e: {  	s0 =	sadd.s32 @!p2 $0x1040, s0;
	s2 =	simm.s32 @!p2 $0x6F40  }
0x14f: {  	[tilespmem:s2], [sflag:$0x1] =	stream.indirect.gather @!p2 [hbm4b:s14+s3], $0x40, s0, s3, $0xb8;
	[tilespmem:$0x18C90] =	vst v63  }
0x150: {  	_ =	swait.ge [sflag:s22], $0x2800  }
0x151: {  	[sflag:s22] =	ssyncset.done $0x0  }
0x152: {  	[sflag:s22] =	ssyncadd.s32 $0xFFFFD800  }
0x153: {  	_ =	swait.ge [sflag:s22], $0x1400  }
0x154: {  	[sflag:s22] =	ssyncset.done $0x0  }
0x155: {  	s8 =	simm.s32 $0x0;
	[sflag:s22] =	ssyncadd.s32 $0xFFFFEC00  }
0x156: {  	v5 =	vld [tilespmem:s8+$0x8390]  }
0x157: {  	s31 =	simm.s32 $0x47C0;
	v6 =	vld [tilespmem:s8+$0x8370]  }
0x158: {  	v7 =	vld [tilespmem:s31+$0xFFFFFFB0]  }
0x159: {  	v8 =	vld [tilespmem:s31+$0xFFFFFF80]  }
0x15a: {  	v9 =	vld [tilespmem:s31+$0x10]  }
0x15b: {  	v10 =	vld [tilespmem:s31+$0xFFFFFF90]  }
0x15c: {  	v11 =	vld [tilespmem:s8+$0x8340]  }
0x15d: {  	v12 =	vld [tilespmem:s8+$0x8350]  }
0x15e: {  	v13 =	vld [tilespmem:s31+$0x20]  }
0x15f: {  	v14 =	vld [tilespmem:s8+$0x83A0]  }
0x160: {  	v15 =	vld [tilespmem:s31+$0x0]  }
0x161: {  	v6 =	vmul.f32 v6, v7;
	v7 =	vld [tilespmem:s8+$0x8380]  }
0x162: {  	v5 =	vmul.f32 v5, v9;
	v8 =	vmul.f32 v11, v8  }
0x163: {  	v10 =	vmul.f32 v12, v10;
	v9 =	vperm.xlane v6, v1  }
0x164: {  	v11 =	vperm.xlane v5, v1;
	v12 =	vperm.xlane v8, v1  }
0x165: {  	v13 =	vmul.f32 v14, v13;
	v6 =	vadd.f32 v9, v6;
	v9 =	vperm.xlane v10, v1  }
0x166: {  	v5 =	vadd.f32 v11, v5;
	v8 =	vadd.f32 v12, v8;
	v7 =	vmul.f32 v7, v15  }
0x167: {  	v14 =	vld [tilespmem:s8+$0x83B0];
	v12 =	vperm.xlane v6, v2;
	v9 =	vadd.f32 v9, v10;
	v10 =	vperm.xlane v13, v1  }
0x168: {  	v11 =	vld [tilespmem:s31+$0x30];
	v15 =	vperm.xlane v5, v2;
	v16 =	vperm.xlane v8, v2  }
0x169: {  	v17 =	vld [tilespmem:s31+$0xFFFFFFA0];
	v6 =	vadd.f32 v12, v6;
	v12 =	vperm.xlane v7, v1;
	v10 =	vadd.f32 v10, v13  }
0x16a: {  	v13 =	vperm.xlane v9, v2;
	v5 =	vadd.f32 v15, v5;
	v15 =	vadd.f32 v16, v8;
	v16 =	vld [tilespmem:s8+$0x8360]  }
0x16b: {  	v8 =	vperm.xlane v6, v3;
	v7 =	vadd.f32 v12, v7  }
0x16c: {  	v12 =	vperm.xlane v10, v2;
	v9 =	vadd.f32 v13, v9;
	v13 =	vperm.xlane v5, v3  }
0x16d: {  	v14 =	vmul.f32 v14, v11;
	v63 =	vadd.f32 v8, v6;
	v6 =	vperm.xlane v7, v2  }
0x16e: {  	v11 =	vperm.xlane v9, v3;
	v8 =	vadd.f32 v13, v5;
	v12 =	vadd.f32 v12, v10  }
0x16f: {  	v5 =	vperm.xlane v15, v3;
	v13 =	vmul.f32 v16, v17;
	v7 =	vadd.f32 v6, v7  }
0x170: {  	v6 =	vperm.xlane v14, v1;
	v9 =	vadd.f32 v11, v9;
	v11 =	vperm.xlane v8, v4  }
0x171: {  	v5 =	vadd.f32 v5, v15;
	v15 =	vperm.xlane v12, v3;
	v16 =	vperm.xlane v13, v1  }
0x172: {  	v17 =	vperm.xlane v63, v4;
	v10 =	vperm.xlane v7, v3;
	v14 =	vadd.f32 v6, v14  }
0x173: {  	s30 =	simm.s32 $0xB090;
	v6 =	vperm.xlane v5, v4;
	v12 =	vadd.f32 v15, v12;
	v13 =	vadd.f32 v16, v13  }
0x174: {  	s0 =	simm.s32 $0xB090;
	s2 =	simm.s32 $0x200;
	s8 =	simm.s32 $0x47C0;
	v10 =	vadd.f32 v10, v7;
	v7 =	vadd.f32 v17, v63;
	v15 =	vperm.xlane v14, v2  }
.LBB2_15:
0x175: {  	p2 =	sne.s32 s2, $0x4E00;
	v16 =	vperm.xlane v9, v4;
	v8 =	vadd.f32 v11, v8;
	s31 =	sadd.s32 $0x100, s31;
	s0 =	sadd.s32 $0xA0, s0  }
0x176: {  	v17 =	vperm.xlane v12, v4;
	s3 =	smov.u32 s2;
	s2 =	sadd.s32 $0x200, s2;
	v11 =	vperm.xlane v13, v2;
	v14 =	vadd.f32 v15, v14  }
0x177: {  	v15 =	vperm.xlane v10, v4;
	v9 =	vadd.f32 v16, v9  }
0x178: {  	v12 =	vadd.f32 v17, v12;
	v11 =	vadd.f32 v11, v13;
	v13 =	vperm.xlane v14, v3  }
0x179: {  	v8 =	vmul.f32 $2.500000000e-01, v8;
	v9 =	vmul.f32 $2.500000000e-01, v9  }
0x17a: {  	v10 =	vadd.f32 v15, v10;
	v12 =	vmul.f32 $2.500000000e-01, v12;
	v13 =	vadd.f32 v13, v14  }
0x17b: {  	v5 =	vadd.f32 v6, v5;
	v8 =	vmax.f32 v8, $-5.000000000e+00;
	v6 =	vperm.xlane v11, v3  }
0x17c: {  	v7 =	vmul.f32 $2.500000000e-01, v7;
	v10 =	vmul.f32 $2.500000000e-01, v10;
	v8 =	vmin.f32 v8, $5.000000000e+00  }
0x17d: {  	v8 =	vmul.f32 $1.442695020e+00, v8;
	v6 =	vadd.f32 v6, v11;
	v11 =	vmax.f32 v12, $-5.000000000e+00  }
0x17e: {  	v7 =	vmax.f32 v7, $-5.000000000e+00;
	v10 =	vmax.f32 v10, $-5.000000000e+00;
	v11 =	vmin.f32 v11, $5.000000000e+00  }
0x17f: {  	v7 =	vmin.f32 v7, $5.000000000e+00;
	v10 =	vmin.f32 v10, $5.000000000e+00;
	v12 =	vperm.xlane v6, v4  }
0x180: {  	v9 =	vmax.f32 v9, $-5.000000000e+00;
	v10 =	vmul.f32 $1.442695020e+00, v10;
	(erf) = vpow2.f32 v8  }
0x181: {  	v5 =	vmul.f32 $2.500000000e-01, v5;
	v6 =	vadd.f32 v12, v6;
	v8 =	vmul.f32 $1.442695020e+00, v11  }
0x182: {  	v9 =	vmin.f32 v9, $5.000000000e+00;
	v11 =	vperm.xlane v13, v4;
	(erf) = vpow2.f32 v10  }
0x183: {  	v5 =	vmax.f32 v5, $-5.000000000e+00;
	v6 =	vmul.f32 $2.500000000e-01, v6;
	(erf) = vpow2.f32 v8  }
0x184: {  	v5 =	vmin.f32 v5, $5.000000000e+00;
	v8 =	vmul.f32 $1.442695020e+00, v9;
	v9 =	vadd.f32 v11, v13  }
0x185: {  	v5 =	vmul.f32 $1.442695020e+00, v5;
	v6 =	vmax.f32 v6, $-5.000000000e+00;
	v10 =	vld [tilespmem:s8+$0x70]  }
0x186: {  	v6 =	vmin.f32 v6, $5.000000000e+00;
	v9 =	vmul.f32 $2.500000000e-01, v9;
	v11 =	vld [tilespmem:s8+$0x50]  }
0x187: {  	v13 =	vmul.f32 $1.442695020e+00, v6;
	v12 =	vld [tilespmem:s8+$0x40];
	(erf) = vpow2.f32 v5  }
0x188: {  	v7 =	vmul.f32 $1.442695020e+00, v7;
	v9 =	vmax.f32 v9, $-5.000000000e+00;
	v5 =	vld [tilespmem:s8+$0x60];
	(erf) = vpow2.f32 v8  }
0x189: {  	v9 =	vmin.f32 v9, $5.000000000e+00;
	v8 =	vld [tilespmem:s8+$0xFFFFFFF0];
	(erf) = vpow2.f32 v13;
	v6 =	vpop (erf)  }
0x18a: {  	v9 =	vmul.f32 $1.442695020e+00, v9;
	v13 =	vld [tilespmem:s8+$0xFFFFFFE0];
	(erf) = vpow2.f32 v7  }
0x18b: {  	v7 =	vld [tilespmem:s8+$0xFFFFFFD0];
	v11 =	vmul.f32 v6, v11;
	v14 =	vpop (erf)  }
0x18c: {  	v15 =	vld [tilespmem:s8+$0xFFFFFFC0];
	v12 =	vmul.f32 v14, v12;
	v14 =	vnsel vm0, $0x0, v14;
	v16 =	vpop (erf);
	(erf) = vpow2.f32 v9;
	s8 =	smov.u32 s31  }
0x18d: {  	s3 =	sshra.s32 s3, $0x2;
	v6 =	vsel vm1, v14, v6;
	v9 =	vmul.f32 v16, v5;
	[tilespmem:s30+$0x10] =	vst v11  }
0x18e: {  	v6 =	vsel vm2, v6, v16;
	[tilespmem:s30+$0x0] =	vst v12  }
0x18f: {  	[tilespmem:s30+$0x20] =	vst v9  }
0x190: {  	v5 =	vpop (erf)  }
0x191: {  	v14 =	vmul.f32 v5, v15;
	v5 =	vnsel vm0, $0x0, v5;
	v11 =	vpop (erf)  }
0x192: {  	v15 =	vmul.f32 v11, v7;
	v5 =	vsel vm1, v5, v11;
	v11 =	vpop (erf)  }
0x193: {  	v12 =	vmul.f32 v11, v13;
	v5 =	vsel vm2, v5, v11;
	[tilespmem:s30+$0xFFFFFFB0] =	vst v14;
	v9 =	vpop (erf)  }
0x194: {  	v8 =	vmul.f32 v9, v8;
	v5 =	vsel vm3, v5, v9;
	[tilespmem:s30+$0xFFFFFFC0] =	vst v15  }
0x195: {  	[tilespmem:s30+$0xFFFFFFD0] =	vst v12;
	v7 =	vpop (erf)  }
0x196: {  	v9 =	vmul.f32 v7, v10;
	v6 =	vsel vm3, v6, v7;
	[tilespmem:s30+$0xFFFFFFE0] =	vst v8  }
0x197: {  	[tilespmem:s30+$0xFFFFFFF0] =	vst v5  }
0x198: {  	[tilespmem:s30+$0x30] =	vst v9  }
0x199: {  	[tilespmem:s30+$0x40] =	vst v6;
	s30 =	smov.u32 s0  }
0x19a: {  	v5 =	vld [tilespmem:s3+$0x8390]  }
0x19b: {  	v6 =	vld [tilespmem:s3+$0x8370]  }
0x19c: {  	v7 =	vld [tilespmem:s31+$0xFFFFFFB0]  }
0x19d: {  	v8 =	vld [tilespmem:s31+$0xFFFFFF80]  }
0x19e: {  	v9 =	vld [tilespmem:s31+$0x10]  }
0x19f: {  	v10 =	vld [tilespmem:s31+$0xFFFFFF90]  }
0x1a0: {  	v11 =	vld [tilespmem:s3+$0x8340]  }
0x1a1: {  	v12 =	vld [tilespmem:s3+$0x8350]  }
0x1a2: {  	v6 =	vmul.f32 v6, v7;
	v13 =	vld [tilespmem:s31+$0x20]  }
0x1a3: {  	v7 =	vld [tilespmem:s3+$0x83A0]  }
0x1a4: {  	v14 =	vld [tilespmem:s3+$0x8380]  }
0x1a5: {  	v5 =	vmul.f32 v5, v9;
	v15 =	vld [tilespmem:s31+$0x0];
	v8 =	vmul.f32 v11, v8  }
0x1a6: {  	v9 =	vmul.f32 v12, v10;
	v10 =	vperm.xlane v6, v1  }
0x1a7: {  	v12 =	vperm.xlane v5, v1;
	v11 =	vperm.xlane v8, v1  }
0x1a8: {  	v16 =	vperm.xlane v9, v1;
	v7 =	vmul.f32 v7, v13  }
0x1a9: {  	v6 =	vadd.f32 v10, v6;
	v8 =	vadd.f32 v11, v8  }
0x1aa: {  	v5 =	vadd.f32 v12, v5;
	v10 =	vld [tilespmem:s31+$0x30];
	v9 =	vadd.f32 v16, v9;
	v11 =	vperm.xlane v7, v1  }
0x1ab: {  	v13 =	vperm.xlane v6, v2;
	v14 =	vmul.f32 v14, v15;
	v12 =	vld [tilespmem:s31+$0xFFFFFFA0]  }
0x1ac: {  	v17 =	vperm.xlane v5, v2;
	v16 =	vperm.xlane v8, v2;
	v15 =	vld [tilespmem:s3+$0x83B0];
	v7 =	vadd.f32 v11, v7  }
0x1ad: {  	v11 =	vperm.xlane v9, v2;
	v6 =	vadd.f32 v13, v6;
	v13 =	vperm.xlane v14, v1  }
0x1ae: {  	v5 =	vadd.f32 v17, v5;
	v16 =	vadd.f32 v16, v8;
	v17 =	vperm.xlane v7, v2  }
0x1af: {  	v9 =	vadd.f32 v11, v9;
	v8 =	vperm.xlane v6, v3;
	v11 =	vadd.f32 v13, v14;
	v18 =	vld [tilespmem:s3+$0x8360]  }
0x1b0: {  	v13 =	vperm.xlane v5, v3  }
0x1b1: {  	v19 =	vadd.f32 v8, v6;
	v6 =	vperm.xlane v11, v2;
	v10 =	vmul.f32 v15, v10  }
0x1b2: {  	v14 =	vperm.xlane v9, v3;
	v8 =	vadd.f32 v13, v5;
	v7 =	vadd.f32 v17, v7  }
0x1b3: {  	v5 =	vperm.xlane v16, v3;
	v13 =	vadd.f32 v6, v11;
	v6 =	vperm.xlane v10, v1  }
.Ltmp5:
0x1b4: {  	v9 =	vadd.f32 v14, v9;
	v11 =	vperm.xlane v8, v4;
	v15 =	vmul.f32 v18, v12;
	(pc) =	sbr.rel @p2 .LBB2_15-.Ltmp5, $4  }
0x1b5: {  	v5 =	vadd.f32 v5, v16;
	v16 =	vperm.xlane v7, v3;
	v12 =	vperm.xlane v13, v3  }
0x1b6: {  	v18 =	vperm.xlane v19, v4;
	v14 =	vadd.f32 v6, v10;
	v17 =	vperm.xlane v15, v1  }
0x1b7: {  	v6 =	vperm.xlane v5, v4;
	v10 =	vadd.f32 v12, v13;
	v12 =	vadd.f32 v16, v7  }
0x1b8: {  	v7 =	vadd.f32 v18, v19;
	v13 =	vadd.f32 v17, v15;
	v15 =	vperm.xlane v14, v2  }
0x1b9: {  	_ = 	snop  }
0x1ba: {  	v16 =	vperm.xlane v9, v4;
	v17 =	vperm.xlane v13, v2  }
0x1bb: {  	v40 =	vperm.xlane v12, v4;
	v8 =	vadd.f32 v11, v8;
	v5 =	vadd.f32 v6, v5  }
0x1bc: {  	v41 =	vperm.xlane v10, v4;
	v14 =	vadd.f32 v15, v14;
	v13 =	vadd.f32 v17, v13  }
0x1bd: {  	v7 =	vmul.f32 $2.500000000e-01, v7;
	v9 =	vadd.f32 v16, v9;
	v8 =	vmul.f32 $2.500000000e-01, v8  }
0x1be: {  	v12 =	vadd.f32 v40, v12;
	v5 =	vmul.f32 $2.500000000e-01, v5;
	v44 =	vperm.xlane v13, v3  }
0x1bf: {  	v10 =	vadd.f32 v41, v10;
	v42 =	vperm.xlane v14, v3;
	v9 =	vmul.f32 $2.500000000e-01, v9  }
0x1c0: {  	v43 =	vmul.f32 $2.500000000e-01, v12;
	v8 =	vmax.f32 v8, $-5.000000000e+00;
	v45 =	vadd.f32 v44, v13  }
0x1c1: {  	v10 =	vmul.f32 $2.500000000e-01, v10;
	v5 =	vmax.f32 v5, $-5.000000000e+00;
	v6 =	vmin.f32 v8, $5.000000000e+00  }
0x1c2: {  	v14 =	vadd.f32 v42, v14;
	v6 =	vmul.f32 $1.442695020e+00, v6;
	v12 =	vperm.xlane v45, v4  }
0x1c3: {  	v5 =	vmin.f32 v5, $5.000000000e+00;
	v10 =	vmax.f32 v10, $-5.000000000e+00;
	v11 =	vmax.f32 v43, $-5.000000000e+00  }
0x1c4: {  	v10 =	vmin.f32 v10, $5.000000000e+00;
	(erf) = vpow2.f32 v6;
	v6 =	vadd.f32 v12, v45  }
0x1c5: {  	v11 =	vmin.f32 v11, $5.000000000e+00;
	v48 =	vperm.xlane v14, v4;
	v10 =	vmul.f32 $1.442695020e+00, v10  }
0x1c6: {  	v46 =	vmax.f32 v9, $-5.000000000e+00;
	v47 =	vmul.f32 $1.442695020e+00, v11;
	v6 =	vmul.f32 $2.500000000e-01, v6  }
0x1c7: {  	v5 =	vmul.f32 $1.442695020e+00, v5;
	v8 =	vmin.f32 v46, $5.000000000e+00;
	(erf) = vpow2.f32 v10  }
0x1c8: {  	v49 =	vadd.f32 v48, v14;
	(erf) = vpow2.f32 v47;
	v6 =	vmax.f32 v6, $-5.000000000e+00  }
0x1c9: {  	v8 =	vmul.f32 $1.442695020e+00, v8;
	(erf) = vpow2.f32 v5;
	v6 =	vmin.f32 v6, $5.000000000e+00  }
0x1ca: {  	v7 =	vmax.f32 v7, $-5.000000000e+00;
	v50 =	vmul.f32 $2.500000000e-01, v49;
	v6 =	vmul.f32 $1.442695020e+00, v6  }
0x1cb: {  	v51 =	vld [tilespmem:s8+$0x50];
	v7 =	vmin.f32 v7, $5.000000000e+00;
	(erf) = vpow2.f32 v8  }
0x1cc: {  	v7 =	vmul.f32 $1.442695020e+00, v7;
	v9 =	vmax.f32 v50, $-5.000000000e+00;
	(erf) = vpow2.f32 v6;
	v6 =	vld [tilespmem:s8+$0x40]  }
0x1cd: {  	v52 =	vld [tilespmem:s8+$0xFFFFFFC0];
	v9 =	vmin.f32 v9, $5.000000000e+00  }
0x1ce: {  	v9 =	vmul.f32 $1.442695020e+00, v9;
	(erf) = vpow2.f32 v7;
	v7 =	vld [tilespmem:s8+$0x60]  }
0x1cf: {  	v53 =	vpop (erf)  }
0x1d0: {  	v54 =	vld [tilespmem:s8+$0xFFFFFFD0];
	v55 =	vpop (erf);
	(erf) = vpow2.f32 v9  }
0x1d1: {  	v56 =	vld [tilespmem:s8+$0xFFFFFFE0];
	v58 =	vpop (erf);
	v6 =	vmul.f32 v55, v6  }
0x1d2: {  	v57 =	vld [tilespmem:s8+$0xFFFFFFF0];
	v8 =	vmul.f32 v53, v51;
	v59 =	vpop (erf)  }
0x1d3: {  	v5 =	vld [tilespmem:s8+$0x70];
	v7 =	vmul.f32 v58, v7;
	[tilespmem:s30+$0x0] =	vst v6;
	v6 =	vmul.f32 v59, v52  }
0x1d4: {  	[tilespmem:s30+$0x10] =	vst v8;
	v60 =	vpop (erf)  }
0x1d5: {  	v8 =	vnsel vm0, $0x0, v59;
	[tilespmem:s30+$0x20] =	vst v7;
	v7 =	vmul.f32 v60, v54;
	v61 =	vpop (erf)  }
0x1d6: {  	v8 =	vsel vm1, v8, v60;
	[tilespmem:s30+$0xFFFFFFB0] =	vst v6;
	v13 =	vmul.f32 v61, v56  }
0x1d7: {  	[tilespmem:s30+$0xFFFFFFC0] =	vst v7;
	v7 =	vnsel vm0, $0x0, v55;
	v8 =	vsel vm2, v8, v61;
	v6 =	vpop (erf)  }
0x1d8: {  	v7 =	vsel vm1, v7, v53;
	v62 =	vmul.f32 v6, v57;
	[tilespmem:s30+$0xFFFFFFD0] =	vst v13;
	v6 =	vsel vm3, v8, v6  }
0x1d9: {  	s0 =	smul.u32 $0x140, s29;
	v63 =	vpop (erf);
	v7 =	vsel vm2, v7, v58;
	[tilespmem:s30+$0xFFFFFFF0] =	vst v6  }
0x1da: {  	s26 =	sadd.s32 $0x1, s26;
	v5 =	vmul.f32 v63, v5;
	v6 =	vsel vm3, v7, v63;
	[tilespmem:s30+$0xFFFFFFE0] =	vst v62  }
0x1db: {  	p2 =	sne.s32 s26, $0x19;
	s0 =	sshra.s32 s0, $0x2;
	[tilespmem:s30+$0x40] =	vst v6  }
.Ltmp6:
0x1dc: {  	s0 =	sadd.s32 $0xFA0, s0;
	[tilespmem:s30+$0x30] =	vst v5;
	(pc) =	sbr.rel @p2 .LBB2_12-.Ltmp6, $4  }
0x1dd: {  	[spmem:s11] =	stream.indirect.scatter.add.f32 [tilespmem:s23], [sflag:$0x3], $0x50, s0, s10, $0xb8;
	[tilespmem:$0x18C90] =	vst v63  }
0x1de: {  	_ =	swait.ge [sflag:s6], $0x1900  }
0x1df: {  	[sflag:s6] =	ssyncset.done $0x0  }
0x1e0: {  	[sflag:s6] =	ssyncadd.s32 $0xFFFFE700  }
0x1e1: {  	s28 =	sadd.s32 $0x1, s28  }
0x1e2: {  	p2 =	sne.s32 s28, $0x5  }
.Ltmp7:
0x1e3: {  	_ = 	snop;
	(pc) =	sbr.rel @p2 .LBB2_11-.Ltmp7, $4  }
.Ltmp8:
0x1e4: {  	_ = 	snop;
	(pc) =	sbr.rel @!p2 .LBB2_18-.Ltmp8, $4  }
0x1e5: {  	_ = 	snop  }
0x1e6: {  	_ = 	snop  }
0x1e7: {  	_ = 	snop  }
0x1e8: {  	_ = 	snop  }
.LBB2_4:
0x1e9: {  	s0 =	smul.u32 $0x32, s26;
	_ =	sdelay $0x1  }
0x1ea: {  	s0 =	sadd.s32 s4, s0  }
0x1eb: {  	s0 =	smul.u32 $0xA, s0;
	_ =	sdelay $0x1  }
0x1ec: {  	s2 =	sadd.s32 s16, s0  }
0x1ed: {  	[tilespmem:s25], [sflag:$0x3] =	stream.linear.gather [hbm4b:s2+s25], $0xFA0, $0x38;
	[tilespmem:$0x18C90] =	vst v63  }
0x1ee: {  	_ =	swait.ge [sflag:s6], $0xFA0  }
0x1ef: {  	[sflag:s6] =	ssyncset.done $0x0  }
0x1f0: {  	s0 =	sadd.s32 s17, s0;
	[sflag:s6] =	ssyncadd.s32 $0xFFFFF060  }
0x1f1: {  	[tilespmem:s7], [sflag:$0x3] =	stream.linear.gather [hbm4b:s0+s25], $0xFA0, $0x38;
	[tilespmem:$0x18C90] =	vst v63  }
0x1f2: {  	_ =	swait.ge [sflag:s6], $0xFA0  }
0x1f3: {  	[sflag:s6] =	ssyncset.done $0x0  }
0x1f4: {  	[sflag:s6] =	ssyncadd.s32 $0xFFFFF060  }
0x1f5: {  	[tilespmem:s12], [sflag:$0x1] =	stream.indirect.gather [hbm4b:s15+s10], $0x80, s25, s10, $0xb8;
	[tilespmem:$0x18C90] =	vst v63  }
0x1f6: {  	s28 =	simm.s32 $0x0  }
0x1f7: {  	[tilespmem:s18], [sflag:$0x1] =	stream.indirect.gather [hbm4b:s13+s10], $0x40, s7, s10, $0xb8;
	[tilespmem:$0x18C90] =	vst v63  }
.LBB2_5:
0x1f8: {  	s29 =	sshllo.u32 s28, $0x1  }
0x1f9: {  	s0 =	smul.u32 $0x50, s29;
	_ =	sdelay $0x1  }
0x1fa: {  	[tilespmem:s19], [sflag:$0x2] =	stream.indirect.gather [hbm4b:s15+s10], $0x80, s0, s10, $0xb8;
	[tilespmem:$0x18C90] =	vst v63  }
0x1fb: {  	s0 =	sadd.s32 $0xFA0, s0  }
0x1fc: {  	[tilespmem:s20], [sflag:$0x2] =	stream.indirect.gather [hbm4b:s13+s10], $0x40, s0, s10, $0xb8;
	[tilespmem:$0x18C90] =	vst v63  }
0x1fd: {  	_ =	swait.ge [sflag:s21], $0x2800  }
0x1fe: {  	[sflag:s21] =	ssyncset.done $0x0  }
0x1ff: {  	[sflag:s21] =	ssyncadd.s32 $0xFFFFD800  }
0x200: {  	_ =	swait.ge [sflag:s21], $0x1400  }
0x201: {  	[sflag:s21] =	ssyncset.done $0x0  }
0x202: {  	s8 =	simm.s32 $0x0;
	[sflag:s21] =	ssyncadd.s32 $0xFFFFEC00  }
0x203: {  	v5 =	vld [tilespmem:s8+$0x6F90]  }
0x204: {  	s31 =	simm.s32 $0x1FC0;
	v6 =	vld [tilespmem:s8+$0x6F70]  }
0x205: {  	v7 =	vld [tilespmem:s31+$0xFFFFFFB0]  }
0x206: {  	v8 =	vld [tilespmem:s31+$0xFFFFFF80]  }
0x207: {  	v9 =	vld [tilespmem:s31+$0x10]  }
0x208: {  	v10 =	vld [tilespmem:s31+$0xFFFFFF90]  }
0x209: {  	v11 =	vld [tilespmem:s8+$0x6F40]  }
0x20a: {  	v12 =	vld [tilespmem:s8+$0x6F50]  }
0x20b: {  	v13 =	vld [tilespmem:s31+$0x20]  }
0x20c: {  	v14 =	vld [tilespmem:s8+$0x6FA0]  }
0x20d: {  	v15 =	vld [tilespmem:s31+$0x0]  }
0x20e: {  	v6 =	vmul.f32 v6, v7;
	v7 =	vld [tilespmem:s8+$0x6F80]  }
0x20f: {  	v5 =	vmul.f32 v5, v9;
	v8 =	vmul.f32 v11, v8  }
0x210: {  	v10 =	vmul.f32 v12, v10;
	v9 =	vperm.xlane v6, v1  }
0x211: {  	v11 =	vperm.xlane v5, v1;
	v12 =	vperm.xlane v8, v1  }
0x212: {  	v13 =	vmul.f32 v14, v13;
	v6 =	vadd.f32 v9, v6;
	v9 =	vperm.xlane v10, v1  }
0x213: {  	v5 =	vadd.f32 v11, v5;
	v8 =	vadd.f32 v12, v8;
	v7 =	vmul.f32 v7, v15  }
0x214: {  	v14 =	vld [tilespmem:s8+$0x6FB0];
	v12 =	vperm.xlane v6, v2;
	v9 =	vadd.f32 v9, v10;
	v10 =	vperm.xlane v13, v1  }
0x215: {  	v11 =	vld [tilespmem:s31+$0x30];
	v15 =	vperm.xlane v5, v2;
	v16 =	vperm.xlane v8, v2  }
0x216: {  	v17 =	vld [tilespmem:s31+$0xFFFFFFA0];
	v6 =	vadd.f32 v12, v6;
	v12 =	vperm.xlane v7, v1;
	v10 =	vadd.f32 v10, v13  }
0x217: {  	v13 =	vperm.xlane v9, v2;
	v5 =	vadd.f32 v15, v5;
	v15 =	vadd.f32 v16, v8;
	v16 =	vld [tilespmem:s8+$0x6F60]  }
0x218: {  	v8 =	vperm.xlane v6, v3;
	v7 =	vadd.f32 v12, v7  }
0x219: {  	v12 =	vperm.xlane v10, v2;
	v9 =	vadd.f32 v13, v9;
	v13 =	vperm.xlane v5, v3  }
0x21a: {  	v14 =	vmul.f32 v14, v11;
	v18 =	vadd.f32 v8, v6;
	v6 =	vperm.xlane v7, v2  }
0x21b: {  	v11 =	vperm.xlane v9, v3;
	v8 =	vadd.f32 v13, v5;
	v12 =	vadd.f32 v12, v10  }
0x21c: {  	v5 =	vperm.xlane v15, v3;
	v16 =	vmul.f32 v16, v17;
	v7 =	vadd.f32 v6, v7  }
0x21d: {  	v6 =	vperm.xlane v14, v1;
	v9 =	vadd.f32 v11, v9;
	v11 =	vperm.xlane v8, v4  }
0x21e: {  	v5 =	vadd.f32 v5, v15;
	v15 =	vperm.xlane v12, v3;
	v17 =	vperm.xlane v16, v1  }
0x21f: {  	v19 =	vperm.xlane v18, v4;
	v10 =	vperm.xlane v7, v3;
	v13 =	vadd.f32 v6, v14  }
0x220: {  	s2 =	simm.s32 $0x200;
	v6 =	vperm.xlane v5, v4;
	v12 =	vadd.f32 v15, v12;
	v14 =	vadd.f32 v17, v16  }
0x221: {  	s30 =	simm.s32 $0x9790;
	s0 =	simm.s32 $0x9790;
	s8 =	simm.s32 $0x1FC0;
	v10 =	vadd.f32 v10, v7;
	v7 =	vadd.f32 v19, v18;
	v15 =	vperm.xlane v13, v2  }
.LBB2_6:
0x222: {  	p2 =	sne.s32 s2, $0x4E00;
	v16 =	vperm.xlane v9, v4;
	v8 =	vadd.f32 v11, v8;
	s31 =	sadd.s32 $0x100, s31;
	s0 =	sadd.s32 $0xA0, s0  }
0x223: {  	v17 =	vperm.xlane v12, v4;
	s3 =	smov.u32 s2;
	s2 =	sadd.s32 $0x200, s2;
	v11 =	vperm.xlane v14, v2;
	v13 =	vadd.f32 v15, v13  }
0x224: {  	v15 =	vperm.xlane v10, v4;
	v9 =	vadd.f32 v16, v9  }
0x225: {  	v12 =	vadd.f32 v17, v12;
	v11 =	vadd.f32 v11, v14;
	v14 =	vperm.xlane v13, v3  }
0x226: {  	v8 =	vmul.f32 $2.500000000e-01, v8;
	v9 =	vmul.f32 $2.500000000e-01, v9  }
0x227: {  	v10 =	vadd.f32 v15, v10;
	v12 =	vmul.f32 $2.500000000e-01, v12;
	v13 =	vadd.f32 v14, v13  }
0x228: {  	v5 =	vadd.f32 v6, v5;
	v8 =	vmax.f32 v8, $-5.000000000e+00;
	v6 =	vperm.xlane v11, v3  }
0x229: {  	v7 =	vmul.f32 $2.500000000e-01, v7;
	v10 =	vmul.f32 $2.500000000e-01, v10;
	v8 =	vmin.f32 v8, $5.000000000e+00  }
0x22a: {  	v8 =	vmul.f32 $1.442695020e+00, v8;
	v6 =	vadd.f32 v6, v11;
	v11 =	vmax.f32 v12, $-5.000000000e+00  }
0x22b: {  	v7 =	vmax.f32 v7, $-5.000000000e+00;
	v10 =	vmax.f32 v10, $-5.000000000e+00;
	v11 =	vmin.f32 v11, $5.000000000e+00  }
0x22c: {  	v7 =	vmin.f32 v7, $5.000000000e+00;
	v10 =	vmin.f32 v10, $5.000000000e+00;
	v12 =	vperm.xlane v6, v4  }
0x22d: {  	v9 =	vmax.f32 v9, $-5.000000000e+00;
	v10 =	vmul.f32 $1.442695020e+00, v10;
	(erf) = vpow2.f32 v8  }
0x22e: {  	v5 =	vmul.f32 $2.500000000e-01, v5;
	v6 =	vadd.f32 v12, v6;
	v8 =	vmul.f32 $1.442695020e+00, v11  }
0x22f: {  	v9 =	vmin.f32 v9, $5.000000000e+00;
	v11 =	vperm.xlane v13, v4;
	(erf) = vpow2.f32 v10  }
0x230: {  	v5 =	vmax.f32 v5, $-5.000000000e+00;
	v6 =	vmul.f32 $2.500000000e-01, v6;
	(erf) = vpow2.f32 v8  }
0x231: {  	v5 =	vmin.f32 v5, $5.000000000e+00;
	v8 =	vmul.f32 $1.442695020e+00, v9;
	v9 =	vadd.f32 v11, v13  }
0x232: {  	v5 =	vmul.f32 $1.442695020e+00, v5;
	v6 =	vmax.f32 v6, $-5.000000000e+00;
	v10 =	vld [tilespmem:s8+$0x70]  }
0x233: {  	v6 =	vmin.f32 v6, $5.000000000e+00;
	v9 =	vmul.f32 $2.500000000e-01, v9;
	v11 =	vld [tilespmem:s8+$0x50]  }
0x234: {  	v13 =	vmul.f32 $1.442695020e+00, v6;
	v12 =	vld [tilespmem:s8+$0x40];
	(erf) = vpow2.f32 v5  }
0x235: {  	v7 =	vmul.f32 $1.442695020e+00, v7;
	v9 =	vmax.f32 v9, $-5.000000000e+00;
	v5 =	vld [tilespmem:s8+$0x60];
	(erf) = vpow2.f32 v8  }
0x236: {  	v9 =	vmin.f32 v9, $5.000000000e+00;
	v8 =	vld [tilespmem:s8+$0xFFFFFFF0];
	(erf) = vpow2.f32 v13;
	v6 =	vpop (erf)  }
0x237: {  	v9 =	vmul.f32 $1.442695020e+00, v9;
	v13 =	vld [tilespmem:s8+$0xFFFFFFE0];
	(erf) = vpow2.f32 v7  }
0x238: {  	v7 =	vld [tilespmem:s8+$0xFFFFFFD0];
	v11 =	vmul.f32 v6, v11;
	v14 =	vpop (erf)  }
0x239: {  	v15 =	vld [tilespmem:s8+$0xFFFFFFC0];
	v12 =	vmul.f32 v14, v12;
	v14 =	vnsel vm0, $0x0, v14;
	v16 =	vpop (erf);
	(erf) = vpow2.f32 v9;
	s8 =	smov.u32 s31  }
0x23a: {  	s3 =	sshra.s32 s3, $0x2;
	v6 =	vsel vm1, v14, v6;
	v9 =	vmul.f32 v16, v5;
	[tilespmem:s30+$0x10] =	vst v11  }
0x23b: {  	v6 =	vsel vm2, v6, v16;
	[tilespmem:s30+$0x0] =	vst v12  }
0x23c: {  	[tilespmem:s30+$0x20] =	vst v9  }
0x23d: {  	v5 =	vpop (erf)  }
0x23e: {  	v14 =	vmul.f32 v5, v15;
	v5 =	vnsel vm0, $0x0, v5;
	v11 =	vpop (erf)  }
0x23f: {  	v15 =	vmul.f32 v11, v7;
	v5 =	vsel vm1, v5, v11;
	v11 =	vpop (erf)  }
0x240: {  	v12 =	vmul.f32 v11, v13;
	v5 =	vsel vm2, v5, v11;
	[tilespmem:s30+$0xFFFFFFB0] =	vst v14;
	v9 =	vpop (erf)  }
0x241: {  	v8 =	vmul.f32 v9, v8;
	v5 =	vsel vm3, v5, v9;
	[tilespmem:s30+$0xFFFFFFC0] =	vst v15  }
0x242: {  	[tilespmem:s30+$0xFFFFFFD0] =	vst v12;
	v7 =	vpop (erf)  }
0x243: {  	v9 =	vmul.f32 v7, v10;
	v6 =	vsel vm3, v6, v7;
	[tilespmem:s30+$0xFFFFFFE0] =	vst v8  }
0x244: {  	[tilespmem:s30+$0xFFFFFFF0] =	vst v5  }
0x245: {  	[tilespmem:s30+$0x30] =	vst v9  }
0x246: {  	[tilespmem:s30+$0x40] =	vst v6;
	s30 =	smov.u32 s0  }
0x247: {  	v5 =	vld [tilespmem:s3+$0x6F90]  }
0x248: {  	v6 =	vld [tilespmem:s3+$0x6F70]  }
0x249: {  	v7 =	vld [tilespmem:s31+$0xFFFFFFB0]  }
0x24a: {  	v8 =	vld [tilespmem:s31+$0xFFFFFF80]  }
0x24b: {  	v9 =	vld [tilespmem:s31+$0x10]  }
0x24c: {  	v10 =	vld [tilespmem:s31+$0xFFFFFF90]  }
0x24d: {  	v11 =	vld [tilespmem:s3+$0x6F40]  }
0x24e: {  	v12 =	vld [tilespmem:s3+$0x6F50]  }
0x24f: {  	v6 =	vmul.f32 v6, v7;
	v13 =	vld [tilespmem:s31+$0x20]  }
0x250: {  	v7 =	vld [tilespmem:s3+$0x6FA0]  }
0x251: {  	v14 =	vld [tilespmem:s3+$0x6F80]  }
0x252: {  	v5 =	vmul.f32 v5, v9;
	v15 =	vld [tilespmem:s31+$0x0];
	v8 =	vmul.f32 v11, v8  }
0x253: {  	v9 =	vmul.f32 v12, v10;
	v10 =	vperm.xlane v6, v1  }
0x254: {  	v12 =	vperm.xlane v5, v1;
	v11 =	vperm.xlane v8, v1  }
0x255: {  	v16 =	vperm.xlane v9, v1;
	v7 =	vmul.f32 v7, v13  }
0x256: {  	v6 =	vadd.f32 v10, v6;
	v8 =	vadd.f32 v11, v8  }
0x257: {  	v5 =	vadd.f32 v12, v5;
	v10 =	vld [tilespmem:s31+$0x30];
	v9 =	vadd.f32 v16, v9;
	v11 =	vperm.xlane v7, v1  }
0x258: {  	v13 =	vperm.xlane v6, v2;
	v14 =	vmul.f32 v14, v15;
	v12 =	vld [tilespmem:s31+$0xFFFFFFA0]  }
0x259: {  	v17 =	vperm.xlane v5, v2;
	v16 =	vperm.xlane v8, v2;
	v15 =	vld [tilespmem:s3+$0x6FB0];
	v7 =	vadd.f32 v11, v7  }
0x25a: {  	v11 =	vperm.xlane v9, v2;
	v6 =	vadd.f32 v13, v6;
	v13 =	vperm.xlane v14, v1  }
0x25b: {  	v5 =	vadd.f32 v17, v5;
	v16 =	vadd.f32 v16, v8;
	v17 =	vperm.xlane v7, v2  }
0x25c: {  	v9 =	vadd.f32 v11, v9;
	v8 =	vperm.xlane v6, v3;
	v11 =	vadd.f32 v13, v14;
	v18 =	vld [tilespmem:s3+$0x6F60]  }
0x25d: {  	v13 =	vperm.xlane v5, v3  }
0x25e: {  	v19 =	vadd.f32 v8, v6;
	v6 =	vperm.xlane v11, v2;
	v10 =	vmul.f32 v15, v10  }
0x25f: {  	v14 =	vperm.xlane v9, v3;
	v8 =	vadd.f32 v13, v5;
	v7 =	vadd.f32 v17, v7  }
0x260: {  	v5 =	vperm.xlane v16, v3;
	v15 =	vadd.f32 v6, v11;
	v6 =	vperm.xlane v10, v1  }
.Ltmp9:
0x261: {  	v9 =	vadd.f32 v14, v9;
	v11 =	vperm.xlane v8, v4;
	v14 =	vmul.f32 v18, v12;
	(pc) =	sbr.rel @p2 .LBB2_6-.Ltmp9, $4  }
0x262: {  	v5 =	vadd.f32 v5, v16;
	v16 =	vperm.xlane v7, v3;
	v12 =	vperm.xlane v15, v3  }
0x263: {  	v18 =	vperm.xlane v19, v4;
	v13 =	vadd.f32 v6, v10;
	v17 =	vperm.xlane v14, v1  }
0x264: {  	v6 =	vperm.xlane v5, v4;
	v10 =	vadd.f32 v12, v15;
	v12 =	vadd.f32 v16, v7  }
0x265: {  	v7 =	vadd.f32 v18, v19;
	v15 =	vperm.xlane v13, v2;
	v14 =	vadd.f32 v17, v14  }
0x266: {  	_ = 	snop  }
0x267: {  	v18 =	vperm.xlane v12, v4;
	v17 =	vperm.xlane v14, v2  }
0x268: {  	v16 =	vperm.xlane v9, v4;
	v8 =	vadd.f32 v11, v8;
	v5 =	vadd.f32 v6, v5  }
0x269: {  	v11 =	vperm.xlane v10, v4;
	v12 =	vadd.f32 v18, v12;
	v14 =	vadd.f32 v17, v14  }
0x26a: {  	v13 =	vadd.f32 v15, v13;
	v9 =	vadd.f32 v16, v9;
	v8 =	vmul.f32 $2.500000000e-01, v8  }
0x26b: {  	v10 =	vadd.f32 v11, v10;
	v11 =	vmul.f32 $2.500000000e-01, v12;
	v12 =	vperm.xlane v14, v3  }
0x26c: {  	v5 =	vmul.f32 $2.500000000e-01, v5;
	v15 =	vperm.xlane v13, v3;
	v8 =	vmax.f32 v8, $-5.000000000e+00  }
0x26d: {  	v10 =	vmul.f32 $2.500000000e-01, v10;
	v6 =	vmin.f32 v8, $5.000000000e+00;
	v8 =	vadd.f32 v12, v14  }
0x26e: {  	v9 =	vmul.f32 $2.500000000e-01, v9;
	v6 =	vmul.f32 $1.442695020e+00, v6  }
0x26f: {  	v10 =	vmax.f32 v10, $-5.000000000e+00;
	v11 =	vmax.f32 v11, $-5.000000000e+00;
	v12 =	vperm.xlane v8, v4  }
0x270: {  	v13 =	vadd.f32 v15, v13;
	v10 =	vmin.f32 v10, $5.000000000e+00;
	v11 =	vmin.f32 v11, $5.000000000e+00  }
0x271: {  	v10 =	vmul.f32 $1.442695020e+00, v10;
	(erf) = vpow2.f32 v6;
	v6 =	vadd.f32 v12, v8  }
0x272: {  	v8 =	vmax.f32 v9, $-5.000000000e+00;
	v9 =	vmul.f32 $1.442695020e+00, v11;
	v11 =	vperm.xlane v13, v4  }
0x273: {  	v7 =	vmul.f32 $2.500000000e-01, v7;
	v5 =	vmax.f32 v5, $-5.000000000e+00  }
0x274: {  	v5 =	vmin.f32 v5, $5.000000000e+00;
	(erf) = vpow2.f32 v10;
	v10 =	vadd.f32 v11, v13  }
0x275: {  	v5 =	vmul.f32 $1.442695020e+00, v5;
	v6 =	vmul.f32 $2.500000000e-01, v6  }
0x276: {  	v8 =	vmin.f32 v8, $5.000000000e+00;
	(erf) = vpow2.f32 v9;
	v9 =	vmul.f32 $2.500000000e-01, v10  }
0x277: {  	v7 =	vmax.f32 v7, $-5.000000000e+00;
	v8 =	vmul.f32 $1.442695020e+00, v8  }
0x278: {  	(erf) = vpow2.f32 v5;
	v6 =	vmax.f32 v6, $-5.000000000e+00;
	v9 =	vmax.f32 v9, $-5.000000000e+00  }
0x279: {  	(erf) = vpow2.f32 v8;
	v6 =	vmin.f32 v6, $5.000000000e+00;
	v9 =	vmin.f32 v9, $5.000000000e+00  }
0x27a: {  	v7 =	vmin.f32 v7, $5.000000000e+00;
	v8 =	vld [tilespmem:s8+$0x50];
	v6 =	vmul.f32 $1.442695020e+00, v6;
	v9 =	vmul.f32 $1.442695020e+00, v9  }
0x27b: {  	v7 =	vmul.f32 $1.442695020e+00, v7  }
0x27c: {  	(erf) = vpow2.f32 v6  }
0x27d: {  	v6 =	vld [tilespmem:s8+$0x40];
	(erf) = vpow2.f32 v7  }
0x27e: {  	v10 =	vld [tilespmem:s8+$0xFFFFFFC0];
	(erf) = vpow2.f32 v9;
	v9 =	vpop (erf)  }
0x27f: {  	v7 =	vld [tilespmem:s8+$0x60];
	v8 =	vmul.f32 v9, v8  }
0x280: {  	v14 =	vld [tilespmem:s8+$0xFFFFFFF0]  }
0x281: {  	v11 =	vld [tilespmem:s8+$0xFFFFFFD0];
	v12 =	vpop (erf)  }
0x282: {  	v13 =	vld [tilespmem:s8+$0xFFFFFFE0];
	v6 =	vmul.f32 v12, v6;
	v15 =	vpop (erf)  }
0x283: {  	v5 =	vld [tilespmem:s8+$0x70];
	[tilespmem:s30+$0x10] =	vst v8;
	v8 =	vpop (erf)  }
0x284: {  	v7 =	vmul.f32 v15, v7;
	[tilespmem:s30+$0x0] =	vst v6;
	v6 =	vmul.f32 v8, v10  }
0x285: {  	v10 =	vpop (erf)  }
0x286: {  	[tilespmem:s30+$0x20] =	vst v7;
	v8 =	vnsel vm0, $0x0, v8;
	v7 =	vmul.f32 v10, v11;
	v11 =	vpop (erf)  }
0x287: {  	v8 =	vsel vm1, v8, v10;
	v13 =	vmul.f32 v11, v13;
	[tilespmem:s30+$0xFFFFFFB0] =	vst v6  }
0x288: {  	v8 =	vsel vm2, v8, v11;
	[tilespmem:s30+$0xFFFFFFC0] =	vst v7;
	v7 =	vnsel vm0, $0x0, v12;
	v6 =	vpop (erf)  }
0x289: {  	[tilespmem:s30+$0xFFFFFFD0] =	vst v13;
	v7 =	vsel vm1, v7, v9;
	v10 =	vmul.f32 v6, v14;
	v6 =	vsel vm3, v8, v6  }
0x28a: {  	s0 =	smul.u32 $0x280, s28;
	v11 =	vpop (erf);
	v7 =	vsel vm2, v7, v15;
	[tilespmem:s30+$0xFFFFFFF0] =	vst v6  }
0x28b: {  	v5 =	vmul.f32 v11, v5;
	v6 =	vsel vm3, v7, v11;
	[tilespmem:s30+$0xFFFFFFE0] =	vst v10  }
0x28c: {  	s0 =	sshra.s32 s0, $0x2;
	[tilespmem:s30+$0x40] =	vst v6  }
0x28d: {  	p2 =	seq.s32 s28, $0x18;
	s0 =	sadd.s32 $0xFA0, s0;
	[tilespmem:s30+$0x30] =	vst v5  }
0x28e: {  	[spmem:s11] =	stream.indirect.scatter.add.f32 [tilespmem:s5], [sflag:$0x3], $0x50, s0, s10, $0xb8;
	[tilespmem:$0x18C90] =	vst v63  }
0x28f: {  	s0 =	smul.u32 @!p2 $0xA0, s28;
	_ =	swait.ge [sflag:s6], $0x1900  }
0x290: {  	s3 =	simm.s32 @!p2 $0x50;
	[sflag:s6] =	ssyncset.done $0x0  }
0x291: {  	s8 =	simm.s32 @!p2 $0x1F40;
	s2 =	sadd.s32 @!p2 $0xA0, s0;
	[sflag:s6] =	ssyncadd.s32 $0xFFFFE700  }
0x292: {  	[tilespmem:s8], [sflag:$0x1] =	stream.indirect.gather @!p2 [hbm4b:s15+s3], $0x80, s2, s3, $0xb8;
	[tilespmem:$0x18C90] =	vst v63  }
0x293: {  	s0 =	sadd.s32 @!p2 $0x1040, s0;
	s2 =	simm.s32 @!p2 $0x6F40  }
0x294: {  	[tilespmem:s2], [sflag:$0x1] =	stream.indirect.gather @!p2 [hbm4b:s13+s3], $0x40, s0, s3, $0xb8;
	[tilespmem:$0x18C90] =	vst v63  }
0x295: {  	_ =	swait.ge [sflag:s22], $0x2800  }
0x296: {  	[sflag:s22] =	ssyncset.done $0x0  }
0x297: {  	[sflag:s22] =	ssyncadd.s32 $0xFFFFD800  }
0x298: {  	_ =	swait.ge [sflag:s22], $0x1400  }
0x299: {  	[sflag:s22] =	ssyncset.done $0x0  }
0x29a: {  	s8 =	simm.s32 $0x0;
	[sflag:s22] =	ssyncadd.s32 $0xFFFFEC00  }
0x29b: {  	v5 =	vld [tilespmem:s8+$0x8390]  }
0x29c: {  	s31 =	simm.s32 $0x47C0;
	v6 =	vld [tilespmem:s8+$0x8370]  }
0x29d: {  	v7 =	vld [tilespmem:s31+$0xFFFFFFB0]  }
0x29e: {  	v8 =	vld [tilespmem:s31+$0xFFFFFF80]  }
0x29f: {  	v9 =	vld [tilespmem:s31+$0x10]  }
0x2a0: {  	v10 =	vld [tilespmem:s31+$0xFFFFFF90]  }
0x2a1: {  	v11 =	vld [tilespmem:s8+$0x8340]  }
0x2a2: {  	v12 =	vld [tilespmem:s8+$0x8350]  }
0x2a3: {  	v13 =	vld [tilespmem:s31+$0x20]  }
0x2a4: {  	v14 =	vld [tilespmem:s8+$0x83A0]  }
0x2a5: {  	v15 =	vld [tilespmem:s31+$0x0]  }
0x2a6: {  	v6 =	vmul.f32 v6, v7;
	v7 =	vld [tilespmem:s8+$0x8380]  }
0x2a7: {  	v5 =	vmul.f32 v5, v9;
	v8 =	vmul.f32 v11, v8  }
0x2a8: {  	v10 =	vmul.f32 v12, v10;
	v9 =	vperm.xlane v6, v1  }
0x2a9: {  	v11 =	vperm.xlane v5, v1;
	v12 =	vperm.xlane v8, v1  }
0x2aa: {  	v13 =	vmul.f32 v14, v13;
	v6 =	vadd.f32 v9, v6;
	v9 =	vperm.xlane v10, v1  }
0x2ab: {  	v5 =	vadd.f32 v11, v5;
	v8 =	vadd.f32 v12, v8;
	v7 =	vmul.f32 v7, v15  }
0x2ac: {  	v14 =	vld [tilespmem:s8+$0x83B0];
	v12 =	vperm.xlane v6, v2;
	v9 =	vadd.f32 v9, v10;
	v10 =	vperm.xlane v13, v1  }
0x2ad: {  	v11 =	vld [tilespmem:s31+$0x30];
	v15 =	vperm.xlane v5, v2;
	v16 =	vperm.xlane v8, v2  }
0x2ae: {  	v17 =	vld [tilespmem:s31+$0xFFFFFFA0];
	v6 =	vadd.f32 v12, v6;
	v12 =	vperm.xlane v7, v1;
	v10 =	vadd.f32 v10, v13  }
0x2af: {  	v13 =	vperm.xlane v9, v2;
	v5 =	vadd.f32 v15, v5;
	v15 =	vadd.f32 v16, v8;
	v16 =	vld [tilespmem:s8+$0x8360]  }
0x2b0: {  	v8 =	vperm.xlane v6, v3;
	v7 =	vadd.f32 v12, v7  }
0x2b1: {  	v12 =	vperm.xlane v10, v2;
	v9 =	vadd.f32 v13, v9;
	v13 =	vperm.xlane v5, v3  }
0x2b2: {  	v14 =	vmul.f32 v14, v11;
	v63 =	vadd.f32 v8, v6;
	v6 =	vperm.xlane v7, v2  }
0x2b3: {  	v11 =	vperm.xlane v9, v3;
	v8 =	vadd.f32 v13, v5;
	v12 =	vadd.f32 v12, v10  }
0x2b4: {  	v5 =	vperm.xlane v15, v3;
	v13 =	vmul.f32 v16, v17;
	v7 =	vadd.f32 v6, v7  }
0x2b5: {  	v6 =	vperm.xlane v14, v1;
	v9 =	vadd.f32 v11, v9;
	v11 =	vperm.xlane v8, v4  }
0x2b6: {  	v5 =	vadd.f32 v5, v15;
	v15 =	vperm.xlane v12, v3;
	v16 =	vperm.xlane v13, v1  }
0x2b7: {  	v17 =	vperm.xlane v63, v4;
	v10 =	vperm.xlane v7, v3;
	v14 =	vadd.f32 v6, v14  }
0x2b8: {  	s30 =	simm.s32 $0xB090;
	v6 =	vperm.xlane v5, v4;
	v12 =	vadd.f32 v15, v12;
	v13 =	vadd.f32 v16, v13  }
0x2b9: {  	s0 =	simm.s32 $0xB090;
	s2 =	simm.s32 $0x200;
	s8 =	simm.s32 $0x47C0;
	v10 =	vadd.f32 v10, v7;
	v7 =	vadd.f32 v17, v63;
	v15 =	vperm.xlane v14, v2  }
.LBB2_8:
0x2ba: {  	p2 =	sne.s32 s2, $0x4E00;
	v16 =	vperm.xlane v9, v4;
	v8 =	vadd.f32 v11, v8;
	s31 =	sadd.s32 $0x100, s31;
	s0 =	sadd.s32 $0xA0, s0  }
0x2bb: {  	v17 =	vperm.xlane v12, v4;
	s3 =	smov.u32 s2;
	s2 =	sadd.s32 $0x200, s2;
	v11 =	vperm.xlane v13, v2;
	v14 =	vadd.f32 v15, v14  }
0x2bc: {  	v15 =	vperm.xlane v10, v4;
	v9 =	vadd.f32 v16, v9  }
0x2bd: {  	v12 =	vadd.f32 v17, v12;
	v11 =	vadd.f32 v11, v13;
	v13 =	vperm.xlane v14, v3  }
0x2be: {  	v8 =	vmul.f32 $2.500000000e-01, v8;
	v9 =	vmul.f32 $2.500000000e-01, v9  }
0x2bf: {  	v10 =	vadd.f32 v15, v10;
	v12 =	vmul.f32 $2.500000000e-01, v12;
	v13 =	vadd.f32 v13, v14  }
0x2c0: {  	v5 =	vadd.f32 v6, v5;
	v8 =	vmax.f32 v8, $-5.000000000e+00;
	v6 =	vperm.xlane v11, v3  }
0x2c1: {  	v7 =	vmul.f32 $2.500000000e-01, v7;
	v10 =	vmul.f32 $2.500000000e-01, v10;
	v8 =	vmin.f32 v8, $5.000000000e+00  }
0x2c2: {  	v8 =	vmul.f32 $1.442695020e+00, v8;
	v6 =	vadd.f32 v6, v11;
	v11 =	vmax.f32 v12, $-5.000000000e+00  }
0x2c3: {  	v7 =	vmax.f32 v7, $-5.000000000e+00;
	v10 =	vmax.f32 v10, $-5.000000000e+00;
	v11 =	vmin.f32 v11, $5.000000000e+00  }
0x2c4: {  	v7 =	vmin.f32 v7, $5.000000000e+00;
	v10 =	vmin.f32 v10, $5.000000000e+00;
	v12 =	vperm.xlane v6, v4  }
0x2c5: {  	v9 =	vmax.f32 v9, $-5.000000000e+00;
	v10 =	vmul.f32 $1.442695020e+00, v10;
	(erf) = vpow2.f32 v8  }
0x2c6: {  	v5 =	vmul.f32 $2.500000000e-01, v5;
	v6 =	vadd.f32 v12, v6;
	v8 =	vmul.f32 $1.442695020e+00, v11  }
0x2c7: {  	v9 =	vmin.f32 v9, $5.000000000e+00;
	v11 =	vperm.xlane v13, v4;
	(erf) = vpow2.f32 v10  }
0x2c8: {  	v5 =	vmax.f32 v5, $-5.000000000e+00;
	v6 =	vmul.f32 $2.500000000e-01, v6;
	(erf) = vpow2.f32 v8  }
0x2c9: {  	v5 =	vmin.f32 v5, $5.000000000e+00;
	v8 =	vmul.f32 $1.442695020e+00, v9;
	v9 =	vadd.f32 v11, v13  }
0x2ca: {  	v5 =	vmul.f32 $1.442695020e+00, v5;
	v6 =	vmax.f32 v6, $-5.000000000e+00;
	v10 =	vld [tilespmem:s8+$0x70]  }
0x2cb: {  	v6 =	vmin.f32 v6, $5.000000000e+00;
	v9 =	vmul.f32 $2.500000000e-01, v9;
	v11 =	vld [tilespmem:s8+$0x50]  }
0x2cc: {  	v13 =	vmul.f32 $1.442695020e+00, v6;
	v12 =	vld [tilespmem:s8+$0x40];
	(erf) = vpow2.f32 v5  }
0x2cd: {  	v7 =	vmul.f32 $1.442695020e+00, v7;
	v9 =	vmax.f32 v9, $-5.000000000e+00;
	v5 =	vld [tilespmem:s8+$0x60];
	(erf) = vpow2.f32 v8  }
0x2ce: {  	v9 =	vmin.f32 v9, $5.000000000e+00;
	v8 =	vld [tilespmem:s8+$0xFFFFFFF0];
	(erf) = vpow2.f32 v13;
	v6 =	vpop (erf)  }
0x2cf: {  	v9 =	vmul.f32 $1.442695020e+00, v9;
	v13 =	vld [tilespmem:s8+$0xFFFFFFE0];
	(erf) = vpow2.f32 v7  }
0x2d0: {  	v7 =	vld [tilespmem:s8+$0xFFFFFFD0];
	v11 =	vmul.f32 v6, v11;
	v14 =	vpop (erf)  }
0x2d1: {  	v15 =	vld [tilespmem:s8+$0xFFFFFFC0];
	v12 =	vmul.f32 v14, v12;
	v14 =	vnsel vm0, $0x0, v14;
	v16 =	vpop (erf);
	(erf) = vpow2.f32 v9;
	s8 =	smov.u32 s31  }
0x2d2: {  	s3 =	sshra.s32 s3, $0x2;
	v6 =	vsel vm1, v14, v6;
	v9 =	vmul.f32 v16, v5;
	[tilespmem:s30+$0x10] =	vst v11  }
0x2d3: {  	v6 =	vsel vm2, v6, v16;
	[tilespmem:s30+$0x0] =	vst v12  }
0x2d4: {  	[tilespmem:s30+$0x20] =	vst v9  }
0x2d5: {  	v5 =	vpop (erf)  }
0x2d6: {  	v14 =	vmul.f32 v5, v15;
	v5 =	vnsel vm0, $0x0, v5;
	v11 =	vpop (erf)  }
0x2d7: {  	v15 =	vmul.f32 v11, v7;
	v5 =	vsel vm1, v5, v11;
	v11 =	vpop (erf)  }
0x2d8: {  	v12 =	vmul.f32 v11, v13;
	v5 =	vsel vm2, v5, v11;
	[tilespmem:s30+$0xFFFFFFB0] =	vst v14;
	v9 =	vpop (erf)  }
0x2d9: {  	v8 =	vmul.f32 v9, v8;
	v5 =	vsel vm3, v5, v9;
	[tilespmem:s30+$0xFFFFFFC0] =	vst v15  }
0x2da: {  	[tilespmem:s30+$0xFFFFFFD0] =	vst v12;
	v7 =	vpop (erf)  }
0x2db: {  	v9 =	vmul.f32 v7, v10;
	v6 =	vsel vm3, v6, v7;
	[tilespmem:s30+$0xFFFFFFE0] =	vst v8  }
0x2dc: {  	[tilespmem:s30+$0xFFFFFFF0] =	vst v5  }
0x2dd: {  	[tilespmem:s30+$0x30] =	vst v9  }
0x2de: {  	[tilespmem:s30+$0x40] =	vst v6;
	s30 =	smov.u32 s0  }
0x2df: {  	v5 =	vld [tilespmem:s3+$0x8390]  }
0x2e0: {  	v6 =	vld [tilespmem:s3+$0x8370]  }
0x2e1: {  	v7 =	vld [tilespmem:s31+$0xFFFFFFB0]  }
0x2e2: {  	v8 =	vld [tilespmem:s31+$0xFFFFFF80]  }
0x2e3: {  	v9 =	vld [tilespmem:s31+$0x10]  }
0x2e4: {  	v10 =	vld [tilespmem:s31+$0xFFFFFF90]  }
0x2e5: {  	v11 =	vld [tilespmem:s3+$0x8340]  }
0x2e6: {  	v12 =	vld [tilespmem:s3+$0x8350]  }
0x2e7: {  	v6 =	vmul.f32 v6, v7;
	v13 =	vld [tilespmem:s31+$0x20]  }
0x2e8: {  	v7 =	vld [tilespmem:s3+$0x83A0]  }
0x2e9: {  	v14 =	vld [tilespmem:s3+$0x8380]  }
0x2ea: {  	v5 =	vmul.f32 v5, v9;
	v15 =	vld [tilespmem:s31+$0x0];
	v8 =	vmul.f32 v11, v8  }
0x2eb: {  	v9 =	vmul.f32 v12, v10;
	v10 =	vperm.xlane v6, v1  }
0x2ec: {  	v12 =	vperm.xlane v5, v1;
	v11 =	vperm.xlane v8, v1  }
0x2ed: {  	v16 =	vperm.xlane v9, v1;
	v7 =	vmul.f32 v7, v13  }
0x2ee: {  	v6 =	vadd.f32 v10, v6;
	v8 =	vadd.f32 v11, v8  }
0x2ef: {  	v5 =	vadd.f32 v12, v5;
	v10 =	vld [tilespmem:s31+$0x30];
	v9 =	vadd.f32 v16, v9;
	v11 =	vperm.xlane v7, v1  }
0x2f0: {  	v13 =	vperm.xlane v6, v2;
	v14 =	vmul.f32 v14, v15;
	v12 =	vld [tilespmem:s31+$0xFFFFFFA0]  }
0x2f1: {  	v17 =	vperm.xlane v5, v2;
	v16 =	vperm.xlane v8, v2;
	v15 =	vld [tilespmem:s3+$0x83B0];
	v7 =	vadd.f32 v11, v7  }
0x2f2: {  	v11 =	vperm.xlane v9, v2;
	v6 =	vadd.f32 v13, v6;
	v13 =	vperm.xlane v14, v1  }
0x2f3: {  	v5 =	vadd.f32 v17, v5;
	v16 =	vadd.f32 v16, v8;
	v17 =	vperm.xlane v7, v2  }
0x2f4: {  	v9 =	vadd.f32 v11, v9;
	v8 =	vperm.xlane v6, v3;
	v11 =	vadd.f32 v13, v14;
	v18 =	vld [tilespmem:s3+$0x8360]  }
0x2f5: {  	v13 =	vperm.xlane v5, v3  }
0x2f6: {  	v19 =	vadd.f32 v8, v6;
	v6 =	vperm.xlane v11, v2;
	v10 =	vmul.f32 v15, v10  }
0x2f7: {  	v14 =	vperm.xlane v9, v3;
	v8 =	vadd.f32 v13, v5;
	v7 =	vadd.f32 v17, v7  }
0x2f8: {  	v5 =	vperm.xlane v16, v3;
	v13 =	vadd.f32 v6, v11;
	v6 =	vperm.xlane v10, v1  }
.Ltmp10:
0x2f9: {  	v9 =	vadd.f32 v14, v9;
	v11 =	vperm.xlane v8, v4;
	v15 =	vmul.f32 v18, v12;
	(pc) =	sbr.rel @p2 .LBB2_8-.Ltmp10, $4  }
0x2fa: {  	v5 =	vadd.f32 v5, v16;
	v16 =	vperm.xlane v7, v3;
	v12 =	vperm.xlane v13, v3  }
0x2fb: {  	v18 =	vperm.xlane v19, v4;
	v14 =	vadd.f32 v6, v10;
	v17 =	vperm.xlane v15, v1  }
0x2fc: {  	v6 =	vperm.xlane v5, v4;
	v10 =	vadd.f32 v12, v13;
	v12 =	vadd.f32 v16, v7  }
0x2fd: {  	v7 =	vadd.f32 v18, v19;
	v13 =	vadd.f32 v17, v15;
	v15 =	vperm.xlane v14, v2  }
0x2fe: {  	_ = 	snop  }
0x2ff: {  	v16 =	vperm.xlane v9, v4;
	v17 =	vperm.xlane v13, v2  }
0x300: {  	v40 =	vperm.xlane v12, v4;
	v8 =	vadd.f32 v11, v8;
	v5 =	vadd.f32 v6, v5  }
0x301: {  	v41 =	vperm.xlane v10, v4;
	v14 =	vadd.f32 v15, v14;
	v13 =	vadd.f32 v17, v13  }
0x302: {  	v7 =	vmul.f32 $2.500000000e-01, v7;
	v9 =	vadd.f32 v16, v9;
	v8 =	vmul.f32 $2.500000000e-01, v8  }
0x303: {  	v12 =	vadd.f32 v40, v12;
	v5 =	vmul.f32 $2.500000000e-01, v5;
	v44 =	vperm.xlane v13, v3  }
0x304: {  	v10 =	vadd.f32 v41, v10;
	v42 =	vperm.xlane v14, v3;
	v9 =	vmul.f32 $2.500000000e-01, v9  }
0x305: {  	v43 =	vmul.f32 $2.500000000e-01, v12;
	v8 =	vmax.f32 v8, $-5.000000000e+00;
	v45 =	vadd.f32 v44, v13  }
0x306: {  	v10 =	vmul.f32 $2.500000000e-01, v10;
	v5 =	vmax.f32 v5, $-5.000000000e+00;
	v6 =	vmin.f32 v8, $5.000000000e+00  }
0x307: {  	v14 =	vadd.f32 v42, v14;
	v6 =	vmul.f32 $1.442695020e+00, v6;
	v12 =	vperm.xlane v45, v4  }
0x308: {  	v5 =	vmin.f32 v5, $5.000000000e+00;
	v10 =	vmax.f32 v10, $-5.000000000e+00;
	v11 =	vmax.f32 v43, $-5.000000000e+00  }
0x309: {  	v10 =	vmin.f32 v10, $5.000000000e+00;
	(erf) = vpow2.f32 v6;
	v6 =	vadd.f32 v12, v45  }
0x30a: {  	v11 =	vmin.f32 v11, $5.000000000e+00;
	v48 =	vperm.xlane v14, v4;
	v10 =	vmul.f32 $1.442695020e+00, v10  }
0x30b: {  	v46 =	vmax.f32 v9, $-5.000000000e+00;
	v47 =	vmul.f32 $1.442695020e+00, v11;
	v6 =	vmul.f32 $2.500000000e-01, v6  }
0x30c: {  	v5 =	vmul.f32 $1.442695020e+00, v5;
	v8 =	vmin.f32 v46, $5.000000000e+00;
	(erf) = vpow2.f32 v10  }
0x30d: {  	v49 =	vadd.f32 v48, v14;
	(erf) = vpow2.f32 v47;
	v6 =	vmax.f32 v6, $-5.000000000e+00  }
0x30e: {  	v8 =	vmul.f32 $1.442695020e+00, v8;
	(erf) = vpow2.f32 v5;
	v6 =	vmin.f32 v6, $5.000000000e+00  }
0x30f: {  	v7 =	vmax.f32 v7, $-5.000000000e+00;
	v50 =	vmul.f32 $2.500000000e-01, v49;
	v6 =	vmul.f32 $1.442695020e+00, v6  }
0x310: {  	v51 =	vld [tilespmem:s8+$0x50];
	v7 =	vmin.f32 v7, $5.000000000e+00;
	(erf) = vpow2.f32 v8  }
0x311: {  	v7 =	vmul.f32 $1.442695020e+00, v7;
	v9 =	vmax.f32 v50, $-5.000000000e+00;
	(erf) = vpow2.f32 v6;
	v6 =	vld [tilespmem:s8+$0x40]  }
0x312: {  	v52 =	vld [tilespmem:s8+$0xFFFFFFC0];
	v9 =	vmin.f32 v9, $5.000000000e+00  }
0x313: {  	v9 =	vmul.f32 $1.442695020e+00, v9;
	(erf) = vpow2.f32 v7;
	v7 =	vld [tilespmem:s8+$0x60]  }
0x314: {  	v53 =	vpop (erf)  }
0x315: {  	v54 =	vld [tilespmem:s8+$0xFFFFFFD0];
	v55 =	vpop (erf);
	(erf) = vpow2.f32 v9  }
0x316: {  	v56 =	vld [tilespmem:s8+$0xFFFFFFE0];
	v58 =	vpop (erf);
	v6 =	vmul.f32 v55, v6  }
0x317: {  	v57 =	vld [tilespmem:s8+$0xFFFFFFF0];
	v8 =	vmul.f32 v53, v51;
	v59 =	vpop (erf)  }
0x318: {  	v5 =	vld [tilespmem:s8+$0x70];
	v7 =	vmul.f32 v58, v7;
	[tilespmem:s30+$0x0] =	vst v6;
	v6 =	vmul.f32 v59, v52  }
0x319: {  	[tilespmem:s30+$0x10] =	vst v8;
	v60 =	vpop (erf)  }
0x31a: {  	v8 =	vnsel vm0, $0x0, v59;
	[tilespmem:s30+$0x20] =	vst v7;
	v7 =	vmul.f32 v60, v54;
	v61 =	vpop (erf)  }
0x31b: {  	v8 =	vsel vm1, v8, v60;
	[tilespmem:s30+$0xFFFFFFB0] =	vst v6;
	v13 =	vmul.f32 v61, v56  }
0x31c: {  	[tilespmem:s30+$0xFFFFFFC0] =	vst v7;
	v7 =	vnsel vm0, $0x0, v55;
	v8 =	vsel vm2, v8, v61;
	v6 =	vpop (erf)  }
0x31d: {  	v7 =	vsel vm1, v7, v53;
	v62 =	vmul.f32 v6, v57;
	[tilespmem:s30+$0xFFFFFFD0] =	vst v13;
	v6 =	vsel vm3, v8, v6  }
0x31e: {  	s0 =	smul.u32 $0x140, s29;
	v63 =	vpop (erf);
	v7 =	vsel vm2, v7, v58;
	[tilespmem:s30+$0xFFFFFFF0] =	vst v6  }
0x31f: {  	s28 =	sadd.s32 $0x1, s28;
	v5 =	vmul.f32 v63, v5;
	v6 =	vsel vm3, v7, v63;
	[tilespmem:s30+$0xFFFFFFE0] =	vst v62  }
0x320: {  	p2 =	sne.s32 s28, $0x19;
	s0 =	sshra.s32 s0, $0x2;
	[tilespmem:s30+$0x40] =	vst v6  }
.Ltmp11:
0x321: {  	s0 =	sadd.s32 $0xFA0, s0;
	[tilespmem:s30+$0x30] =	vst v5;
	(pc) =	sbr.rel @p2 .LBB2_5-.Ltmp11, $4  }
0x322: {  	[spmem:s11] =	stream.indirect.scatter.add.f32 [tilespmem:s23], [sflag:$0x3], $0x50, s0, s10, $0xb8;
	[tilespmem:$0x18C90] =	vst v63  }
0x323: {  	_ =	swait.ge [sflag:s6], $0x1900  }
0x324: {  	[sflag:s6] =	ssyncset.done $0x0  }
0x325: {  	[sflag:s6] =	ssyncadd.s32 $0xFFFFE700  }
0x326: {  	s26 =	sadd.s32 $0x1, s26  }
0x327: {  	p2 =	seq.s32 s26, $0x5  }
.Ltmp12:
0x328: {  	_ = 	snop;
	(pc) =	sbr.rel @!p2 .LBB2_4-.Ltmp12, $4  }
.Ltmp13:
0x329: {  	_ = 	snop;
	(pc) =	sbr.rel @p2 .LBB2_18-.Ltmp13, $4  }
0x32a: {  	_ = 	snop  }
0x32b: {  	_ = 	snop  }
0x32c: {  	_ = 	snop  }
0x32d: {  	_ = 	snop  }
.LBB2_19:
0x32e: {  	_ =	sfence.sel $0x180000  }
0x32f: {  	[bflag:$0x0] =	sbarrier.arrive $0xFFFF  }
0x330: {  	_ =	strace $0x90000047  }
0x331: {  	s0 =	stileid.u32;
	[bflag:$0x2] =	sbarrier.arrive $0xFFFF  }
0x332: {  	p0 =	sne.s32 s0, $0x0;
	s0 =	rddreg [dreg:$0x3]  }
0x333: {  	s0 =	sadd.s32 @!p0 $0x100000, s0  }
0x334: {  	[sflag:s0] =	ssyncadd.tile.s32 @!p0 $0x1;
	_ =	shalt  }
.Lfunc_end2:
_tile_overlayer_lowered:
.L_overlay_start_2:
0x335: {  	(tag) =	ssettag $0x2  }
0x336: {  	s0 =	rddreg [dreg:$0x0];
	s2 =	stileid.u32  }
0x337: {  	s1 =	rddreg [dreg:$0x1];
	p0 =	sne.s32 s2, $0x0  }
0x338: {  	s3 =	rddreg [dreg:$0x2];
	[bflag:$0x3] =	sbarrier.arrive $0xFFFF;
	s2 =	simm.s32 @!p0 $0x1C03  }
0x339: {  	[timem:s3], [sflag:s2] =	dma.local @!p0 [hbm:s0], s1  }
0x33a: {  	s0 =	simm.s32 @!p0 $0x3  }
0x33b: {  	_ =	swait.ge @!p0 [sflag:s0], s1  }
0x33c: {  	s1 =	ssub.s32 @!p0 $0x0, s1;
	[sflag:s0] =	ssyncset.done @!p0 $0x0  }
0x33d: {  	[sflag:s0] =	ssyncadd.s32 @!p0 s1  }
0x33e: {  	[bflag:$0x3] =	sbarrier.arrive $0xFFFF  }
0x33f: {  	_ =	shalt  }

</sc_bundles>
